<compile_context>
chip_gen: v7x
topology: tpu7x:2x2x1
jax: 0.10.2.dev20260603
libtpu: 0.0.44.dev20260713+nightly
codegen_flags: <defaults>
</compile_context>

<pallas_src>
import jax
import jax.numpy as jnp
from jax import lax
from jax.experimental import pallas as pl
from jax.experimental.pallas import tpu as pltpu
from jax.experimental.pallas import tpu_sc as plsc

_B, _L, _D, _E = 4096, 50, 20, 32
_NW = 32
_BPW = _B // _NW
_GSZ = 128
_G = 4


def _sc_body(syntax_hbm, table_hbm, pos_hbm, out_hbm,
             idx_a, idx_b, slab_a, slab_b, acc_a, acc_b, pos_v,
             isem_a, isem_b, gsem_a, gsem_b, osem_a, osem_b):
    wid = lax.axis_index("s") * 2 + lax.axis_index("c")
    b0 = wid * _BPW
    pltpu.sync_copy(pos_hbm, pos_v)

    def idx_start(l, idx_v, isem):
        pltpu.async_copy(syntax_hbm.at[:, l, pl.ds(b0, _BPW)], idx_v, isem)

    def idx_wait(idx_v, isem):
        pltpu.make_async_copy(
            syntax_hbm.at[:, 0, pl.ds(b0, _BPW)], idx_v, isem).wait()

    def fire(idx_v, slab, gsem):
        for d in range(_D):
            pltpu.async_copy(
                table_hbm.at[idx_v.at[d]],
                slab.at[pl.ds(d * _GSZ, _GSZ)],
                gsem,
            )

    def drain(idx_v, slab, gsem):
        for d in range(_D):
            pltpu.make_async_copy(
                table_hbm.at[idx_v.at[d]],
                slab.at[pl.ds(d * _GSZ, _GSZ)],
                gsem,
            ).wait()

    e_even = lax.iota(jnp.int32, 16) * 2
    e_odd = e_even + 1

    def compute(slab, acc):
        @plsc.parallel_loop(0, _BPW // _G, 1, unroll=2)
        def _(g):
            racc = [jnp.zeros((32,), jnp.bfloat16) for _ in range(_G)]
            for d in range(_D):
                p = pos_v[d, pl.ds(0, _E)]
                base = d * _GSZ + g * _G
                for r in range(_G):
                    racc[r] += slab[base + r, pl.ds(0, _E)] * p
            for r in range(_G):
                j = jnp.full((16,), g * _G + r, jnp.int32)
                v_even, v_odd = plsc.unpack(racc[r],
                                            format=plsc.PackFormat.INTERLEAVED)
                plsc.store_scatter(acc, [e_even, j], v_even)
                plsc.store_scatter(acc, [e_odd, j], v_odd)

    def out_wait(acc, osem):
        for k in range(4):
            pltpu.make_async_copy(
                acc.at[pl.ds(8 * k, 8)], out_hbm.at[0, k, wid], osem,
            ).wait()

    def out_send(l, acc, osem):
        for k in range(4):
            pltpu.async_copy(
                acc.at[pl.ds(8 * k, 8)], out_hbm.at[l, k, wid], osem,
            )

    idx_start(0, idx_a, isem_a)
    idx_wait(idx_a, isem_a)
    fire(idx_a, slab_a, gsem_a)
    idx_start(1, idx_b, isem_b)

    def pair_body(t, _):
        l0 = 2 * t
        l1 = l0 + 1
        last = t >= _L // 2 - 1

        idx_wait(idx_b, isem_b)
        fire(idx_b, slab_b, gsem_b)
        drain(idx_a, slab_a, gsem_a)

        @pl.when(jnp.logical_not(last))
        def _():
            idx_start(l0 + 2, idx_a, isem_a)

        @pl.when(t >= 1)
        def _():
            out_wait(acc_a, osem_a)

        compute(slab_a, acc_a)
        out_send(l0, acc_a, osem_a)

        @pl.when(jnp.logical_not(last))
        def _():
            idx_wait(idx_a, isem_a)
            fire(idx_a, slab_a, gsem_a)

        drain(idx_b, slab_b, gsem_b)

        @pl.when(t >= 1)
        def _():
            out_wait(acc_b, osem_b)

        compute(slab_b, acc_b)
        out_send(l1, acc_b, osem_b)

        @pl.when(jnp.logical_not(last))
        def _():
            idx_start(l1 + 2, idx_b, isem_b)

        return 0

    lax.fori_loop(0, _L // 2, pair_body, 0, unroll=False)
    out_wait(acc_a, osem_a)
    out_wait(acc_b, osem_b)


@jax.jit
def _syntax_embed(syntax_dlb, emb_table, pos_emb):
    mesh = plsc.VectorSubcoreMesh(core_axis_name="c", subcore_axis_name="s")
    return pl.kernel(
        _sc_body,
        out_type=jax.ShapeDtypeStruct((_L, 4, _NW, 8, 128), jnp.float32),
        mesh=mesh,
        compiler_params=pltpu.CompilerParams(use_tc_tiling_on_sc=False,
                                             needs_layout_passes=False),
        scratch_types=[
            pltpu.VMEM((_D, _BPW), jnp.int32),
            pltpu.VMEM((_D, _BPW), jnp.int32),
            pltpu.VMEM((_D * _GSZ, _E), jnp.bfloat16),
            pltpu.VMEM((_D * _GSZ, _E), jnp.bfloat16),
            pltpu.VMEM((_E, _BPW), jnp.float32),
            pltpu.VMEM((_E, _BPW), jnp.float32),
            pltpu.VMEM((_D, _E), jnp.bfloat16),
            pltpu.SemaphoreType.DMA,
            pltpu.SemaphoreType.DMA,
            pltpu.SemaphoreType.DMA,
            pltpu.SemaphoreType.DMA,
            pltpu.SemaphoreType.DMA,
            pltpu.SemaphoreType.DMA,
        ],
    )(syntax_dlb, emb_table, pos_emb)


def kernel(syntax, emb_table, pos_emb):
    syntax_dlb = syntax.transpose(2, 1, 0)
    table_bf = emb_table.astype(jnp.bfloat16)
    out5 = _syntax_embed(syntax_dlb, table_bf,
                         pos_emb.astype(jnp.bfloat16))
    out = out5.transpose(2, 4, 0, 1, 3).reshape(_B, _L, _E)
    return out

# --- scband reference (transcript-rebuilt; emitter-appended) ---
"""Pipeline reference for scband-syntax-embeding-12652973654324 (READ-ONLY COPY).

The authoritative reference and input builder live on the scoring server;
editing this copy changes nothing except your own understanding.
"""

import jax, jax.numpy as jnp
import numpy as np

SYNTAX_LEN = 100000
SYNTAX_DEPTH = 20
EMB = 32
B, L = 4096, 50


def setup_inputs(seed: int = 0) -> dict:
    key = jax.random.key(seed)
    k1, k2, k3 = jax.random.split(key, 3)
    syntax = jax.random.randint(k1, (B, L, SYNTAX_DEPTH), 0, SYNTAX_LEN + 1, dtype=jnp.int64 if jax.config.jax_enable_x64 else jnp.int32)
    emb_table = jax.random.normal(k2, (SYNTAX_LEN + 1, EMB), dtype=jnp.float32)
    pos_emb = jax.random.normal(k3, (SYNTAX_DEPTH, EMB), dtype=jnp.float32)
    return {"syntax": syntax, "emb_table": emb_table, "pos_emb": pos_emb}


def reference(syntax, emb_table, pos_emb):
    # nn.Embedding lookup: [B, L, D] -> [B, L, D, E]
    syntax_embedding = jnp.take(emb_table, syntax, axis=0)
    # elementwise multiply with position embedding [D, E], sum over depth dim 2
    output = jnp.sum(syntax_embedding * pos_emb, axis=2)
    return output

if __name__ == "__main__":
    import jax
    _d = setup_inputs()
    print(jax.jit(kernel)(*tuple(_d.values())))

</pallas_src>

<mosaic_0001>
#map = affine_map<(d0, d1) -> (0, 0, 0)>
#map1 = affine_map<(d0, d1) -> (0, 0)>
#map2 = affine_map<(d0, d1) -> (0, 0, 0, 0, 0)>
module attributes {stable_mosaic.version = 14 : i64} {
  func.func @_sc_body(%arg0: i32, %arg1: i32, %arg2: memref<20x50x4096xi32, #tpu.memory_space<hbm>>, %arg3: memref<100001x32xbf16, #tpu.memory_space<hbm>>, %arg4: memref<20x32xbf16, #tpu.memory_space<hbm>>, %arg5: memref<50x4x32x8x128xf32, #tpu.memory_space<hbm>>, %arg6: memref<20x128xi32, #tpu.memory_space<vmem>>, %arg7: memref<20x128xi32, #tpu.memory_space<vmem>>, %arg8: memref<2560x32xbf16, #tpu.memory_space<vmem>>, %arg9: memref<2560x32xbf16, #tpu.memory_space<vmem>>, %arg10: memref<32x128xf32, #tpu.memory_space<vmem>>, %arg11: memref<32x128xf32, #tpu.memory_space<vmem>>, %arg12: memref<20x32xbf16, #tpu.memory_space<vmem>>, %arg13: memref<!tpu.dma_semaphore, #tpu.memory_space<semaphore_mem>>, %arg14: memref<!tpu.dma_semaphore, #tpu.memory_space<semaphore_mem>>, %arg15: memref<!tpu.dma_semaphore, #tpu.memory_space<semaphore_mem>>, %arg16: memref<!tpu.dma_semaphore, #tpu.memory_space<semaphore_mem>>, %arg17: memref<!tpu.dma_semaphore, #tpu.memory_space<semaphore_mem>>, %arg18: memref<!tpu.dma_semaphore, #tpu.memory_space<semaphore_mem>>) attributes {dimension_semantics = [#tpu.dimension_semantics<core_parallel>, #tpu.dimension_semantics<subcore_parallel>], iteration_bounds = array<i64: 2, 16>, scalar_prefetch = 0 : i64, scratch_operands = 13 : i64, tpu.core_type = #tpu.core_type<sc_vector_subcore>, window_params = [{transform_indices = #map}, {transform_indices = #map1}, {transform_indices = #map1}, {transform_indices = #map2}]} {
    %mul3A = arith.constant 2 : i32
    %mul3A_0 = arith.muli %arg1, %mul3A : i32
    %add3A = arith.addi %mul3A_0, %arg0 : i32
    %mul3A_1 = arith.constant 128 : i32
    %mul3A_2 = arith.muli %add3A, %mul3A_1 : i32
    "tpu.region"() ({
      %run_scoped3A = tpu.sem_alloc : memref<!tpu.dma_semaphore, #tpu.memory_space<semaphore_mem>>
      tpu.enqueue_dma source(%arg4 : memref<20x32xbf16, #tpu.memory_space<hbm>>) target(%arg12 : memref<20x32xbf16, #tpu.memory_space<vmem>>) target_semaphore(%run_scoped3A : memref<!tpu.dma_semaphore, #tpu.memory_space<semaphore_mem>>)
      tpu.wait_dma2 semaphore(%run_scoped3A : memref<!tpu.dma_semaphore, #tpu.memory_space<semaphore_mem>>) src(%arg4 : memref<20x32xbf16, #tpu.memory_space<hbm>>) dst(%arg12 : memref<20x32xbf16, #tpu.memory_space<vmem>>)
      tpu.yield
    }) : () -> ()
    %iota3A = tpu.iota {dimensions = array<i32: 0>} : vector<16xi32>
    %mul3A_3 = arith.constant 2 : i32
    %mul3A_4 = vector.broadcast %mul3A_3 : i32 to vector<16xi32>
    %mul3A_5 = arith.muli %iota3A, %mul3A_4 : vector<16xi32>
    %add3A_6 = arith.constant 1 : i32
    %add3A_7 = vector.broadcast %add3A_6 : i32 to vector<16xi32>
    %add3A_8 = arith.addi %mul3A_5, %add3A_7 : vector<16xi32>
    %dma_start3A = arith.constant 0 : i32
    %dma_start3A_9 = arith.constant 0 : i32
    %dma_start3A_10 = tpu.memref_slice %arg2[%dma_start3A_9, %dma_start3A, %mul3A_2] : memref<20x50x4096xi32, #tpu.memory_space<hbm>> -> memref<20x1x128xi32, #tpu.memory_space<hbm>>
    %dma_start3A_11 = tpu.memref_squeeze %dma_start3A_10 : memref<20x1x128xi32, #tpu.memory_space<hbm>> -> memref<20x128xi32, #tpu.memory_space<hbm>>
    %dma_start3A_12 = arith.constant 0 : i32
    %dma_start3A_13 = tpu.memref_slice %arg2[%dma_start3A_12, %dma_start3A, %mul3A_2] : memref<20x50x4096xi32, #tpu.memory_space<hbm>> -> memref<20x1x128xi32, #tpu.memory_space<hbm>>
    %dma_start3A_14 = tpu.memref_squeeze %dma_start3A_13 : memref<20x1x128xi32, #tpu.memory_space<hbm>> -> memref<20x128xi32, #tpu.memory_space<hbm>>
    tpu.enqueue_dma source(%dma_start3A_14 : memref<20x128xi32, #tpu.memory_space<hbm>>) target(%arg6 : memref<20x128xi32, #tpu.memory_space<vmem>>) target_semaphore(%arg13 : memref<!tpu.dma_semaphore, #tpu.memory_space<semaphore_mem>>)
    %dma_wait3A = arith.constant 0 : i32
    %dma_wait3A_15 = arith.constant 0 : i32
    %dma_wait3A_16 = tpu.memref_slice %arg2[%dma_wait3A_15, %dma_wait3A, %mul3A_2] : memref<20x50x4096xi32, #tpu.memory_space<hbm>> -> memref<20x1x128xi32, #tpu.memory_space<hbm>>
    %dma_wait3A_17 = tpu.memref_squeeze %dma_wait3A_16 : memref<20x1x128xi32, #tpu.memory_space<hbm>> -> memref<20x128xi32, #tpu.memory_space<hbm>>
    %dma_wait3A_18 = arith.constant 0 : i32
    %dma_wait3A_19 = tpu.memref_slice %arg2[%dma_wait3A_18, %dma_wait3A, %mul3A_2] : memref<20x50x4096xi32, #tpu.memory_space<hbm>> -> memref<20x1x128xi32, #tpu.memory_space<hbm>>
    %dma_wait3A_20 = tpu.memref_squeeze %dma_wait3A_19 : memref<20x1x128xi32, #tpu.memory_space<hbm>> -> memref<20x128xi32, #tpu.memory_space<hbm>>
    tpu.wait_dma2 semaphore(%arg13 : memref<!tpu.dma_semaphore, #tpu.memory_space<semaphore_mem>>) src(%dma_wait3A_20 : memref<20x128xi32, #tpu.memory_space<hbm>>) dst(%arg6 : memref<20x128xi32, #tpu.memory_space<vmem>>)
    %dma_start3A_21 = arith.constant 0 : i32
    %dma_start3A_22 = arith.constant 0 : i32
    %dma_start3A_23 = arith.constant 0 : i32
    %dma_start3A_24 = tpu.memref_slice %arg8[%dma_start3A_22, %dma_start3A_23] : memref<2560x32xbf16, #tpu.memory_space<vmem>> -> memref<128x32xbf16, #tpu.memory_space<vmem>>
    %dma_start3A_25 = arith.constant 0 : i32
    %dma_start3A_26 = tpu.memref_slice %arg6[%dma_start3A_21, %dma_start3A_25] : memref<20x128xi32, #tpu.memory_space<vmem>> -> memref<1x128xi32, #tpu.memory_space<vmem>>
    %dma_start3A_27 = tpu.memref_squeeze %dma_start3A_26 : memref<1x128xi32, #tpu.memory_space<vmem>> -> memref<128xi32, #tpu.memory_space<vmem>>
    %dma_start3A_28 = arith.constant 0 : i32
    %dma_start3A_29 = arith.constant 0 : i32
    %dma_start3A_30 = tpu.memref_slice %arg3[%dma_start3A_28, %dma_start3A_29] : memref<100001x32xbf16, #tpu.memory_space<hbm>> -> memref<100001x32xbf16, #tpu.memory_space<hbm>>
    tpu.enqueue_indirect_dma source(%dma_start3A_30 : memref<100001x32xbf16, #tpu.memory_space<hbm>>) target(%dma_start3A_24 : memref<128x32xbf16, #tpu.memory_space<vmem>>) offsets(%dma_start3A_27 : memref<128xi32, #tpu.memory_space<vmem>>) semaphore(%arg15 : memref<!tpu.dma_semaphore, #tpu.memory_space<semaphore_mem>>)
    %dma_start3A_31 = arith.constant 1 : i32
    %dma_start3A_32 = arith.constant 128 : i32
    %dma_start3A_33 = arith.constant 0 : i32
    %dma_start3A_34 = tpu.memref_slice %arg8[%dma_start3A_32, %dma_start3A_33] : memref<2560x32xbf16, #tpu.memory_space<vmem>> -> memref<128x32xbf16, #tpu.memory_space<vmem>>
    %dma_start3A_35 = arith.constant 0 : i32
    %dma_start3A_36 = tpu.memref_slice %arg6[%dma_start3A_31, %dma_start3A_35] : memref<20x128xi32, #tpu.memory_space<vmem>> -> memref<1x128xi32, #tpu.memory_space<vmem>>
    %dma_start3A_37 = tpu.memref_squeeze %dma_start3A_36 : memref<1x128xi32, #tpu.memory_space<vmem>> -> memref<128xi32, #tpu.memory_space<vmem>>
    %dma_start3A_38 = arith.constant 0 : i32
    %dma_start3A_39 = arith.constant 0 : i32
    %dma_start3A_40 = tpu.memref_slice %arg3[%dma_start3A_38, %dma_start3A_39] : memref<100001x32xbf16, #tpu.memory_space<hbm>> -> memref<100001x32xbf16, #tpu.memory_space<hbm>>
    tpu.enqueue_indirect_dma source(%dma_start3A_40 : memref<100001x32xbf16, #tpu.memory_space<hbm>>) target(%dma_start3A_34 : memref<128x32xbf16, #tpu.memory_space<vmem>>) offsets(%dma_start3A_37 : memref<128xi32, #tpu.memory_space<vmem>>) semaphore(%arg15 : memref<!tpu.dma_semaphore, #tpu.memory_space<semaphore_mem>>)
    %dma_start3A_41 = arith.constant 2 : i32
    %dma_start3A_42 = arith.constant 256 : i32
    %dma_start3A_43 = arith.constant 0 : i32
    %dma_start3A_44 = tpu.memref_slice %arg8[%dma_start3A_42, %dma_start3A_43] : memref<2560x32xbf16, #tpu.memory_space<vmem>> -> memref<128x32xbf16, #tpu.memory_space<vmem>>
    %dma_start3A_45 = arith.constant 0 : i32
    %dma_start3A_46 = tpu.memref_slice %arg6[%dma_start3A_41, %dma_start3A_45] : memref<20x128xi32, #tpu.memory_space<vmem>> -> memref<1x128xi32, #tpu.memory_space<vmem>>
    %dma_start3A_47 = tpu.memref_squeeze %dma_start3A_46 : memref<1x128xi32, #tpu.memory_space<vmem>> -> memref<128xi32, #tpu.memory_space<vmem>>
    %dma_start3A_48 = arith.constant 0 : i32
    %dma_start3A_49 = arith.constant 0 : i32
    %dma_start3A_50 = tpu.memref_slice %arg3[%dma_start3A_48, %dma_start3A_49] : memref<100001x32xbf16, #tpu.memory_space<hbm>> -> memref<100001x32xbf16, #tpu.memory_space<hbm>>
    tpu.enqueue_indirect_dma source(%dma_start3A_50 : memref<100001x32xbf16, #tpu.memory_space<hbm>>) target(%dma_start3A_44 : memref<128x32xbf16, #tpu.memory_space<vmem>>) offsets(%dma_start3A_47 : memref<128xi32, #tpu.memory_space<vmem>>) semaphore(%arg15 : memref<!tpu.dma_semaphore, #tpu.memory_space<semaphore_mem>>)
    %dma_start3A_51 = arith.constant 3 : i32
    %dma_start3A_52 = arith.constant 384 : i32
    %dma_start3A_53 = arith.constant 0 : i32
    %dma_start3A_54 = tpu.memref_slice %arg8[%dma_start3A_52, %dma_start3A_53] : memref<2560x32xbf16, #tpu.memory_space<vmem>> -> memref<128x32xbf16, #tpu.memory_space<vmem>>
    %dma_start3A_55 = arith.constant 0 : i32
    %dma_start3A_56 = tpu.memref_slice %arg6[%dma_start3A_51, %dma_start3A_55] : memref<20x128xi32, #tpu.memory_space<vmem>> -> memref<1x128xi32, #tpu.memory_space<vmem>>
    %dma_start3A_57 = tpu.memref_squeeze %dma_start3A_56 : memref<1x128xi32, #tpu.memory_space<vmem>> -> memref<128xi32, #tpu.memory_space<vmem>>
    %dma_start3A_58 = arith.constant 0 : i32
    %dma_start3A_59 = arith.constant 0 : i32
    %dma_start3A_60 = tpu.memref_slice %arg3[%dma_start3A_58, %dma_start3A_59] : memref<100001x32xbf16, #tpu.memory_space<hbm>> -> memref<100001x32xbf16, #tpu.memory_space<hbm>>
    tpu.enqueue_indirect_dma source(%dma_start3A_60 : memref<100001x32xbf16, #tpu.memory_space<hbm>>) target(%dma_start3A_54 : memref<128x32xbf16, #tpu.memory_space<vmem>>) offsets(%dma_start3A_57 : memref<128xi32, #tpu.memory_space<vmem>>) semaphore(%arg15 : memref<!tpu.dma_semaphore, #tpu.memory_space<semaphore_mem>>)
    %dma_start3A_61 = arith.constant 4 : i32
    %dma_start3A_62 = arith.constant 512 : i32
    %dma_start3A_63 = arith.constant 0 : i32
    %dma_start3A_64 = tpu.memref_slice %arg8[%dma_start3A_62, %dma_start3A_63] : memref<2560x32xbf16, #tpu.memory_space<vmem>> -> memref<128x32xbf16, #tpu.memory_space<vmem>>
    %dma_start3A_65 = arith.constant 0 : i32
    %dma_start3A_66 = tpu.memref_slice %arg6[%dma_start3A_61, %dma_start3A_65] : memref<20x128xi32, #tpu.memory_space<vmem>> -> memref<1x128xi32, #tpu.memory_space<vmem>>
    %dma_start3A_67 = tpu.memref_squeeze %dma_start3A_66 : memref<1x128xi32, #tpu.memory_space<vmem>> -> memref<128xi32, #tpu.memory_space<vmem>>
    %dma_start3A_68 = arith.constant 0 : i32
    %dma_start3A_69 = arith.constant 0 : i32
    %dma_start3A_70 = tpu.memref_slice %arg3[%dma_start3A_68, %dma_start3A_69] : memref<100001x32xbf16, #tpu.memory_space<hbm>> -> memref<100001x32xbf16, #tpu.memory_space<hbm>>
    tpu.enqueue_indirect_dma source(%dma_start3A_70 : memref<100001x32xbf16, #tpu.memory_space<hbm>>) target(%dma_start3A_64 : memref<128x32xbf16, #tpu.memory_space<vmem>>) offsets(%dma_start3A_67 : memref<128xi32, #tpu.memory_space<vmem>>) semaphore(%arg15 : memref<!tpu.dma_semaphore, #tpu.memory_space<semaphore_mem>>)
    %dma_start3A_71 = arith.constant 5 : i32
    %dma_start3A_72 = arith.constant 640 : i32
    %dma_start3A_73 = arith.constant 0 : i32
    %dma_start3A_74 = tpu.memref_slice %arg8[%dma_start3A_72, %dma_start3A_73] : memref<2560x32xbf16, #tpu.memory_space<vmem>> -> memref<128x32xbf16, #tpu.memory_space<vmem>>
    %dma_start3A_75 = arith.constant 0 : i32
    %dma_start3A_76 = tpu.memref_slice %arg6[%dma_start3A_71, %dma_start3A_75] : memref<20x128xi32, #tpu.memory_space<vmem>> -> memref<1x128xi32, #tpu.memory_space<vmem>>
    %dma_start3A_77 = tpu.memref_squeeze %dma_start3A_76 : memref<1x128xi32, #tpu.memory_space<vmem>> -> memref<128xi32, #tpu.memory_space<vmem>>
    %dma_start3A_78 = arith.constant 0 : i32
    %dma_start3A_79 = arith.constant 0 : i32
    %dma_start3A_80 = tpu.memref_slice %arg3[%dma_start3A_78, %dma_start3A_79] : memref<100001x32xbf16, #tpu.memory_space<hbm>> -> memref<100001x32xbf16, #tpu.memory_space<hbm>>
    tpu.enqueue_indirect_dma source(%dma_start3A_80 : memref<100001x32xbf16, #tpu.memory_space<hbm>>) target(%dma_start3A_74 : memref<128x32xbf16, #tpu.memory_space<vmem>>) offsets(%dma_start3A_77 : memref<128xi32, #tpu.memory_space<vmem>>) semaphore(%arg15 : memref<!tpu.dma_semaphore, #tpu.memory_space<semaphore_mem>>)
    %dma_start3A_81 = arith.constant 6 : i32
    %dma_start3A_82 = arith.constant 768 : i32
    %dma_start3A_83 = arith.constant 0 : i32
    %dma_start3A_84 = tpu.memref_slice %arg8[%dma_start3A_82, %dma_start3A_83] : memref<2560x32xbf16, #tpu.memory_space<vmem>> -> memref<128x32xbf16, #tpu.memory_space<vmem>>
    %dma_start3A_85 = arith.constant 0 : i32
    %dma_start3A_86 = tpu.memref_slice %arg6[%dma_start3A_81, %dma_start3A_85] : memref<20x128xi32, #tpu.memory_space<vmem>> -> memref<1x128xi32, #tpu.memory_space<vmem>>
    %dma_start3A_87 = tpu.memref_squeeze %dma_start3A_86 : memref<1x128xi32, #tpu.memory_space<vmem>> -> memref<128xi32, #tpu.memory_space<vmem>>
    %dma_start3A_88 = arith.constant 0 : i32
    %dma_start3A_89 = arith.constant 0 : i32
    %dma_start3A_90 = tpu.memref_slice %arg3[%dma_start3A_88, %dma_start3A_89] : memref<100001x32xbf16, #tpu.memory_space<hbm>> -> memref<100001x32xbf16, #tpu.memory_space<hbm>>
    tpu.enqueue_indirect_dma source(%dma_start3A_90 : memref<100001x32xbf16, #tpu.memory_space<hbm>>) target(%dma_start3A_84 : memref<128x32xbf16, #tpu.memory_space<vmem>>) offsets(%dma_start3A_87 : memref<128xi32, #tpu.memory_space<vmem>>) semaphore(%arg15 : memref<!tpu.dma_semaphore, #tpu.memory_space<semaphore_mem>>)
    %dma_start3A_91 = arith.constant 7 : i32
    %dma_start3A_92 = arith.constant 896 : i32
    %dma_start3A_93 = arith.constant 0 : i32
    %dma_start3A_94 = tpu.memref_slice %arg8[%dma_start3A_92, %dma_start3A_93] : memref<2560x32xbf16, #tpu.memory_space<vmem>> -> memref<128x32xbf16, #tpu.memory_space<vmem>>
    %dma_start3A_95 = arith.constant 0 : i32
    %dma_start3A_96 = tpu.memref_slice %arg6[%dma_start3A_91, %dma_start3A_95] : memref<20x128xi32, #tpu.memory_space<vmem>> -> memref<1x128xi32, #tpu.memory_space<vmem>>
    %dma_start3A_97 = tpu.memref_squeeze %dma_start3A_96 : memref<1x128xi32, #tpu.memory_space<vmem>> -> memref<128xi32, #tpu.memory_space<vmem>>
    %dma_start3A_98 = arith.constant 0 : i32
    %dma_start3A_99 = arith.constant 0 : i32
    %dma_start3A_100 = tpu.memref_slice %arg3[%dma_start3A_98, %dma_start3A_99] : memref<100001x32xbf16, #tpu.memory_space<hbm>> -> memref<100001x32xbf16, #tpu.memory_space<hbm>>
    tpu.enqueue_indirect_dma source(%dma_start3A_100 : memref<100001x32xbf16, #tpu.memory_space<hbm>>) target(%dma_start3A_94 : memref<128x32xbf16, #tpu.memory_space<vmem>>) offsets(%dma_start3A_97 : memref<128xi32, #tpu.memory_space<vmem>>) semaphore(%arg15 : memref<!tpu.dma_semaphore, #tpu.memory_space<semaphore_mem>>)
    %dma_start3A_101 = arith.constant 8 : i32
    %dma_start3A_102 = arith.constant 1024 : i32
    %dma_start3A_103 = arith.constant 0 : i32
    %dma_start3A_104 = tpu.memref_slice %arg8[%dma_start3A_102, %dma_start3A_103] : memref<2560x32xbf16, #tpu.memory_space<vmem>> -> memref<128x32xbf16, #tpu.memory_space<vmem>>
    %dma_start3A_105 = arith.constant 0 : i32
    %dma_start3A_106 = tpu.memref_slice %arg6[%dma_start3A_101, %dma_start3A_105] : memref<20x128xi32, #tpu.memory_space<vmem>> -> memref<1x128xi32, #tpu.memory_space<vmem>>
    %dma_start3A_107 = tpu.memref_squeeze %dma_start3A_106 : memref<1x128xi32, #tpu.memory_space<vmem>> -> memref<128xi32, #tpu.memory_space<vmem>>
    %dma_start3A_108 = arith.constant 0 : i32
    %dma_start3A_109 = arith.constant 0 : i32
    %dma_start3A_110 = tpu.memref_slice %arg3[%dma_start3A_108, %dma_start3A_109] : memref<100001x32xbf16, #tpu.memory_space<hbm>> -> memref<100001x32xbf16, #tpu.memory_space<hbm>>
    tpu.enqueue_indirect_dma source(%dma_start3A_110 : memref<100001x32xbf16, #tpu.memory_space<hbm>>) target(%dma_start3A_104 : memref<128x32xbf16, #tpu.memory_space<vmem>>) offsets(%dma_start3A_107 : memref<128xi32, #tpu.memory_space<vmem>>) semaphore(%arg15 : memref<!tpu.dma_semaphore, #tpu.memory_space<semaphore_mem>>)
    %dma_start3A_111 = arith.constant 9 : i32
    %dma_start3A_112 = arith.constant 1152 : i32
    %dma_start3A_113 = arith.constant 0 : i32
    %dma_start3A_114 = tpu.memref_slice %arg8[%dma_start3A_112, %dma_start3A_113] : memref<2560x32xbf16, #tpu.memory_space<vmem>> -> memref<128x32xbf16, #tpu.memory_space<vmem>>
    %dma_start3A_115 = arith.constant 0 : i32
    %dma_start3A_116 = tpu.memref_slice %arg6[%dma_start3A_111, %dma_start3A_115] : memref<20x128xi32, #tpu.memory_space<vmem>> -> memref<1x128xi32, #tpu.memory_space<vmem>>
    %dma_start3A_117 = tpu.memref_squeeze %dma_start3A_116 : memref<1x128xi32, #tpu.memory_space<vmem>> -> memref<128xi32, #tpu.memory_space<vmem>>
    %dma_start3A_118 = arith.constant 0 : i32
    %dma_start3A_119 = arith.constant 0 : i32
    %dma_start3A_120 = tpu.memref_slice %arg3[%dma_start3A_118, %dma_start3A_119] : memref<100001x32xbf16, #tpu.memory_space<hbm>> -> memref<100001x32xbf16, #tpu.memory_space<hbm>>
    tpu.enqueue_indirect_dma source(%dma_start3A_120 : memref<100001x32xbf16, #tpu.memory_space<hbm>>) target(%dma_start3A_114 : memref<128x32xbf16, #tpu.memory_space<vmem>>) offsets(%dma_start3A_117 : memref<128xi32, #tpu.memory_space<vmem>>) semaphore(%arg15 : memref<!tpu.dma_semaphore, #tpu.memory_space<semaphore_mem>>)
    %dma_start3A_121 = arith.constant 10 : i32
    %dma_start3A_122 = arith.constant 1280 : i32
    %dma_start3A_123 = arith.constant 0 : i32
    %dma_start3A_124 = tpu.memref_slice %arg8[%dma_start3A_122, %dma_start3A_123] : memref<2560x32xbf16, #tpu.memory_space<vmem>> -> memref<128x32xbf16, #tpu.memory_space<vmem>>
    %dma_start3A_125 = arith.constant 0 : i32
    %dma_start3A_126 = tpu.memref_slice %arg6[%dma_start3A_121, %dma_start3A_125] : memref<20x128xi32, #tpu.memory_space<vmem>> -> memref<1x128xi32, #tpu.memory_space<vmem>>
    %dma_start3A_127 = tpu.memref_squeeze %dma_start3A_126 : memref<1x128xi32, #tpu.memory_space<vmem>> -> memref<128xi32, #tpu.memory_space<vmem>>
    %dma_start3A_128 = arith.constant 0 : i32
    %dma_start3A_129 = arith.constant 0 : i32
    %dma_start3A_130 = tpu.memref_slice %arg3[%dma_start3A_128, %dma_start3A_129] : memref<100001x32xbf16, #tpu.memory_space<hbm>> -> memref<100001x32xbf16, #tpu.memory_space<hbm>>
    tpu.enqueue_indirect_dma source(%dma_start3A_130 : memref<100001x32xbf16, #tpu.memory_space<hbm>>) target(%dma_start3A_124 : memref<128x32xbf16, #tpu.memory_space<vmem>>) offsets(%dma_start3A_127 : memref<128xi32, #tpu.memory_space<vmem>>) semaphore(%arg15 : memref<!tpu.dma_semaphore, #tpu.memory_space<semaphore_mem>>)
    %dma_start3A_131 = arith.constant 11 : i32
    %dma_start3A_132 = arith.constant 1408 : i32
    %dma_start3A_133 = arith.constant 0 : i32
    %dma_start3A_134 = tpu.memref_slice %arg8[%dma_start3A_132, %dma_start3A_133] : memref<2560x32xbf16, #tpu.memory_space<vmem>> -> memref<128x32xbf16, #tpu.memory_space<vmem>>
    %dma_start3A_135 = arith.constant 0 : i32
    %dma_start3A_136 = tpu.memref_slice %arg6[%dma_start3A_131, %dma_start3A_135] : memref<20x128xi32, #tpu.memory_space<vmem>> -> memref<1x128xi32, #tpu.memory_space<vmem>>
    %dma_start3A_137 = tpu.memref_squeeze %dma_start3A_136 : memref<1x128xi32, #tpu.memory_space<vmem>> -> memref<128xi32, #tpu.memory_space<vmem>>
    %dma_start3A_138 = arith.constant 0 : i32
    %dma_start3A_139 = arith.constant 0 : i32
    %dma_start3A_140 = tpu.memref_slice %arg3[%dma_start3A_138, %dma_start3A_139] : memref<100001x32xbf16, #tpu.memory_space<hbm>> -> memref<100001x32xbf16, #tpu.memory_space<hbm>>
    tpu.enqueue_indirect_dma source(%dma_start3A_140 : memref<100001x32xbf16, #tpu.memory_space<hbm>>) target(%dma_start3A_134 : memref<128x32xbf16, #tpu.memory_space<vmem>>) offsets(%dma_start3A_137 : memref<128xi32, #tpu.memory_space<vmem>>) semaphore(%arg15 : memref<!tpu.dma_semaphore, #tpu.memory_space<semaphore_mem>>)
    %dma_start3A_141 = arith.constant 12 : i32
    %dma_start3A_142 = arith.constant 1536 : i32
    %dma_start3A_143 = arith.constant 0 : i32
    %dma_start3A_144 = tpu.memref_slice %arg8[%dma_start3A_142, %dma_start3A_143] : memref<2560x32xbf16, #tpu.memory_space<vmem>> -> memref<128x32xbf16, #tpu.memory_space<vmem>>
    %dma_start3A_145 = arith.constant 0 : i32
    %dma_start3A_146 = tpu.memref_slice %arg6[%dma_start3A_141, %dma_start3A_145] : memref<20x128xi32, #tpu.memory_space<vmem>> -> memref<1x128xi32, #tpu.memory_space<vmem>>
    %dma_start3A_147 = tpu.memref_squeeze %dma_start3A_146 : memref<1x128xi32, #tpu.memory_space<vmem>> -> memref<128xi32, #tpu.memory_space<vmem>>
    %dma_start3A_148 = arith.constant 0 : i32
    %dma_start3A_149 = arith.constant 0 : i32
    %dma_start3A_150 = tpu.memref_slice %arg3[%dma_start3A_148, %dma_start3A_149] : memref<100001x32xbf16, #tpu.memory_space<hbm>> -> memref<100001x32xbf16, #tpu.memory_space<hbm>>
    tpu.enqueue_indirect_dma source(%dma_start3A_150 : memref<100001x32xbf16, #tpu.memory_space<hbm>>) target(%dma_start3A_144 : memref<128x32xbf16, #tpu.memory_space<vmem>>) offsets(%dma_start3A_147 : memref<128xi32, #tpu.memory_space<vmem>>) semaphore(%arg15 : memref<!tpu.dma_semaphore, #tpu.memory_space<semaphore_mem>>)
    %dma_start3A_151 = arith.constant 13 : i32
    %dma_start3A_152 = arith.constant 1664 : i32
    %dma_start3A_153 = arith.constant 0 : i32
    %dma_start3A_154 = tpu.memref_slice %arg8[%dma_start3A_152, %dma_start3A_153] : memref<2560x32xbf16, #tpu.memory_space<vmem>> -> memref<128x32xbf16, #tpu.memory_space<vmem>>
    %dma_start3A_155 = arith.constant 0 : i32
    %dma_start3A_156 = tpu.memref_slice %arg6[%dma_start3A_151, %dma_start3A_155] : memref<20x128xi32, #tpu.memory_space<vmem>> -> memref<1x128xi32, #tpu.memory_space<vmem>>
    %dma_start3A_157 = tpu.memref_squeeze %dma_start3A_156 : memref<1x128xi32, #tpu.memory_space<vmem>> -> memref<128xi32, #tpu.memory_space<vmem>>
    %dma_start3A_158 = arith.constant 0 : i32
    %dma_start3A_159 = arith.constant 0 : i32
    %dma_start3A_160 = tpu.memref_slice %arg3[%dma_start3A_158, %dma_start3A_159] : memref<100001x32xbf16, #tpu.memory_space<hbm>> -> memref<100001x32xbf16, #tpu.memory_space<hbm>>
    tpu.enqueue_indirect_dma source(%dma_start3A_160 : memref<100001x32xbf16, #tpu.memory_space<hbm>>) target(%dma_start3A_154 : memref<128x32xbf16, #tpu.memory_space<vmem>>) offsets(%dma_start3A_157 : memref<128xi32, #tpu.memory_space<vmem>>) semaphore(%arg15 : memref<!tpu.dma_semaphore, #tpu.memory_space<semaphore_mem>>)
    %dma_start3A_161 = arith.constant 14 : i32
    %dma_start3A_162 = arith.constant 1792 : i32
    %dma_start3A_163 = arith.constant 0 : i32
    %dma_start3A_164 = tpu.memref_slice %arg8[%dma_start3A_162, %dma_start3A_163] : memref<2560x32xbf16, #tpu.memory_space<vmem>> -> memref<128x32xbf16, #tpu.memory_space<vmem>>
    %dma_start3A_165 = arith.constant 0 : i32
    %dma_start3A_166 = tpu.memref_slice %arg6[%dma_start3A_161, %dma_start3A_165] : memref<20x128xi32, #tpu.memory_space<vmem>> -> memref<1x128xi32, #tpu.memory_space<vmem>>
    %dma_start3A_167 = tpu.memref_squeeze %dma_start3A_166 : memref<1x128xi32, #tpu.memory_space<vmem>> -> memref<128xi32, #tpu.memory_space<vmem>>
    %dma_start3A_168 = arith.constant 0 : i32
    %dma_start3A_169 = arith.constant 0 : i32
    %dma_start3A_170 = tpu.memref_slice %arg3[%dma_start3A_168, %dma_start3A_169] : memref<100001x32xbf16, #tpu.memory_space<hbm>> -> memref<100001x32xbf16, #tpu.memory_space<hbm>>
    tpu.enqueue_indirect_dma source(%dma_start3A_170 : memref<100001x32xbf16, #tpu.memory_space<hbm>>) target(%dma_start3A_164 : memref<128x32xbf16, #tpu.memory_space<vmem>>) offsets(%dma_start3A_167 : memref<128xi32, #tpu.memory_space<vmem>>) semaphore(%arg15 : memref<!tpu.dma_semaphore, #tpu.memory_space<semaphore_mem>>)
    %dma_start3A_171 = arith.constant 15 : i32
    %dma_start3A_172 = arith.constant 1920 : i32
    %dma_start3A_173 = arith.constant 0 : i32
    %dma_start3A_174 = tpu.memref_slice %arg8[%dma_start3A_172, %dma_start3A_173] : memref<2560x32xbf16, #tpu.memory_space<vmem>> -> memref<128x32xbf16, #tpu.memory_space<vmem>>
    %dma_start3A_175 = arith.constant 0 : i32
    %dma_start3A_176 = tpu.memref_slice %arg6[%dma_start3A_171, %dma_start3A_175] : memref<20x128xi32, #tpu.memory_space<vmem>> -> memref<1x128xi32, #tpu.memory_space<vmem>>
    %dma_start3A_177 = tpu.memref_squeeze %dma_start3A_176 : memref<1x128xi32, #tpu.memory_space<vmem>> -> memref<128xi32, #tpu.memory_space<vmem>>
    %dma_start3A_178 = arith.constant 0 : i32
    %dma_start3A_179 = arith.constant 0 : i32
    %dma_start3A_180 = tpu.memref_slice %arg3[%dma_start3A_178, %dma_start3A_179] : memref<100001x32xbf16, #tpu.memory_space<hbm>> -> memref<100001x32xbf16, #tpu.memory_space<hbm>>
    tpu.enqueue_indirect_dma source(%dma_start3A_180 : memref<100001x32xbf16, #tpu.memory_space<hbm>>) target(%dma_start3A_174 : memref<128x32xbf16, #tpu.memory_space<vmem>>) offsets(%dma_start3A_177 : memref<128xi32, #tpu.memory_space<vmem>>) semaphore(%arg15 : memref<!tpu.dma_semaphore, #tpu.memory_space<semaphore_mem>>)
    %dma_start3A_181 = arith.constant 16 : i32
    %dma_start3A_182 = arith.constant 2048 : i32
    %dma_start3A_183 = arith.constant 0 : i32
    %dma_start3A_184 = tpu.memref_slice %arg8[%dma_start3A_182, %dma_start3A_183] : memref<2560x32xbf16, #tpu.memory_space<vmem>> -> memref<128x32xbf16, #tpu.memory_space<vmem>>
    %dma_start3A_185 = arith.constant 0 : i32
    %dma_start3A_186 = tpu.memref_slice %arg6[%dma_start3A_181, %dma_start3A_185] : memref<20x128xi32, #tpu.memory_space<vmem>> -> memref<1x128xi32, #tpu.memory_space<vmem>>
    %dma_start3A_187 = tpu.memref_squeeze %dma_start3A_186 : memref<1x128xi32, #tpu.memory_space<vmem>> -> memref<128xi32, #tpu.memory_space<vmem>>
    %dma_start3A_188 = arith.constant 0 : i32
    %dma_start3A_189 = arith.constant 0 : i32
    %dma_start3A_190 = tpu.memref_slice %arg3[%dma_start3A_188, %dma_start3A_189] : memref<100001x32xbf16, #tpu.memory_space<hbm>> -> memref<100001x32xbf16, #tpu.memory_space<hbm>>
    tpu.enqueue_indirect_dma source(%dma_start3A_190 : memref<100001x32xbf16, #tpu.memory_space<hbm>>) target(%dma_start3A_184 : memref<128x32xbf16, #tpu.memory_space<vmem>>) offsets(%dma_start3A_187 : memref<128xi32, #tpu.memory_space<vmem>>) semaphore(%arg15 : memref<!tpu.dma_semaphore, #tpu.memory_space<semaphore_mem>>)
    %dma_start3A_191 = arith.constant 17 : i32
    %dma_start3A_192 = arith.constant 2176 : i32
    %dma_start3A_193 = arith.constant 0 : i32
    %dma_start3A_194 = tpu.memref_slice %arg8[%dma_start3A_192, %dma_start3A_193] : memref<2560x32xbf16, #tpu.memory_space<vmem>> -> memref<128x32xbf16, #tpu.memory_space<vmem>>
    %dma_start3A_195 = arith.constant 0 : i32
    %dma_start3A_196 = tpu.memref_slice %arg6[%dma_start3A_191, %dma_start3A_195] : memref<20x128xi32, #tpu.memory_space<vmem>> -> memref<1x128xi32, #tpu.memory_space<vmem>>
    %dma_start3A_197 = tpu.memref_squeeze %dma_start3A_196 : memref<1x128xi32, #tpu.memory_space<vmem>> -> memref<128xi32, #tpu.memory_space<vmem>>
    %dma_start3A_198 = arith.constant 0 : i32
    %dma_start3A_199 = arith.constant 0 : i32
    %dma_start3A_200 = tpu.memref_slice %arg3[%dma_start3A_198, %dma_start3A_199] : memref<100001x32xbf16, #tpu.memory_space<hbm>> -> memref<100001x32xbf16, #tpu.memory_space<hbm>>
    tpu.enqueue_indirect_dma source(%dma_start3A_200 : memref<100001x32xbf16, #tpu.memory_space<hbm>>) target(%dma_start3A_194 : memref<128x32xbf16, #tpu.memory_space<vmem>>) offsets(%dma_start3A_197 : memref<128xi32, #tpu.memory_space<vmem>>) semaphore(%arg15 : memref<!tpu.dma_semaphore, #tpu.memory_space<semaphore_mem>>)
    %dma_start3A_201 = arith.constant 18 : i32
    %dma_start3A_202 = arith.constant 2304 : i32
    %dma_start3A_203 = arith.constant 0 : i32
    %dma_start3A_204 = tpu.memref_slice %arg8[%dma_start3A_202, %dma_start3A_203] : memref<2560x32xbf16, #tpu.memory_space<vmem>> -> memref<128x32xbf16, #tpu.memory_space<vmem>>
    %dma_start3A_205 = arith.constant 0 : i32
    %dma_start3A_206 = tpu.memref_slice %arg6[%dma_start3A_201, %dma_start3A_205] : memref<20x128xi32, #tpu.memory_space<vmem>> -> memref<1x128xi32, #tpu.memory_space<vmem>>
    %dma_start3A_207 = tpu.memref_squeeze %dma_start3A_206 : memref<1x128xi32, #tpu.memory_space<vmem>> -> memref<128xi32, #tpu.memory_space<vmem>>
    %dma_start3A_208 = arith.constant 0 : i32
    %dma_start3A_209 = arith.constant 0 : i32
    %dma_start3A_210 = tpu.memref_slice %arg3[%dma_start3A_208, %dma_start3A_209] : memref<100001x32xbf16, #tpu.memory_space<hbm>> -> memref<100001x32xbf16, #tpu.memory_space<hbm>>
    tpu.enqueue_indirect_dma source(%dma_start3A_210 : memref<100001x32xbf16, #tpu.memory_space<hbm>>) target(%dma_start3A_204 : memref<128x32xbf16, #tpu.memory_space<vmem>>) offsets(%dma_start3A_207 : memref<128xi32, #tpu.memory_space<vmem>>) semaphore(%arg15 : memref<!tpu.dma_semaphore, #tpu.memory_space<semaphore_mem>>)
    %dma_start3A_211 = arith.constant 19 : i32
    %dma_start3A_212 = arith.constant 2432 : i32
    %dma_start3A_213 = arith.constant 0 : i32
    %dma_start3A_214 = tpu.memref_slice %arg8[%dma_start3A_212, %dma_start3A_213] : memref<2560x32xbf16, #tpu.memory_space<vmem>> -> memref<128x32xbf16, #tpu.memory_space<vmem>>
    %dma_start3A_215 = arith.constant 0 : i32
    %dma_start3A_216 = tpu.memref_slice %arg6[%dma_start3A_211, %dma_start3A_215] : memref<20x128xi32, #tpu.memory_space<vmem>> -> memref<1x128xi32, #tpu.memory_space<vmem>>
    %dma_start3A_217 = tpu.memref_squeeze %dma_start3A_216 : memref<1x128xi32, #tpu.memory_space<vmem>> -> memref<128xi32, #tpu.memory_space<vmem>>
    %dma_start3A_218 = arith.constant 0 : i32
    %dma_start3A_219 = arith.constant 0 : i32
    %dma_start3A_220 = tpu.memref_slice %arg3[%dma_start3A_218, %dma_start3A_219] : memref<100001x32xbf16, #tpu.memory_space<hbm>> -> memref<100001x32xbf16, #tpu.memory_space<hbm>>
    tpu.enqueue_indirect_dma source(%dma_start3A_220 : memref<100001x32xbf16, #tpu.memory_space<hbm>>) target(%dma_start3A_214 : memref<128x32xbf16, #tpu.memory_space<vmem>>) offsets(%dma_start3A_217 : memref<128xi32, #tpu.memory_space<vmem>>) semaphore(%arg15 : memref<!tpu.dma_semaphore, #tpu.memory_space<semaphore_mem>>)
    %dma_start3A_221 = arith.constant 1 : i32
    %dma_start3A_222 = arith.constant 0 : i32
    %dma_start3A_223 = tpu.memref_slice %arg2[%dma_start3A_222, %dma_start3A_221, %mul3A_2] : memref<20x50x4096xi32, #tpu.memory_space<hbm>> -> memref<20x1x128xi32, #tpu.memory_space<hbm>>
    %dma_start3A_224 = tpu.memref_squeeze %dma_start3A_223 : memref<20x1x128xi32, #tpu.memory_space<hbm>> -> memref<20x128xi32, #tpu.memory_space<hbm>>
    %dma_start3A_225 = arith.constant 0 : i32
    %dma_start3A_226 = tpu.memref_slice %arg2[%dma_start3A_225, %dma_start3A_221, %mul3A_2] : memref<20x50x4096xi32, #tpu.memory_space<hbm>> -> memref<20x1x128xi32, #tpu.memory_space<hbm>>
    %dma_start3A_227 = tpu.memref_squeeze %dma_start3A_226 : memref<20x1x128xi32, #tpu.memory_space<hbm>> -> memref<20x128xi32, #tpu.memory_space<hbm>>
    tpu.enqueue_dma source(%dma_start3A_227 : memref<20x128xi32, #tpu.memory_space<hbm>>) target(%arg7 : memref<20x128xi32, #tpu.memory_space<vmem>>) target_semaphore(%arg14 : memref<!tpu.dma_semaphore, #tpu.memory_space<semaphore_mem>>)
    %scan3A = arith.constant 0 : i32
    %scan3A_228 = arith.constant 0 : i32
    %scan3A_229 = arith.constant 25 : i32
    %scan3A_230 = arith.addi %scan3A_228, %scan3A_229 : i32
    %scan3A_231 = arith.constant 1 : i32
    %scan3A_232 = scf.for %scan3A_362 = %scan3A_228 to %scan3A_230 step %scan3A_231 iter_args(%scan3A_363 = %scan3A) -> (i32)  : i32 {
      %mul3A_364 = arith.constant 2 : i32
      %mul3A_365 = arith.muli %mul3A_364, %scan3A_362 : i32
      %add3A_366 = arith.constant 1 : i32
      %add3A_367 = arith.addi %mul3A_365, %add3A_366 : i32
      %ge3A = arith.constant 24 : i32
      %ge3A_368 = arith.cmpi sge, %scan3A_362, %ge3A : i32
      %dma_wait3A_369 = arith.constant 0 : i32
      %dma_wait3A_370 = arith.constant 0 : i32
      %dma_wait3A_371 = tpu.memref_slice %arg2[%dma_wait3A_370, %dma_wait3A_369, %mul3A_2] : memref<20x50x4096xi32, #tpu.memory_space<hbm>> -> memref<20x1x128xi32, #tpu.memory_space<hbm>>
      %dma_wait3A_372 = tpu.memref_squeeze %dma_wait3A_371 : memref<20x1x128xi32, #tpu.memory_space<hbm>> -> memref<20x128xi32, #tpu.memory_space<hbm>>
      %dma_wait3A_373 = arith.constant 0 : i32
      %dma_wait3A_374 = tpu.memref_slice %arg2[%dma_wait3A_373, %dma_wait3A_369, %mul3A_2] : memref<20x50x4096xi32, #tpu.memory_space<hbm>> -> memref<20x1x128xi32, #tpu.memory_space<hbm>>
      %dma_wait3A_375 = tpu.memref_squeeze %dma_wait3A_374 : memref<20x1x128xi32, #tpu.memory_space<hbm>> -> memref<20x128xi32, #tpu.memory_space<hbm>>
      tpu.wait_dma2 semaphore(%arg14 : memref<!tpu.dma_semaphore, #tpu.memory_space<semaphore_mem>>) src(%dma_wait3A_375 : memref<20x128xi32, #tpu.memory_space<hbm>>) dst(%arg7 : memref<20x128xi32, #tpu.memory_space<vmem>>)
      %dma_start3A_376 = arith.constant 0 : i32
      %dma_start3A_377 = arith.constant 0 : i32
      %dma_start3A_378 = arith.constant 0 : i32
      %dma_start3A_379 = tpu.memref_slice %arg9[%dma_start3A_377, %dma_start3A_378] : memref<2560x32xbf16, #tpu.memory_space<vmem>> -> memref<128x32xbf16, #tpu.memory_space<vmem>>
      %dma_start3A_380 = arith.constant 0 : i32
      %dma_start3A_381 = tpu.memref_slice %arg7[%dma_start3A_376, %dma_start3A_380] : memref<20x128xi32, #tpu.memory_space<vmem>> -> memref<1x128xi32, #tpu.memory_space<vmem>>
      %dma_start3A_382 = tpu.memref_squeeze %dma_start3A_381 : memref<1x128xi32, #tpu.memory_space<vmem>> -> memref<128xi32, #tpu.memory_space<vmem>>
      %dma_start3A_383 = arith.constant 0 : i32
      %dma_start3A_384 = arith.constant 0 : i32
      %dma_start3A_385 = tpu.memref_slice %arg3[%dma_start3A_383, %dma_start3A_384] : memref<100001x32xbf16, #tpu.memory_space<hbm>> -> memref<100001x32xbf16, #tpu.memory_space<hbm>>
      tpu.enqueue_indirect_dma source(%dma_start3A_385 : memref<100001x32xbf16, #tpu.memory_space<hbm>>) target(%dma_start3A_379 : memref<128x32xbf16, #tpu.memory_space<vmem>>) offsets(%dma_start3A_382 : memref<128xi32, #tpu.memory_space<vmem>>) semaphore(%arg16 : memref<!tpu.dma_semaphore, #tpu.memory_space<semaphore_mem>>)
      %dma_start3A_386 = arith.constant 1 : i32
      %dma_start3A_387 = arith.constant 128 : i32
      %dma_start3A_388 = arith.constant 0 : i32
      %dma_start3A_389 = tpu.memref_slice %arg9[%dma_start3A_387, %dma_start3A_388] : memref<2560x32xbf16, #tpu.memory_space<vmem>> -> memref<128x32xbf16, #tpu.memory_space<vmem>>
      %dma_start3A_390 = arith.constant 0 : i32
      %dma_start3A_391 = tpu.memref_slice %arg7[%dma_start3A_386, %dma_start3A_390] : memref<20x128xi32, #tpu.memory_space<vmem>> -> memref<1x128xi32, #tpu.memory_space<vmem>>
      %dma_start3A_392 = tpu.memref_squeeze %dma_start3A_391 : memref<1x128xi32, #tpu.memory_space<vmem>> -> memref<128xi32, #tpu.memory_space<vmem>>
      %dma_start3A_393 = arith.constant 0 : i32
      %dma_start3A_394 = arith.constant 0 : i32
      %dma_start3A_395 = tpu.memref_slice %arg3[%dma_start3A_393, %dma_start3A_394] : memref<100001x32xbf16, #tpu.memory_space<hbm>> -> memref<100001x32xbf16, #tpu.memory_space<hbm>>
      tpu.enqueue_indirect_dma source(%dma_start3A_395 : memref<100001x32xbf16, #tpu.memory_space<hbm>>) target(%dma_start3A_389 : memref<128x32xbf16, #tpu.memory_space<vmem>>) offsets(%dma_start3A_392 : memref<128xi32, #tpu.memory_space<vmem>>) semaphore(%arg16 : memref<!tpu.dma_semaphore, #tpu.memory_space<semaphore_mem>>)
      %dma_start3A_396 = arith.constant 2 : i32
      %dma_start3A_397 = arith.constant 256 : i32
      %dma_start3A_398 = arith.constant 0 : i32
      %dma_start3A_399 = tpu.memref_slice %arg9[%dma_start3A_397, %dma_start3A_398] : memref<2560x32xbf16, #tpu.memory_space<vmem>> -> memref<128x32xbf16, #tpu.memory_space<vmem>>
      %dma_start3A_400 = arith.constant 0 : i32
      %dma_start3A_401 = tpu.memref_slice %arg7[%dma_start3A_396, %dma_start3A_400] : memref<20x128xi32, #tpu.memory_space<vmem>> -> memref<1x128xi32, #tpu.memory_space<vmem>>
      %dma_start3A_402 = tpu.memref_squeeze %dma_start3A_401 : memref<1x128xi32, #tpu.memory_space<vmem>> -> memref<128xi32, #tpu.memory_space<vmem>>
      %dma_start3A_403 = arith.constant 0 : i32
      %dma_start3A_404 = arith.constant 0 : i32
      %dma_start3A_405 = tpu.memref_slice %arg3[%dma_start3A_403, %dma_start3A_404] : memref<100001x32xbf16, #tpu.memory_space<hbm>> -> memref<100001x32xbf16, #tpu.memory_space<hbm>>
      tpu.enqueue_indirect_dma source(%dma_start3A_405 : memref<100001x32xbf16, #tpu.memory_space<hbm>>) target(%dma_start3A_399 : memref<128x32xbf16, #tpu.memory_space<vmem>>) offsets(%dma_start3A_402 : memref<128xi32, #tpu.memory_space<vmem>>) semaphore(%arg16 : memref<!tpu.dma_semaphore, #tpu.memory_space<semaphore_mem>>)
      %dma_start3A_406 = arith.constant 3 : i32
      %dma_start3A_407 = arith.constant 384 : i32
      %dma_start3A_408 = arith.constant 0 : i32
      %dma_start3A_409 = tpu.memref_slice %arg9[%dma_start3A_407, %dma_start3A_408] : memref<2560x32xbf16, #tpu.memory_space<vmem>> -> memref<128x32xbf16, #tpu.memory_space<vmem>>
      %dma_start3A_410 = arith.constant 0 : i32
      %dma_start3A_411 = tpu.memref_slice %arg7[%dma_start3A_406, %dma_start3A_410] : memref<20x128xi32, #tpu.memory_space<vmem>> -> memref<1x128xi32, #tpu.memory_space<vmem>>
      %dma_start3A_412 = tpu.memref_squeeze %dma_start3A_411 : memref<1x128xi32, #tpu.memory_space<vmem>> -> memref<128xi32, #tpu.memory_space<vmem>>
      %dma_start3A_413 = arith.constant 0 : i32
      %dma_start3A_414 = arith.constant 0 : i32
      %dma_start3A_415 = tpu.memref_slice %arg3[%dma_start3A_413, %dma_start3A_414] : memref<100001x32xbf16, #tpu.memory_space<hbm>> -> memref<100001x32xbf16, #tpu.memory_space<hbm>>
      tpu.enqueue_indirect_dma source(%dma_start3A_415 : memref<100001x32xbf16, #tpu.memory_space<hbm>>) target(%dma_start3A_409 : memref<128x32xbf16, #tpu.memory_space<vmem>>) offsets(%dma_start3A_412 : memref<128xi32, #tpu.memory_space<vmem>>) semaphore(%arg16 : memref<!tpu.dma_semaphore, #tpu.memory_space<semaphore_mem>>)
      %dma_start3A_416 = arith.constant 4 : i32
      %dma_start3A_417 = arith.constant 512 : i32
      %dma_start3A_418 = arith.constant 0 : i32
      %dma_start3A_419 = tpu.memref_slice %arg9[%dma_start3A_417, %dma_start3A_418] : memref<2560x32xbf16, #tpu.memory_space<vmem>> -> memref<128x32xbf16, #tpu.memory_space<vmem>>
      %dma_start3A_420 = arith.constant 0 : i32
      %dma_start3A_421 = tpu.memref_slice %arg7[%dma_start3A_416, %dma_start3A_420] : memref<20x128xi32, #tpu.memory_space<vmem>> -> memref<1x128xi32, #tpu.memory_space<vmem>>
      %dma_start3A_422 = tpu.memref_squeeze %dma_start3A_421 : memref<1x128xi32, #tpu.memory_space<vmem>> -> memref<128xi32, #tpu.memory_space<vmem>>
      %dma_start3A_423 = arith.constant 0 : i32
      %dma_start3A_424 = arith.constant 0 : i32
      %dma_start3A_425 = tpu.memref_slice %arg3[%dma_start3A_423, %dma_start3A_424] : memref<100001x32xbf16, #tpu.memory_space<hbm>> -> memref<100001x32xbf16, #tpu.memory_space<hbm>>
      tpu.enqueue_indirect_dma source(%dma_start3A_425 : memref<100001x32xbf16, #tpu.memory_space<hbm>>) target(%dma_start3A_419 : memref<128x32xbf16, #tpu.memory_space<vmem>>) offsets(%dma_start3A_422 : memref<128xi32, #tpu.memory_space<vmem>>) semaphore(%arg16 : memref<!tpu.dma_semaphore, #tpu.memory_space<semaphore_mem>>)
      %dma_start3A_426 = arith.constant 5 : i32
      %dma_start3A_427 = arith.constant 640 : i32
      %dma_start3A_428 = arith.constant 0 : i32
      %dma_start3A_429 = tpu.memref_slice %arg9[%dma_start3A_427, %dma_start3A_428] : memref<2560x32xbf16, #tpu.memory_space<vmem>> -> memref<128x32xbf16, #tpu.memory_space<vmem>>
      %dma_start3A_430 = arith.constant 0 : i32
      %dma_start3A_431 = tpu.memref_slice %arg7[%dma_start3A_426, %dma_start3A_430] : memref<20x128xi32, #tpu.memory_space<vmem>> -> memref<1x128xi32, #tpu.memory_space<vmem>>
      %dma_start3A_432 = tpu.memref_squeeze %dma_start3A_431 : memref<1x128xi32, #tpu.memory_space<vmem>> -> memref<128xi32, #tpu.memory_space<vmem>>
      %dma_start3A_433 = arith.constant 0 : i32
      %dma_start3A_434 = arith.constant 0 : i32
      %dma_start3A_435 = tpu.memref_slice %arg3[%dma_start3A_433, %dma_start3A_434] : memref<100001x32xbf16, #tpu.memory_space<hbm>> -> memref<100001x32xbf16, #tpu.memory_space<hbm>>
      tpu.enqueue_indirect_dma source(%dma_start3A_435 : memref<100001x32xbf16, #tpu.memory_space<hbm>>) target(%dma_start3A_429 : memref<128x32xbf16, #tpu.memory_space<vmem>>) offsets(%dma_start3A_432 : memref<128xi32, #tpu.memory_space<vmem>>) semaphore(%arg16 : memref<!tpu.dma_semaphore, #tpu.memory_space<semaphore_mem>>)
      %dma_start3A_436 = arith.constant 6 : i32
      %dma_start3A_437 = arith.constant 768 : i32
      %dma_start3A_438 = arith.constant 0 : i32
      %dma_start3A_439 = tpu.memref_slice %arg9[%dma_start3A_437, %dma_start3A_438] : memref<2560x32xbf16, #tpu.memory_space<vmem>> -> memref<128x32xbf16, #tpu.memory_space<vmem>>
      %dma_start3A_440 = arith.constant 0 : i32
      %dma_start3A_441 = tpu.memref_slice %arg7[%dma_start3A_436, %dma_start3A_440] : memref<20x128xi32, #tpu.memory_space<vmem>> -> memref<1x128xi32, #tpu.memory_space<vmem>>
      %dma_start3A_442 = tpu.memref_squeeze %dma_start3A_441 : memref<1x128xi32, #tpu.memory_space<vmem>> -> memref<128xi32, #tpu.memory_space<vmem>>
      %dma_start3A_443 = arith.constant 0 : i32
      %dma_start3A_444 = arith.constant 0 : i32
      %dma_start3A_445 = tpu.memref_slice %arg3[%dma_start3A_443, %dma_start3A_444] : memref<100001x32xbf16, #tpu.memory_space<hbm>> -> memref<100001x32xbf16, #tpu.memory_space<hbm>>
      tpu.enqueue_indirect_dma source(%dma_start3A_445 : memref<100001x32xbf16, #tpu.memory_space<hbm>>) target(%dma_start3A_439 : memref<128x32xbf16, #tpu.memory_space<vmem>>) offsets(%dma_start3A_442 : memref<128xi32, #tpu.memory_space<vmem>>) semaphore(%arg16 : memref<!tpu.dma_semaphore, #tpu.memory_space<semaphore_mem>>)
      %dma_start3A_446 = arith.constant 7 : i32
      %dma_start3A_447 = arith.constant 896 : i32
      %dma_start3A_448 = arith.constant 0 : i32
      %dma_start3A_449 = tpu.memref_slice %arg9[%dma_start3A_447, %dma_start3A_448] : memref<2560x32xbf16, #tpu.memory_space<vmem>> -> memref<128x32xbf16, #tpu.memory_space<vmem>>
      %dma_start3A_450 = arith.constant 0 : i32
      %dma_start3A_451 = tpu.memref_slice %arg7[%dma_start3A_446, %dma_start3A_450] : memref<20x128xi32, #tpu.memory_space<vmem>> -> memref<1x128xi32, #tpu.memory_space<vmem>>
      %dma_start3A_452 = tpu.memref_squeeze %dma_start3A_451 : memref<1x128xi32, #tpu.memory_space<vmem>> -> memref<128xi32, #tpu.memory_space<vmem>>
      %dma_start3A_453 = arith.constant 0 : i32
      %dma_start3A_454 = arith.constant 0 : i32
      %dma_start3A_455 = tpu.memref_slice %arg3[%dma_start3A_453, %dma_start3A_454] : memref<100001x32xbf16, #tpu.memory_space<hbm>> -> memref<100001x32xbf16, #tpu.memory_space<hbm>>
      tpu.enqueue_indirect_dma source(%dma_start3A_455 : memref<100001x32xbf16, #tpu.memory_space<hbm>>) target(%dma_start3A_449 : memref<128x32xbf16, #tpu.memory_space<vmem>>) offsets(%dma_start3A_452 : memref<128xi32, #tpu.memory_space<vmem>>) semaphore(%arg16 : memref<!tpu.dma_semaphore, #tpu.memory_space<semaphore_mem>>)
      %dma_start3A_456 = arith.constant 8 : i32
      %dma_start3A_457 = arith.constant 1024 : i32
      %dma_start3A_458 = arith.constant 0 : i32
      %dma_start3A_459 = tpu.memref_slice %arg9[%dma_start3A_457, %dma_start3A_458] : memref<2560x32xbf16, #tpu.memory_space<vmem>> -> memref<128x32xbf16, #tpu.memory_space<vmem>>
      %dma_start3A_460 = arith.constant 0 : i32
      %dma_start3A_461 = tpu.memref_slice %arg7[%dma_start3A_456, %dma_start3A_460] : memref<20x128xi32, #tpu.memory_space<vmem>> -> memref<1x128xi32, #tpu.memory_space<vmem>>
      %dma_start3A_462 = tpu.memref_squeeze %dma_start3A_461 : memref<1x128xi32, #tpu.memory_space<vmem>> -> memref<128xi32, #tpu.memory_space<vmem>>
      %dma_start3A_463 = arith.constant 0 : i32
      %dma_start3A_464 = arith.constant 0 : i32
      %dma_start3A_465 = tpu.memref_slice %arg3[%dma_start3A_463, %dma_start3A_464] : memref<100001x32xbf16, #tpu.memory_space<hbm>> -> memref<100001x32xbf16, #tpu.memory_space<hbm>>
      tpu.enqueue_indirect_dma source(%dma_start3A_465 : memref<100001x32xbf16, #tpu.memory_space<hbm>>) target(%dma_start3A_459 : memref<128x32xbf16, #tpu.memory_space<vmem>>) offsets(%dma_start3A_462 : memref<128xi32, #tpu.memory_space<vmem>>) semaphore(%arg16 : memref<!tpu.dma_semaphore, #tpu.memory_space<semaphore_mem>>)
      %dma_start3A_466 = arith.constant 9 : i32
      %dma_start3A_467 = arith.constant 1152 : i32
      %dma_start3A_468 = arith.constant 0 : i32
      %dma_start3A_469 = tpu.memref_slice %arg9[%dma_start3A_467, %dma_start3A_468] : memref<2560x32xbf16, #tpu.memory_space<vmem>> -> memref<128x32xbf16, #tpu.memory_space<vmem>>
      %dma_start3A_470 = arith.constant 0 : i32
      %dma_start3A_471 = tpu.memref_slice %arg7[%dma_start3A_466, %dma_start3A_470] : memref<20x128xi32, #tpu.memory_space<vmem>> -> memref<1x128xi32, #tpu.memory_space<vmem>>
      %dma_start3A_472 = tpu.memref_squeeze %dma_start3A_471 : memref<1x128xi32, #tpu.memory_space<vmem>> -> memref<128xi32, #tpu.memory_space<vmem>>
      %dma_start3A_473 = arith.constant 0 : i32
      %dma_start3A_474 = arith.constant 0 : i32
      %dma_start3A_475 = tpu.memref_slice %arg3[%dma_start3A_473, %dma_start3A_474] : memref<100001x32xbf16, #tpu.memory_space<hbm>> -> memref<100001x32xbf16, #tpu.memory_space<hbm>>
      tpu.enqueue_indirect_dma source(%dma_start3A_475 : memref<100001x32xbf16, #tpu.memory_space<hbm>>) target(%dma_start3A_469 : memref<128x32xbf16, #tpu.memory_space<vmem>>) offsets(%dma_start3A_472 : memref<128xi32, #tpu.memory_space<vmem>>) semaphore(%arg16 : memref<!tpu.dma_semaphore, #tpu.memory_space<semaphore_mem>>)
      %dma_start3A_476 = arith.constant 10 : i32
      %dma_start3A_477 = arith.constant 1280 : i32
      %dma_start3A_478 = arith.constant 0 : i32
      %dma_start3A_479 = tpu.memref_slice %arg9[%dma_start3A_477, %dma_start3A_478] : memref<2560x32xbf16, #tpu.memory_space<vmem>> -> memref<128x32xbf16, #tpu.memory_space<vmem>>
      %dma_start3A_480 = arith.constant 0 : i32
      %dma_start3A_481 = tpu.memref_slice %arg7[%dma_start3A_476, %dma_start3A_480] : memref<20x128xi32, #tpu.memory_space<vmem>> -> memref<1x128xi32, #tpu.memory_space<vmem>>
      %dma_start3A_482 = tpu.memref_squeeze %dma_start3A_481 : memref<1x128xi32, #tpu.memory_space<vmem>> -> memref<128xi32, #tpu.memory_space<vmem>>
      %dma_start3A_483 = arith.constant 0 : i32
      %dma_start3A_484 = arith.constant 0 : i32
      %dma_start3A_485 = tpu.memref_slice %arg3[%dma_start3A_483, %dma_start3A_484] : memref<100001x32xbf16, #tpu.memory_space<hbm>> -> memref<100001x32xbf16, #tpu.memory_space<hbm>>
      tpu.enqueue_indirect_dma source(%dma_start3A_485 : memref<100001x32xbf16, #tpu.memory_space<hbm>>) target(%dma_start3A_479 : memref<128x32xbf16, #tpu.memory_space<vmem>>) offsets(%dma_start3A_482 : memref<128xi32, #tpu.memory_space<vmem>>) semaphore(%arg16 : memref<!tpu.dma_semaphore, #tpu.memory_space<semaphore_mem>>)
      %dma_start3A_486 = arith.constant 11 : i32
      %dma_start3A_487 = arith.constant 1408 : i32
      %dma_start3A_488 = arith.constant 0 : i32
      %dma_start3A_489 = tpu.memref_slice %arg9[%dma_start3A_487, %dma_start3A_488] : memref<2560x32xbf16, #tpu.memory_space<vmem>> -> memref<128x32xbf16, #tpu.memory_space<vmem>>
      %dma_start3A_490 = arith.constant 0 : i32
      %dma_start3A_491 = tpu.memref_slice %arg7[%dma_start3A_486, %dma_start3A_490] : memref<20x128xi32, #tpu.memory_space<vmem>> -> memref<1x128xi32, #tpu.memory_space<vmem>>
      %dma_start3A_492 = tpu.memref_squeeze %dma_start3A_491 : memref<1x128xi32, #tpu.memory_space<vmem>> -> memref<128xi32, #tpu.memory_space<vmem>>
      %dma_start3A_493 = arith.constant 0 : i32
      %dma_start3A_494 = arith.constant 0 : i32
      %dma_start3A_495 = tpu.memref_slice %arg3[%dma_start3A_493, %dma_start3A_494] : memref<100001x32xbf16, #tpu.memory_space<hbm>> -> memref<100001x32xbf16, #tpu.memory_space<hbm>>
      tpu.enqueue_indirect_dma source(%dma_start3A_495 : memref<100001x32xbf16, #tpu.memory_space<hbm>>) target(%dma_start3A_489 : memref<128x32xbf16, #tpu.memory_space<vmem>>) offsets(%dma_start3A_492 : memref<128xi32, #tpu.memory_space<vmem>>) semaphore(%arg16 : memref<!tpu.dma_semaphore, #tpu.memory_space<semaphore_mem>>)
      %dma_start3A_496 = arith.constant 12 : i32
      %dma_start3A_497 = arith.constant 1536 : i32
      %dma_start3A_498 = arith.constant 0 : i32
      %dma_start3A_499 = tpu.memref_slice %arg9[%dma_start3A_497, %dma_start3A_498] : memref<2560x32xbf16, #tpu.memory_space<vmem>> -> memref<128x32xbf16, #tpu.memory_space<vmem>>
      %dma_start3A_500 = arith.constant 0 : i32
      %dma_start3A_501 = tpu.memref_slice %arg7[%dma_start3A_496, %dma_start3A_500] : memref<20x128xi32, #tpu.memory_space<vmem>> -> memref<1x128xi32, #tpu.memory_space<vmem>>
      %dma_start3A_502 = tpu.memref_squeeze %dma_start3A_501 : memref<1x128xi32, #tpu.memory_space<vmem>> -> memref<128xi32, #tpu.memory_space<vmem>>
      %dma_start3A_503 = arith.constant 0 : i32
      %dma_start3A_504 = arith.constant 0 : i32
      %dma_start3A_505 = tpu.memref_slice %arg3[%dma_start3A_503, %dma_start3A_504] : memref<100001x32xbf16, #tpu.memory_space<hbm>> -> memref<100001x32xbf16, #tpu.memory_space<hbm>>
      tpu.enqueue_indirect_dma source(%dma_start3A_505 : memref<100001x32xbf16, #tpu.memory_space<hbm>>) target(%dma_start3A_499 : memref<128x32xbf16, #tpu.memory_space<vmem>>) offsets(%dma_start3A_502 : memref<128xi32, #tpu.memory_space<vmem>>) semaphore(%arg16 : memref<!tpu.dma_semaphore, #tpu.memory_space<semaphore_mem>>)
      %dma_start3A_506 = arith.constant 13 : i32
      %dma_start3A_507 = arith.constant 1664 : i32
      %dma_start3A_508 = arith.constant 0 : i32
      %dma_start3A_509 = tpu.memref_slice %arg9[%dma_start3A_507, %dma_start3A_508] : memref<2560x32xbf16, #tpu.memory_space<vmem>> -> memref<128x32xbf16, #tpu.memory_space<vmem>>
      %dma_start3A_510 = arith.constant 0 : i32
      %dma_start3A_511 = tpu.memref_slice %arg7[%dma_start3A_506, %dma_start3A_510] : memref<20x128xi32, #tpu.memory_space<vmem>> -> memref<1x128xi32, #tpu.memory_space<vmem>>
      %dma_start3A_512 = tpu.memref_squeeze %dma_start3A_511 : memref<1x128xi32, #tpu.memory_space<vmem>> -> memref<128xi32, #tpu.memory_space<vmem>>
      %dma_start3A_513 = arith.constant 0 : i32
      %dma_start3A_514 = arith.constant 0 : i32
      %dma_start3A_515 = tpu.memref_slice %arg3[%dma_start3A_513, %dma_start3A_514] : memref<100001x32xbf16, #tpu.memory_space<hbm>> -> memref<100001x32xbf16, #tpu.memory_space<hbm>>
      tpu.enqueue_indirect_dma source(%dma_start3A_515 : memref<100001x32xbf16, #tpu.memory_space<hbm>>) target(%dma_start3A_509 : memref<128x32xbf16, #tpu.memory_space<vmem>>) offsets(%dma_start3A_512 : memref<128xi32, #tpu.memory_space<vmem>>) semaphore(%arg16 : memref<!tpu.dma_semaphore, #tpu.memory_space<semaphore_mem>>)
      %dma_start3A_516 = arith.constant 14 : i32
      %dma_start3A_517 = arith.constant 1792 : i32
      %dma_start3A_518 = arith.constant 0 : i32
      %dma_start3A_519 = tpu.memref_slice %arg9[%dma_start3A_517, %dma_start3A_518] : memref<2560x32xbf16, #tpu.memory_space<vmem>> -> memref<128x32xbf16, #tpu.memory_space<vmem>>
      %dma_start3A_520 = arith.constant 0 : i32
      %dma_start3A_521 = tpu.memref_slice %arg7[%dma_start3A_516, %dma_start3A_520] : memref<20x128xi32, #tpu.memory_space<vmem>> -> memref<1x128xi32, #tpu.memory_space<vmem>>
      %dma_start3A_522 = tpu.memref_squeeze %dma_start3A_521 : memref<1x128xi32, #tpu.memory_space<vmem>> -> memref<128xi32, #tpu.memory_space<vmem>>
      %dma_start3A_523 = arith.constant 0 : i32
      %dma_start3A_524 = arith.constant 0 : i32
      %dma_start3A_525 = tpu.memref_slice %arg3[%dma_start3A_523, %dma_start3A_524] : memref<100001x32xbf16, #tpu.memory_space<hbm>> -> memref<100001x32xbf16, #tpu.memory_space<hbm>>
      tpu.enqueue_indirect_dma source(%dma_start3A_525 : memref<100001x32xbf16, #tpu.memory_space<hbm>>) target(%dma_start3A_519 : memref<128x32xbf16, #tpu.memory_space<vmem>>) offsets(%dma_start3A_522 : memref<128xi32, #tpu.memory_space<vmem>>) semaphore(%arg16 : memref<!tpu.dma_semaphore, #tpu.memory_space<semaphore_mem>>)
      %dma_start3A_526 = arith.constant 15 : i32
      %dma_start3A_527 = arith.constant 1920 : i32
      %dma_start3A_528 = arith.constant 0 : i32
      %dma_start3A_529 = tpu.memref_slice %arg9[%dma_start3A_527, %dma_start3A_528] : memref<2560x32xbf16, #tpu.memory_space<vmem>> -> memref<128x32xbf16, #tpu.memory_space<vmem>>
      %dma_start3A_530 = arith.constant 0 : i32
      %dma_start3A_531 = tpu.memref_slice %arg7[%dma_start3A_526, %dma_start3A_530] : memref<20x128xi32, #tpu.memory_space<vmem>> -> memref<1x128xi32, #tpu.memory_space<vmem>>
      %dma_start3A_532 = tpu.memref_squeeze %dma_start3A_531 : memref<1x128xi32, #tpu.memory_space<vmem>> -> memref<128xi32, #tpu.memory_space<vmem>>
      %dma_start3A_533 = arith.constant 0 : i32
      %dma_start3A_534 = arith.constant 0 : i32
      %dma_start3A_535 = tpu.memref_slice %arg3[%dma_start3A_533, %dma_start3A_534] : memref<100001x32xbf16, #tpu.memory_space<hbm>> -> memref<100001x32xbf16, #tpu.memory_space<hbm>>
      tpu.enqueue_indirect_dma source(%dma_start3A_535 : memref<100001x32xbf16, #tpu.memory_space<hbm>>) target(%dma_start3A_529 : memref<128x32xbf16, #tpu.memory_space<vmem>>) offsets(%dma_start3A_532 : memref<128xi32, #tpu.memory_space<vmem>>) semaphore(%arg16 : memref<!tpu.dma_semaphore, #tpu.memory_space<semaphore_mem>>)
      %dma_start3A_536 = arith.constant 16 : i32
      %dma_start3A_537 = arith.constant 2048 : i32
      %dma_start3A_538 = arith.constant 0 : i32
      %dma_start3A_539 = tpu.memref_slice %arg9[%dma_start3A_537, %dma_start3A_538] : memref<2560x32xbf16, #tpu.memory_space<vmem>> -> memref<128x32xbf16, #tpu.memory_space<vmem>>
      %dma_start3A_540 = arith.constant 0 : i32
      %dma_start3A_541 = tpu.memref_slice %arg7[%dma_start3A_536, %dma_start3A_540] : memref<20x128xi32, #tpu.memory_space<vmem>> -> memref<1x128xi32, #tpu.memory_space<vmem>>
      %dma_start3A_542 = tpu.memref_squeeze %dma_start3A_541 : memref<1x128xi32, #tpu.memory_space<vmem>> -> memref<128xi32, #tpu.memory_space<vmem>>
      %dma_start3A_543 = arith.constant 0 : i32
      %dma_start3A_544 = arith.constant 0 : i32
      %dma_start3A_545 = tpu.memref_slice %arg3[%dma_start3A_543, %dma_start3A_544] : memref<100001x32xbf16, #tpu.memory_space<hbm>> -> memref<100001x32xbf16, #tpu.memory_space<hbm>>
      tpu.enqueue_indirect_dma source(%dma_start3A_545 : memref<100001x32xbf16, #tpu.memory_space<hbm>>) target(%dma_start3A_539 : memref<128x32xbf16, #tpu.memory_space<vmem>>) offsets(%dma_start3A_542 : memref<128xi32, #tpu.memory_space<vmem>>) semaphore(%arg16 : memref<!tpu.dma_semaphore, #tpu.memory_space<semaphore_mem>>)
      %dma_start3A_546 = arith.constant 17 : i32
      %dma_start3A_547 = arith.constant 2176 : i32
      %dma_start3A_548 = arith.constant 0 : i32
      %dma_start3A_549 = tpu.memref_slice %arg9[%dma_start3A_547, %dma_start3A_548] : memref<2560x32xbf16, #tpu.memory_space<vmem>> -> memref<128x32xbf16, #tpu.memory_space<vmem>>
      %dma_start3A_550 = arith.constant 0 : i32
      %dma_start3A_551 = tpu.memref_slice %arg7[%dma_start3A_546, %dma_start3A_550] : memref<20x128xi32, #tpu.memory_space<vmem>> -> memref<1x128xi32, #tpu.memory_space<vmem>>
      %dma_start3A_552 = tpu.memref_squeeze %dma_start3A_551 : memref<1x128xi32, #tpu.memory_space<vmem>> -> memref<128xi32, #tpu.memory_space<vmem>>
      %dma_start3A_553 = arith.constant 0 : i32
      %dma_start3A_554 = arith.constant 0 : i32
      %dma_start3A_555 = tpu.memref_slice %arg3[%dma_start3A_553, %dma_start3A_554] : memref<100001x32xbf16, #tpu.memory_space<hbm>> -> memref<100001x32xbf16, #tpu.memory_space<hbm>>
      tpu.enqueue_indirect_dma source(%dma_start3A_555 : memref<100001x32xbf16, #tpu.memory_space<hbm>>) target(%dma_start3A_549 : memref<128x32xbf16, #tpu.memory_space<vmem>>) offsets(%dma_start3A_552 : memref<128xi32, #tpu.memory_space<vmem>>) semaphore(%arg16 : memref<!tpu.dma_semaphore, #tpu.memory_space<semaphore_mem>>)
      %dma_start3A_556 = arith.constant 18 : i32
      %dma_start3A_557 = arith.constant 2304 : i32
      %dma_start3A_558 = arith.constant 0 : i32
      %dma_start3A_559 = tpu.memref_slice %arg9[%dma_start3A_557, %dma_start3A_558] : memref<2560x32xbf16, #tpu.memory_space<vmem>> -> memref<128x32xbf16, #tpu.memory_space<vmem>>
      %dma_start3A_560 = arith.constant 0 : i32
      %dma_start3A_561 = tpu.memref_slice %arg7[%dma_start3A_556, %dma_start3A_560] : memref<20x128xi32, #tpu.memory_space<vmem>> -> memref<1x128xi32, #tpu.memory_space<vmem>>
      %dma_start3A_562 = tpu.memref_squeeze %dma_start3A_561 : memref<1x128xi32, #tpu.memory_space<vmem>> -> memref<128xi32, #tpu.memory_space<vmem>>
      %dma_start3A_563 = arith.constant 0 : i32
      %dma_start3A_564 = arith.constant 0 : i32
      %dma_start3A_565 = tpu.memref_slice %arg3[%dma_start3A_563, %dma_start3A_564] : memref<100001x32xbf16, #tpu.memory_space<hbm>> -> memref<100001x32xbf16, #tpu.memory_space<hbm>>
      tpu.enqueue_indirect_dma source(%dma_start3A_565 : memref<100001x32xbf16, #tpu.memory_space<hbm>>) target(%dma_start3A_559 : memref<128x32xbf16, #tpu.memory_space<vmem>>) offsets(%dma_start3A_562 : memref<128xi32, #tpu.memory_space<vmem>>) semaphore(%arg16 : memref<!tpu.dma_semaphore, #tpu.memory_space<semaphore_mem>>)
      %dma_start3A_566 = arith.constant 19 : i32
      %dma_start3A_567 = arith.constant 2432 : i32
      %dma_start3A_568 = arith.constant 0 : i32
      %dma_start3A_569 = tpu.memref_slice %arg9[%dma_start3A_567, %dma_start3A_568] : memref<2560x32xbf16, #tpu.memory_space<vmem>> -> memref<128x32xbf16, #tpu.memory_space<vmem>>
      %dma_start3A_570 = arith.constant 0 : i32
      %dma_start3A_571 = tpu.memref_slice %arg7[%dma_start3A_566, %dma_start3A_570] : memref<20x128xi32, #tpu.memory_space<vmem>> -> memref<1x128xi32, #tpu.memory_space<vmem>>
      %dma_start3A_572 = tpu.memref_squeeze %dma_start3A_571 : memref<1x128xi32, #tpu.memory_space<vmem>> -> memref<128xi32, #tpu.memory_space<vmem>>
      %dma_start3A_573 = arith.constant 0 : i32
      %dma_start3A_574 = arith.constant 0 : i32
      %dma_start3A_575 = tpu.memref_slice %arg3[%dma_start3A_573, %dma_start3A_574] : memref<100001x32xbf16, #tpu.memory_space<hbm>> -> memref<100001x32xbf16, #tpu.memory_space<hbm>>
      tpu.enqueue_indirect_dma source(%dma_start3A_575 : memref<100001x32xbf16, #tpu.memory_space<hbm>>) target(%dma_start3A_569 : memref<128x32xbf16, #tpu.memory_space<vmem>>) offsets(%dma_start3A_572 : memref<128xi32, #tpu.memory_space<vmem>>) semaphore(%arg16 : memref<!tpu.dma_semaphore, #tpu.memory_space<semaphore_mem>>)
      %dma_wait3A_576 = arith.constant 0 : i32
      %dma_wait3A_577 = arith.constant 0 : i32
      %dma_wait3A_578 = arith.constant 0 : i32
      %dma_wait3A_579 = tpu.memref_slice %arg8[%dma_wait3A_577, %dma_wait3A_578] : memref<2560x32xbf16, #tpu.memory_space<vmem>> -> memref<128x32xbf16, #tpu.memory_space<vmem>>
      %dma_wait3A_580 = arith.constant 0 : i32
      %dma_wait3A_581 = tpu.memref_slice %arg6[%dma_wait3A_576, %dma_wait3A_580] : memref<20x128xi32, #tpu.memory_space<vmem>> -> memref<1x128xi32, #tpu.memory_space<vmem>>
      %dma_wait3A_582 = tpu.memref_squeeze %dma_wait3A_581 : memref<1x128xi32, #tpu.memory_space<vmem>> -> memref<128xi32, #tpu.memory_space<vmem>>
      %dma_wait3A_583 = arith.constant 0 : i32
      %dma_wait3A_584 = arith.constant 0 : i32
      %dma_wait3A_585 = tpu.memref_slice %arg3[%dma_wait3A_583, %dma_wait3A_584] : memref<100001x32xbf16, #tpu.memory_space<hbm>> -> memref<100001x32xbf16, #tpu.memory_space<hbm>>
      tpu.wait_indirect_dma semaphore(%arg15 : memref<!tpu.dma_semaphore, #tpu.memory_space<semaphore_mem>>) src(%dma_wait3A_585 : memref<100001x32xbf16, #tpu.memory_space<hbm>>) dst(%dma_wait3A_579 : memref<128x32xbf16, #tpu.memory_space<vmem>>)
      %dma_wait3A_586 = arith.constant 1 : i32
      %dma_wait3A_587 = arith.constant 128 : i32
      %dma_wait3A_588 = arith.constant 0 : i32
      %dma_wait3A_589 = tpu.memref_slice %arg8[%dma_wait3A_587, %dma_wait3A_588] : memref<2560x32xbf16, #tpu.memory_space<vmem>> -> memref<128x32xbf16, #tpu.memory_space<vmem>>
      %dma_wait3A_590 = arith.constant 0 : i32
      %dma_wait3A_591 = tpu.memref_slice %arg6[%dma_wait3A_586, %dma_wait3A_590] : memref<20x128xi32, #tpu.memory_space<vmem>> -> memref<1x128xi32, #tpu.memory_space<vmem>>
      %dma_wait3A_592 = tpu.memref_squeeze %dma_wait3A_591 : memref<1x128xi32, #tpu.memory_space<vmem>> -> memref<128xi32, #tpu.memory_space<vmem>>
      %dma_wait3A_593 = arith.constant 0 : i32
      %dma_wait3A_594 = arith.constant 0 : i32
      %dma_wait3A_595 = tpu.memref_slice %arg3[%dma_wait3A_593, %dma_wait3A_594] : memref<100001x32xbf16, #tpu.memory_space<hbm>> -> memref<100001x32xbf16, #tpu.memory_space<hbm>>
      tpu.wait_indirect_dma semaphore(%arg15 : memref<!tpu.dma_semaphore, #tpu.memory_space<semaphore_mem>>) src(%dma_wait3A_595 : memref<100001x32xbf16, #tpu.memory_space<hbm>>) dst(%dma_wait3A_589 : memref<128x32xbf16, #tpu.memory_space<vmem>>)
      %dma_wait3A_596 = arith.constant 2 : i32
      %dma_wait3A_597 = arith.constant 256 : i32
      %dma_wait3A_598 = arith.constant 0 : i32
      %dma_wait3A_599 = tpu.memref_slice %arg8[%dma_wait3A_597, %dma_wait3A_598] : memref<2560x32xbf16, #tpu.memory_space<vmem>> -> memref<128x32xbf16, #tpu.memory_space<vmem>>
      %dma_wait3A_600 = arith.constant 0 : i32
      %dma_wait3A_601 = tpu.memref_slice %arg6[%dma_wait3A_596, %dma_wait3A_600] : memref<20x128xi32, #tpu.memory_space<vmem>> -> memref<1x128xi32, #tpu.memory_space<vmem>>
      %dma_wait3A_602 = tpu.memref_squeeze %dma_wait3A_601 : memref<1x128xi32, #tpu.memory_space<vmem>> -> memref<128xi32, #tpu.memory_space<vmem>>
      %dma_wait3A_603 = arith.constant 0 : i32
      %dma_wait3A_604 = arith.constant 0 : i32
      %dma_wait3A_605 = tpu.memref_slice %arg3[%dma_wait3A_603, %dma_wait3A_604] : memref<100001x32xbf16, #tpu.memory_space<hbm>> -> memref<100001x32xbf16, #tpu.memory_space<hbm>>
      tpu.wait_indirect_dma semaphore(%arg15 : memref<!tpu.dma_semaphore, #tpu.memory_space<semaphore_mem>>) src(%dma_wait3A_605 : memref<100001x32xbf16, #tpu.memory_space<hbm>>) dst(%dma_wait3A_599 : memref<128x32xbf16, #tpu.memory_space<vmem>>)
      %dma_wait3A_606 = arith.constant 3 : i32
      %dma_wait3A_607 = arith.constant 384 : i32
      %dma_wait3A_608 = arith.constant 0 : i32
      %dma_wait3A_609 = tpu.memref_slice %arg8[%dma_wait3A_607, %dma_wait3A_608] : memref<2560x32xbf16, #tpu.memory_space<vmem>> -> memref<128x32xbf16, #tpu.memory_space<vmem>>
      %dma_wait3A_610 = arith.constant 0 : i32
      %dma_wait3A_611 = tpu.memref_slice %arg6[%dma_wait3A_606, %dma_wait3A_610] : memref<20x128xi32, #tpu.memory_space<vmem>> -> memref<1x128xi32, #tpu.memory_space<vmem>>
      %dma_wait3A_612 = tpu.memref_squeeze %dma_wait3A_611 : memref<1x128xi32, #tpu.memory_space<vmem>> -> memref<128xi32, #tpu.memory_space<vmem>>
      %dma_wait3A_613 = arith.constant 0 : i32
      %dma_wait3A_614 = arith.constant 0 : i32
      %dma_wait3A_615 = tpu.memref_slice %arg3[%dma_wait3A_613, %dma_wait3A_614] : memref<100001x32xbf16, #tpu.memory_space<hbm>> -> memref<100001x32xbf16, #tpu.memory_space<hbm>>
      tpu.wait_indirect_dma semaphore(%arg15 : memref<!tpu.dma_semaphore, #tpu.memory_space<semaphore_mem>>) src(%dma_wait3A_615 : memref<100001x32xbf16, #tpu.memory_space<hbm>>) dst(%dma_wait3A_609 : memref<128x32xbf16, #tpu.memory_space<vmem>>)
      %dma_wait3A_616 = arith.constant 4 : i32
      %dma_wait3A_617 = arith.constant 512 : i32
      %dma_wait3A_618 = arith.constant 0 : i32
      %dma_wait3A_619 = tpu.memref_slice %arg8[%dma_wait3A_617, %dma_wait3A_618] : memref<2560x32xbf16, #tpu.memory_space<vmem>> -> memref<128x32xbf16, #tpu.memory_space<vmem>>
      %dma_wait3A_620 = arith.constant 0 : i32
      %dma_wait3A_621 = tpu.memref_slice %arg6[%dma_wait3A_616, %dma_wait3A_620] : memref<20x128xi32, #tpu.memory_space<vmem>> -> memref<1x128xi32, #tpu.memory_space<vmem>>
      %dma_wait3A_622 = tpu.memref_squeeze %dma_wait3A_621 : memref<1x128xi32, #tpu.memory_space<vmem>> -> memref<128xi32, #tpu.memory_space<vmem>>
      %dma_wait3A_623 = arith.constant 0 : i32
      %dma_wait3A_624 = arith.constant 0 : i32
      %dma_wait3A_625 = tpu.memref_slice %arg3[%dma_wait3A_623, %dma_wait3A_624] : memref<100001x32xbf16, #tpu.memory_space<hbm>> -> memref<100001x32xbf16, #tpu.memory_space<hbm>>
      tpu.wait_indirect_dma semaphore(%arg15 : memref<!tpu.dma_semaphore, #tpu.memory_space<semaphore_mem>>) src(%dma_wait3A_625 : memref<100001x32xbf16, #tpu.memory_space<hbm>>) dst(%dma_wait3A_619 : memref<128x32xbf16, #tpu.memory_space<vmem>>)
      %dma_wait3A_626 = arith.constant 5 : i32
      %dma_wait3A_627 = arith.constant 640 : i32
      %dma_wait3A_628 = arith.constant 0 : i32
      %dma_wait3A_629 = tpu.memref_slice %arg8[%dma_wait3A_627, %dma_wait3A_628] : memref<2560x32xbf16, #tpu.memory_space<vmem>> -> memref<128x32xbf16, #tpu.memory_space<vmem>>
      %dma_wait3A_630 = arith.constant 0 : i32
      %dma_wait3A_631 = tpu.memref_slice %arg6[%dma_wait3A_626, %dma_wait3A_630] : memref<20x128xi32, #tpu.memory_space<vmem>> -> memref<1x128xi32, #tpu.memory_space<vmem>>
      %dma_wait3A_632 = tpu.memref_squeeze %dma_wait3A_631 : memref<1x128xi32, #tpu.memory_space<vmem>> -> memref<128xi32, #tpu.memory_space<vmem>>
      %dma_wait3A_633 = arith.constant 0 : i32
      %dma_wait3A_634 = arith.constant 0 : i32
      %dma_wait3A_635 = tpu.memref_slice %arg3[%dma_wait3A_633, %dma_wait3A_634] : memref<100001x32xbf16, #tpu.memory_space<hbm>> -> memref<100001x32xbf16, #tpu.memory_space<hbm>>
      tpu.wait_indirect_dma semaphore(%arg15 : memref<!tpu.dma_semaphore, #tpu.memory_space<semaphore_mem>>) src(%dma_wait3A_635 : memref<100001x32xbf16, #tpu.memory_space<hbm>>) dst(%dma_wait3A_629 : memref<128x32xbf16, #tpu.memory_space<vmem>>)
      %dma_wait3A_636 = arith.constant 6 : i32
      %dma_wait3A_637 = arith.constant 768 : i32
      %dma_wait3A_638 = arith.constant 0 : i32
      %dma_wait3A_639 = tpu.memref_slice %arg8[%dma_wait3A_637, %dma_wait3A_638] : memref<2560x32xbf16, #tpu.memory_space<vmem>> -> memref<128x32xbf16, #tpu.memory_space<vmem>>
      %dma_wait3A_640 = arith.constant 0 : i32
      %dma_wait3A_641 = tpu.memref_slice %arg6[%dma_wait3A_636, %dma_wait3A_640] : memref<20x128xi32, #tpu.memory_space<vmem>> -> memref<1x128xi32, #tpu.memory_space<vmem>>
      %dma_wait3A_642 = tpu.memref_squeeze %dma_wait3A_641 : memref<1x128xi32, #tpu.memory_space<vmem>> -> memref<128xi32, #tpu.memory_space<vmem>>
      %dma_wait3A_643 = arith.constant 0 : i32
      %dma_wait3A_644 = arith.constant 0 : i32
      %dma_wait3A_645 = tpu.memref_slice %arg3[%dma_wait3A_643, %dma_wait3A_644] : memref<100001x32xbf16, #tpu.memory_space<hbm>> -> memref<100001x32xbf16, #tpu.memory_space<hbm>>
      tpu.wait_indirect_dma semaphore(%arg15 : memref<!tpu.dma_semaphore, #tpu.memory_space<semaphore_mem>>) src(%dma_wait3A_645 : memref<100001x32xbf16, #tpu.memory_space<hbm>>) dst(%dma_wait3A_639 : memref<128x32xbf16, #tpu.memory_space<vmem>>)
      %dma_wait3A_646 = arith.constant 7 : i32
      %dma_wait3A_647 = arith.constant 896 : i32
      %dma_wait3A_648 = arith.constant 0 : i32
      %dma_wait3A_649 = tpu.memref_slice %arg8[%dma_wait3A_647, %dma_wait3A_648] : memref<2560x32xbf16, #tpu.memory_space<vmem>> -> memref<128x32xbf16, #tpu.memory_space<vmem>>
      %dma_wait3A_650 = arith.constant 0 : i32
      %dma_wait3A_651 = tpu.memref_slice %arg6[%dma_wait3A_646, %dma_wait3A_650] : memref<20x128xi32, #tpu.memory_space<vmem>> -> memref<1x128xi32, #tpu.memory_space<vmem>>
      %dma_wait3A_652 = tpu.memref_squeeze %dma_wait3A_651 : memref<1x128xi32, #tpu.memory_space<vmem>> -> memref<128xi32, #tpu.memory_space<vmem>>
      %dma_wait3A_653 = arith.constant 0 : i32
      %dma_wait3A_654 = arith.constant 0 : i32
      %dma_wait3A_655 = tpu.memref_slice %arg3[%dma_wait3A_653, %dma_wait3A_654] : memref<100001x32xbf16, #tpu.memory_space<hbm>> -> memref<100001x32xbf16, #tpu.memory_space<hbm>>
      tpu.wait_indirect_dma semaphore(%arg15 : memref<!tpu.dma_semaphore, #tpu.memory_space<semaphore_mem>>) src(%dma_wait3A_655 : memref<100001x32xbf16, #tpu.memory_space<hbm>>) dst(%dma_wait3A_649 : memref<128x32xbf16, #tpu.memory_space<vmem>>)
      %dma_wait3A_656 = arith.constant 8 : i32
      %dma_wait3A_657 = arith.constant 1024 : i32
      %dma_wait3A_658 = arith.constant 0 : i32
      %dma_wait3A_659 = tpu.memref_slice %arg8[%dma_wait3A_657, %dma_wait3A_658] : memref<2560x32xbf16, #tpu.memory_space<vmem>> -> memref<128x32xbf16, #tpu.memory_space<vmem>>
      %dma_wait3A_660 = arith.constant 0 : i32
      %dma_wait3A_661 = tpu.memref_slice %arg6[%dma_wait3A_656, %dma_wait3A_660] : memref<20x128xi32, #tpu.memory_space<vmem>> -> memref<1x128xi32, #tpu.memory_space<vmem>>
      %dma_wait3A_662 = tpu.memref_squeeze %dma_wait3A_661 : memref<1x128xi32, #tpu.memory_space<vmem>> -> memref<128xi32, #tpu.memory_space<vmem>>
      %dma_wait3A_663 = arith.constant 0 : i32
      %dma_wait3A_664 = arith.constant 0 : i32
      %dma_wait3A_665 = tpu.memref_slice %arg3[%dma_wait3A_663, %dma_wait3A_664] : memref<100001x32xbf16, #tpu.memory_space<hbm>> -> memref<100001x32xbf16, #tpu.memory_space<hbm>>
      tpu.wait_indirect_dma semaphore(%arg15 : memref<!tpu.dma_semaphore, #tpu.memory_space<semaphore_mem>>) src(%dma_wait3A_665 : memref<100001x32xbf16, #tpu.memory_space<hbm>>) dst(%dma_wait3A_659 : memref<128x32xbf16, #tpu.memory_space<vmem>>)
      %dma_wait3A_666 = arith.constant 9 : i32
      %dma_wait3A_667 = arith.constant 1152 : i32
      %dma_wait3A_668 = arith.constant 0 : i32
      %dma_wait3A_669 = tpu.memref_slice %arg8[%dma_wait3A_667, %dma_wait3A_668] : memref<2560x32xbf16, #tpu.memory_space<vmem>> -> memref<128x32xbf16, #tpu.memory_space<vmem>>
      %dma_wait3A_670 = arith.constant 0 : i32
      %dma_wait3A_671 = tpu.memref_slice %arg6[%dma_wait3A_666, %dma_wait3A_670] : memref<20x128xi32, #tpu.memory_space<vmem>> -> memref<1x128xi32, #tpu.memory_space<vmem>>
      %dma_wait3A_672 = tpu.memref_squeeze %dma_wait3A_671 : memref<1x128xi32, #tpu.memory_space<vmem>> -> memref<128xi32, #tpu.memory_space<vmem>>
      %dma_wait3A_673 = arith.constant 0 : i32
      %dma_wait3A_674 = arith.constant 0 : i32
      %dma_wait3A_675 = tpu.memref_slice %arg3[%dma_wait3A_673, %dma_wait3A_674] : memref<100001x32xbf16, #tpu.memory_space<hbm>> -> memref<100001x32xbf16, #tpu.memory_space<hbm>>
      tpu.wait_indirect_dma semaphore(%arg15 : memref<!tpu.dma_semaphore, #tpu.memory_space<semaphore_mem>>) src(%dma_wait3A_675 : memref<100001x32xbf16, #tpu.memory_space<hbm>>) dst(%dma_wait3A_669 : memref<128x32xbf16, #tpu.memory_space<vmem>>)
      %dma_wait3A_676 = arith.constant 10 : i32
      %dma_wait3A_677 = arith.constant 1280 : i32
      %dma_wait3A_678 = arith.constant 0 : i32
      %dma_wait3A_679 = tpu.memref_slice %arg8[%dma_wait3A_677, %dma_wait3A_678] : memref<2560x32xbf16, #tpu.memory_space<vmem>> -> memref<128x32xbf16, #tpu.memory_space<vmem>>
      %dma_wait3A_680 = arith.constant 0 : i32
      %dma_wait3A_681 = tpu.memref_slice %arg6[%dma_wait3A_676, %dma_wait3A_680] : memref<20x128xi32, #tpu.memory_space<vmem>> -> memref<1x128xi32, #tpu.memory_space<vmem>>
      %dma_wait3A_682 = tpu.memref_squeeze %dma_wait3A_681 : memref<1x128xi32, #tpu.memory_space<vmem>> -> memref<128xi32, #tpu.memory_space<vmem>>
      %dma_wait3A_683 = arith.constant 0 : i32
      %dma_wait3A_684 = arith.constant 0 : i32
      %dma_wait3A_685 = tpu.memref_slice %arg3[%dma_wait3A_683, %dma_wait3A_684] : memref<100001x32xbf16, #tpu.memory_space<hbm>> -> memref<100001x32xbf16, #tpu.memory_space<hbm>>
      tpu.wait_indirect_dma semaphore(%arg15 : memref<!tpu.dma_semaphore, #tpu.memory_space<semaphore_mem>>) src(%dma_wait3A_685 : memref<100001x32xbf16, #tpu.memory_space<hbm>>) dst(%dma_wait3A_679 : memref<128x32xbf16, #tpu.memory_space<vmem>>)
      %dma_wait3A_686 = arith.constant 11 : i32
      %dma_wait3A_687 = arith.constant 1408 : i32
      %dma_wait3A_688 = arith.constant 0 : i32
      %dma_wait3A_689 = tpu.memref_slice %arg8[%dma_wait3A_687, %dma_wait3A_688] : memref<2560x32xbf16, #tpu.memory_space<vmem>> -> memref<128x32xbf16, #tpu.memory_space<vmem>>
      %dma_wait3A_690 = arith.constant 0 : i32
      %dma_wait3A_691 = tpu.memref_slice %arg6[%dma_wait3A_686, %dma_wait3A_690] : memref<20x128xi32, #tpu.memory_space<vmem>> -> memref<1x128xi32, #tpu.memory_space<vmem>>
      %dma_wait3A_692 = tpu.memref_squeeze %dma_wait3A_691 : memref<1x128xi32, #tpu.memory_space<vmem>> -> memref<128xi32, #tpu.memory_space<vmem>>
      %dma_wait3A_693 = arith.constant 0 : i32
      %dma_wait3A_694 = arith.constant 0 : i32
      %dma_wait3A_695 = tpu.memref_slice %arg3[%dma_wait3A_693, %dma_wait3A_694] : memref<100001x32xbf16, #tpu.memory_space<hbm>> -> memref<100001x32xbf16, #tpu.memory_space<hbm>>
      tpu.wait_indirect_dma semaphore(%arg15 : memref<!tpu.dma_semaphore, #tpu.memory_space<semaphore_mem>>) src(%dma_wait3A_695 : memref<100001x32xbf16, #tpu.memory_space<hbm>>) dst(%dma_wait3A_689 : memref<128x32xbf16, #tpu.memory_space<vmem>>)
      %dma_wait3A_696 = arith.constant 12 : i32
      %dma_wait3A_697 = arith.constant 1536 : i32
      %dma_wait3A_698 = arith.constant 0 : i32
      %dma_wait3A_699 = tpu.memref_slice %arg8[%dma_wait3A_697, %dma_wait3A_698] : memref<2560x32xbf16, #tpu.memory_space<vmem>> -> memref<128x32xbf16, #tpu.memory_space<vmem>>
      %dma_wait3A_700 = arith.constant 0 : i32
      %dma_wait3A_701 = tpu.memref_slice %arg6[%dma_wait3A_696, %dma_wait3A_700] : memref<20x128xi32, #tpu.memory_space<vmem>> -> memref<1x128xi32, #tpu.memory_space<vmem>>
      %dma_wait3A_702 = tpu.memref_squeeze %dma_wait3A_701 : memref<1x128xi32, #tpu.memory_space<vmem>> -> memref<128xi32, #tpu.memory_space<vmem>>
      %dma_wait3A_703 = arith.constant 0 : i32
      %dma_wait3A_704 = arith.constant 0 : i32
      %dma_wait3A_705 = tpu.memref_slice %arg3[%dma_wait3A_703, %dma_wait3A_704] : memref<100001x32xbf16, #tpu.memory_space<hbm>> -> memref<100001x32xbf16, #tpu.memory_space<hbm>>
      tpu.wait_indirect_dma semaphore(%arg15 : memref<!tpu.dma_semaphore, #tpu.memory_space<semaphore_mem>>) src(%dma_wait3A_705 : memref<100001x32xbf16, #tpu.memory_space<hbm>>) dst(%dma_wait3A_699 : memref<128x32xbf16, #tpu.memory_space<vmem>>)
      %dma_wait3A_706 = arith.constant 13 : i32
      %dma_wait3A_707 = arith.constant 1664 : i32
      %dma_wait3A_708 = arith.constant 0 : i32
      %dma_wait3A_709 = tpu.memref_slice %arg8[%dma_wait3A_707, %dma_wait3A_708] : memref<2560x32xbf16, #tpu.memory_space<vmem>> -> memref<128x32xbf16, #tpu.memory_space<vmem>>
      %dma_wait3A_710 = arith.constant 0 : i32
      %dma_wait3A_711 = tpu.memref_slice %arg6[%dma_wait3A_706, %dma_wait3A_710] : memref<20x128xi32, #tpu.memory_space<vmem>> -> memref<1x128xi32, #tpu.memory_space<vmem>>
      %dma_wait3A_712 = tpu.memref_squeeze %dma_wait3A_711 : memref<1x128xi32, #tpu.memory_space<vmem>> -> memref<128xi32, #tpu.memory_space<vmem>>
      %dma_wait3A_713 = arith.constant 0 : i32
      %dma_wait3A_714 = arith.constant 0 : i32
      %dma_wait3A_715 = tpu.memref_slice %arg3[%dma_wait3A_713, %dma_wait3A_714] : memref<100001x32xbf16, #tpu.memory_space<hbm>> -> memref<100001x32xbf16, #tpu.memory_space<hbm>>
      tpu.wait_indirect_dma semaphore(%arg15 : memref<!tpu.dma_semaphore, #tpu.memory_space<semaphore_mem>>) src(%dma_wait3A_715 : memref<100001x32xbf16, #tpu.memory_space<hbm>>) dst(%dma_wait3A_709 : memref<128x32xbf16, #tpu.memory_space<vmem>>)
      %dma_wait3A_716 = arith.constant 14 : i32
      %dma_wait3A_717 = arith.constant 1792 : i32
      %dma_wait3A_718 = arith.constant 0 : i32
      %dma_wait3A_719 = tpu.memref_slice %arg8[%dma_wait3A_717, %dma_wait3A_718] : memref<2560x32xbf16, #tpu.memory_space<vmem>> -> memref<128x32xbf16, #tpu.memory_space<vmem>>
      %dma_wait3A_720 = arith.constant 0 : i32
      %dma_wait3A_721 = tpu.memref_slice %arg6[%dma_wait3A_716, %dma_wait3A_720] : memref<20x128xi32, #tpu.memory_space<vmem>> -> memref<1x128xi32, #tpu.memory_space<vmem>>
      %dma_wait3A_722 = tpu.memref_squeeze %dma_wait3A_721 : memref<1x128xi32, #tpu.memory_space<vmem>> -> memref<128xi32, #tpu.memory_space<vmem>>
      %dma_wait3A_723 = arith.constant 0 : i32
      %dma_wait3A_724 = arith.constant 0 : i32
      %dma_wait3A_725 = tpu.memref_slice %arg3[%dma_wait3A_723, %dma_wait3A_724] : memref<100001x32xbf16, #tpu.memory_space<hbm>> -> memref<100001x32xbf16, #tpu.memory_space<hbm>>
      tpu.wait_indirect_dma semaphore(%arg15 : memref<!tpu.dma_semaphore, #tpu.memory_space<semaphore_mem>>) src(%dma_wait3A_725 : memref<100001x32xbf16, #tpu.memory_space<hbm>>) dst(%dma_wait3A_719 : memref<128x32xbf16, #tpu.memory_space<vmem>>)
      %dma_wait3A_726 = arith.constant 15 : i32
      %dma_wait3A_727 = arith.constant 1920 : i32
      %dma_wait3A_728 = arith.constant 0 : i32
      %dma_wait3A_729 = tpu.memref_slice %arg8[%dma_wait3A_727, %dma_wait3A_728] : memref<2560x32xbf16, #tpu.memory_space<vmem>> -> memref<128x32xbf16, #tpu.memory_space<vmem>>
      %dma_wait3A_730 = arith.constant 0 : i32
      %dma_wait3A_731 = tpu.memref_slice %arg6[%dma_wait3A_726, %dma_wait3A_730] : memref<20x128xi32, #tpu.memory_space<vmem>> -> memref<1x128xi32, #tpu.memory_space<vmem>>
      %dma_wait3A_732 = tpu.memref_squeeze %dma_wait3A_731 : memref<1x128xi32, #tpu.memory_space<vmem>> -> memref<128xi32, #tpu.memory_space<vmem>>
      %dma_wait3A_733 = arith.constant 0 : i32
      %dma_wait3A_734 = arith.constant 0 : i32
      %dma_wait3A_735 = tpu.memref_slice %arg3[%dma_wait3A_733, %dma_wait3A_734] : memref<100001x32xbf16, #tpu.memory_space<hbm>> -> memref<100001x32xbf16, #tpu.memory_space<hbm>>
      tpu.wait_indirect_dma semaphore(%arg15 : memref<!tpu.dma_semaphore, #tpu.memory_space<semaphore_mem>>) src(%dma_wait3A_735 : memref<100001x32xbf16, #tpu.memory_space<hbm>>) dst(%dma_wait3A_729 : memref<128x32xbf16, #tpu.memory_space<vmem>>)
      %dma_wait3A_736 = arith.constant 16 : i32
      %dma_wait3A_737 = arith.constant 2048 : i32
      %dma_wait3A_738 = arith.constant 0 : i32
      %dma_wait3A_739 = tpu.memref_slice %arg8[%dma_wait3A_737, %dma_wait3A_738] : memref<2560x32xbf16, #tpu.memory_space<vmem>> -> memref<128x32xbf16, #tpu.memory_space<vmem>>
      %dma_wait3A_740 = arith.constant 0 : i32
      %dma_wait3A_741 = tpu.memref_slice %arg6[%dma_wait3A_736, %dma_wait3A_740] : memref<20x128xi32, #tpu.memory_space<vmem>> -> memref<1x128xi32, #tpu.memory_space<vmem>>
      %dma_wait3A_742 = tpu.memref_squeeze %dma_wait3A_741 : memref<1x128xi32, #tpu.memory_space<vmem>> -> memref<128xi32, #tpu.memory_space<vmem>>
      %dma_wait3A_743 = arith.constant 0 : i32
      %dma_wait3A_744 = arith.constant 0 : i32
      %dma_wait3A_745 = tpu.memref_slice %arg3[%dma_wait3A_743, %dma_wait3A_744] : memref<100001x32xbf16, #tpu.memory_space<hbm>> -> memref<100001x32xbf16, #tpu.memory_space<hbm>>
      tpu.wait_indirect_dma semaphore(%arg15 : memref<!tpu.dma_semaphore, #tpu.memory_space<semaphore_mem>>) src(%dma_wait3A_745 : memref<100001x32xbf16, #tpu.memory_space<hbm>>) dst(%dma_wait3A_739 : memref<128x32xbf16, #tpu.memory_space<vmem>>)
      %dma_wait3A_746 = arith.constant 17 : i32
      %dma_wait3A_747 = arith.constant 2176 : i32
      %dma_wait3A_748 = arith.constant 0 : i32
      %dma_wait3A_749 = tpu.memref_slice %arg8[%dma_wait3A_747, %dma_wait3A_748] : memref<2560x32xbf16, #tpu.memory_space<vmem>> -> memref<128x32xbf16, #tpu.memory_space<vmem>>
      %dma_wait3A_750 = arith.constant 0 : i32
      %dma_wait3A_751 = tpu.memref_slice %arg6[%dma_wait3A_746, %dma_wait3A_750] : memref<20x128xi32, #tpu.memory_space<vmem>> -> memref<1x128xi32, #tpu.memory_space<vmem>>
      %dma_wait3A_752 = tpu.memref_squeeze %dma_wait3A_751 : memref<1x128xi32, #tpu.memory_space<vmem>> -> memref<128xi32, #tpu.memory_space<vmem>>
      %dma_wait3A_753 = arith.constant 0 : i32
      %dma_wait3A_754 = arith.constant 0 : i32
      %dma_wait3A_755 = tpu.memref_slice %arg3[%dma_wait3A_753, %dma_wait3A_754] : memref<100001x32xbf16, #tpu.memory_space<hbm>> -> memref<100001x32xbf16, #tpu.memory_space<hbm>>
      tpu.wait_indirect_dma semaphore(%arg15 : memref<!tpu.dma_semaphore, #tpu.memory_space<semaphore_mem>>) src(%dma_wait3A_755 : memref<100001x32xbf16, #tpu.memory_space<hbm>>) dst(%dma_wait3A_749 : memref<128x32xbf16, #tpu.memory_space<vmem>>)
      %dma_wait3A_756 = arith.constant 18 : i32
      %dma_wait3A_757 = arith.constant 2304 : i32
      %dma_wait3A_758 = arith.constant 0 : i32
      %dma_wait3A_759 = tpu.memref_slice %arg8[%dma_wait3A_757, %dma_wait3A_758] : memref<2560x32xbf16, #tpu.memory_space<vmem>> -> memref<128x32xbf16, #tpu.memory_space<vmem>>
      %dma_wait3A_760 = arith.constant 0 : i32
      %dma_wait3A_761 = tpu.memref_slice %arg6[%dma_wait3A_756, %dma_wait3A_760] : memref<20x128xi32, #tpu.memory_space<vmem>> -> memref<1x128xi32, #tpu.memory_space<vmem>>
      %dma_wait3A_762 = tpu.memref_squeeze %dma_wait3A_761 : memref<1x128xi32, #tpu.memory_space<vmem>> -> memref<128xi32, #tpu.memory_space<vmem>>
      %dma_wait3A_763 = arith.constant 0 : i32
      %dma_wait3A_764 = arith.constant 0 : i32
      %dma_wait3A_765 = tpu.memref_slice %arg3[%dma_wait3A_763, %dma_wait3A_764] : memref<100001x32xbf16, #tpu.memory_space<hbm>> -> memref<100001x32xbf16, #tpu.memory_space<hbm>>
      tpu.wait_indirect_dma semaphore(%arg15 : memref<!tpu.dma_semaphore, #tpu.memory_space<semaphore_mem>>) src(%dma_wait3A_765 : memref<100001x32xbf16, #tpu.memory_space<hbm>>) dst(%dma_wait3A_759 : memref<128x32xbf16, #tpu.memory_space<vmem>>)
      %dma_wait3A_766 = arith.constant 19 : i32
      %dma_wait3A_767 = arith.constant 2432 : i32
      %dma_wait3A_768 = arith.constant 0 : i32
      %dma_wait3A_769 = tpu.memref_slice %arg8[%dma_wait3A_767, %dma_wait3A_768] : memref<2560x32xbf16, #tpu.memory_space<vmem>> -> memref<128x32xbf16, #tpu.memory_space<vmem>>
      %dma_wait3A_770 = arith.constant 0 : i32
      %dma_wait3A_771 = tpu.memref_slice %arg6[%dma_wait3A_766, %dma_wait3A_770] : memref<20x128xi32, #tpu.memory_space<vmem>> -> memref<1x128xi32, #tpu.memory_space<vmem>>
      %dma_wait3A_772 = tpu.memref_squeeze %dma_wait3A_771 : memref<1x128xi32, #tpu.memory_space<vmem>> -> memref<128xi32, #tpu.memory_space<vmem>>
      %dma_wait3A_773 = arith.constant 0 : i32
      %dma_wait3A_774 = arith.constant 0 : i32
      %dma_wait3A_775 = tpu.memref_slice %arg3[%dma_wait3A_773, %dma_wait3A_774] : memref<100001x32xbf16, #tpu.memory_space<hbm>> -> memref<100001x32xbf16, #tpu.memory_space<hbm>>
      tpu.wait_indirect_dma semaphore(%arg15 : memref<!tpu.dma_semaphore, #tpu.memory_space<semaphore_mem>>) src(%dma_wait3A_775 : memref<100001x32xbf16, #tpu.memory_space<hbm>>) dst(%dma_wait3A_769 : memref<128x32xbf16, #tpu.memory_space<vmem>>)
      %not3A = arith.constant true
      %not3A_776 = arith.xori %ge3A_368, %not3A : i1
      %convert_element_type3A = arith.extui %not3A_776 : i1 to i32
      %cond3A = arith.constant 0 : i32
      %cond3A_777 = arith.cmpi ne, %convert_element_type3A, %cond3A : i32
      scf.if %cond3A_777 {
        %add3A_1124 = arith.constant 2 : i32
        %add3A_1125 = arith.addi %mul3A_365, %add3A_1124 : i32
        %dma_start3A_1126 = arith.constant 0 : i32
        %dma_start3A_1127 = tpu.memref_slice %arg2[%dma_start3A_1126, %add3A_1125, %mul3A_2] : memref<20x50x4096xi32, #tpu.memory_space<hbm>> -> memref<20x1x128xi32, #tpu.memory_space<hbm>>
        %dma_start3A_1128 = tpu.memref_squeeze %dma_start3A_1127 : memref<20x1x128xi32, #tpu.memory_space<hbm>> -> memref<20x128xi32, #tpu.memory_space<hbm>>
        %dma_start3A_1129 = arith.constant 0 : i32
        %dma_start3A_1130 = tpu.memref_slice %arg2[%dma_start3A_1129, %add3A_1125, %mul3A_2] : memref<20x50x4096xi32, #tpu.memory_space<hbm>> -> memref<20x1x128xi32, #tpu.memory_space<hbm>>
        %dma_start3A_1131 = tpu.memref_squeeze %dma_start3A_1130 : memref<20x1x128xi32, #tpu.memory_space<hbm>> -> memref<20x128xi32, #tpu.memory_space<hbm>>
        tpu.enqueue_dma source(%dma_start3A_1131 : memref<20x128xi32, #tpu.memory_space<hbm>>) target(%arg6 : memref<20x128xi32, #tpu.memory_space<vmem>>) target_semaphore(%arg13 : memref<!tpu.dma_semaphore, #tpu.memory_space<semaphore_mem>>)
      } else {
      }
      %ge3A_778 = arith.constant 1 : i32
      %ge3A_779 = arith.cmpi sge, %scan3A_362, %ge3A_778 : i32
      %convert_element_type3A_780 = arith.extui %ge3A_779 : i1 to i32
      %cond3A_781 = arith.constant 0 : i32
      %cond3A_782 = arith.cmpi ne, %convert_element_type3A_780, %cond3A_781 : i32
      scf.if %cond3A_782 {
        %dma_wait3A_1124 = arith.constant 0 : i32
        %dma_wait3A_1125 = arith.constant 0 : i32
        %dma_wait3A_1126 = arith.constant 0 : i32
        %dma_wait3A_1127 = arith.constant 0 : i32
        %dma_wait3A_1128 = tpu.memref_slice %arg10[%dma_wait3A_1126, %dma_wait3A_1127] : memref<32x128xf32, #tpu.memory_space<vmem>> -> memref<8x128xf32, #tpu.memory_space<vmem>>
        %dma_wait3A_1129 = arith.constant 0 : i32
        %dma_wait3A_1130 = arith.constant 0 : i32
        %dma_wait3A_1131 = tpu.memref_slice %arg5[%dma_wait3A_1124, %dma_wait3A_1125, %add3A, %dma_wait3A_1129, %dma_wait3A_1130] : memref<50x4x32x8x128xf32, #tpu.memory_space<hbm>> -> memref<1x1x1x8x128xf32, #tpu.memory_space<hbm>>
        %dma_wait3A_1132 = tpu.memref_squeeze %dma_wait3A_1131 : memref<1x1x1x8x128xf32, #tpu.memory_space<hbm>> -> memref<8x128xf32, #tpu.memory_space<hbm>>
        %dma_wait3A_1133 = arith.constant 0 : i32
        %dma_wait3A_1134 = arith.constant 0 : i32
        %dma_wait3A_1135 = tpu.memref_slice %arg5[%dma_wait3A_1124, %dma_wait3A_1125, %add3A, %dma_wait3A_1133, %dma_wait3A_1134] : memref<50x4x32x8x128xf32, #tpu.memory_space<hbm>> -> memref<1x1x1x8x128xf32, #tpu.memory_space<hbm>>
        %dma_wait3A_1136 = tpu.memref_squeeze %dma_wait3A_1135 : memref<1x1x1x8x128xf32, #tpu.memory_space<hbm>> -> memref<8x128xf32, #tpu.memory_space<hbm>>
        %dma_wait3A_1137 = arith.constant 0 : i32
        %dma_wait3A_1138 = arith.constant 0 : i32
        %dma_wait3A_1139 = tpu.memref_slice %arg10[%dma_wait3A_1137, %dma_wait3A_1138] : memref<32x128xf32, #tpu.memory_space<vmem>> -> memref<8x128xf32, #tpu.memory_space<vmem>>
        tpu.wait_dma2 semaphore(%arg17 : memref<!tpu.dma_semaphore, #tpu.memory_space<semaphore_mem>>) src(%dma_wait3A_1139 : memref<8x128xf32, #tpu.memory_space<vmem>>) dst(%dma_wait3A_1136 : memref<8x128xf32, #tpu.memory_space<hbm>>)
        %dma_wait3A_1140 = arith.constant 0 : i32
        %dma_wait3A_1141 = arith.constant 1 : i32
        %dma_wait3A_1142 = arith.constant 8 : i32
        %dma_wait3A_1143 = arith.constant 0 : i32
        %dma_wait3A_1144 = tpu.memref_slice %arg10[%dma_wait3A_1142, %dma_wait3A_1143] : memref<32x128xf32, #tpu.memory_space<vmem>> -> memref<8x128xf32, #tpu.memory_space<vmem>>
        %dma_wait3A_1145 = arith.constant 0 : i32
        %dma_wait3A_1146 = arith.constant 0 : i32
        %dma_wait3A_1147 = tpu.memref_slice %arg5[%dma_wait3A_1140, %dma_wait3A_1141, %add3A, %dma_wait3A_1145, %dma_wait3A_1146] : memref<50x4x32x8x128xf32, #tpu.memory_space<hbm>> -> memref<1x1x1x8x128xf32, #tpu.memory_space<hbm>>
        %dma_wait3A_1148 = tpu.memref_squeeze %dma_wait3A_1147 : memref<1x1x1x8x128xf32, #tpu.memory_space<hbm>> -> memref<8x128xf32, #tpu.memory_space<hbm>>
        %dma_wait3A_1149 = arith.constant 0 : i32
        %dma_wait3A_1150 = arith.constant 0 : i32
        %dma_wait3A_1151 = tpu.memref_slice %arg5[%dma_wait3A_1140, %dma_wait3A_1141, %add3A, %dma_wait3A_1149, %dma_wait3A_1150] : memref<50x4x32x8x128xf32, #tpu.memory_space<hbm>> -> memref<1x1x1x8x128xf32, #tpu.memory_space<hbm>>
        %dma_wait3A_1152 = tpu.memref_squeeze %dma_wait3A_1151 : memref<1x1x1x8x128xf32, #tpu.memory_space<hbm>> -> memref<8x128xf32, #tpu.memory_space<hbm>>
        %dma_wait3A_1153 = arith.constant 8 : i32
        %dma_wait3A_1154 = arith.constant 0 : i32
        %dma_wait3A_1155 = tpu.memref_slice %arg10[%dma_wait3A_1153, %dma_wait3A_1154] : memref<32x128xf32, #tpu.memory_space<vmem>> -> memref<8x128xf32, #tpu.memory_space<vmem>>
        tpu.wait_dma2 semaphore(%arg17 : memref<!tpu.dma_semaphore, #tpu.memory_space<semaphore_mem>>) src(%dma_wait3A_1155 : memref<8x128xf32, #tpu.memory_space<vmem>>) dst(%dma_wait3A_1152 : memref<8x128xf32, #tpu.memory_space<hbm>>)
        %dma_wait3A_1156 = arith.constant 0 : i32
        %dma_wait3A_1157 = arith.constant 2 : i32
        %dma_wait3A_1158 = arith.constant 16 : i32
        %dma_wait3A_1159 = arith.constant 0 : i32
        %dma_wait3A_1160 = tpu.memref_slice %arg10[%dma_wait3A_1158, %dma_wait3A_1159] : memref<32x128xf32, #tpu.memory_space<vmem>> -> memref<8x128xf32, #tpu.memory_space<vmem>>
        %dma_wait3A_1161 = arith.constant 0 : i32
        %dma_wait3A_1162 = arith.constant 0 : i32
        %dma_wait3A_1163 = tpu.memref_slice %arg5[%dma_wait3A_1156, %dma_wait3A_1157, %add3A, %dma_wait3A_1161, %dma_wait3A_1162] : memref<50x4x32x8x128xf32, #tpu.memory_space<hbm>> -> memref<1x1x1x8x128xf32, #tpu.memory_space<hbm>>
        %dma_wait3A_1164 = tpu.memref_squeeze %dma_wait3A_1163 : memref<1x1x1x8x128xf32, #tpu.memory_space<hbm>> -> memref<8x128xf32, #tpu.memory_space<hbm>>
        %dma_wait3A_1165 = arith.constant 0 : i32
        %dma_wait3A_1166 = arith.constant 0 : i32
        %dma_wait3A_1167 = tpu.memref_slice %arg5[%dma_wait3A_1156, %dma_wait3A_1157, %add3A, %dma_wait3A_1165, %dma_wait3A_1166] : memref<50x4x32x8x128xf32, #tpu.memory_space<hbm>> -> memref<1x1x1x8x128xf32, #tpu.memory_space<hbm>>
        %dma_wait3A_1168 = tpu.memref_squeeze %dma_wait3A_1167 : memref<1x1x1x8x128xf32, #tpu.memory_space<hbm>> -> memref<8x128xf32, #tpu.memory_space<hbm>>
        %dma_wait3A_1169 = arith.constant 16 : i32
        %dma_wait3A_1170 = arith.constant 0 : i32
        %dma_wait3A_1171 = tpu.memref_slice %arg10[%dma_wait3A_1169, %dma_wait3A_1170] : memref<32x128xf32, #tpu.memory_space<vmem>> -> memref<8x128xf32, #tpu.memory_space<vmem>>
        tpu.wait_dma2 semaphore(%arg17 : memref<!tpu.dma_semaphore, #tpu.memory_space<semaphore_mem>>) src(%dma_wait3A_1171 : memref<8x128xf32, #tpu.memory_space<vmem>>) dst(%dma_wait3A_1168 : memref<8x128xf32, #tpu.memory_space<hbm>>)
        %dma_wait3A_1172 = arith.constant 0 : i32
        %dma_wait3A_1173 = arith.constant 3 : i32
        %dma_wait3A_1174 = arith.constant 24 : i32
        %dma_wait3A_1175 = arith.constant 0 : i32
        %dma_wait3A_1176 = tpu.memref_slice %arg10[%dma_wait3A_1174, %dma_wait3A_1175] : memref<32x128xf32, #tpu.memory_space<vmem>> -> memref<8x128xf32, #tpu.memory_space<vmem>>
        %dma_wait3A_1177 = arith.constant 0 : i32
        %dma_wait3A_1178 = arith.constant 0 : i32
        %dma_wait3A_1179 = tpu.memref_slice %arg5[%dma_wait3A_1172, %dma_wait3A_1173, %add3A, %dma_wait3A_1177, %dma_wait3A_1178] : memref<50x4x32x8x128xf32, #tpu.memory_space<hbm>> -> memref<1x1x1x8x128xf32, #tpu.memory_space<hbm>>
        %dma_wait3A_1180 = tpu.memref_squeeze %dma_wait3A_1179 : memref<1x1x1x8x128xf32, #tpu.memory_space<hbm>> -> memref<8x128xf32, #tpu.memory_space<hbm>>
        %dma_wait3A_1181 = arith.constant 0 : i32
        %dma_wait3A_1182 = arith.constant 0 : i32
        %dma_wait3A_1183 = tpu.memref_slice %arg5[%dma_wait3A_1172, %dma_wait3A_1173, %add3A, %dma_wait3A_1181, %dma_wait3A_1182] : memref<50x4x32x8x128xf32, #tpu.memory_space<hbm>> -> memref<1x1x1x8x128xf32, #tpu.memory_space<hbm>>
        %dma_wait3A_1184 = tpu.memref_squeeze %dma_wait3A_1183 : memref<1x1x1x8x128xf32, #tpu.memory_space<hbm>> -> memref<8x128xf32, #tpu.memory_space<hbm>>
        %dma_wait3A_1185 = arith.constant 24 : i32
        %dma_wait3A_1186 = arith.constant 0 : i32
        %dma_wait3A_1187 = tpu.memref_slice %arg10[%dma_wait3A_1185, %dma_wait3A_1186] : memref<32x128xf32, #tpu.memory_space<vmem>> -> memref<8x128xf32, #tpu.memory_space<vmem>>
        tpu.wait_dma2 semaphore(%arg17 : memref<!tpu.dma_semaphore, #tpu.memory_space<semaphore_mem>>) src(%dma_wait3A_1187 : memref<8x128xf32, #tpu.memory_space<vmem>>) dst(%dma_wait3A_1184 : memref<8x128xf32, #tpu.memory_space<hbm>>)
      } else {
      }
      %parallel_loop3A = arith.constant 0 : i32
      %parallel_loop3A_783 = arith.constant 32 : i32
      %parallel_loop3A_784 = arith.constant 1 : i32
      scf.for %parallel_loop3A_1124 = %parallel_loop3A to %parallel_loop3A_783 step %parallel_loop3A_784  : i32 {
        %parallel_loop3A_1125 = arith.constant 0.000000e+00 : bf16
        %parallel_loop3A_1126 = vector.broadcast %parallel_loop3A_1125 : bf16 to vector<32xbf16>
        %parallel_loop3A_1127 = arith.constant 0.000000e+00 : bf16
        %parallel_loop3A_1128 = vector.broadcast %parallel_loop3A_1127 : bf16 to vector<32xbf16>
        %parallel_loop3A_1129 = arith.constant 0.000000e+00 : bf16
        %parallel_loop3A_1130 = vector.broadcast %parallel_loop3A_1129 : bf16 to vector<32xbf16>
        %parallel_loop3A_1131 = arith.constant 0.000000e+00 : bf16
        %parallel_loop3A_1132 = vector.broadcast %parallel_loop3A_1131 : bf16 to vector<32xbf16>
        %parallel_loop3A_1133 = arith.constant 0 : i32
        %parallel_loop3A_1134 = arith.index_cast %parallel_loop3A_1133 : i32 to index
        %parallel_loop3A_1135 = arith.constant 0 : index
        %parallel_loop3A_1136 = tpu.vector_load %arg12[%parallel_loop3A_1134, %parallel_loop3A_1135] {strides = array<i32>} : memref<20x32xbf16, #tpu.memory_space<vmem>>, vector<32xbf16>,
        %parallel_loop3A_1137 = arith.constant 4 : i32
        %parallel_loop3A_1138 = arith.muli %parallel_loop3A_1124, %parallel_loop3A_1137 : i32
        %parallel_loop3A_1139 = arith.constant 0 : i32
        %parallel_loop3A_1140 = arith.addi %parallel_loop3A_1139, %parallel_loop3A_1138 : i32
        %parallel_loop3A_1141 = arith.constant 0 : i32
        %parallel_loop3A_1142 = arith.addi %parallel_loop3A_1140, %parallel_loop3A_1141 : i32
        %parallel_loop3A_1143 = arith.index_cast %parallel_loop3A_1142 : i32 to index
        %parallel_loop3A_1144 = arith.constant 0 : index
        %parallel_loop3A_1145 = tpu.vector_load %arg8[%parallel_loop3A_1143, %parallel_loop3A_1144] {strides = array<i32>} : memref<2560x32xbf16, #tpu.memory_space<vmem>>, vector<32xbf16>,
        %parallel_loop3A_1146 = arith.mulf %parallel_loop3A_1145, %parallel_loop3A_1136 : vector<32xbf16>
        %parallel_loop3A_1147 = arith.addf %parallel_loop3A_1126, %parallel_loop3A_1146 : vector<32xbf16>
        %parallel_loop3A_1148 = arith.constant 1 : i32
        %parallel_loop3A_1149 = arith.addi %parallel_loop3A_1140, %parallel_loop3A_1148 : i32
        %parallel_loop3A_1150 = arith.index_cast %parallel_loop3A_1149 : i32 to index
        %parallel_loop3A_1151 = arith.constant 0 : index
        %parallel_loop3A_1152 = tpu.vector_load %arg8[%parallel_loop3A_1150, %parallel_loop3A_1151] {strides = array<i32>} : memref<2560x32xbf16, #tpu.memory_space<vmem>>, vector<32xbf16>,
        %parallel_loop3A_1153 = arith.mulf %parallel_loop3A_1152, %parallel_loop3A_1136 : vector<32xbf16>
        %parallel_loop3A_1154 = arith.addf %parallel_loop3A_1128, %parallel_loop3A_1153 : vector<32xbf16>
        %parallel_loop3A_1155 = arith.constant 2 : i32
        %parallel_loop3A_1156 = arith.addi %parallel_loop3A_1140, %parallel_loop3A_1155 : i32
        %parallel_loop3A_1157 = arith.index_cast %parallel_loop3A_1156 : i32 to index
        %parallel_loop3A_1158 = arith.constant 0 : index
        %parallel_loop3A_1159 = tpu.vector_load %arg8[%parallel_loop3A_1157, %parallel_loop3A_1158] {strides = array<i32>} : memref<2560x32xbf16, #tpu.memory_space<vmem>>, vector<32xbf16>,
        %parallel_loop3A_1160 = arith.mulf %parallel_loop3A_1159, %parallel_loop3A_1136 : vector<32xbf16>
        %parallel_loop3A_1161 = arith.addf %parallel_loop3A_1130, %parallel_loop3A_1160 : vector<32xbf16>
        %parallel_loop3A_1162 = arith.constant 3 : i32
        %parallel_loop3A_1163 = arith.addi %parallel_loop3A_1140, %parallel_loop3A_1162 : i32
        %parallel_loop3A_1164 = arith.index_cast %parallel_loop3A_1163 : i32 to index
        %parallel_loop3A_1165 = arith.constant 0 : index
        %parallel_loop3A_1166 = tpu.vector_load %arg8[%parallel_loop3A_1164, %parallel_loop3A_1165] {strides = array<i32>} : memref<2560x32xbf16, #tpu.memory_space<vmem>>, vector<32xbf16>,
        %parallel_loop3A_1167 = arith.mulf %parallel_loop3A_1166, %parallel_loop3A_1136 : vector<32xbf16>
        %parallel_loop3A_1168 = arith.addf %parallel_loop3A_1132, %parallel_loop3A_1167 : vector<32xbf16>
        %parallel_loop3A_1169 = arith.constant 1 : i32
        %parallel_loop3A_1170 = arith.index_cast %parallel_loop3A_1169 : i32 to index
        %parallel_loop3A_1171 = arith.constant 0 : index
        %parallel_loop3A_1172 = tpu.vector_load %arg12[%parallel_loop3A_1170, %parallel_loop3A_1171] {strides = array<i32>} : memref<20x32xbf16, #tpu.memory_space<vmem>>, vector<32xbf16>,
        %parallel_loop3A_1173 = arith.constant 4 : i32
        %parallel_loop3A_1174 = arith.muli %parallel_loop3A_1124, %parallel_loop3A_1173 : i32
        %parallel_loop3A_1175 = arith.constant 128 : i32
        %parallel_loop3A_1176 = arith.addi %parallel_loop3A_1175, %parallel_loop3A_1174 : i32
        %parallel_loop3A_1177 = arith.constant 0 : i32
        %parallel_loop3A_1178 = arith.addi %parallel_loop3A_1176, %parallel_loop3A_1177 : i32
        %parallel_loop3A_1179 = arith.index_cast %parallel_loop3A_1178 : i32 to index
        %parallel_loop3A_1180 = arith.constant 0 : index
        %parallel_loop3A_1181 = tpu.vector_load %arg8[%parallel_loop3A_1179, %parallel_loop3A_1180] {strides = array<i32>} : memref<2560x32xbf16, #tpu.memory_space<vmem>>, vector<32xbf16>,
        %parallel_loop3A_1182 = arith.mulf %parallel_loop3A_1181, %parallel_loop3A_1172 : vector<32xbf16>
        %parallel_loop3A_1183 = arith.addf %parallel_loop3A_1147, %parallel_loop3A_1182 : vector<32xbf16>
        %parallel_loop3A_1184 = arith.constant 1 : i32
        %parallel_loop3A_1185 = arith.addi %parallel_loop3A_1176, %parallel_loop3A_1184 : i32
        %parallel_loop3A_1186 = arith.index_cast %parallel_loop3A_1185 : i32 to index
        %parallel_loop3A_1187 = arith.constant 0 : index
        %parallel_loop3A_1188 = tpu.vector_load %arg8[%parallel_loop3A_1186, %parallel_loop3A_1187] {strides = array<i32>} : memref<2560x32xbf16, #tpu.memory_space<vmem>>, vector<32xbf16>,
        %parallel_loop3A_1189 = arith.mulf %parallel_loop3A_1188, %parallel_loop3A_1172 : vector<32xbf16>
        %parallel_loop3A_1190 = arith.addf %parallel_loop3A_1154, %parallel_loop3A_1189 : vector<32xbf16>
        %parallel_loop3A_1191 = arith.constant 2 : i32
        %parallel_loop3A_1192 = arith.addi %parallel_loop3A_1176, %parallel_loop3A_1191 : i32
        %parallel_loop3A_1193 = arith.index_cast %parallel_loop3A_1192 : i32 to index
        %parallel_loop3A_1194 = arith.constant 0 : index
        %parallel_loop3A_1195 = tpu.vector_load %arg8[%parallel_loop3A_1193, %parallel_loop3A_1194] {strides = array<i32>} : memref<2560x32xbf16, #tpu.memory_space<vmem>>, vector<32xbf16>,
        %parallel_loop3A_1196 = arith.mulf %parallel_loop3A_1195, %parallel_loop3A_1172 : vector<32xbf16>
        %parallel_loop3A_1197 = arith.addf %parallel_loop3A_1161, %parallel_loop3A_1196 : vector<32xbf16>
        %parallel_loop3A_1198 = arith.constant 3 : i32
        %parallel_loop3A_1199 = arith.addi %parallel_loop3A_1176, %parallel_loop3A_1198 : i32
        %parallel_loop3A_1200 = arith.index_cast %parallel_loop3A_1199 : i32 to index
        %parallel_loop3A_1201 = arith.constant 0 : index
        %parallel_loop3A_1202 = tpu.vector_load %arg8[%parallel_loop3A_1200, %parallel_loop3A_1201] {strides = array<i32>} : memref<2560x32xbf16, #tpu.memory_space<vmem>>, vector<32xbf16>,
        %parallel_loop3A_1203 = arith.mulf %parallel_loop3A_1202, %parallel_loop3A_1172 : vector<32xbf16>
        %parallel_loop3A_1204 = arith.addf %parallel_loop3A_1168, %parallel_loop3A_1203 : vector<32xbf16>
        %parallel_loop3A_1205 = arith.constant 2 : i32
        %parallel_loop3A_1206 = arith.index_cast %parallel_loop3A_1205 : i32 to index
        %parallel_loop3A_1207 = arith.constant 0 : index
        %parallel_loop3A_1208 = tpu.vector_load %arg12[%parallel_loop3A_1206, %parallel_loop3A_1207] {strides = array<i32>} : memref<20x32xbf16, #tpu.memory_space<vmem>>, vector<32xbf16>,
        %parallel_loop3A_1209 = arith.constant 4 : i32
        %parallel_loop3A_1210 = arith.muli %parallel_loop3A_1124, %parallel_loop3A_1209 : i32
        %parallel_loop3A_1211 = arith.constant 256 : i32
        %parallel_loop3A_1212 = arith.addi %parallel_loop3A_1211, %parallel_loop3A_1210 : i32
        %parallel_loop3A_1213 = arith.constant 0 : i32
        %parallel_loop3A_1214 = arith.addi %parallel_loop3A_1212, %parallel_loop3A_1213 : i32
        %parallel_loop3A_1215 = arith.index_cast %parallel_loop3A_1214 : i32 to index
        %parallel_loop3A_1216 = arith.constant 0 : index
        %parallel_loop3A_1217 = tpu.vector_load %arg8[%parallel_loop3A_1215, %parallel_loop3A_1216] {strides = array<i32>} : memref<2560x32xbf16, #tpu.memory_space<vmem>>, vector<32xbf16>,
        %parallel_loop3A_1218 = arith.mulf %parallel_loop3A_1217, %parallel_loop3A_1208 : vector<32xbf16>
        %parallel_loop3A_1219 = arith.addf %parallel_loop3A_1183, %parallel_loop3A_1218 : vector<32xbf16>
        %parallel_loop3A_1220 = arith.constant 1 : i32
        %parallel_loop3A_1221 = arith.addi %parallel_loop3A_1212, %parallel_loop3A_1220 : i32
        %parallel_loop3A_1222 = arith.index_cast %parallel_loop3A_1221 : i32 to index
        %parallel_loop3A_1223 = arith.constant 0 : index
        %parallel_loop3A_1224 = tpu.vector_load %arg8[%parallel_loop3A_1222, %parallel_loop3A_1223] {strides = array<i32>} : memref<2560x32xbf16, #tpu.memory_space<vmem>>, vector<32xbf16>,
        %parallel_loop3A_1225 = arith.mulf %parallel_loop3A_1224, %parallel_loop3A_1208 : vector<32xbf16>
        %parallel_loop3A_1226 = arith.addf %parallel_loop3A_1190, %parallel_loop3A_1225 : vector<32xbf16>
        %parallel_loop3A_1227 = arith.constant 2 : i32
        %parallel_loop3A_1228 = arith.addi %parallel_loop3A_1212, %parallel_loop3A_1227 : i32
        %parallel_loop3A_1229 = arith.index_cast %parallel_loop3A_1228 : i32 to index
        %parallel_loop3A_1230 = arith.constant 0 : index
        %parallel_loop3A_1231 = tpu.vector_load %arg8[%parallel_loop3A_1229, %parallel_loop3A_1230] {strides = array<i32>} : memref<2560x32xbf16, #tpu.memory_space<vmem>>, vector<32xbf16>,
        %parallel_loop3A_1232 = arith.mulf %parallel_loop3A_1231, %parallel_loop3A_1208 : vector<32xbf16>
        %parallel_loop3A_1233 = arith.addf %parallel_loop3A_1197, %parallel_loop3A_1232 : vector<32xbf16>
        %parallel_loop3A_1234 = arith.constant 3 : i32
        %parallel_loop3A_1235 = arith.addi %parallel_loop3A_1212, %parallel_loop3A_1234 : i32
        %parallel_loop3A_1236 = arith.index_cast %parallel_loop3A_1235 : i32 to index
        %parallel_loop3A_1237 = arith.constant 0 : index
        %parallel_loop3A_1238 = tpu.vector_load %arg8[%parallel_loop3A_1236, %parallel_loop3A_1237] {strides = array<i32>} : memref<2560x32xbf16, #tpu.memory_space<vmem>>, vector<32xbf16>,
        %parallel_loop3A_1239 = arith.mulf %parallel_loop3A_1238, %parallel_loop3A_1208 : vector<32xbf16>
        %parallel_loop3A_1240 = arith.addf %parallel_loop3A_1204, %parallel_loop3A_1239 : vector<32xbf16>
        %parallel_loop3A_1241 = arith.constant 3 : i32
        %parallel_loop3A_1242 = arith.index_cast %parallel_loop3A_1241 : i32 to index
        %parallel_loop3A_1243 = arith.constant 0 : index
        %parallel_loop3A_1244 = tpu.vector_load %arg12[%parallel_loop3A_1242, %parallel_loop3A_1243] {strides = array<i32>} : memref<20x32xbf16, #tpu.memory_space<vmem>>, vector<32xbf16>,
        %parallel_loop3A_1245 = arith.constant 4 : i32
        %parallel_loop3A_1246 = arith.muli %parallel_loop3A_1124, %parallel_loop3A_1245 : i32
        %parallel_loop3A_1247 = arith.constant 384 : i32
        %parallel_loop3A_1248 = arith.addi %parallel_loop3A_1247, %parallel_loop3A_1246 : i32
        %parallel_loop3A_1249 = arith.constant 0 : i32
        %parallel_loop3A_1250 = arith.addi %parallel_loop3A_1248, %parallel_loop3A_1249 : i32
        %parallel_loop3A_1251 = arith.index_cast %parallel_loop3A_1250 : i32 to index
        %parallel_loop3A_1252 = arith.constant 0 : index
        %parallel_loop3A_1253 = tpu.vector_load %arg8[%parallel_loop3A_1251, %parallel_loop3A_1252] {strides = array<i32>} : memref<2560x32xbf16, #tpu.memory_space<vmem>>, vector<32xbf16>,
        %parallel_loop3A_1254 = arith.mulf %parallel_loop3A_1253, %parallel_loop3A_1244 : vector<32xbf16>
        %parallel_loop3A_1255 = arith.addf %parallel_loop3A_1219, %parallel_loop3A_1254 : vector<32xbf16>
        %parallel_loop3A_1256 = arith.constant 1 : i32
        %parallel_loop3A_1257 = arith.addi %parallel_loop3A_1248, %parallel_loop3A_1256 : i32
        %parallel_loop3A_1258 = arith.index_cast %parallel_loop3A_1257 : i32 to index
        %parallel_loop3A_1259 = arith.constant 0 : index
        %parallel_loop3A_1260 = tpu.vector_load %arg8[%parallel_loop3A_1258, %parallel_loop3A_1259] {strides = array<i32>} : memref<2560x32xbf16, #tpu.memory_space<vmem>>, vector<32xbf16>,
        %parallel_loop3A_1261 = arith.mulf %parallel_loop3A_1260, %parallel_loop3A_1244 : vector<32xbf16>
        %parallel_loop3A_1262 = arith.addf %parallel_loop3A_1226, %parallel_loop3A_1261 : vector<32xbf16>
        %parallel_loop3A_1263 = arith.constant 2 : i32
        %parallel_loop3A_1264 = arith.addi %parallel_loop3A_1248, %parallel_loop3A_1263 : i32
        %parallel_loop3A_1265 = arith.index_cast %parallel_loop3A_1264 : i32 to index
        %parallel_loop3A_1266 = arith.constant 0 : index
        %parallel_loop3A_1267 = tpu.vector_load %arg8[%parallel_loop3A_1265, %parallel_loop3A_1266] {strides = array<i32>} : memref<2560x32xbf16, #tpu.memory_space<vmem>>, vector<32xbf16>,
        %parallel_loop3A_1268 = arith.mulf %parallel_loop3A_1267, %parallel_loop3A_1244 : vector<32xbf16>
        %parallel_loop3A_1269 = arith.addf %parallel_loop3A_1233, %parallel_loop3A_1268 : vector<32xbf16>
        %parallel_loop3A_1270 = arith.constant 3 : i32
        %parallel_loop3A_1271 = arith.addi %parallel_loop3A_1248, %parallel_loop3A_1270 : i32
        %parallel_loop3A_1272 = arith.index_cast %parallel_loop3A_1271 : i32 to index
        %parallel_loop3A_1273 = arith.constant 0 : index
        %parallel_loop3A_1274 = tpu.vector_load %arg8[%parallel_loop3A_1272, %parallel_loop3A_1273] {strides = array<i32>} : memref<2560x32xbf16, #tpu.memory_space<vmem>>, vector<32xbf16>,
        %parallel_loop3A_1275 = arith.mulf %parallel_loop3A_1274, %parallel_loop3A_1244 : vector<32xbf16>
        %parallel_loop3A_1276 = arith.addf %parallel_loop3A_1240, %parallel_loop3A_1275 : vector<32xbf16>
        %parallel_loop3A_1277 = arith.constant 4 : i32
        %parallel_loop3A_1278 = arith.index_cast %parallel_loop3A_1277 : i32 to index
        %parallel_loop3A_1279 = arith.constant 0 : index
        %parallel_loop3A_1280 = tpu.vector_load %arg12[%parallel_loop3A_1278, %parallel_loop3A_1279] {strides = array<i32>} : memref<20x32xbf16, #tpu.memory_space<vmem>>, vector<32xbf16>,
        %parallel_loop3A_1281 = arith.constant 4 : i32
        %parallel_loop3A_1282 = arith.muli %parallel_loop3A_1124, %parallel_loop3A_1281 : i32
        %parallel_loop3A_1283 = arith.constant 512 : i32
        %parallel_loop3A_1284 = arith.addi %parallel_loop3A_1283, %parallel_loop3A_1282 : i32
        %parallel_loop3A_1285 = arith.constant 0 : i32
        %parallel_loop3A_1286 = arith.addi %parallel_loop3A_1284, %parallel_loop3A_1285 : i32
        %parallel_loop3A_1287 = arith.index_cast %parallel_loop3A_1286 : i32 to index
        %parallel_loop3A_1288 = arith.constant 0 : index
        %parallel_loop3A_1289 = tpu.vector_load %arg8[%parallel_loop3A_1287, %parallel_loop3A_1288] {strides = array<i32>} : memref<2560x32xbf16, #tpu.memory_space<vmem>>, vector<32xbf16>,
        %parallel_loop3A_1290 = arith.mulf %parallel_loop3A_1289, %parallel_loop3A_1280 : vector<32xbf16>
        %parallel_loop3A_1291 = arith.addf %parallel_loop3A_1255, %parallel_loop3A_1290 : vector<32xbf16>
        %parallel_loop3A_1292 = arith.constant 1 : i32
        %parallel_loop3A_1293 = arith.addi %parallel_loop3A_1284, %parallel_loop3A_1292 : i32
        %parallel_loop3A_1294 = arith.index_cast %parallel_loop3A_1293 : i32 to index
        %parallel_loop3A_1295 = arith.constant 0 : index
        %parallel_loop3A_1296 = tpu.vector_load %arg8[%parallel_loop3A_1294, %parallel_loop3A_1295] {strides = array<i32>} : memref<2560x32xbf16, #tpu.memory_space<vmem>>, vector<32xbf16>,
        %parallel_loop3A_1297 = arith.mulf %parallel_loop3A_1296, %parallel_loop3A_1280 : vector<32xbf16>
        %parallel_loop3A_1298 = arith.addf %parallel_loop3A_1262, %parallel_loop3A_1297 : vector<32xbf16>
        %parallel_loop3A_1299 = arith.constant 2 : i32
        %parallel_loop3A_1300 = arith.addi %parallel_loop3A_1284, %parallel_loop3A_1299 : i32
        %parallel_loop3A_1301 = arith.index_cast %parallel_loop3A_1300 : i32 to index
        %parallel_loop3A_1302 = arith.constant 0 : index
        %parallel_loop3A_1303 = tpu.vector_load %arg8[%parallel_loop3A_1301, %parallel_loop3A_1302] {strides = array<i32>} : memref<2560x32xbf16, #tpu.memory_space<vmem>>, vector<32xbf16>,
        %parallel_loop3A_1304 = arith.mulf %parallel_loop3A_1303, %parallel_loop3A_1280 : vector<32xbf16>
        %parallel_loop3A_1305 = arith.addf %parallel_loop3A_1269, %parallel_loop3A_1304 : vector<32xbf16>
        %parallel_loop3A_1306 = arith.constant 3 : i32
        %parallel_loop3A_1307 = arith.addi %parallel_loop3A_1284, %parallel_loop3A_1306 : i32
        %parallel_loop3A_1308 = arith.index_cast %parallel_loop3A_1307 : i32 to index
        %parallel_loop3A_1309 = arith.constant 0 : index
        %parallel_loop3A_1310 = tpu.vector_load %arg8[%parallel_loop3A_1308, %parallel_loop3A_1309] {strides = array<i32>} : memref<2560x32xbf16, #tpu.memory_space<vmem>>, vector<32xbf16>,
        %parallel_loop3A_1311 = arith.mulf %parallel_loop3A_1310, %parallel_loop3A_1280 : vector<32xbf16>
        %parallel_loop3A_1312 = arith.addf %parallel_loop3A_1276, %parallel_loop3A_1311 : vector<32xbf16>
        %parallel_loop3A_1313 = arith.constant 5 : i32
        %parallel_loop3A_1314 = arith.index_cast %parallel_loop3A_1313 : i32 to index
        %parallel_loop3A_1315 = arith.constant 0 : index
        %parallel_loop3A_1316 = tpu.vector_load %arg12[%parallel_loop3A_1314, %parallel_loop3A_1315] {strides = array<i32>} : memref<20x32xbf16, #tpu.memory_space<vmem>>, vector<32xbf16>,
        %parallel_loop3A_1317 = arith.constant 4 : i32
        %parallel_loop3A_1318 = arith.muli %parallel_loop3A_1124, %parallel_loop3A_1317 : i32
        %parallel_loop3A_1319 = arith.constant 640 : i32
        %parallel_loop3A_1320 = arith.addi %parallel_loop3A_1319, %parallel_loop3A_1318 : i32
        %parallel_loop3A_1321 = arith.constant 0 : i32
        %parallel_loop3A_1322 = arith.addi %parallel_loop3A_1320, %parallel_loop3A_1321 : i32
        %parallel_loop3A_1323 = arith.index_cast %parallel_loop3A_1322 : i32 to index
        %parallel_loop3A_1324 = arith.constant 0 : index
        %parallel_loop3A_1325 = tpu.vector_load %arg8[%parallel_loop3A_1323, %parallel_loop3A_1324] {strides = array<i32>} : memref<2560x32xbf16, #tpu.memory_space<vmem>>, vector<32xbf16>,
        %parallel_loop3A_1326 = arith.mulf %parallel_loop3A_1325, %parallel_loop3A_1316 : vector<32xbf16>
        %parallel_loop3A_1327 = arith.addf %parallel_loop3A_1291, %parallel_loop3A_1326 : vector<32xbf16>
        %parallel_loop3A_1328 = arith.constant 1 : i32
        %parallel_loop3A_1329 = arith.addi %parallel_loop3A_1320, %parallel_loop3A_1328 : i32
        %parallel_loop3A_1330 = arith.index_cast %parallel_loop3A_1329 : i32 to index
        %parallel_loop3A_1331 = arith.constant 0 : index
        %parallel_loop3A_1332 = tpu.vector_load %arg8[%parallel_loop3A_1330, %parallel_loop3A_1331] {strides = array<i32>} : memref<2560x32xbf16, #tpu.memory_space<vmem>>, vector<32xbf16>,
        %parallel_loop3A_1333 = arith.mulf %parallel_loop3A_1332, %parallel_loop3A_1316 : vector<32xbf16>
        %parallel_loop3A_1334 = arith.addf %parallel_loop3A_1298, %parallel_loop3A_1333 : vector<32xbf16>
        %parallel_loop3A_1335 = arith.constant 2 : i32
        %parallel_loop3A_1336 = arith.addi %parallel_loop3A_1320, %parallel_loop3A_1335 : i32
        %parallel_loop3A_1337 = arith.index_cast %parallel_loop3A_1336 : i32 to index
        %parallel_loop3A_1338 = arith.constant 0 : index
        %parallel_loop3A_1339 = tpu.vector_load %arg8[%parallel_loop3A_1337, %parallel_loop3A_1338] {strides = array<i32>} : memref<2560x32xbf16, #tpu.memory_space<vmem>>, vector<32xbf16>,
        %parallel_loop3A_1340 = arith.mulf %parallel_loop3A_1339, %parallel_loop3A_1316 : vector<32xbf16>
        %parallel_loop3A_1341 = arith.addf %parallel_loop3A_1305, %parallel_loop3A_1340 : vector<32xbf16>
        %parallel_loop3A_1342 = arith.constant 3 : i32
        %parallel_loop3A_1343 = arith.addi %parallel_loop3A_1320, %parallel_loop3A_1342 : i32
        %parallel_loop3A_1344 = arith.index_cast %parallel_loop3A_1343 : i32 to index
        %parallel_loop3A_1345 = arith.constant 0 : index
        %parallel_loop3A_1346 = tpu.vector_load %arg8[%parallel_loop3A_1344, %parallel_loop3A_1345] {strides = array<i32>} : memref<2560x32xbf16, #tpu.memory_space<vmem>>, vector<32xbf16>,
        %parallel_loop3A_1347 = arith.mulf %parallel_loop3A_1346, %parallel_loop3A_1316 : vector<32xbf16>
        %parallel_loop3A_1348 = arith.addf %parallel_loop3A_1312, %parallel_loop3A_1347 : vector<32xbf16>
        %parallel_loop3A_1349 = arith.constant 6 : i32
        %parallel_loop3A_1350 = arith.index_cast %parallel_loop3A_1349 : i32 to index
        %parallel_loop3A_1351 = arith.constant 0 : index
        %parallel_loop3A_1352 = tpu.vector_load %arg12[%parallel_loop3A_1350, %parallel_loop3A_1351] {strides = array<i32>} : memref<20x32xbf16, #tpu.memory_space<vmem>>, vector<32xbf16>,
        %parallel_loop3A_1353 = arith.constant 4 : i32
        %parallel_loop3A_1354 = arith.muli %parallel_loop3A_1124, %parallel_loop3A_1353 : i32
        %parallel_loop3A_1355 = arith.constant 768 : i32
        %parallel_loop3A_1356 = arith.addi %parallel_loop3A_1355, %parallel_loop3A_1354 : i32
        %parallel_loop3A_1357 = arith.constant 0 : i32
        %parallel_loop3A_1358 = arith.addi %parallel_loop3A_1356, %parallel_loop3A_1357 : i32
        %parallel_loop3A_1359 = arith.index_cast %parallel_loop3A_1358 : i32 to index
        %parallel_loop3A_1360 = arith.constant 0 : index
        %parallel_loop3A_1361 = tpu.vector_load %arg8[%parallel_loop3A_1359, %parallel_loop3A_1360] {strides = array<i32>} : memref<2560x32xbf16, #tpu.memory_space<vmem>>, vector<32xbf16>,
        %parallel_loop3A_1362 = arith.mulf %parallel_loop3A_1361, %parallel_loop3A_1352 : vector<32xbf16>
        %parallel_loop3A_1363 = arith.addf %parallel_loop3A_1327, %parallel_loop3A_1362 : vector<32xbf16>
        %parallel_loop3A_1364 = arith.constant 1 : i32
        %parallel_loop3A_1365 = arith.addi %parallel_loop3A_1356, %parallel_loop3A_1364 : i32
        %parallel_loop3A_1366 = arith.index_cast %parallel_loop3A_1365 : i32 to index
        %parallel_loop3A_1367 = arith.constant 0 : index
        %parallel_loop3A_1368 = tpu.vector_load %arg8[%parallel_loop3A_1366, %parallel_loop3A_1367] {strides = array<i32>} : memref<2560x32xbf16, #tpu.memory_space<vmem>>, vector<32xbf16>,
        %parallel_loop3A_1369 = arith.mulf %parallel_loop3A_1368, %parallel_loop3A_1352 : vector<32xbf16>
        %parallel_loop3A_1370 = arith.addf %parallel_loop3A_1334, %parallel_loop3A_1369 : vector<32xbf16>
        %parallel_loop3A_1371 = arith.constant 2 : i32
        %parallel_loop3A_1372 = arith.addi %parallel_loop3A_1356, %parallel_loop3A_1371 : i32
        %parallel_loop3A_1373 = arith.index_cast %parallel_loop3A_1372 : i32 to index
        %parallel_loop3A_1374 = arith.constant 0 : index
        %parallel_loop3A_1375 = tpu.vector_load %arg8[%parallel_loop3A_1373, %parallel_loop3A_1374] {strides = array<i32>} : memref<2560x32xbf16, #tpu.memory_space<vmem>>, vector<32xbf16>,
        %parallel_loop3A_1376 = arith.mulf %parallel_loop3A_1375, %parallel_loop3A_1352 : vector<32xbf16>
        %parallel_loop3A_1377 = arith.addf %parallel_loop3A_1341, %parallel_loop3A_1376 : vector<32xbf16>
        %parallel_loop3A_1378 = arith.constant 3 : i32
        %parallel_loop3A_1379 = arith.addi %parallel_loop3A_1356, %parallel_loop3A_1378 : i32
        %parallel_loop3A_1380 = arith.index_cast %parallel_loop3A_1379 : i32 to index
        %parallel_loop3A_1381 = arith.constant 0 : index
        %parallel_loop3A_1382 = tpu.vector_load %arg8[%parallel_loop3A_1380, %parallel_loop3A_1381] {strides = array<i32>} : memref<2560x32xbf16, #tpu.memory_space<vmem>>, vector<32xbf16>,
        %parallel_loop3A_1383 = arith.mulf %parallel_loop3A_1382, %parallel_loop3A_1352 : vector<32xbf16>
        %parallel_loop3A_1384 = arith.addf %parallel_loop3A_1348, %parallel_loop3A_1383 : vector<32xbf16>
        %parallel_loop3A_1385 = arith.constant 7 : i32
        %parallel_loop3A_1386 = arith.index_cast %parallel_loop3A_1385 : i32 to index
        %parallel_loop3A_1387 = arith.constant 0 : index
        %parallel_loop3A_1388 = tpu.vector_load %arg12[%parallel_loop3A_1386, %parallel_loop3A_1387] {strides = array<i32>} : memref<20x32xbf16, #tpu.memory_space<vmem>>, vector<32xbf16>,
        %parallel_loop3A_1389 = arith.constant 4 : i32
        %parallel_loop3A_1390 = arith.muli %parallel_loop3A_1124, %parallel_loop3A_1389 : i32
        %parallel_loop3A_1391 = arith.constant 896 : i32
        %parallel_loop3A_1392 = arith.addi %parallel_loop3A_1391, %parallel_loop3A_1390 : i32
        %parallel_loop3A_1393 = arith.constant 0 : i32
        %parallel_loop3A_1394 = arith.addi %parallel_loop3A_1392, %parallel_loop3A_1393 : i32
        %parallel_loop3A_1395 = arith.index_cast %parallel_loop3A_1394 : i32 to index
        %parallel_loop3A_1396 = arith.constant 0 : index
        %parallel_loop3A_1397 = tpu.vector_load %arg8[%parallel_loop3A_1395, %parallel_loop3A_1396] {strides = array<i32>} : memref<2560x32xbf16, #tpu.memory_space<vmem>>, vector<32xbf16>,
        %parallel_loop3A_1398 = arith.mulf %parallel_loop3A_1397, %parallel_loop3A_1388 : vector<32xbf16>
        %parallel_loop3A_1399 = arith.addf %parallel_loop3A_1363, %parallel_loop3A_1398 : vector<32xbf16>
        %parallel_loop3A_1400 = arith.constant 1 : i32
        %parallel_loop3A_1401 = arith.addi %parallel_loop3A_1392, %parallel_loop3A_1400 : i32
        %parallel_loop3A_1402 = arith.index_cast %parallel_loop3A_1401 : i32 to index
        %parallel_loop3A_1403 = arith.constant 0 : index
        %parallel_loop3A_1404 = tpu.vector_load %arg8[%parallel_loop3A_1402, %parallel_loop3A_1403] {strides = array<i32>} : memref<2560x32xbf16, #tpu.memory_space<vmem>>, vector<32xbf16>,
        %parallel_loop3A_1405 = arith.mulf %parallel_loop3A_1404, %parallel_loop3A_1388 : vector<32xbf16>
        %parallel_loop3A_1406 = arith.addf %parallel_loop3A_1370, %parallel_loop3A_1405 : vector<32xbf16>
        %parallel_loop3A_1407 = arith.constant 2 : i32
        %parallel_loop3A_1408 = arith.addi %parallel_loop3A_1392, %parallel_loop3A_1407 : i32
        %parallel_loop3A_1409 = arith.index_cast %parallel_loop3A_1408 : i32 to index
        %parallel_loop3A_1410 = arith.constant 0 : index
        %parallel_loop3A_1411 = tpu.vector_load %arg8[%parallel_loop3A_1409, %parallel_loop3A_1410] {strides = array<i32>} : memref<2560x32xbf16, #tpu.memory_space<vmem>>, vector<32xbf16>,
        %parallel_loop3A_1412 = arith.mulf %parallel_loop3A_1411, %parallel_loop3A_1388 : vector<32xbf16>
        %parallel_loop3A_1413 = arith.addf %parallel_loop3A_1377, %parallel_loop3A_1412 : vector<32xbf16>
        %parallel_loop3A_1414 = arith.constant 3 : i32
        %parallel_loop3A_1415 = arith.addi %parallel_loop3A_1392, %parallel_loop3A_1414 : i32
        %parallel_loop3A_1416 = arith.index_cast %parallel_loop3A_1415 : i32 to index
        %parallel_loop3A_1417 = arith.constant 0 : index
        %parallel_loop3A_1418 = tpu.vector_load %arg8[%parallel_loop3A_1416, %parallel_loop3A_1417] {strides = array<i32>} : memref<2560x32xbf16, #tpu.memory_space<vmem>>, vector<32xbf16>,
        %parallel_loop3A_1419 = arith.mulf %parallel_loop3A_1418, %parallel_loop3A_1388 : vector<32xbf16>
        %parallel_loop3A_1420 = arith.addf %parallel_loop3A_1384, %parallel_loop3A_1419 : vector<32xbf16>
        %parallel_loop3A_1421 = arith.constant 8 : i32
        %parallel_loop3A_1422 = arith.index_cast %parallel_loop3A_1421 : i32 to index
        %parallel_loop3A_1423 = arith.constant 0 : index
        %parallel_loop3A_1424 = tpu.vector_load %arg12[%parallel_loop3A_1422, %parallel_loop3A_1423] {strides = array<i32>} : memref<20x32xbf16, #tpu.memory_space<vmem>>, vector<32xbf16>,
        %parallel_loop3A_1425 = arith.constant 4 : i32
        %parallel_loop3A_1426 = arith.muli %parallel_loop3A_1124, %parallel_loop3A_1425 : i32
        %parallel_loop3A_1427 = arith.constant 1024 : i32
        %parallel_loop3A_1428 = arith.addi %parallel_loop3A_1427, %parallel_loop3A_1426 : i32
        %parallel_loop3A_1429 = arith.constant 0 : i32
        %parallel_loop3A_1430 = arith.addi %parallel_loop3A_1428, %parallel_loop3A_1429 : i32
        %parallel_loop3A_1431 = arith.index_cast %parallel_loop3A_1430 : i32 to index
        %parallel_loop3A_1432 = arith.constant 0 : index
        %parallel_loop3A_1433 = tpu.vector_load %arg8[%parallel_loop3A_1431, %parallel_loop3A_1432] {strides = array<i32>} : memref<2560x32xbf16, #tpu.memory_space<vmem>>, vector<32xbf16>,
        %parallel_loop3A_1434 = arith.mulf %parallel_loop3A_1433, %parallel_loop3A_1424 : vector<32xbf16>
        %parallel_loop3A_1435 = arith.addf %parallel_loop3A_1399, %parallel_loop3A_1434 : vector<32xbf16>
        %parallel_loop3A_1436 = arith.constant 1 : i32
        %parallel_loop3A_1437 = arith.addi %parallel_loop3A_1428, %parallel_loop3A_1436 : i32
        %parallel_loop3A_1438 = arith.index_cast %parallel_loop3A_1437 : i32 to index
        %parallel_loop3A_1439 = arith.constant 0 : index
        %parallel_loop3A_1440 = tpu.vector_load %arg8[%parallel_loop3A_1438, %parallel_loop3A_1439] {strides = array<i32>} : memref<2560x32xbf16, #tpu.memory_space<vmem>>, vector<32xbf16>,
        %parallel_loop3A_1441 = arith.mulf %parallel_loop3A_1440, %parallel_loop3A_1424 : vector<32xbf16>
        %parallel_loop3A_1442 = arith.addf %parallel_loop3A_1406, %parallel_loop3A_1441 : vector<32xbf16>
        %parallel_loop3A_1443 = arith.constant 2 : i32
        %parallel_loop3A_1444 = arith.addi %parallel_loop3A_1428, %parallel_loop3A_1443 : i32
        %parallel_loop3A_1445 = arith.index_cast %parallel_loop3A_1444 : i32 to index
        %parallel_loop3A_1446 = arith.constant 0 : index
        %parallel_loop3A_1447 = tpu.vector_load %arg8[%parallel_loop3A_1445, %parallel_loop3A_1446] {strides = array<i32>} : memref<2560x32xbf16, #tpu.memory_space<vmem>>, vector<32xbf16>,
        %parallel_loop3A_1448 = arith.mulf %parallel_loop3A_1447, %parallel_loop3A_1424 : vector<32xbf16>
        %parallel_loop3A_1449 = arith.addf %parallel_loop3A_1413, %parallel_loop3A_1448 : vector<32xbf16>
        %parallel_loop3A_1450 = arith.constant 3 : i32
        %parallel_loop3A_1451 = arith.addi %parallel_loop3A_1428, %parallel_loop3A_1450 : i32
        %parallel_loop3A_1452 = arith.index_cast %parallel_loop3A_1451 : i32 to index
        %parallel_loop3A_1453 = arith.constant 0 : index
        %parallel_loop3A_1454 = tpu.vector_load %arg8[%parallel_loop3A_1452, %parallel_loop3A_1453] {strides = array<i32>} : memref<2560x32xbf16, #tpu.memory_space<vmem>>, vector<32xbf16>,
        %parallel_loop3A_1455 = arith.mulf %parallel_loop3A_1454, %parallel_loop3A_1424 : vector<32xbf16>
        %parallel_loop3A_1456 = arith.addf %parallel_loop3A_1420, %parallel_loop3A_1455 : vector<32xbf16>
        %parallel_loop3A_1457 = arith.constant 9 : i32
        %parallel_loop3A_1458 = arith.index_cast %parallel_loop3A_1457 : i32 to index
        %parallel_loop3A_1459 = arith.constant 0 : index
        %parallel_loop3A_1460 = tpu.vector_load %arg12[%parallel_loop3A_1458, %parallel_loop3A_1459] {strides = array<i32>} : memref<20x32xbf16, #tpu.memory_space<vmem>>, vector<32xbf16>,
        %parallel_loop3A_1461 = arith.constant 4 : i32
        %parallel_loop3A_1462 = arith.muli %parallel_loop3A_1124, %parallel_loop3A_1461 : i32
        %parallel_loop3A_1463 = arith.constant 1152 : i32
        %parallel_loop3A_1464 = arith.addi %parallel_loop3A_1463, %parallel_loop3A_1462 : i32
        %parallel_loop3A_1465 = arith.constant 0 : i32
        %parallel_loop3A_1466 = arith.addi %parallel_loop3A_1464, %parallel_loop3A_1465 : i32
        %parallel_loop3A_1467 = arith.index_cast %parallel_loop3A_1466 : i32 to index
        %parallel_loop3A_1468 = arith.constant 0 : index
        %parallel_loop3A_1469 = tpu.vector_load %arg8[%parallel_loop3A_1467, %parallel_loop3A_1468] {strides = array<i32>} : memref<2560x32xbf16, #tpu.memory_space<vmem>>, vector<32xbf16>,
        %parallel_loop3A_1470 = arith.mulf %parallel_loop3A_1469, %parallel_loop3A_1460 : vector<32xbf16>
        %parallel_loop3A_1471 = arith.addf %parallel_loop3A_1435, %parallel_loop3A_1470 : vector<32xbf16>
        %parallel_loop3A_1472 = arith.constant 1 : i32
        %parallel_loop3A_1473 = arith.addi %parallel_loop3A_1464, %parallel_loop3A_1472 : i32
        %parallel_loop3A_1474 = arith.index_cast %parallel_loop3A_1473 : i32 to index
        %parallel_loop3A_1475 = arith.constant 0 : index
        %parallel_loop3A_1476 = tpu.vector_load %arg8[%parallel_loop3A_1474, %parallel_loop3A_1475] {strides = array<i32>} : memref<2560x32xbf16, #tpu.memory_space<vmem>>, vector<32xbf16>,
        %parallel_loop3A_1477 = arith.mulf %parallel_loop3A_1476, %parallel_loop3A_1460 : vector<32xbf16>
        %parallel_loop3A_1478 = arith.addf %parallel_loop3A_1442, %parallel_loop3A_1477 : vector<32xbf16>
        %parallel_loop3A_1479 = arith.constant 2 : i32
        %parallel_loop3A_1480 = arith.addi %parallel_loop3A_1464, %parallel_loop3A_1479 : i32
        %parallel_loop3A_1481 = arith.index_cast %parallel_loop3A_1480 : i32 to index
        %parallel_loop3A_1482 = arith.constant 0 : index
        %parallel_loop3A_1483 = tpu.vector_load %arg8[%parallel_loop3A_1481, %parallel_loop3A_1482] {strides = array<i32>} : memref<2560x32xbf16, #tpu.memory_space<vmem>>, vector<32xbf16>,
        %parallel_loop3A_1484 = arith.mulf %parallel_loop3A_1483, %parallel_loop3A_1460 : vector<32xbf16>
        %parallel_loop3A_1485 = arith.addf %parallel_loop3A_1449, %parallel_loop3A_1484 : vector<32xbf16>
        %parallel_loop3A_1486 = arith.constant 3 : i32
        %parallel_loop3A_1487 = arith.addi %parallel_loop3A_1464, %parallel_loop3A_1486 : i32
        %parallel_loop3A_1488 = arith.index_cast %parallel_loop3A_1487 : i32 to index
        %parallel_loop3A_1489 = arith.constant 0 : index
        %parallel_loop3A_1490 = tpu.vector_load %arg8[%parallel_loop3A_1488, %parallel_loop3A_1489] {strides = array<i32>} : memref<2560x32xbf16, #tpu.memory_space<vmem>>, vector<32xbf16>,
        %parallel_loop3A_1491 = arith.mulf %parallel_loop3A_1490, %parallel_loop3A_1460 : vector<32xbf16>
        %parallel_loop3A_1492 = arith.addf %parallel_loop3A_1456, %parallel_loop3A_1491 : vector<32xbf16>
        %parallel_loop3A_1493 = arith.constant 10 : i32
        %parallel_loop3A_1494 = arith.index_cast %parallel_loop3A_1493 : i32 to index
        %parallel_loop3A_1495 = arith.constant 0 : index
        %parallel_loop3A_1496 = tpu.vector_load %arg12[%parallel_loop3A_1494, %parallel_loop3A_1495] {strides = array<i32>} : memref<20x32xbf16, #tpu.memory_space<vmem>>, vector<32xbf16>,
        %parallel_loop3A_1497 = arith.constant 4 : i32
        %parallel_loop3A_1498 = arith.muli %parallel_loop3A_1124, %parallel_loop3A_1497 : i32
        %parallel_loop3A_1499 = arith.constant 1280 : i32
        %parallel_loop3A_1500 = arith.addi %parallel_loop3A_1499, %parallel_loop3A_1498 : i32
        %parallel_loop3A_1501 = arith.constant 0 : i32
        %parallel_loop3A_1502 = arith.addi %parallel_loop3A_1500, %parallel_loop3A_1501 : i32
        %parallel_loop3A_1503 = arith.index_cast %parallel_loop3A_1502 : i32 to index
        %parallel_loop3A_1504 = arith.constant 0 : index
        %parallel_loop3A_1505 = tpu.vector_load %arg8[%parallel_loop3A_1503, %parallel_loop3A_1504] {strides = array<i32>} : memref<2560x32xbf16, #tpu.memory_space<vmem>>, vector<32xbf16>,
        %parallel_loop3A_1506 = arith.mulf %parallel_loop3A_1505, %parallel_loop3A_1496 : vector<32xbf16>
        %parallel_loop3A_1507 = arith.addf %parallel_loop3A_1471, %parallel_loop3A_1506 : vector<32xbf16>
        %parallel_loop3A_1508 = arith.constant 1 : i32
        %parallel_loop3A_1509 = arith.addi %parallel_loop3A_1500, %parallel_loop3A_1508 : i32
        %parallel_loop3A_1510 = arith.index_cast %parallel_loop3A_1509 : i32 to index
        %parallel_loop3A_1511 = arith.constant 0 : index
        %parallel_loop3A_1512 = tpu.vector_load %arg8[%parallel_loop3A_1510, %parallel_loop3A_1511] {strides = array<i32>} : memref<2560x32xbf16, #tpu.memory_space<vmem>>, vector<32xbf16>,
        %parallel_loop3A_1513 = arith.mulf %parallel_loop3A_1512, %parallel_loop3A_1496 : vector<32xbf16>
        %parallel_loop3A_1514 = arith.addf %parallel_loop3A_1478, %parallel_loop3A_1513 : vector<32xbf16>
        %parallel_loop3A_1515 = arith.constant 2 : i32
        %parallel_loop3A_1516 = arith.addi %parallel_loop3A_1500, %parallel_loop3A_1515 : i32
        %parallel_loop3A_1517 = arith.index_cast %parallel_loop3A_1516 : i32 to index
        %parallel_loop3A_1518 = arith.constant 0 : index
        %parallel_loop3A_1519 = tpu.vector_load %arg8[%parallel_loop3A_1517, %parallel_loop3A_1518] {strides = array<i32>} : memref<2560x32xbf16, #tpu.memory_space<vmem>>, vector<32xbf16>,
        %parallel_loop3A_1520 = arith.mulf %parallel_loop3A_1519, %parallel_loop3A_1496 : vector<32xbf16>
        %parallel_loop3A_1521 = arith.addf %parallel_loop3A_1485, %parallel_loop3A_1520 : vector<32xbf16>
        %parallel_loop3A_1522 = arith.constant 3 : i32
        %parallel_loop3A_1523 = arith.addi %parallel_loop3A_1500, %parallel_loop3A_1522 : i32
        %parallel_loop3A_1524 = arith.index_cast %parallel_loop3A_1523 : i32 to index
        %parallel_loop3A_1525 = arith.constant 0 : index
        %parallel_loop3A_1526 = tpu.vector_load %arg8[%parallel_loop3A_1524, %parallel_loop3A_1525] {strides = array<i32>} : memref<2560x32xbf16, #tpu.memory_space<vmem>>, vector<32xbf16>,
        %parallel_loop3A_1527 = arith.mulf %parallel_loop3A_1526, %parallel_loop3A_1496 : vector<32xbf16>
        %parallel_loop3A_1528 = arith.addf %parallel_loop3A_1492, %parallel_loop3A_1527 : vector<32xbf16>
        %parallel_loop3A_1529 = arith.constant 11 : i32
        %parallel_loop3A_1530 = arith.index_cast %parallel_loop3A_1529 : i32 to index
        %parallel_loop3A_1531 = arith.constant 0 : index
        %parallel_loop3A_1532 = tpu.vector_load %arg12[%parallel_loop3A_1530, %parallel_loop3A_1531] {strides = array<i32>} : memref<20x32xbf16, #tpu.memory_space<vmem>>, vector<32xbf16>,
        %parallel_loop3A_1533 = arith.constant 4 : i32
        %parallel_loop3A_1534 = arith.muli %parallel_loop3A_1124, %parallel_loop3A_1533 : i32
        %parallel_loop3A_1535 = arith.constant 1408 : i32
        %parallel_loop3A_1536 = arith.addi %parallel_loop3A_1535, %parallel_loop3A_1534 : i32
        %parallel_loop3A_1537 = arith.constant 0 : i32
        %parallel_loop3A_1538 = arith.addi %parallel_loop3A_1536, %parallel_loop3A_1537 : i32
        %parallel_loop3A_1539 = arith.index_cast %parallel_loop3A_1538 : i32 to index
        %parallel_loop3A_1540 = arith.constant 0 : index
        %parallel_loop3A_1541 = tpu.vector_load %arg8[%parallel_loop3A_1539, %parallel_loop3A_1540] {strides = array<i32>} : memref<2560x32xbf16, #tpu.memory_space<vmem>>, vector<32xbf16>,
        %parallel_loop3A_1542 = arith.mulf %parallel_loop3A_1541, %parallel_loop3A_1532 : vector<32xbf16>
        %parallel_loop3A_1543 = arith.addf %parallel_loop3A_1507, %parallel_loop3A_1542 : vector<32xbf16>
        %parallel_loop3A_1544 = arith.constant 1 : i32
        %parallel_loop3A_1545 = arith.addi %parallel_loop3A_1536, %parallel_loop3A_1544 : i32
        %parallel_loop3A_1546 = arith.index_cast %parallel_loop3A_1545 : i32 to index
        %parallel_loop3A_1547 = arith.constant 0 : index
        %parallel_loop3A_1548 = tpu.vector_load %arg8[%parallel_loop3A_1546, %parallel_loop3A_1547] {strides = array<i32>} : memref<2560x32xbf16, #tpu.memory_space<vmem>>, vector<32xbf16>,
        %parallel_loop3A_1549 = arith.mulf %parallel_loop3A_1548, %parallel_loop3A_1532 : vector<32xbf16>
        %parallel_loop3A_1550 = arith.addf %parallel_loop3A_1514, %parallel_loop3A_1549 : vector<32xbf16>
        %parallel_loop3A_1551 = arith.constant 2 : i32
        %parallel_loop3A_1552 = arith.addi %parallel_loop3A_1536, %parallel_loop3A_1551 : i32
        %parallel_loop3A_1553 = arith.index_cast %parallel_loop3A_1552 : i32 to index
        %parallel_loop3A_1554 = arith.constant 0 : index
        %parallel_loop3A_1555 = tpu.vector_load %arg8[%parallel_loop3A_1553, %parallel_loop3A_1554] {strides = array<i32>} : memref<2560x32xbf16, #tpu.memory_space<vmem>>, vector<32xbf16>,
        %parallel_loop3A_1556 = arith.mulf %parallel_loop3A_1555, %parallel_loop3A_1532 : vector<32xbf16>
        %parallel_loop3A_1557 = arith.addf %parallel_loop3A_1521, %parallel_loop3A_1556 : vector<32xbf16>
        %parallel_loop3A_1558 = arith.constant 3 : i32
        %parallel_loop3A_1559 = arith.addi %parallel_loop3A_1536, %parallel_loop3A_1558 : i32
        %parallel_loop3A_1560 = arith.index_cast %parallel_loop3A_1559 : i32 to index
        %parallel_loop3A_1561 = arith.constant 0 : index
        %parallel_loop3A_1562 = tpu.vector_load %arg8[%parallel_loop3A_1560, %parallel_loop3A_1561] {strides = array<i32>} : memref<2560x32xbf16, #tpu.memory_space<vmem>>, vector<32xbf16>,
        %parallel_loop3A_1563 = arith.mulf %parallel_loop3A_1562, %parallel_loop3A_1532 : vector<32xbf16>
        %parallel_loop3A_1564 = arith.addf %parallel_loop3A_1528, %parallel_loop3A_1563 : vector<32xbf16>
        %parallel_loop3A_1565 = arith.constant 12 : i32
        %parallel_loop3A_1566 = arith.index_cast %parallel_loop3A_1565 : i32 to index
        %parallel_loop3A_1567 = arith.constant 0 : index
        %parallel_loop3A_1568 = tpu.vector_load %arg12[%parallel_loop3A_1566, %parallel_loop3A_1567] {strides = array<i32>} : memref<20x32xbf16, #tpu.memory_space<vmem>>, vector<32xbf16>,
        %parallel_loop3A_1569 = arith.constant 4 : i32
        %parallel_loop3A_1570 = arith.muli %parallel_loop3A_1124, %parallel_loop3A_1569 : i32
        %parallel_loop3A_1571 = arith.constant 1536 : i32
        %parallel_loop3A_1572 = arith.addi %parallel_loop3A_1571, %parallel_loop3A_1570 : i32
        %parallel_loop3A_1573 = arith.constant 0 : i32
        %parallel_loop3A_1574 = arith.addi %parallel_loop3A_1572, %parallel_loop3A_1573 : i32
        %parallel_loop3A_1575 = arith.index_cast %parallel_loop3A_1574 : i32 to index
        %parallel_loop3A_1576 = arith.constant 0 : index
        %parallel_loop3A_1577 = tpu.vector_load %arg8[%parallel_loop3A_1575, %parallel_loop3A_1576] {strides = array<i32>} : memref<2560x32xbf16, #tpu.memory_space<vmem>>, vector<32xbf16>,
        %parallel_loop3A_1578 = arith.mulf %parallel_loop3A_1577, %parallel_loop3A_1568 : vector<32xbf16>
        %parallel_loop3A_1579 = arith.addf %parallel_loop3A_1543, %parallel_loop3A_1578 : vector<32xbf16>
        %parallel_loop3A_1580 = arith.constant 1 : i32
        %parallel_loop3A_1581 = arith.addi %parallel_loop3A_1572, %parallel_loop3A_1580 : i32
        %parallel_loop3A_1582 = arith.index_cast %parallel_loop3A_1581 : i32 to index
        %parallel_loop3A_1583 = arith.constant 0 : index
        %parallel_loop3A_1584 = tpu.vector_load %arg8[%parallel_loop3A_1582, %parallel_loop3A_1583] {strides = array<i32>} : memref<2560x32xbf16, #tpu.memory_space<vmem>>, vector<32xbf16>,
        %parallel_loop3A_1585 = arith.mulf %parallel_loop3A_1584, %parallel_loop3A_1568 : vector<32xbf16>
        %parallel_loop3A_1586 = arith.addf %parallel_loop3A_1550, %parallel_loop3A_1585 : vector<32xbf16>
        %parallel_loop3A_1587 = arith.constant 2 : i32
        %parallel_loop3A_1588 = arith.addi %parallel_loop3A_1572, %parallel_loop3A_1587 : i32
        %parallel_loop3A_1589 = arith.index_cast %parallel_loop3A_1588 : i32 to index
        %parallel_loop3A_1590 = arith.constant 0 : index
        %parallel_loop3A_1591 = tpu.vector_load %arg8[%parallel_loop3A_1589, %parallel_loop3A_1590] {strides = array<i32>} : memref<2560x32xbf16, #tpu.memory_space<vmem>>, vector<32xbf16>,
        %parallel_loop3A_1592 = arith.mulf %parallel_loop3A_1591, %parallel_loop3A_1568 : vector<32xbf16>
        %parallel_loop3A_1593 = arith.addf %parallel_loop3A_1557, %parallel_loop3A_1592 : vector<32xbf16>
        %parallel_loop3A_1594 = arith.constant 3 : i32
        %parallel_loop3A_1595 = arith.addi %parallel_loop3A_1572, %parallel_loop3A_1594 : i32
        %parallel_loop3A_1596 = arith.index_cast %parallel_loop3A_1595 : i32 to index
        %parallel_loop3A_1597 = arith.constant 0 : index
        %parallel_loop3A_1598 = tpu.vector_load %arg8[%parallel_loop3A_1596, %parallel_loop3A_1597] {strides = array<i32>} : memref<2560x32xbf16, #tpu.memory_space<vmem>>, vector<32xbf16>,
        %parallel_loop3A_1599 = arith.mulf %parallel_loop3A_1598, %parallel_loop3A_1568 : vector<32xbf16>
        %parallel_loop3A_1600 = arith.addf %parallel_loop3A_1564, %parallel_loop3A_1599 : vector<32xbf16>
        %parallel_loop3A_1601 = arith.constant 13 : i32
        %parallel_loop3A_1602 = arith.index_cast %parallel_loop3A_1601 : i32 to index
        %parallel_loop3A_1603 = arith.constant 0 : index
        %parallel_loop3A_1604 = tpu.vector_load %arg12[%parallel_loop3A_1602, %parallel_loop3A_1603] {strides = array<i32>} : memref<20x32xbf16, #tpu.memory_space<vmem>>, vector<32xbf16>,
        %parallel_loop3A_1605 = arith.constant 4 : i32
        %parallel_loop3A_1606 = arith.muli %parallel_loop3A_1124, %parallel_loop3A_1605 : i32
        %parallel_loop3A_1607 = arith.constant 1664 : i32
        %parallel_loop3A_1608 = arith.addi %parallel_loop3A_1607, %parallel_loop3A_1606 : i32
        %parallel_loop3A_1609 = arith.constant 0 : i32
        %parallel_loop3A_1610 = arith.addi %parallel_loop3A_1608, %parallel_loop3A_1609 : i32
        %parallel_loop3A_1611 = arith.index_cast %parallel_loop3A_1610 : i32 to index
        %parallel_loop3A_1612 = arith.constant 0 : index
        %parallel_loop3A_1613 = tpu.vector_load %arg8[%parallel_loop3A_1611, %parallel_loop3A_1612] {strides = array<i32>} : memref<2560x32xbf16, #tpu.memory_space<vmem>>, vector<32xbf16>,
        %parallel_loop3A_1614 = arith.mulf %parallel_loop3A_1613, %parallel_loop3A_1604 : vector<32xbf16>
        %parallel_loop3A_1615 = arith.addf %parallel_loop3A_1579, %parallel_loop3A_1614 : vector<32xbf16>
        %parallel_loop3A_1616 = arith.constant 1 : i32
        %parallel_loop3A_1617 = arith.addi %parallel_loop3A_1608, %parallel_loop3A_1616 : i32
        %parallel_loop3A_1618 = arith.index_cast %parallel_loop3A_1617 : i32 to index
        %parallel_loop3A_1619 = arith.constant 0 : index
        %parallel_loop3A_1620 = tpu.vector_load %arg8[%parallel_loop3A_1618, %parallel_loop3A_1619] {strides = array<i32>} : memref<2560x32xbf16, #tpu.memory_space<vmem>>, vector<32xbf16>,
        %parallel_loop3A_1621 = arith.mulf %parallel_loop3A_1620, %parallel_loop3A_1604 : vector<32xbf16>
        %parallel_loop3A_1622 = arith.addf %parallel_loop3A_1586, %parallel_loop3A_1621 : vector<32xbf16>
        %parallel_loop3A_1623 = arith.constant 2 : i32
        %parallel_loop3A_1624 = arith.addi %parallel_loop3A_1608, %parallel_loop3A_1623 : i32
        %parallel_loop3A_1625 = arith.index_cast %parallel_loop3A_1624 : i32 to index
        %parallel_loop3A_1626 = arith.constant 0 : index
        %parallel_loop3A_1627 = tpu.vector_load %arg8[%parallel_loop3A_1625, %parallel_loop3A_1626] {strides = array<i32>} : memref<2560x32xbf16, #tpu.memory_space<vmem>>, vector<32xbf16>,
        %parallel_loop3A_1628 = arith.mulf %parallel_loop3A_1627, %parallel_loop3A_1604 : vector<32xbf16>
        %parallel_loop3A_1629 = arith.addf %parallel_loop3A_1593, %parallel_loop3A_1628 : vector<32xbf16>
        %parallel_loop3A_1630 = arith.constant 3 : i32
        %parallel_loop3A_1631 = arith.addi %parallel_loop3A_1608, %parallel_loop3A_1630 : i32
        %parallel_loop3A_1632 = arith.index_cast %parallel_loop3A_1631 : i32 to index
        %parallel_loop3A_1633 = arith.constant 0 : index
        %parallel_loop3A_1634 = tpu.vector_load %arg8[%parallel_loop3A_1632, %parallel_loop3A_1633] {strides = array<i32>} : memref<2560x32xbf16, #tpu.memory_space<vmem>>, vector<32xbf16>,
        %parallel_loop3A_1635 = arith.mulf %parallel_loop3A_1634, %parallel_loop3A_1604 : vector<32xbf16>
        %parallel_loop3A_1636 = arith.addf %parallel_loop3A_1600, %parallel_loop3A_1635 : vector<32xbf16>
        %parallel_loop3A_1637 = arith.constant 14 : i32
        %parallel_loop3A_1638 = arith.index_cast %parallel_loop3A_1637 : i32 to index
        %parallel_loop3A_1639 = arith.constant 0 : index
        %parallel_loop3A_1640 = tpu.vector_load %arg12[%parallel_loop3A_1638, %parallel_loop3A_1639] {strides = array<i32>} : memref<20x32xbf16, #tpu.memory_space<vmem>>, vector<32xbf16>,
        %parallel_loop3A_1641 = arith.constant 4 : i32
        %parallel_loop3A_1642 = arith.muli %parallel_loop3A_1124, %parallel_loop3A_1641 : i32
        %parallel_loop3A_1643 = arith.constant 1792 : i32
        %parallel_loop3A_1644 = arith.addi %parallel_loop3A_1643, %parallel_loop3A_1642 : i32
        %parallel_loop3A_1645 = arith.constant 0 : i32
        %parallel_loop3A_1646 = arith.addi %parallel_loop3A_1644, %parallel_loop3A_1645 : i32
        %parallel_loop3A_1647 = arith.index_cast %parallel_loop3A_1646 : i32 to index
        %parallel_loop3A_1648 = arith.constant 0 : index
        %parallel_loop3A_1649 = tpu.vector_load %arg8[%parallel_loop3A_1647, %parallel_loop3A_1648] {strides = array<i32>} : memref<2560x32xbf16, #tpu.memory_space<vmem>>, vector<32xbf16>,
        %parallel_loop3A_1650 = arith.mulf %parallel_loop3A_1649, %parallel_loop3A_1640 : vector<32xbf16>
        %parallel_loop3A_1651 = arith.addf %parallel_loop3A_1615, %parallel_loop3A_1650 : vector<32xbf16>
        %parallel_loop3A_1652 = arith.constant 1 : i32
        %parallel_loop3A_1653 = arith.addi %parallel_loop3A_1644, %parallel_loop3A_1652 : i32
        %parallel_loop3A_1654 = arith.index_cast %parallel_loop3A_1653 : i32 to index
        %parallel_loop3A_1655 = arith.constant 0 : index
        %parallel_loop3A_1656 = tpu.vector_load %arg8[%parallel_loop3A_1654, %parallel_loop3A_1655] {strides = array<i32>} : memref<2560x32xbf16, #tpu.memory_space<vmem>>, vector<32xbf16>,
        %parallel_loop3A_1657 = arith.mulf %parallel_loop3A_1656, %parallel_loop3A_1640 : vector<32xbf16>
        %parallel_loop3A_1658 = arith.addf %parallel_loop3A_1622, %parallel_loop3A_1657 : vector<32xbf16>
        %parallel_loop3A_1659 = arith.constant 2 : i32
        %parallel_loop3A_1660 = arith.addi %parallel_loop3A_1644, %parallel_loop3A_1659 : i32
        %parallel_loop3A_1661 = arith.index_cast %parallel_loop3A_1660 : i32 to index
        %parallel_loop3A_1662 = arith.constant 0 : index
        %parallel_loop3A_1663 = tpu.vector_load %arg8[%parallel_loop3A_1661, %parallel_loop3A_1662] {strides = array<i32>} : memref<2560x32xbf16, #tpu.memory_space<vmem>>, vector<32xbf16>,
        %parallel_loop3A_1664 = arith.mulf %parallel_loop3A_1663, %parallel_loop3A_1640 : vector<32xbf16>
        %parallel_loop3A_1665 = arith.addf %parallel_loop3A_1629, %parallel_loop3A_1664 : vector<32xbf16>
        %parallel_loop3A_1666 = arith.constant 3 : i32
        %parallel_loop3A_1667 = arith.addi %parallel_loop3A_1644, %parallel_loop3A_1666 : i32
        %parallel_loop3A_1668 = arith.index_cast %parallel_loop3A_1667 : i32 to index
        %parallel_loop3A_1669 = arith.constant 0 : index
        %parallel_loop3A_1670 = tpu.vector_load %arg8[%parallel_loop3A_1668, %parallel_loop3A_1669] {strides = array<i32>} : memref<2560x32xbf16, #tpu.memory_space<vmem>>, vector<32xbf16>,
        %parallel_loop3A_1671 = arith.mulf %parallel_loop3A_1670, %parallel_loop3A_1640 : vector<32xbf16>
        %parallel_loop3A_1672 = arith.addf %parallel_loop3A_1636, %parallel_loop3A_1671 : vector<32xbf16>
        %parallel_loop3A_1673 = arith.constant 15 : i32
        %parallel_loop3A_1674 = arith.index_cast %parallel_loop3A_1673 : i32 to index
        %parallel_loop3A_1675 = arith.constant 0 : index
        %parallel_loop3A_1676 = tpu.vector_load %arg12[%parallel_loop3A_1674, %parallel_loop3A_1675] {strides = array<i32>} : memref<20x32xbf16, #tpu.memory_space<vmem>>, vector<32xbf16>,
        %parallel_loop3A_1677 = arith.constant 4 : i32
        %parallel_loop3A_1678 = arith.muli %parallel_loop3A_1124, %parallel_loop3A_1677 : i32
        %parallel_loop3A_1679 = arith.constant 1920 : i32
        %parallel_loop3A_1680 = arith.addi %parallel_loop3A_1679, %parallel_loop3A_1678 : i32
        %parallel_loop3A_1681 = arith.constant 0 : i32
        %parallel_loop3A_1682 = arith.addi %parallel_loop3A_1680, %parallel_loop3A_1681 : i32
        %parallel_loop3A_1683 = arith.index_cast %parallel_loop3A_1682 : i32 to index
        %parallel_loop3A_1684 = arith.constant 0 : index
        %parallel_loop3A_1685 = tpu.vector_load %arg8[%parallel_loop3A_1683, %parallel_loop3A_1684] {strides = array<i32>} : memref<2560x32xbf16, #tpu.memory_space<vmem>>, vector<32xbf16>,
        %parallel_loop3A_1686 = arith.mulf %parallel_loop3A_1685, %parallel_loop3A_1676 : vector<32xbf16>
        %parallel_loop3A_1687 = arith.addf %parallel_loop3A_1651, %parallel_loop3A_1686 : vector<32xbf16>
        %parallel_loop3A_1688 = arith.constant 1 : i32
        %parallel_loop3A_1689 = arith.addi %parallel_loop3A_1680, %parallel_loop3A_1688 : i32
        %parallel_loop3A_1690 = arith.index_cast %parallel_loop3A_1689 : i32 to index
        %parallel_loop3A_1691 = arith.constant 0 : index
        %parallel_loop3A_1692 = tpu.vector_load %arg8[%parallel_loop3A_1690, %parallel_loop3A_1691] {strides = array<i32>} : memref<2560x32xbf16, #tpu.memory_space<vmem>>, vector<32xbf16>,
        %parallel_loop3A_1693 = arith.mulf %parallel_loop3A_1692, %parallel_loop3A_1676 : vector<32xbf16>
        %parallel_loop3A_1694 = arith.addf %parallel_loop3A_1658, %parallel_loop3A_1693 : vector<32xbf16>
        %parallel_loop3A_1695 = arith.constant 2 : i32
        %parallel_loop3A_1696 = arith.addi %parallel_loop3A_1680, %parallel_loop3A_1695 : i32
        %parallel_loop3A_1697 = arith.index_cast %parallel_loop3A_1696 : i32 to index
        %parallel_loop3A_1698 = arith.constant 0 : index
        %parallel_loop3A_1699 = tpu.vector_load %arg8[%parallel_loop3A_1697, %parallel_loop3A_1698] {strides = array<i32>} : memref<2560x32xbf16, #tpu.memory_space<vmem>>, vector<32xbf16>,
        %parallel_loop3A_1700 = arith.mulf %parallel_loop3A_1699, %parallel_loop3A_1676 : vector<32xbf16>
        %parallel_loop3A_1701 = arith.addf %parallel_loop3A_1665, %parallel_loop3A_1700 : vector<32xbf16>
        %parallel_loop3A_1702 = arith.constant 3 : i32
        %parallel_loop3A_1703 = arith.addi %parallel_loop3A_1680, %parallel_loop3A_1702 : i32
        %parallel_loop3A_1704 = arith.index_cast %parallel_loop3A_1703 : i32 to index
        %parallel_loop3A_1705 = arith.constant 0 : index
        %parallel_loop3A_1706 = tpu.vector_load %arg8[%parallel_loop3A_1704, %parallel_loop3A_1705] {strides = array<i32>} : memref<2560x32xbf16, #tpu.memory_space<vmem>>, vector<32xbf16>,
        %parallel_loop3A_1707 = arith.mulf %parallel_loop3A_1706, %parallel_loop3A_1676 : vector<32xbf16>
        %parallel_loop3A_1708 = arith.addf %parallel_loop3A_1672, %parallel_loop3A_1707 : vector<32xbf16>
        %parallel_loop3A_1709 = arith.constant 16 : i32
        %parallel_loop3A_1710 = arith.index_cast %parallel_loop3A_1709 : i32 to index
        %parallel_loop3A_1711 = arith.constant 0 : index
        %parallel_loop3A_1712 = tpu.vector_load %arg12[%parallel_loop3A_1710, %parallel_loop3A_1711] {strides = array<i32>} : memref<20x32xbf16, #tpu.memory_space<vmem>>, vector<32xbf16>,
        %parallel_loop3A_1713 = arith.constant 4 : i32
        %parallel_loop3A_1714 = arith.muli %parallel_loop3A_1124, %parallel_loop3A_1713 : i32
        %parallel_loop3A_1715 = arith.constant 2048 : i32
        %parallel_loop3A_1716 = arith.addi %parallel_loop3A_1715, %parallel_loop3A_1714 : i32
        %parallel_loop3A_1717 = arith.constant 0 : i32
        %parallel_loop3A_1718 = arith.addi %parallel_loop3A_1716, %parallel_loop3A_1717 : i32
        %parallel_loop3A_1719 = arith.index_cast %parallel_loop3A_1718 : i32 to index
        %parallel_loop3A_1720 = arith.constant 0 : index
        %parallel_loop3A_1721 = tpu.vector_load %arg8[%parallel_loop3A_1719, %parallel_loop3A_1720] {strides = array<i32>} : memref<2560x32xbf16, #tpu.memory_space<vmem>>, vector<32xbf16>,
        %parallel_loop3A_1722 = arith.mulf %parallel_loop3A_1721, %parallel_loop3A_1712 : vector<32xbf16>
        %parallel_loop3A_1723 = arith.addf %parallel_loop3A_1687, %parallel_loop3A_1722 : vector<32xbf16>
        %parallel_loop3A_1724 = arith.constant 1 : i32
        %parallel_loop3A_1725 = arith.addi %parallel_loop3A_1716, %parallel_loop3A_1724 : i32
        %parallel_loop3A_1726 = arith.index_cast %parallel_loop3A_1725 : i32 to index
        %parallel_loop3A_1727 = arith.constant 0 : index
        %parallel_loop3A_1728 = tpu.vector_load %arg8[%parallel_loop3A_1726, %parallel_loop3A_1727] {strides = array<i32>} : memref<2560x32xbf16, #tpu.memory_space<vmem>>, vector<32xbf16>,
        %parallel_loop3A_1729 = arith.mulf %parallel_loop3A_1728, %parallel_loop3A_1712 : vector<32xbf16>
        %parallel_loop3A_1730 = arith.addf %parallel_loop3A_1694, %parallel_loop3A_1729 : vector<32xbf16>
        %parallel_loop3A_1731 = arith.constant 2 : i32
        %parallel_loop3A_1732 = arith.addi %parallel_loop3A_1716, %parallel_loop3A_1731 : i32
        %parallel_loop3A_1733 = arith.index_cast %parallel_loop3A_1732 : i32 to index
        %parallel_loop3A_1734 = arith.constant 0 : index
        %parallel_loop3A_1735 = tpu.vector_load %arg8[%parallel_loop3A_1733, %parallel_loop3A_1734] {strides = array<i32>} : memref<2560x32xbf16, #tpu.memory_space<vmem>>, vector<32xbf16>,
        %parallel_loop3A_1736 = arith.mulf %parallel_loop3A_1735, %parallel_loop3A_1712 : vector<32xbf16>
        %parallel_loop3A_1737 = arith.addf %parallel_loop3A_1701, %parallel_loop3A_1736 : vector<32xbf16>
        %parallel_loop3A_1738 = arith.constant 3 : i32
        %parallel_loop3A_1739 = arith.addi %parallel_loop3A_1716, %parallel_loop3A_1738 : i32
        %parallel_loop3A_1740 = arith.index_cast %parallel_loop3A_1739 : i32 to index
        %parallel_loop3A_1741 = arith.constant 0 : index
        %parallel_loop3A_1742 = tpu.vector_load %arg8[%parallel_loop3A_1740, %parallel_loop3A_1741] {strides = array<i32>} : memref<2560x32xbf16, #tpu.memory_space<vmem>>, vector<32xbf16>,
        %parallel_loop3A_1743 = arith.mulf %parallel_loop3A_1742, %parallel_loop3A_1712 : vector<32xbf16>
        %parallel_loop3A_1744 = arith.addf %parallel_loop3A_1708, %parallel_loop3A_1743 : vector<32xbf16>
        %parallel_loop3A_1745 = arith.constant 17 : i32
        %parallel_loop3A_1746 = arith.index_cast %parallel_loop3A_1745 : i32 to index
        %parallel_loop3A_1747 = arith.constant 0 : index
        %parallel_loop3A_1748 = tpu.vector_load %arg12[%parallel_loop3A_1746, %parallel_loop3A_1747] {strides = array<i32>} : memref<20x32xbf16, #tpu.memory_space<vmem>>, vector<32xbf16>,
        %parallel_loop3A_1749 = arith.constant 4 : i32
        %parallel_loop3A_1750 = arith.muli %parallel_loop3A_1124, %parallel_loop3A_1749 : i32
        %parallel_loop3A_1751 = arith.constant 2176 : i32
        %parallel_loop3A_1752 = arith.addi %parallel_loop3A_1751, %parallel_loop3A_1750 : i32
        %parallel_loop3A_1753 = arith.constant 0 : i32
        %parallel_loop3A_1754 = arith.addi %parallel_loop3A_1752, %parallel_loop3A_1753 : i32
        %parallel_loop3A_1755 = arith.index_cast %parallel_loop3A_1754 : i32 to index
        %parallel_loop3A_1756 = arith.constant 0 : index
        %parallel_loop3A_1757 = tpu.vector_load %arg8[%parallel_loop3A_1755, %parallel_loop3A_1756] {strides = array<i32>} : memref<2560x32xbf16, #tpu.memory_space<vmem>>, vector<32xbf16>,
        %parallel_loop3A_1758 = arith.mulf %parallel_loop3A_1757, %parallel_loop3A_1748 : vector<32xbf16>
        %parallel_loop3A_1759 = arith.addf %parallel_loop3A_1723, %parallel_loop3A_1758 : vector<32xbf16>
        %parallel_loop3A_1760 = arith.constant 1 : i32
        %parallel_loop3A_1761 = arith.addi %parallel_loop3A_1752, %parallel_loop3A_1760 : i32
        %parallel_loop3A_1762 = arith.index_cast %parallel_loop3A_1761 : i32 to index
        %parallel_loop3A_1763 = arith.constant 0 : index
        %parallel_loop3A_1764 = tpu.vector_load %arg8[%parallel_loop3A_1762, %parallel_loop3A_1763] {strides = array<i32>} : memref<2560x32xbf16, #tpu.memory_space<vmem>>, vector<32xbf16>,
        %parallel_loop3A_1765 = arith.mulf %parallel_loop3A_1764, %parallel_loop3A_1748 : vector<32xbf16>
        %parallel_loop3A_1766 = arith.addf %parallel_loop3A_1730, %parallel_loop3A_1765 : vector<32xbf16>
        %parallel_loop3A_1767 = arith.constant 2 : i32
        %parallel_loop3A_1768 = arith.addi %parallel_loop3A_1752, %parallel_loop3A_1767 : i32
        %parallel_loop3A_1769 = arith.index_cast %parallel_loop3A_1768 : i32 to index
        %parallel_loop3A_1770 = arith.constant 0 : index
        %parallel_loop3A_1771 = tpu.vector_load %arg8[%parallel_loop3A_1769, %parallel_loop3A_1770] {strides = array<i32>} : memref<2560x32xbf16, #tpu.memory_space<vmem>>, vector<32xbf16>,
        %parallel_loop3A_1772 = arith.mulf %parallel_loop3A_1771, %parallel_loop3A_1748 : vector<32xbf16>
        %parallel_loop3A_1773 = arith.addf %parallel_loop3A_1737, %parallel_loop3A_1772 : vector<32xbf16>
        %parallel_loop3A_1774 = arith.constant 3 : i32
        %parallel_loop3A_1775 = arith.addi %parallel_loop3A_1752, %parallel_loop3A_1774 : i32
        %parallel_loop3A_1776 = arith.index_cast %parallel_loop3A_1775 : i32 to index
        %parallel_loop3A_1777 = arith.constant 0 : index
        %parallel_loop3A_1778 = tpu.vector_load %arg8[%parallel_loop3A_1776, %parallel_loop3A_1777] {strides = array<i32>} : memref<2560x32xbf16, #tpu.memory_space<vmem>>, vector<32xbf16>,
        %parallel_loop3A_1779 = arith.mulf %parallel_loop3A_1778, %parallel_loop3A_1748 : vector<32xbf16>
        %parallel_loop3A_1780 = arith.addf %parallel_loop3A_1744, %parallel_loop3A_1779 : vector<32xbf16>
        %parallel_loop3A_1781 = arith.constant 18 : i32
        %parallel_loop3A_1782 = arith.index_cast %parallel_loop3A_1781 : i32 to index
        %parallel_loop3A_1783 = arith.constant 0 : index
        %parallel_loop3A_1784 = tpu.vector_load %arg12[%parallel_loop3A_1782, %parallel_loop3A_1783] {strides = array<i32>} : memref<20x32xbf16, #tpu.memory_space<vmem>>, vector<32xbf16>,
        %parallel_loop3A_1785 = arith.constant 4 : i32
        %parallel_loop3A_1786 = arith.muli %parallel_loop3A_1124, %parallel_loop3A_1785 : i32
        %parallel_loop3A_1787 = arith.constant 2304 : i32
        %parallel_loop3A_1788 = arith.addi %parallel_loop3A_1787, %parallel_loop3A_1786 : i32
        %parallel_loop3A_1789 = arith.constant 0 : i32
        %parallel_loop3A_1790 = arith.addi %parallel_loop3A_1788, %parallel_loop3A_1789 : i32
        %parallel_loop3A_1791 = arith.index_cast %parallel_loop3A_1790 : i32 to index
        %parallel_loop3A_1792 = arith.constant 0 : index
        %parallel_loop3A_1793 = tpu.vector_load %arg8[%parallel_loop3A_1791, %parallel_loop3A_1792] {strides = array<i32>} : memref<2560x32xbf16, #tpu.memory_space<vmem>>, vector<32xbf16>,
        %parallel_loop3A_1794 = arith.mulf %parallel_loop3A_1793, %parallel_loop3A_1784 : vector<32xbf16>
        %parallel_loop3A_1795 = arith.addf %parallel_loop3A_1759, %parallel_loop3A_1794 : vector<32xbf16>
        %parallel_loop3A_1796 = arith.constant 1 : i32
        %parallel_loop3A_1797 = arith.addi %parallel_loop3A_1788, %parallel_loop3A_1796 : i32
        %parallel_loop3A_1798 = arith.index_cast %parallel_loop3A_1797 : i32 to index
        %parallel_loop3A_1799 = arith.constant 0 : index
        %parallel_loop3A_1800 = tpu.vector_load %arg8[%parallel_loop3A_1798, %parallel_loop3A_1799] {strides = array<i32>} : memref<2560x32xbf16, #tpu.memory_space<vmem>>, vector<32xbf16>,
        %parallel_loop3A_1801 = arith.mulf %parallel_loop3A_1800, %parallel_loop3A_1784 : vector<32xbf16>
        %parallel_loop3A_1802 = arith.addf %parallel_loop3A_1766, %parallel_loop3A_1801 : vector<32xbf16>
        %parallel_loop3A_1803 = arith.constant 2 : i32
        %parallel_loop3A_1804 = arith.addi %parallel_loop3A_1788, %parallel_loop3A_1803 : i32
        %parallel_loop3A_1805 = arith.index_cast %parallel_loop3A_1804 : i32 to index
        %parallel_loop3A_1806 = arith.constant 0 : index
        %parallel_loop3A_1807 = tpu.vector_load %arg8[%parallel_loop3A_1805, %parallel_loop3A_1806] {strides = array<i32>} : memref<2560x32xbf16, #tpu.memory_space<vmem>>, vector<32xbf16>,
        %parallel_loop3A_1808 = arith.mulf %parallel_loop3A_1807, %parallel_loop3A_1784 : vector<32xbf16>
        %parallel_loop3A_1809 = arith.addf %parallel_loop3A_1773, %parallel_loop3A_1808 : vector<32xbf16>
        %parallel_loop3A_1810 = arith.constant 3 : i32
        %parallel_loop3A_1811 = arith.addi %parallel_loop3A_1788, %parallel_loop3A_1810 : i32
        %parallel_loop3A_1812 = arith.index_cast %parallel_loop3A_1811 : i32 to index
        %parallel_loop3A_1813 = arith.constant 0 : index
        %parallel_loop3A_1814 = tpu.vector_load %arg8[%parallel_loop3A_1812, %parallel_loop3A_1813] {strides = array<i32>} : memref<2560x32xbf16, #tpu.memory_space<vmem>>, vector<32xbf16>,
        %parallel_loop3A_1815 = arith.mulf %parallel_loop3A_1814, %parallel_loop3A_1784 : vector<32xbf16>
        %parallel_loop3A_1816 = arith.addf %parallel_loop3A_1780, %parallel_loop3A_1815 : vector<32xbf16>
        %parallel_loop3A_1817 = arith.constant 19 : i32
        %parallel_loop3A_1818 = arith.index_cast %parallel_loop3A_1817 : i32 to index
        %parallel_loop3A_1819 = arith.constant 0 : index
        %parallel_loop3A_1820 = tpu.vector_load %arg12[%parallel_loop3A_1818, %parallel_loop3A_1819] {strides = array<i32>} : memref<20x32xbf16, #tpu.memory_space<vmem>>, vector<32xbf16>,
        %parallel_loop3A_1821 = arith.constant 4 : i32
        %parallel_loop3A_1822 = arith.muli %parallel_loop3A_1124, %parallel_loop3A_1821 : i32
        %parallel_loop3A_1823 = arith.constant 2432 : i32
        %parallel_loop3A_1824 = arith.addi %parallel_loop3A_1823, %parallel_loop3A_1822 : i32
        %parallel_loop3A_1825 = arith.constant 0 : i32
        %parallel_loop3A_1826 = arith.addi %parallel_loop3A_1824, %parallel_loop3A_1825 : i32
        %parallel_loop3A_1827 = arith.index_cast %parallel_loop3A_1826 : i32 to index
        %parallel_loop3A_1828 = arith.constant 0 : index
        %parallel_loop3A_1829 = tpu.vector_load %arg8[%parallel_loop3A_1827, %parallel_loop3A_1828] {strides = array<i32>} : memref<2560x32xbf16, #tpu.memory_space<vmem>>, vector<32xbf16>,
        %parallel_loop3A_1830 = arith.mulf %parallel_loop3A_1829, %parallel_loop3A_1820 : vector<32xbf16>
        %parallel_loop3A_1831 = arith.addf %parallel_loop3A_1795, %parallel_loop3A_1830 : vector<32xbf16>
        %parallel_loop3A_1832 = arith.constant 1 : i32
        %parallel_loop3A_1833 = arith.addi %parallel_loop3A_1824, %parallel_loop3A_1832 : i32
        %parallel_loop3A_1834 = arith.index_cast %parallel_loop3A_1833 : i32 to index
        %parallel_loop3A_1835 = arith.constant 0 : index
        %parallel_loop3A_1836 = tpu.vector_load %arg8[%parallel_loop3A_1834, %parallel_loop3A_1835] {strides = array<i32>} : memref<2560x32xbf16, #tpu.memory_space<vmem>>, vector<32xbf16>,
        %parallel_loop3A_1837 = arith.mulf %parallel_loop3A_1836, %parallel_loop3A_1820 : vector<32xbf16>
        %parallel_loop3A_1838 = arith.addf %parallel_loop3A_1802, %parallel_loop3A_1837 : vector<32xbf16>
        %parallel_loop3A_1839 = arith.constant 2 : i32
        %parallel_loop3A_1840 = arith.addi %parallel_loop3A_1824, %parallel_loop3A_1839 : i32
        %parallel_loop3A_1841 = arith.index_cast %parallel_loop3A_1840 : i32 to index
        %parallel_loop3A_1842 = arith.constant 0 : index
        %parallel_loop3A_1843 = tpu.vector_load %arg8[%parallel_loop3A_1841, %parallel_loop3A_1842] {strides = array<i32>} : memref<2560x32xbf16, #tpu.memory_space<vmem>>, vector<32xbf16>,
        %parallel_loop3A_1844 = arith.mulf %parallel_loop3A_1843, %parallel_loop3A_1820 : vector<32xbf16>
        %parallel_loop3A_1845 = arith.addf %parallel_loop3A_1809, %parallel_loop3A_1844 : vector<32xbf16>
        %parallel_loop3A_1846 = arith.constant 3 : i32
        %parallel_loop3A_1847 = arith.addi %parallel_loop3A_1824, %parallel_loop3A_1846 : i32
        %parallel_loop3A_1848 = arith.index_cast %parallel_loop3A_1847 : i32 to index
        %parallel_loop3A_1849 = arith.constant 0 : index
        %parallel_loop3A_1850 = tpu.vector_load %arg8[%parallel_loop3A_1848, %parallel_loop3A_1849] {strides = array<i32>} : memref<2560x32xbf16, #tpu.memory_space<vmem>>, vector<32xbf16>,
        %parallel_loop3A_1851 = arith.mulf %parallel_loop3A_1850, %parallel_loop3A_1820 : vector<32xbf16>
        %parallel_loop3A_1852 = arith.addf %parallel_loop3A_1816, %parallel_loop3A_1851 : vector<32xbf16>
        %parallel_loop3A_1853 = arith.constant 4 : i32
        %parallel_loop3A_1854 = arith.muli %parallel_loop3A_1124, %parallel_loop3A_1853 : i32
        %parallel_loop3A_1855 = arith.constant 0 : i32
        %parallel_loop3A_1856 = arith.addi %parallel_loop3A_1854, %parallel_loop3A_1855 : i32
        %parallel_loop3A_1857 = vector.broadcast %parallel_loop3A_1856 : i32 to vector<16xi32>
        %parallel_loop3A_1858 = tpu.unpack_subelements %parallel_loop3A_1831, 0 {pack_format = #tpu.pack_format<interleaved>} : vector<32xbf16> -> vector<16xf32>
        %parallel_loop3A_1859 = tpu.unpack_subelements %parallel_loop3A_1831, 1 {pack_format = #tpu.pack_format<interleaved>} : vector<32xbf16> -> vector<16xf32>
        tpu.vector_store_idx %arg10[%mul3A_5, %parallel_loop3A_1857], %parallel_loop3A_1858 : memref<32x128xf32, #tpu.memory_space<vmem>>[vector<16xi32>, vector<16xi32>], vector<16xf32>,
        tpu.vector_store_idx %arg10[%add3A_8, %parallel_loop3A_1857], %parallel_loop3A_1859 : memref<32x128xf32, #tpu.memory_space<vmem>>[vector<16xi32>, vector<16xi32>], vector<16xf32>,
        %parallel_loop3A_1860 = arith.constant 4 : i32
        %parallel_loop3A_1861 = arith.muli %parallel_loop3A_1124, %parallel_loop3A_1860 : i32
        %parallel_loop3A_1862 = arith.constant 1 : i32
        %parallel_loop3A_1863 = arith.addi %parallel_loop3A_1861, %parallel_loop3A_1862 : i32
        %parallel_loop3A_1864 = vector.broadcast %parallel_loop3A_1863 : i32 to vector<16xi32>
        %parallel_loop3A_1865 = tpu.unpack_subelements %parallel_loop3A_1838, 0 {pack_format = #tpu.pack_format<interleaved>} : vector<32xbf16> -> vector<16xf32>
        %parallel_loop3A_1866 = tpu.unpack_subelements %parallel_loop3A_1838, 1 {pack_format = #tpu.pack_format<interleaved>} : vector<32xbf16> -> vector<16xf32>
        tpu.vector_store_idx %arg10[%mul3A_5, %parallel_loop3A_1864], %parallel_loop3A_1865 : memref<32x128xf32, #tpu.memory_space<vmem>>[vector<16xi32>, vector<16xi32>], vector<16xf32>,
        tpu.vector_store_idx %arg10[%add3A_8, %parallel_loop3A_1864], %parallel_loop3A_1866 : memref<32x128xf32, #tpu.memory_space<vmem>>[vector<16xi32>, vector<16xi32>], vector<16xf32>,
        %parallel_loop3A_1867 = arith.constant 4 : i32
        %parallel_loop3A_1868 = arith.muli %parallel_loop3A_1124, %parallel_loop3A_1867 : i32
        %parallel_loop3A_1869 = arith.constant 2 : i32
        %parallel_loop3A_1870 = arith.addi %parallel_loop3A_1868, %parallel_loop3A_1869 : i32
        %parallel_loop3A_1871 = vector.broadcast %parallel_loop3A_1870 : i32 to vector<16xi32>
        %parallel_loop3A_1872 = tpu.unpack_subelements %parallel_loop3A_1845, 0 {pack_format = #tpu.pack_format<interleaved>} : vector<32xbf16> -> vector<16xf32>
        %parallel_loop3A_1873 = tpu.unpack_subelements %parallel_loop3A_1845, 1 {pack_format = #tpu.pack_format<interleaved>} : vector<32xbf16> -> vector<16xf32>
        tpu.vector_store_idx %arg10[%mul3A_5, %parallel_loop3A_1871], %parallel_loop3A_1872 : memref<32x128xf32, #tpu.memory_space<vmem>>[vector<16xi32>, vector<16xi32>], vector<16xf32>,
        tpu.vector_store_idx %arg10[%add3A_8, %parallel_loop3A_1871], %parallel_loop3A_1873 : memref<32x128xf32, #tpu.memory_space<vmem>>[vector<16xi32>, vector<16xi32>], vector<16xf32>,
        %parallel_loop3A_1874 = arith.constant 4 : i32
        %parallel_loop3A_1875 = arith.muli %parallel_loop3A_1124, %parallel_loop3A_1874 : i32
        %parallel_loop3A_1876 = arith.constant 3 : i32
        %parallel_loop3A_1877 = arith.addi %parallel_loop3A_1875, %parallel_loop3A_1876 : i32
        %parallel_loop3A_1878 = vector.broadcast %parallel_loop3A_1877 : i32 to vector<16xi32>
        %parallel_loop3A_1879 = tpu.unpack_subelements %parallel_loop3A_1852, 0 {pack_format = #tpu.pack_format<interleaved>} : vector<32xbf16> -> vector<16xf32>
        %parallel_loop3A_1880 = tpu.unpack_subelements %parallel_loop3A_1852, 1 {pack_format = #tpu.pack_format<interleaved>} : vector<32xbf16> -> vector<16xf32>
        tpu.vector_store_idx %arg10[%mul3A_5, %parallel_loop3A_1878], %parallel_loop3A_1879 : memref<32x128xf32, #tpu.memory_space<vmem>>[vector<16xi32>, vector<16xi32>], vector<16xf32>,
        tpu.vector_store_idx %arg10[%add3A_8, %parallel_loop3A_1878], %parallel_loop3A_1880 : memref<32x128xf32, #tpu.memory_space<vmem>>[vector<16xi32>, vector<16xi32>], vector<16xf32>,
      } {sc.loop_unroll_factor = 2 : i64, sc.parallel_access}
      %dma_start3A_785 = arith.constant 0 : i32
      %dma_start3A_786 = arith.constant 0 : i32
      %dma_start3A_787 = arith.constant 0 : i32
      %dma_start3A_788 = tpu.memref_slice %arg10[%dma_start3A_786, %dma_start3A_787] : memref<32x128xf32, #tpu.memory_space<vmem>> -> memref<8x128xf32, #tpu.memory_space<vmem>>
      %dma_start3A_789 = arith.constant 0 : i32
      %dma_start3A_790 = arith.constant 0 : i32
      %dma_start3A_791 = tpu.memref_slice %arg5[%mul3A_365, %dma_start3A_785, %add3A, %dma_start3A_789, %dma_start3A_790] : memref<50x4x32x8x128xf32, #tpu.memory_space<hbm>> -> memref<1x1x1x8x128xf32, #tpu.memory_space<hbm>>
      %dma_start3A_792 = tpu.memref_squeeze %dma_start3A_791 : memref<1x1x1x8x128xf32, #tpu.memory_space<hbm>> -> memref<8x128xf32, #tpu.memory_space<hbm>>
      %dma_start3A_793 = arith.constant 0 : i32
      %dma_start3A_794 = arith.constant 0 : i32
      %dma_start3A_795 = tpu.memref_slice %arg5[%mul3A_365, %dma_start3A_785, %add3A, %dma_start3A_793, %dma_start3A_794] : memref<50x4x32x8x128xf32, #tpu.memory_space<hbm>> -> memref<1x1x1x8x128xf32, #tpu.memory_space<hbm>>
      %dma_start3A_796 = tpu.memref_squeeze %dma_start3A_795 : memref<1x1x1x8x128xf32, #tpu.memory_space<hbm>> -> memref<8x128xf32, #tpu.memory_space<hbm>>
      %dma_start3A_797 = arith.constant 0 : i32
      %dma_start3A_798 = arith.constant 0 : i32
      %dma_start3A_799 = tpu.memref_slice %arg10[%dma_start3A_797, %dma_start3A_798] : memref<32x128xf32, #tpu.memory_space<vmem>> -> memref<8x128xf32, #tpu.memory_space<vmem>>
      tpu.enqueue_dma source(%dma_start3A_799 : memref<8x128xf32, #tpu.memory_space<vmem>>) target(%dma_start3A_796 : memref<8x128xf32, #tpu.memory_space<hbm>>) target_semaphore(%arg17 : memref<!tpu.dma_semaphore, #tpu.memory_space<semaphore_mem>>)
      %dma_start3A_800 = arith.constant 1 : i32
      %dma_start3A_801 = arith.constant 8 : i32
      %dma_start3A_802 = arith.constant 0 : i32
      %dma_start3A_803 = tpu.memref_slice %arg10[%dma_start3A_801, %dma_start3A_802] : memref<32x128xf32, #tpu.memory_space<vmem>> -> memref<8x128xf32, #tpu.memory_space<vmem>>
      %dma_start3A_804 = arith.constant 0 : i32
      %dma_start3A_805 = arith.constant 0 : i32
      %dma_start3A_806 = tpu.memref_slice %arg5[%mul3A_365, %dma_start3A_800, %add3A, %dma_start3A_804, %dma_start3A_805] : memref<50x4x32x8x128xf32, #tpu.memory_space<hbm>> -> memref<1x1x1x8x128xf32, #tpu.memory_space<hbm>>
      %dma_start3A_807 = tpu.memref_squeeze %dma_start3A_806 : memref<1x1x1x8x128xf32, #tpu.memory_space<hbm>> -> memref<8x128xf32, #tpu.memory_space<hbm>>
      %dma_start3A_808 = arith.constant 0 : i32
      %dma_start3A_809 = arith.constant 0 : i32
      %dma_start3A_810 = tpu.memref_slice %arg5[%mul3A_365, %dma_start3A_800, %add3A, %dma_start3A_808, %dma_start3A_809] : memref<50x4x32x8x128xf32, #tpu.memory_space<hbm>> -> memref<1x1x1x8x128xf32, #tpu.memory_space<hbm>>
      %dma_start3A_811 = tpu.memref_squeeze %dma_start3A_810 : memref<1x1x1x8x128xf32, #tpu.memory_space<hbm>> -> memref<8x128xf32, #tpu.memory_space<hbm>>
      %dma_start3A_812 = arith.constant 8 : i32
      %dma_start3A_813 = arith.constant 0 : i32
      %dma_start3A_814 = tpu.memref_slice %arg10[%dma_start3A_812, %dma_start3A_813] : memref<32x128xf32, #tpu.memory_space<vmem>> -> memref<8x128xf32, #tpu.memory_space<vmem>>
      tpu.enqueue_dma source(%dma_start3A_814 : memref<8x128xf32, #tpu.memory_space<vmem>>) target(%dma_start3A_811 : memref<8x128xf32, #tpu.memory_space<hbm>>) target_semaphore(%arg17 : memref<!tpu.dma_semaphore, #tpu.memory_space<semaphore_mem>>)
      %dma_start3A_815 = arith.constant 2 : i32
      %dma_start3A_816 = arith.constant 16 : i32
      %dma_start3A_817 = arith.constant 0 : i32
      %dma_start3A_818 = tpu.memref_slice %arg10[%dma_start3A_816, %dma_start3A_817] : memref<32x128xf32, #tpu.memory_space<vmem>> -> memref<8x128xf32, #tpu.memory_space<vmem>>
      %dma_start3A_819 = arith.constant 0 : i32
      %dma_start3A_820 = arith.constant 0 : i32
      %dma_start3A_821 = tpu.memref_slice %arg5[%mul3A_365, %dma_start3A_815, %add3A, %dma_start3A_819, %dma_start3A_820] : memref<50x4x32x8x128xf32, #tpu.memory_space<hbm>> -> memref<1x1x1x8x128xf32, #tpu.memory_space<hbm>>
      %dma_start3A_822 = tpu.memref_squeeze %dma_start3A_821 : memref<1x1x1x8x128xf32, #tpu.memory_space<hbm>> -> memref<8x128xf32, #tpu.memory_space<hbm>>
      %dma_start3A_823 = arith.constant 0 : i32
      %dma_start3A_824 = arith.constant 0 : i32
      %dma_start3A_825 = tpu.memref_slice %arg5[%mul3A_365, %dma_start3A_815, %add3A, %dma_start3A_823, %dma_start3A_824] : memref<50x4x32x8x128xf32, #tpu.memory_space<hbm>> -> memref<1x1x1x8x128xf32, #tpu.memory_space<hbm>>
      %dma_start3A_826 = tpu.memref_squeeze %dma_start3A_825 : memref<1x1x1x8x128xf32, #tpu.memory_space<hbm>> -> memref<8x128xf32, #tpu.memory_space<hbm>>
      %dma_start3A_827 = arith.constant 16 : i32
      %dma_start3A_828 = arith.constant 0 : i32
      %dma_start3A_829 = tpu.memref_slice %arg10[%dma_start3A_827, %dma_start3A_828] : memref<32x128xf32, #tpu.memory_space<vmem>> -> memref<8x128xf32, #tpu.memory_space<vmem>>
      tpu.enqueue_dma source(%dma_start3A_829 : memref<8x128xf32, #tpu.memory_space<vmem>>) target(%dma_start3A_826 : memref<8x128xf32, #tpu.memory_space<hbm>>) target_semaphore(%arg17 : memref<!tpu.dma_semaphore, #tpu.memory_space<semaphore_mem>>)
      %dma_start3A_830 = arith.constant 3 : i32
      %dma_start3A_831 = arith.constant 24 : i32
      %dma_start3A_832 = arith.constant 0 : i32
      %dma_start3A_833 = tpu.memref_slice %arg10[%dma_start3A_831, %dma_start3A_832] : memref<32x128xf32, #tpu.memory_space<vmem>> -> memref<8x128xf32, #tpu.memory_space<vmem>>
      %dma_start3A_834 = arith.constant 0 : i32
      %dma_start3A_835 = arith.constant 0 : i32
      %dma_start3A_836 = tpu.memref_slice %arg5[%mul3A_365, %dma_start3A_830, %add3A, %dma_start3A_834, %dma_start3A_835] : memref<50x4x32x8x128xf32, #tpu.memory_space<hbm>> -> memref<1x1x1x8x128xf32, #tpu.memory_space<hbm>>
      %dma_start3A_837 = tpu.memref_squeeze %dma_start3A_836 : memref<1x1x1x8x128xf32, #tpu.memory_space<hbm>> -> memref<8x128xf32, #tpu.memory_space<hbm>>
      %dma_start3A_838 = arith.constant 0 : i32
      %dma_start3A_839 = arith.constant 0 : i32
      %dma_start3A_840 = tpu.memref_slice %arg5[%mul3A_365, %dma_start3A_830, %add3A, %dma_start3A_838, %dma_start3A_839] : memref<50x4x32x8x128xf32, #tpu.memory_space<hbm>> -> memref<1x1x1x8x128xf32, #tpu.memory_space<hbm>>
      %dma_start3A_841 = tpu.memref_squeeze %dma_start3A_840 : memref<1x1x1x8x128xf32, #tpu.memory_space<hbm>> -> memref<8x128xf32, #tpu.memory_space<hbm>>
      %dma_start3A_842 = arith.constant 24 : i32
      %dma_start3A_843 = arith.constant 0 : i32
      %dma_start3A_844 = tpu.memref_slice %arg10[%dma_start3A_842, %dma_start3A_843] : memref<32x128xf32, #tpu.memory_space<vmem>> -> memref<8x128xf32, #tpu.memory_space<vmem>>
      tpu.enqueue_dma source(%dma_start3A_844 : memref<8x128xf32, #tpu.memory_space<vmem>>) target(%dma_start3A_841 : memref<8x128xf32, #tpu.memory_space<hbm>>) target_semaphore(%arg17 : memref<!tpu.dma_semaphore, #tpu.memory_space<semaphore_mem>>)
      %not3A_845 = arith.constant true
      %not3A_846 = arith.xori %ge3A_368, %not3A_845 : i1
      %convert_element_type3A_847 = arith.extui %not3A_846 : i1 to i32
      %cond3A_848 = arith.constant 0 : i32
      %cond3A_849 = arith.cmpi ne, %convert_element_type3A_847, %cond3A_848 : i32
      scf.if %cond3A_849 {
        %dma_wait3A_1124 = arith.constant 0 : i32
        %dma_wait3A_1125 = arith.constant 0 : i32
        %dma_wait3A_1126 = tpu.memref_slice %arg2[%dma_wait3A_1125, %dma_wait3A_1124, %mul3A_2] : memref<20x50x4096xi32, #tpu.memory_space<hbm>> -> memref<20x1x128xi32, #tpu.memory_space<hbm>>
        %dma_wait3A_1127 = tpu.memref_squeeze %dma_wait3A_1126 : memref<20x1x128xi32, #tpu.memory_space<hbm>> -> memref<20x128xi32, #tpu.memory_space<hbm>>
        %dma_wait3A_1128 = arith.constant 0 : i32
        %dma_wait3A_1129 = tpu.memref_slice %arg2[%dma_wait3A_1128, %dma_wait3A_1124, %mul3A_2] : memref<20x50x4096xi32, #tpu.memory_space<hbm>> -> memref<20x1x128xi32, #tpu.memory_space<hbm>>
        %dma_wait3A_1130 = tpu.memref_squeeze %dma_wait3A_1129 : memref<20x1x128xi32, #tpu.memory_space<hbm>> -> memref<20x128xi32, #tpu.memory_space<hbm>>
        tpu.wait_dma2 semaphore(%arg13 : memref<!tpu.dma_semaphore, #tpu.memory_space<semaphore_mem>>) src(%dma_wait3A_1130 : memref<20x128xi32, #tpu.memory_space<hbm>>) dst(%arg6 : memref<20x128xi32, #tpu.memory_space<vmem>>)
        %dma_start3A_1131 = arith.constant 0 : i32
        %dma_start3A_1132 = arith.constant 0 : i32
        %dma_start3A_1133 = arith.constant 0 : i32
        %dma_start3A_1134 = tpu.memref_slice %arg8[%dma_start3A_1132, %dma_start3A_1133] : memref<2560x32xbf16, #tpu.memory_space<vmem>> -> memref<128x32xbf16, #tpu.memory_space<vmem>>
        %dma_start3A_1135 = arith.constant 0 : i32
        %dma_start3A_1136 = tpu.memref_slice %arg6[%dma_start3A_1131, %dma_start3A_1135] : memref<20x128xi32, #tpu.memory_space<vmem>> -> memref<1x128xi32, #tpu.memory_space<vmem>>
        %dma_start3A_1137 = tpu.memref_squeeze %dma_start3A_1136 : memref<1x128xi32, #tpu.memory_space<vmem>> -> memref<128xi32, #tpu.memory_space<vmem>>
        %dma_start3A_1138 = arith.constant 0 : i32
        %dma_start3A_1139 = arith.constant 0 : i32
        %dma_start3A_1140 = tpu.memref_slice %arg3[%dma_start3A_1138, %dma_start3A_1139] : memref<100001x32xbf16, #tpu.memory_space<hbm>> -> memref<100001x32xbf16, #tpu.memory_space<hbm>>
        tpu.enqueue_indirect_dma source(%dma_start3A_1140 : memref<100001x32xbf16, #tpu.memory_space<hbm>>) target(%dma_start3A_1134 : memref<128x32xbf16, #tpu.memory_space<vmem>>) offsets(%dma_start3A_1137 : memref<128xi32, #tpu.memory_space<vmem>>) semaphore(%arg15 : memref<!tpu.dma_semaphore, #tpu.memory_space<semaphore_mem>>)
        %dma_start3A_1141 = arith.constant 1 : i32
        %dma_start3A_1142 = arith.constant 128 : i32
        %dma_start3A_1143 = arith.constant 0 : i32
        %dma_start3A_1144 = tpu.memref_slice %arg8[%dma_start3A_1142, %dma_start3A_1143] : memref<2560x32xbf16, #tpu.memory_space<vmem>> -> memref<128x32xbf16, #tpu.memory_space<vmem>>
        %dma_start3A_1145 = arith.constant 0 : i32
        %dma_start3A_1146 = tpu.memref_slice %arg6[%dma_start3A_1141, %dma_start3A_1145] : memref<20x128xi32, #tpu.memory_space<vmem>> -> memref<1x128xi32, #tpu.memory_space<vmem>>
        %dma_start3A_1147 = tpu.memref_squeeze %dma_start3A_1146 : memref<1x128xi32, #tpu.memory_space<vmem>> -> memref<128xi32, #tpu.memory_space<vmem>>
        %dma_start3A_1148 = arith.constant 0 : i32
        %dma_start3A_1149 = arith.constant 0 : i32
        %dma_start3A_1150 = tpu.memref_slice %arg3[%dma_start3A_1148, %dma_start3A_1149] : memref<100001x32xbf16, #tpu.memory_space<hbm>> -> memref<100001x32xbf16, #tpu.memory_space<hbm>>
        tpu.enqueue_indirect_dma source(%dma_start3A_1150 : memref<100001x32xbf16, #tpu.memory_space<hbm>>) target(%dma_start3A_1144 : memref<128x32xbf16, #tpu.memory_space<vmem>>) offsets(%dma_start3A_1147 : memref<128xi32, #tpu.memory_space<vmem>>) semaphore(%arg15 : memref<!tpu.dma_semaphore, #tpu.memory_space<semaphore_mem>>)
        %dma_start3A_1151 = arith.constant 2 : i32
        %dma_start3A_1152 = arith.constant 256 : i32
        %dma_start3A_1153 = arith.constant 0 : i32
        %dma_start3A_1154 = tpu.memref_slice %arg8[%dma_start3A_1152, %dma_start3A_1153] : memref<2560x32xbf16, #tpu.memory_space<vmem>> -> memref<128x32xbf16, #tpu.memory_space<vmem>>
        %dma_start3A_1155 = arith.constant 0 : i32
        %dma_start3A_1156 = tpu.memref_slice %arg6[%dma_start3A_1151, %dma_start3A_1155] : memref<20x128xi32, #tpu.memory_space<vmem>> -> memref<1x128xi32, #tpu.memory_space<vmem>>
        %dma_start3A_1157 = tpu.memref_squeeze %dma_start3A_1156 : memref<1x128xi32, #tpu.memory_space<vmem>> -> memref<128xi32, #tpu.memory_space<vmem>>
        %dma_start3A_1158 = arith.constant 0 : i32
        %dma_start3A_1159 = arith.constant 0 : i32
        %dma_start3A_1160 = tpu.memref_slice %arg3[%dma_start3A_1158, %dma_start3A_1159] : memref<100001x32xbf16, #tpu.memory_space<hbm>> -> memref<100001x32xbf16, #tpu.memory_space<hbm>>
        tpu.enqueue_indirect_dma source(%dma_start3A_1160 : memref<100001x32xbf16, #tpu.memory_space<hbm>>) target(%dma_start3A_1154 : memref<128x32xbf16, #tpu.memory_space<vmem>>) offsets(%dma_start3A_1157 : memref<128xi32, #tpu.memory_space<vmem>>) semaphore(%arg15 : memref<!tpu.dma_semaphore, #tpu.memory_space<semaphore_mem>>)
        %dma_start3A_1161 = arith.constant 3 : i32
        %dma_start3A_1162 = arith.constant 384 : i32
        %dma_start3A_1163 = arith.constant 0 : i32
        %dma_start3A_1164 = tpu.memref_slice %arg8[%dma_start3A_1162, %dma_start3A_1163] : memref<2560x32xbf16, #tpu.memory_space<vmem>> -> memref<128x32xbf16, #tpu.memory_space<vmem>>
        %dma_start3A_1165 = arith.constant 0 : i32
        %dma_start3A_1166 = tpu.memref_slice %arg6[%dma_start3A_1161, %dma_start3A_1165] : memref<20x128xi32, #tpu.memory_space<vmem>> -> memref<1x128xi32, #tpu.memory_space<vmem>>
        %dma_start3A_1167 = tpu.memref_squeeze %dma_start3A_1166 : memref<1x128xi32, #tpu.memory_space<vmem>> -> memref<128xi32, #tpu.memory_space<vmem>>
        %dma_start3A_1168 = arith.constant 0 : i32
        %dma_start3A_1169 = arith.constant 0 : i32
        %dma_start3A_1170 = tpu.memref_slice %arg3[%dma_start3A_1168, %dma_start3A_1169] : memref<100001x32xbf16, #tpu.memory_space<hbm>> -> memref<100001x32xbf16, #tpu.memory_space<hbm>>
        tpu.enqueue_indirect_dma source(%dma_start3A_1170 : memref<100001x32xbf16, #tpu.memory_space<hbm>>) target(%dma_start3A_1164 : memref<128x32xbf16, #tpu.memory_space<vmem>>) offsets(%dma_start3A_1167 : memref<128xi32, #tpu.memory_space<vmem>>) semaphore(%arg15 : memref<!tpu.dma_semaphore, #tpu.memory_space<semaphore_mem>>)
        %dma_start3A_1171 = arith.constant 4 : i32
        %dma_start3A_1172 = arith.constant 512 : i32
        %dma_start3A_1173 = arith.constant 0 : i32
        %dma_start3A_1174 = tpu.memref_slice %arg8[%dma_start3A_1172, %dma_start3A_1173] : memref<2560x32xbf16, #tpu.memory_space<vmem>> -> memref<128x32xbf16, #tpu.memory_space<vmem>>
        %dma_start3A_1175 = arith.constant 0 : i32
        %dma_start3A_1176 = tpu.memref_slice %arg6[%dma_start3A_1171, %dma_start3A_1175] : memref<20x128xi32, #tpu.memory_space<vmem>> -> memref<1x128xi32, #tpu.memory_space<vmem>>
        %dma_start3A_1177 = tpu.memref_squeeze %dma_start3A_1176 : memref<1x128xi32, #tpu.memory_space<vmem>> -> memref<128xi32, #tpu.memory_space<vmem>>
        %dma_start3A_1178 = arith.constant 0 : i32
        %dma_start3A_1179 = arith.constant 0 : i32
        %dma_start3A_1180 = tpu.memref_slice %arg3[%dma_start3A_1178, %dma_start3A_1179] : memref<100001x32xbf16, #tpu.memory_space<hbm>> -> memref<100001x32xbf16, #tpu.memory_space<hbm>>
        tpu.enqueue_indirect_dma source(%dma_start3A_1180 : memref<100001x32xbf16, #tpu.memory_space<hbm>>) target(%dma_start3A_1174 : memref<128x32xbf16, #tpu.memory_space<vmem>>) offsets(%dma_start3A_1177 : memref<128xi32, #tpu.memory_space<vmem>>) semaphore(%arg15 : memref<!tpu.dma_semaphore, #tpu.memory_space<semaphore_mem>>)
        %dma_start3A_1181 = arith.constant 5 : i32
        %dma_start3A_1182 = arith.constant 640 : i32
        %dma_start3A_1183 = arith.constant 0 : i32
        %dma_start3A_1184 = tpu.memref_slice %arg8[%dma_start3A_1182, %dma_start3A_1183] : memref<2560x32xbf16, #tpu.memory_space<vmem>> -> memref<128x32xbf16, #tpu.memory_space<vmem>>
        %dma_start3A_1185 = arith.constant 0 : i32
        %dma_start3A_1186 = tpu.memref_slice %arg6[%dma_start3A_1181, %dma_start3A_1185] : memref<20x128xi32, #tpu.memory_space<vmem>> -> memref<1x128xi32, #tpu.memory_space<vmem>>
        %dma_start3A_1187 = tpu.memref_squeeze %dma_start3A_1186 : memref<1x128xi32, #tpu.memory_space<vmem>> -> memref<128xi32, #tpu.memory_space<vmem>>
        %dma_start3A_1188 = arith.constant 0 : i32
        %dma_start3A_1189 = arith.constant 0 : i32
        %dma_start3A_1190 = tpu.memref_slice %arg3[%dma_start3A_1188, %dma_start3A_1189] : memref<100001x32xbf16, #tpu.memory_space<hbm>> -> memref<100001x32xbf16, #tpu.memory_space<hbm>>
        tpu.enqueue_indirect_dma source(%dma_start3A_1190 : memref<100001x32xbf16, #tpu.memory_space<hbm>>) target(%dma_start3A_1184 : memref<128x32xbf16, #tpu.memory_space<vmem>>) offsets(%dma_start3A_1187 : memref<128xi32, #tpu.memory_space<vmem>>) semaphore(%arg15 : memref<!tpu.dma_semaphore, #tpu.memory_space<semaphore_mem>>)
        %dma_start3A_1191 = arith.constant 6 : i32
        %dma_start3A_1192 = arith.constant 768 : i32
        %dma_start3A_1193 = arith.constant 0 : i32
        %dma_start3A_1194 = tpu.memref_slice %arg8[%dma_start3A_1192, %dma_start3A_1193] : memref<2560x32xbf16, #tpu.memory_space<vmem>> -> memref<128x32xbf16, #tpu.memory_space<vmem>>
        %dma_start3A_1195 = arith.constant 0 : i32
        %dma_start3A_1196 = tpu.memref_slice %arg6[%dma_start3A_1191, %dma_start3A_1195] : memref<20x128xi32, #tpu.memory_space<vmem>> -> memref<1x128xi32, #tpu.memory_space<vmem>>
        %dma_start3A_1197 = tpu.memref_squeeze %dma_start3A_1196 : memref<1x128xi32, #tpu.memory_space<vmem>> -> memref<128xi32, #tpu.memory_space<vmem>>
        %dma_start3A_1198 = arith.constant 0 : i32
        %dma_start3A_1199 = arith.constant 0 : i32
        %dma_start3A_1200 = tpu.memref_slice %arg3[%dma_start3A_1198, %dma_start3A_1199] : memref<100001x32xbf16, #tpu.memory_space<hbm>> -> memref<100001x32xbf16, #tpu.memory_space<hbm>>
        tpu.enqueue_indirect_dma source(%dma_start3A_1200 : memref<100001x32xbf16, #tpu.memory_space<hbm>>) target(%dma_start3A_1194 : memref<128x32xbf16, #tpu.memory_space<vmem>>) offsets(%dma_start3A_1197 : memref<128xi32, #tpu.memory_space<vmem>>) semaphore(%arg15 : memref<!tpu.dma_semaphore, #tpu.memory_space<semaphore_mem>>)
        %dma_start3A_1201 = arith.constant 7 : i32
        %dma_start3A_1202 = arith.constant 896 : i32
        %dma_start3A_1203 = arith.constant 0 : i32
        %dma_start3A_1204 = tpu.memref_slice %arg8[%dma_start3A_1202, %dma_start3A_1203] : memref<2560x32xbf16, #tpu.memory_space<vmem>> -> memref<128x32xbf16, #tpu.memory_space<vmem>>
        %dma_start3A_1205 = arith.constant 0 : i32
        %dma_start3A_1206 = tpu.memref_slice %arg6[%dma_start3A_1201, %dma_start3A_1205] : memref<20x128xi32, #tpu.memory_space<vmem>> -> memref<1x128xi32, #tpu.memory_space<vmem>>
        %dma_start3A_1207 = tpu.memref_squeeze %dma_start3A_1206 : memref<1x128xi32, #tpu.memory_space<vmem>> -> memref<128xi32, #tpu.memory_space<vmem>>
        %dma_start3A_1208 = arith.constant 0 : i32
        %dma_start3A_1209 = arith.constant 0 : i32
        %dma_start3A_1210 = tpu.memref_slice %arg3[%dma_start3A_1208, %dma_start3A_1209] : memref<100001x32xbf16, #tpu.memory_space<hbm>> -> memref<100001x32xbf16, #tpu.memory_space<hbm>>
        tpu.enqueue_indirect_dma source(%dma_start3A_1210 : memref<100001x32xbf16, #tpu.memory_space<hbm>>) target(%dma_start3A_1204 : memref<128x32xbf16, #tpu.memory_space<vmem>>) offsets(%dma_start3A_1207 : memref<128xi32, #tpu.memory_space<vmem>>) semaphore(%arg15 : memref<!tpu.dma_semaphore, #tpu.memory_space<semaphore_mem>>)
        %dma_start3A_1211 = arith.constant 8 : i32
        %dma_start3A_1212 = arith.constant 1024 : i32
        %dma_start3A_1213 = arith.constant 0 : i32
        %dma_start3A_1214 = tpu.memref_slice %arg8[%dma_start3A_1212, %dma_start3A_1213] : memref<2560x32xbf16, #tpu.memory_space<vmem>> -> memref<128x32xbf16, #tpu.memory_space<vmem>>
        %dma_start3A_1215 = arith.constant 0 : i32
        %dma_start3A_1216 = tpu.memref_slice %arg6[%dma_start3A_1211, %dma_start3A_1215] : memref<20x128xi32, #tpu.memory_space<vmem>> -> memref<1x128xi32, #tpu.memory_space<vmem>>
        %dma_start3A_1217 = tpu.memref_squeeze %dma_start3A_1216 : memref<1x128xi32, #tpu.memory_space<vmem>> -> memref<128xi32, #tpu.memory_space<vmem>>
        %dma_start3A_1218 = arith.constant 0 : i32
        %dma_start3A_1219 = arith.constant 0 : i32
        %dma_start3A_1220 = tpu.memref_slice %arg3[%dma_start3A_1218, %dma_start3A_1219] : memref<100001x32xbf16, #tpu.memory_space<hbm>> -> memref<100001x32xbf16, #tpu.memory_space<hbm>>
        tpu.enqueue_indirect_dma source(%dma_start3A_1220 : memref<100001x32xbf16, #tpu.memory_space<hbm>>) target(%dma_start3A_1214 : memref<128x32xbf16, #tpu.memory_space<vmem>>) offsets(%dma_start3A_1217 : memref<128xi32, #tpu.memory_space<vmem>>) semaphore(%arg15 : memref<!tpu.dma_semaphore, #tpu.memory_space<semaphore_mem>>)
        %dma_start3A_1221 = arith.constant 9 : i32
        %dma_start3A_1222 = arith.constant 1152 : i32
        %dma_start3A_1223 = arith.constant 0 : i32
        %dma_start3A_1224 = tpu.memref_slice %arg8[%dma_start3A_1222, %dma_start3A_1223] : memref<2560x32xbf16, #tpu.memory_space<vmem>> -> memref<128x32xbf16, #tpu.memory_space<vmem>>
        %dma_start3A_1225 = arith.constant 0 : i32
        %dma_start3A_1226 = tpu.memref_slice %arg6[%dma_start3A_1221, %dma_start3A_1225] : memref<20x128xi32, #tpu.memory_space<vmem>> -> memref<1x128xi32, #tpu.memory_space<vmem>>
        %dma_start3A_1227 = tpu.memref_squeeze %dma_start3A_1226 : memref<1x128xi32, #tpu.memory_space<vmem>> -> memref<128xi32, #tpu.memory_space<vmem>>
        %dma_start3A_1228 = arith.constant 0 : i32
        %dma_start3A_1229 = arith.constant 0 : i32
        %dma_start3A_1230 = tpu.memref_slice %arg3[%dma_start3A_1228, %dma_start3A_1229] : memref<100001x32xbf16, #tpu.memory_space<hbm>> -> memref<100001x32xbf16, #tpu.memory_space<hbm>>
        tpu.enqueue_indirect_dma source(%dma_start3A_1230 : memref<100001x32xbf16, #tpu.memory_space<hbm>>) target(%dma_start3A_1224 : memref<128x32xbf16, #tpu.memory_space<vmem>>) offsets(%dma_start3A_1227 : memref<128xi32, #tpu.memory_space<vmem>>) semaphore(%arg15 : memref<!tpu.dma_semaphore, #tpu.memory_space<semaphore_mem>>)
        %dma_start3A_1231 = arith.constant 10 : i32
        %dma_start3A_1232 = arith.constant 1280 : i32
        %dma_start3A_1233 = arith.constant 0 : i32
        %dma_start3A_1234 = tpu.memref_slice %arg8[%dma_start3A_1232, %dma_start3A_1233] : memref<2560x32xbf16, #tpu.memory_space<vmem>> -> memref<128x32xbf16, #tpu.memory_space<vmem>>
        %dma_start3A_1235 = arith.constant 0 : i32
        %dma_start3A_1236 = tpu.memref_slice %arg6[%dma_start3A_1231, %dma_start3A_1235] : memref<20x128xi32, #tpu.memory_space<vmem>> -> memref<1x128xi32, #tpu.memory_space<vmem>>
        %dma_start3A_1237 = tpu.memref_squeeze %dma_start3A_1236 : memref<1x128xi32, #tpu.memory_space<vmem>> -> memref<128xi32, #tpu.memory_space<vmem>>
        %dma_start3A_1238 = arith.constant 0 : i32
        %dma_start3A_1239 = arith.constant 0 : i32
        %dma_start3A_1240 = tpu.memref_slice %arg3[%dma_start3A_1238, %dma_start3A_1239] : memref<100001x32xbf16, #tpu.memory_space<hbm>> -> memref<100001x32xbf16, #tpu.memory_space<hbm>>
        tpu.enqueue_indirect_dma source(%dma_start3A_1240 : memref<100001x32xbf16, #tpu.memory_space<hbm>>) target(%dma_start3A_1234 : memref<128x32xbf16, #tpu.memory_space<vmem>>) offsets(%dma_start3A_1237 : memref<128xi32, #tpu.memory_space<vmem>>) semaphore(%arg15 : memref<!tpu.dma_semaphore, #tpu.memory_space<semaphore_mem>>)
        %dma_start3A_1241 = arith.constant 11 : i32
        %dma_start3A_1242 = arith.constant 1408 : i32
        %dma_start3A_1243 = arith.constant 0 : i32
        %dma_start3A_1244 = tpu.memref_slice %arg8[%dma_start3A_1242, %dma_start3A_1243] : memref<2560x32xbf16, #tpu.memory_space<vmem>> -> memref<128x32xbf16, #tpu.memory_space<vmem>>
        %dma_start3A_1245 = arith.constant 0 : i32
        %dma_start3A_1246 = tpu.memref_slice %arg6[%dma_start3A_1241, %dma_start3A_1245] : memref<20x128xi32, #tpu.memory_space<vmem>> -> memref<1x128xi32, #tpu.memory_space<vmem>>
        %dma_start3A_1247 = tpu.memref_squeeze %dma_start3A_1246 : memref<1x128xi32, #tpu.memory_space<vmem>> -> memref<128xi32, #tpu.memory_space<vmem>>
        %dma_start3A_1248 = arith.constant 0 : i32
        %dma_start3A_1249 = arith.constant 0 : i32
        %dma_start3A_1250 = tpu.memref_slice %arg3[%dma_start3A_1248, %dma_start3A_1249] : memref<100001x32xbf16, #tpu.memory_space<hbm>> -> memref<100001x32xbf16, #tpu.memory_space<hbm>>
        tpu.enqueue_indirect_dma source(%dma_start3A_1250 : memref<100001x32xbf16, #tpu.memory_space<hbm>>) target(%dma_start3A_1244 : memref<128x32xbf16, #tpu.memory_space<vmem>>) offsets(%dma_start3A_1247 : memref<128xi32, #tpu.memory_space<vmem>>) semaphore(%arg15 : memref<!tpu.dma_semaphore, #tpu.memory_space<semaphore_mem>>)
        %dma_start3A_1251 = arith.constant 12 : i32
        %dma_start3A_1252 = arith.constant 1536 : i32
        %dma_start3A_1253 = arith.constant 0 : i32
        %dma_start3A_1254 = tpu.memref_slice %arg8[%dma_start3A_1252, %dma_start3A_1253] : memref<2560x32xbf16, #tpu.memory_space<vmem>> -> memref<128x32xbf16, #tpu.memory_space<vmem>>
        %dma_start3A_1255 = arith.constant 0 : i32
        %dma_start3A_1256 = tpu.memref_slice %arg6[%dma_start3A_1251, %dma_start3A_1255] : memref<20x128xi32, #tpu.memory_space<vmem>> -> memref<1x128xi32, #tpu.memory_space<vmem>>
        %dma_start3A_1257 = tpu.memref_squeeze %dma_start3A_1256 : memref<1x128xi32, #tpu.memory_space<vmem>> -> memref<128xi32, #tpu.memory_space<vmem>>
        %dma_start3A_1258 = arith.constant 0 : i32
        %dma_start3A_1259 = arith.constant 0 : i32
        %dma_start3A_1260 = tpu.memref_slice %arg3[%dma_start3A_1258, %dma_start3A_1259] : memref<100001x32xbf16, #tpu.memory_space<hbm>> -> memref<100001x32xbf16, #tpu.memory_space<hbm>>
        tpu.enqueue_indirect_dma source(%dma_start3A_1260 : memref<100001x32xbf16, #tpu.memory_space<hbm>>) target(%dma_start3A_1254 : memref<128x32xbf16, #tpu.memory_space<vmem>>) offsets(%dma_start3A_1257 : memref<128xi32, #tpu.memory_space<vmem>>) semaphore(%arg15 : memref<!tpu.dma_semaphore, #tpu.memory_space<semaphore_mem>>)
        %dma_start3A_1261 = arith.constant 13 : i32
        %dma_start3A_1262 = arith.constant 1664 : i32
        %dma_start3A_1263 = arith.constant 0 : i32
        %dma_start3A_1264 = tpu.memref_slice %arg8[%dma_start3A_1262, %dma_start3A_1263] : memref<2560x32xbf16, #tpu.memory_space<vmem>> -> memref<128x32xbf16, #tpu.memory_space<vmem>>
        %dma_start3A_1265 = arith.constant 0 : i32
        %dma_start3A_1266 = tpu.memref_slice %arg6[%dma_start3A_1261, %dma_start3A_1265] : memref<20x128xi32, #tpu.memory_space<vmem>> -> memref<1x128xi32, #tpu.memory_space<vmem>>
        %dma_start3A_1267 = tpu.memref_squeeze %dma_start3A_1266 : memref<1x128xi32, #tpu.memory_space<vmem>> -> memref<128xi32, #tpu.memory_space<vmem>>
        %dma_start3A_1268 = arith.constant 0 : i32
        %dma_start3A_1269 = arith.constant 0 : i32
        %dma_start3A_1270 = tpu.memref_slice %arg3[%dma_start3A_1268, %dma_start3A_1269] : memref<100001x32xbf16, #tpu.memory_space<hbm>> -> memref<100001x32xbf16, #tpu.memory_space<hbm>>
        tpu.enqueue_indirect_dma source(%dma_start3A_1270 : memref<100001x32xbf16, #tpu.memory_space<hbm>>) target(%dma_start3A_1264 : memref<128x32xbf16, #tpu.memory_space<vmem>>) offsets(%dma_start3A_1267 : memref<128xi32, #tpu.memory_space<vmem>>) semaphore(%arg15 : memref<!tpu.dma_semaphore, #tpu.memory_space<semaphore_mem>>)
        %dma_start3A_1271 = arith.constant 14 : i32
        %dma_start3A_1272 = arith.constant 1792 : i32
        %dma_start3A_1273 = arith.constant 0 : i32
        %dma_start3A_1274 = tpu.memref_slice %arg8[%dma_start3A_1272, %dma_start3A_1273] : memref<2560x32xbf16, #tpu.memory_space<vmem>> -> memref<128x32xbf16, #tpu.memory_space<vmem>>
        %dma_start3A_1275 = arith.constant 0 : i32
        %dma_start3A_1276 = tpu.memref_slice %arg6[%dma_start3A_1271, %dma_start3A_1275] : memref<20x128xi32, #tpu.memory_space<vmem>> -> memref<1x128xi32, #tpu.memory_space<vmem>>
        %dma_start3A_1277 = tpu.memref_squeeze %dma_start3A_1276 : memref<1x128xi32, #tpu.memory_space<vmem>> -> memref<128xi32, #tpu.memory_space<vmem>>
        %dma_start3A_1278 = arith.constant 0 : i32
        %dma_start3A_1279 = arith.constant 0 : i32
        %dma_start3A_1280 = tpu.memref_slice %arg3[%dma_start3A_1278, %dma_start3A_1279] : memref<100001x32xbf16, #tpu.memory_space<hbm>> -> memref<100001x32xbf16, #tpu.memory_space<hbm>>
        tpu.enqueue_indirect_dma source(%dma_start3A_1280 : memref<100001x32xbf16, #tpu.memory_space<hbm>>) target(%dma_start3A_1274 : memref<128x32xbf16, #tpu.memory_space<vmem>>) offsets(%dma_start3A_1277 : memref<128xi32, #tpu.memory_space<vmem>>) semaphore(%arg15 : memref<!tpu.dma_semaphore, #tpu.memory_space<semaphore_mem>>)
        %dma_start3A_1281 = arith.constant 15 : i32
        %dma_start3A_1282 = arith.constant 1920 : i32
        %dma_start3A_1283 = arith.constant 0 : i32
        %dma_start3A_1284 = tpu.memref_slice %arg8[%dma_start3A_1282, %dma_start3A_1283] : memref<2560x32xbf16, #tpu.memory_space<vmem>> -> memref<128x32xbf16, #tpu.memory_space<vmem>>
        %dma_start3A_1285 = arith.constant 0 : i32
        %dma_start3A_1286 = tpu.memref_slice %arg6[%dma_start3A_1281, %dma_start3A_1285] : memref<20x128xi32, #tpu.memory_space<vmem>> -> memref<1x128xi32, #tpu.memory_space<vmem>>
        %dma_start3A_1287 = tpu.memref_squeeze %dma_start3A_1286 : memref<1x128xi32, #tpu.memory_space<vmem>> -> memref<128xi32, #tpu.memory_space<vmem>>
        %dma_start3A_1288 = arith.constant 0 : i32
        %dma_start3A_1289 = arith.constant 0 : i32
        %dma_start3A_1290 = tpu.memref_slice %arg3[%dma_start3A_1288, %dma_start3A_1289] : memref<100001x32xbf16, #tpu.memory_space<hbm>> -> memref<100001x32xbf16, #tpu.memory_space<hbm>>
        tpu.enqueue_indirect_dma source(%dma_start3A_1290 : memref<100001x32xbf16, #tpu.memory_space<hbm>>) target(%dma_start3A_1284 : memref<128x32xbf16, #tpu.memory_space<vmem>>) offsets(%dma_start3A_1287 : memref<128xi32, #tpu.memory_space<vmem>>) semaphore(%arg15 : memref<!tpu.dma_semaphore, #tpu.memory_space<semaphore_mem>>)
        %dma_start3A_1291 = arith.constant 16 : i32
        %dma_start3A_1292 = arith.constant 2048 : i32
        %dma_start3A_1293 = arith.constant 0 : i32
        %dma_start3A_1294 = tpu.memref_slice %arg8[%dma_start3A_1292, %dma_start3A_1293] : memref<2560x32xbf16, #tpu.memory_space<vmem>> -> memref<128x32xbf16, #tpu.memory_space<vmem>>
        %dma_start3A_1295 = arith.constant 0 : i32
        %dma_start3A_1296 = tpu.memref_slice %arg6[%dma_start3A_1291, %dma_start3A_1295] : memref<20x128xi32, #tpu.memory_space<vmem>> -> memref<1x128xi32, #tpu.memory_space<vmem>>
        %dma_start3A_1297 = tpu.memref_squeeze %dma_start3A_1296 : memref<1x128xi32, #tpu.memory_space<vmem>> -> memref<128xi32, #tpu.memory_space<vmem>>
        %dma_start3A_1298 = arith.constant 0 : i32
        %dma_start3A_1299 = arith.constant 0 : i32
        %dma_start3A_1300 = tpu.memref_slice %arg3[%dma_start3A_1298, %dma_start3A_1299] : memref<100001x32xbf16, #tpu.memory_space<hbm>> -> memref<100001x32xbf16, #tpu.memory_space<hbm>>
        tpu.enqueue_indirect_dma source(%dma_start3A_1300 : memref<100001x32xbf16, #tpu.memory_space<hbm>>) target(%dma_start3A_1294 : memref<128x32xbf16, #tpu.memory_space<vmem>>) offsets(%dma_start3A_1297 : memref<128xi32, #tpu.memory_space<vmem>>) semaphore(%arg15 : memref<!tpu.dma_semaphore, #tpu.memory_space<semaphore_mem>>)
        %dma_start3A_1301 = arith.constant 17 : i32
        %dma_start3A_1302 = arith.constant 2176 : i32
        %dma_start3A_1303 = arith.constant 0 : i32
        %dma_start3A_1304 = tpu.memref_slice %arg8[%dma_start3A_1302, %dma_start3A_1303] : memref<2560x32xbf16, #tpu.memory_space<vmem>> -> memref<128x32xbf16, #tpu.memory_space<vmem>>
        %dma_start3A_1305 = arith.constant 0 : i32
        %dma_start3A_1306 = tpu.memref_slice %arg6[%dma_start3A_1301, %dma_start3A_1305] : memref<20x128xi32, #tpu.memory_space<vmem>> -> memref<1x128xi32, #tpu.memory_space<vmem>>
        %dma_start3A_1307 = tpu.memref_squeeze %dma_start3A_1306 : memref<1x128xi32, #tpu.memory_space<vmem>> -> memref<128xi32, #tpu.memory_space<vmem>>
        %dma_start3A_1308 = arith.constant 0 : i32
        %dma_start3A_1309 = arith.constant 0 : i32
        %dma_start3A_1310 = tpu.memref_slice %arg3[%dma_start3A_1308, %dma_start3A_1309] : memref<100001x32xbf16, #tpu.memory_space<hbm>> -> memref<100001x32xbf16, #tpu.memory_space<hbm>>
        tpu.enqueue_indirect_dma source(%dma_start3A_1310 : memref<100001x32xbf16, #tpu.memory_space<hbm>>) target(%dma_start3A_1304 : memref<128x32xbf16, #tpu.memory_space<vmem>>) offsets(%dma_start3A_1307 : memref<128xi32, #tpu.memory_space<vmem>>) semaphore(%arg15 : memref<!tpu.dma_semaphore, #tpu.memory_space<semaphore_mem>>)
        %dma_start3A_1311 = arith.constant 18 : i32
        %dma_start3A_1312 = arith.constant 2304 : i32
        %dma_start3A_1313 = arith.constant 0 : i32
        %dma_start3A_1314 = tpu.memref_slice %arg8[%dma_start3A_1312, %dma_start3A_1313] : memref<2560x32xbf16, #tpu.memory_space<vmem>> -> memref<128x32xbf16, #tpu.memory_space<vmem>>
        %dma_start3A_1315 = arith.constant 0 : i32
        %dma_start3A_1316 = tpu.memref_slice %arg6[%dma_start3A_1311, %dma_start3A_1315] : memref<20x128xi32, #tpu.memory_space<vmem>> -> memref<1x128xi32, #tpu.memory_space<vmem>>
        %dma_start3A_1317 = tpu.memref_squeeze %dma_start3A_1316 : memref<1x128xi32, #tpu.memory_space<vmem>> -> memref<128xi32, #tpu.memory_space<vmem>>
        %dma_start3A_1318 = arith.constant 0 : i32
        %dma_start3A_1319 = arith.constant 0 : i32
        %dma_start3A_1320 = tpu.memref_slice %arg3[%dma_start3A_1318, %dma_start3A_1319] : memref<100001x32xbf16, #tpu.memory_space<hbm>> -> memref<100001x32xbf16, #tpu.memory_space<hbm>>
        tpu.enqueue_indirect_dma source(%dma_start3A_1320 : memref<100001x32xbf16, #tpu.memory_space<hbm>>) target(%dma_start3A_1314 : memref<128x32xbf16, #tpu.memory_space<vmem>>) offsets(%dma_start3A_1317 : memref<128xi32, #tpu.memory_space<vmem>>) semaphore(%arg15 : memref<!tpu.dma_semaphore, #tpu.memory_space<semaphore_mem>>)
        %dma_start3A_1321 = arith.constant 19 : i32
        %dma_start3A_1322 = arith.constant 2432 : i32
        %dma_start3A_1323 = arith.constant 0 : i32
        %dma_start3A_1324 = tpu.memref_slice %arg8[%dma_start3A_1322, %dma_start3A_1323] : memref<2560x32xbf16, #tpu.memory_space<vmem>> -> memref<128x32xbf16, #tpu.memory_space<vmem>>
        %dma_start3A_1325 = arith.constant 0 : i32
        %dma_start3A_1326 = tpu.memref_slice %arg6[%dma_start3A_1321, %dma_start3A_1325] : memref<20x128xi32, #tpu.memory_space<vmem>> -> memref<1x128xi32, #tpu.memory_space<vmem>>
        %dma_start3A_1327 = tpu.memref_squeeze %dma_start3A_1326 : memref<1x128xi32, #tpu.memory_space<vmem>> -> memref<128xi32, #tpu.memory_space<vmem>>
        %dma_start3A_1328 = arith.constant 0 : i32
        %dma_start3A_1329 = arith.constant 0 : i32
        %dma_start3A_1330 = tpu.memref_slice %arg3[%dma_start3A_1328, %dma_start3A_1329] : memref<100001x32xbf16, #tpu.memory_space<hbm>> -> memref<100001x32xbf16, #tpu.memory_space<hbm>>
        tpu.enqueue_indirect_dma source(%dma_start3A_1330 : memref<100001x32xbf16, #tpu.memory_space<hbm>>) target(%dma_start3A_1324 : memref<128x32xbf16, #tpu.memory_space<vmem>>) offsets(%dma_start3A_1327 : memref<128xi32, #tpu.memory_space<vmem>>) semaphore(%arg15 : memref<!tpu.dma_semaphore, #tpu.memory_space<semaphore_mem>>)
      } else {
      }
      %dma_wait3A_850 = arith.constant 0 : i32
      %dma_wait3A_851 = arith.constant 0 : i32
      %dma_wait3A_852 = arith.constant 0 : i32
      %dma_wait3A_853 = tpu.memref_slice %arg9[%dma_wait3A_851, %dma_wait3A_852] : memref<2560x32xbf16, #tpu.memory_space<vmem>> -> memref<128x32xbf16, #tpu.memory_space<vmem>>
      %dma_wait3A_854 = arith.constant 0 : i32
      %dma_wait3A_855 = tpu.memref_slice %arg7[%dma_wait3A_850, %dma_wait3A_854] : memref<20x128xi32, #tpu.memory_space<vmem>> -> memref<1x128xi32, #tpu.memory_space<vmem>>
      %dma_wait3A_856 = tpu.memref_squeeze %dma_wait3A_855 : memref<1x128xi32, #tpu.memory_space<vmem>> -> memref<128xi32, #tpu.memory_space<vmem>>
      %dma_wait3A_857 = arith.constant 0 : i32
      %dma_wait3A_858 = arith.constant 0 : i32
      %dma_wait3A_859 = tpu.memref_slice %arg3[%dma_wait3A_857, %dma_wait3A_858] : memref<100001x32xbf16, #tpu.memory_space<hbm>> -> memref<100001x32xbf16, #tpu.memory_space<hbm>>
      tpu.wait_indirect_dma semaphore(%arg16 : memref<!tpu.dma_semaphore, #tpu.memory_space<semaphore_mem>>) src(%dma_wait3A_859 : memref<100001x32xbf16, #tpu.memory_space<hbm>>) dst(%dma_wait3A_853 : memref<128x32xbf16, #tpu.memory_space<vmem>>)
      %dma_wait3A_860 = arith.constant 1 : i32
      %dma_wait3A_861 = arith.constant 128 : i32
      %dma_wait3A_862 = arith.constant 0 : i32
      %dma_wait3A_863 = tpu.memref_slice %arg9[%dma_wait3A_861, %dma_wait3A_862] : memref<2560x32xbf16, #tpu.memory_space<vmem>> -> memref<128x32xbf16, #tpu.memory_space<vmem>>
      %dma_wait3A_864 = arith.constant 0 : i32
      %dma_wait3A_865 = tpu.memref_slice %arg7[%dma_wait3A_860, %dma_wait3A_864] : memref<20x128xi32, #tpu.memory_space<vmem>> -> memref<1x128xi32, #tpu.memory_space<vmem>>
      %dma_wait3A_866 = tpu.memref_squeeze %dma_wait3A_865 : memref<1x128xi32, #tpu.memory_space<vmem>> -> memref<128xi32, #tpu.memory_space<vmem>>
      %dma_wait3A_867 = arith.constant 0 : i32
      %dma_wait3A_868 = arith.constant 0 : i32
      %dma_wait3A_869 = tpu.memref_slice %arg3[%dma_wait3A_867, %dma_wait3A_868] : memref<100001x32xbf16, #tpu.memory_space<hbm>> -> memref<100001x32xbf16, #tpu.memory_space<hbm>>
      tpu.wait_indirect_dma semaphore(%arg16 : memref<!tpu.dma_semaphore, #tpu.memory_space<semaphore_mem>>) src(%dma_wait3A_869 : memref<100001x32xbf16, #tpu.memory_space<hbm>>) dst(%dma_wait3A_863 : memref<128x32xbf16, #tpu.memory_space<vmem>>)
      %dma_wait3A_870 = arith.constant 2 : i32
      %dma_wait3A_871 = arith.constant 256 : i32
      %dma_wait3A_872 = arith.constant 0 : i32
      %dma_wait3A_873 = tpu.memref_slice %arg9[%dma_wait3A_871, %dma_wait3A_872] : memref<2560x32xbf16, #tpu.memory_space<vmem>> -> memref<128x32xbf16, #tpu.memory_space<vmem>>
      %dma_wait3A_874 = arith.constant 0 : i32
      %dma_wait3A_875 = tpu.memref_slice %arg7[%dma_wait3A_870, %dma_wait3A_874] : memref<20x128xi32, #tpu.memory_space<vmem>> -> memref<1x128xi32, #tpu.memory_space<vmem>>
      %dma_wait3A_876 = tpu.memref_squeeze %dma_wait3A_875 : memref<1x128xi32, #tpu.memory_space<vmem>> -> memref<128xi32, #tpu.memory_space<vmem>>
      %dma_wait3A_877 = arith.constant 0 : i32
      %dma_wait3A_878 = arith.constant 0 : i32
      %dma_wait3A_879 = tpu.memref_slice %arg3[%dma_wait3A_877, %dma_wait3A_878] : memref<100001x32xbf16, #tpu.memory_space<hbm>> -> memref<100001x32xbf16, #tpu.memory_space<hbm>>
      tpu.wait_indirect_dma semaphore(%arg16 : memref<!tpu.dma_semaphore, #tpu.memory_space<semaphore_mem>>) src(%dma_wait3A_879 : memref<100001x32xbf16, #tpu.memory_space<hbm>>) dst(%dma_wait3A_873 : memref<128x32xbf16, #tpu.memory_space<vmem>>)
      %dma_wait3A_880 = arith.constant 3 : i32
      %dma_wait3A_881 = arith.constant 384 : i32
      %dma_wait3A_882 = arith.constant 0 : i32
      %dma_wait3A_883 = tpu.memref_slice %arg9[%dma_wait3A_881, %dma_wait3A_882] : memref<2560x32xbf16, #tpu.memory_space<vmem>> -> memref<128x32xbf16, #tpu.memory_space<vmem>>
      %dma_wait3A_884 = arith.constant 0 : i32
      %dma_wait3A_885 = tpu.memref_slice %arg7[%dma_wait3A_880, %dma_wait3A_884] : memref<20x128xi32, #tpu.memory_space<vmem>> -> memref<1x128xi32, #tpu.memory_space<vmem>>
      %dma_wait3A_886 = tpu.memref_squeeze %dma_wait3A_885 : memref<1x128xi32, #tpu.memory_space<vmem>> -> memref<128xi32, #tpu.memory_space<vmem>>
      %dma_wait3A_887 = arith.constant 0 : i32
      %dma_wait3A_888 = arith.constant 0 : i32
      %dma_wait3A_889 = tpu.memref_slice %arg3[%dma_wait3A_887, %dma_wait3A_888] : memref<100001x32xbf16, #tpu.memory_space<hbm>> -> memref<100001x32xbf16, #tpu.memory_space<hbm>>
      tpu.wait_indirect_dma semaphore(%arg16 : memref<!tpu.dma_semaphore, #tpu.memory_space<semaphore_mem>>) src(%dma_wait3A_889 : memref<100001x32xbf16, #tpu.memory_space<hbm>>) dst(%dma_wait3A_883 : memref<128x32xbf16, #tpu.memory_space<vmem>>)
      %dma_wait3A_890 = arith.constant 4 : i32
      %dma_wait3A_891 = arith.constant 512 : i32
      %dma_wait3A_892 = arith.constant 0 : i32
      %dma_wait3A_893 = tpu.memref_slice %arg9[%dma_wait3A_891, %dma_wait3A_892] : memref<2560x32xbf16, #tpu.memory_space<vmem>> -> memref<128x32xbf16, #tpu.memory_space<vmem>>
      %dma_wait3A_894 = arith.constant 0 : i32
      %dma_wait3A_895 = tpu.memref_slice %arg7[%dma_wait3A_890, %dma_wait3A_894] : memref<20x128xi32, #tpu.memory_space<vmem>> -> memref<1x128xi32, #tpu.memory_space<vmem>>
      %dma_wait3A_896 = tpu.memref_squeeze %dma_wait3A_895 : memref<1x128xi32, #tpu.memory_space<vmem>> -> memref<128xi32, #tpu.memory_space<vmem>>
      %dma_wait3A_897 = arith.constant 0 : i32
      %dma_wait3A_898 = arith.constant 0 : i32
      %dma_wait3A_899 = tpu.memref_slice %arg3[%dma_wait3A_897, %dma_wait3A_898] : memref<100001x32xbf16, #tpu.memory_space<hbm>> -> memref<100001x32xbf16, #tpu.memory_space<hbm>>
      tpu.wait_indirect_dma semaphore(%arg16 : memref<!tpu.dma_semaphore, #tpu.memory_space<semaphore_mem>>) src(%dma_wait3A_899 : memref<100001x32xbf16, #tpu.memory_space<hbm>>) dst(%dma_wait3A_893 : memref<128x32xbf16, #tpu.memory_space<vmem>>)
      %dma_wait3A_900 = arith.constant 5 : i32
      %dma_wait3A_901 = arith.constant 640 : i32
      %dma_wait3A_902 = arith.constant 0 : i32
      %dma_wait3A_903 = tpu.memref_slice %arg9[%dma_wait3A_901, %dma_wait3A_902] : memref<2560x32xbf16, #tpu.memory_space<vmem>> -> memref<128x32xbf16, #tpu.memory_space<vmem>>
      %dma_wait3A_904 = arith.constant 0 : i32
      %dma_wait3A_905 = tpu.memref_slice %arg7[%dma_wait3A_900, %dma_wait3A_904] : memref<20x128xi32, #tpu.memory_space<vmem>> -> memref<1x128xi32, #tpu.memory_space<vmem>>
      %dma_wait3A_906 = tpu.memref_squeeze %dma_wait3A_905 : memref<1x128xi32, #tpu.memory_space<vmem>> -> memref<128xi32, #tpu.memory_space<vmem>>
      %dma_wait3A_907 = arith.constant 0 : i32
      %dma_wait3A_908 = arith.constant 0 : i32
      %dma_wait3A_909 = tpu.memref_slice %arg3[%dma_wait3A_907, %dma_wait3A_908] : memref<100001x32xbf16, #tpu.memory_space<hbm>> -> memref<100001x32xbf16, #tpu.memory_space<hbm>>
      tpu.wait_indirect_dma semaphore(%arg16 : memref<!tpu.dma_semaphore, #tpu.memory_space<semaphore_mem>>) src(%dma_wait3A_909 : memref<100001x32xbf16, #tpu.memory_space<hbm>>) dst(%dma_wait3A_903 : memref<128x32xbf16, #tpu.memory_space<vmem>>)
      %dma_wait3A_910 = arith.constant 6 : i32
      %dma_wait3A_911 = arith.constant 768 : i32
      %dma_wait3A_912 = arith.constant 0 : i32
      %dma_wait3A_913 = tpu.memref_slice %arg9[%dma_wait3A_911, %dma_wait3A_912] : memref<2560x32xbf16, #tpu.memory_space<vmem>> -> memref<128x32xbf16, #tpu.memory_space<vmem>>
      %dma_wait3A_914 = arith.constant 0 : i32
      %dma_wait3A_915 = tpu.memref_slice %arg7[%dma_wait3A_910, %dma_wait3A_914] : memref<20x128xi32, #tpu.memory_space<vmem>> -> memref<1x128xi32, #tpu.memory_space<vmem>>
      %dma_wait3A_916 = tpu.memref_squeeze %dma_wait3A_915 : memref<1x128xi32, #tpu.memory_space<vmem>> -> memref<128xi32, #tpu.memory_space<vmem>>
      %dma_wait3A_917 = arith.constant 0 : i32
      %dma_wait3A_918 = arith.constant 0 : i32
      %dma_wait3A_919 = tpu.memref_slice %arg3[%dma_wait3A_917, %dma_wait3A_918] : memref<100001x32xbf16, #tpu.memory_space<hbm>> -> memref<100001x32xbf16, #tpu.memory_space<hbm>>
      tpu.wait_indirect_dma semaphore(%arg16 : memref<!tpu.dma_semaphore, #tpu.memory_space<semaphore_mem>>) src(%dma_wait3A_919 : memref<100001x32xbf16, #tpu.memory_space<hbm>>) dst(%dma_wait3A_913 : memref<128x32xbf16, #tpu.memory_space<vmem>>)
      %dma_wait3A_920 = arith.constant 7 : i32
      %dma_wait3A_921 = arith.constant 896 : i32
      %dma_wait3A_922 = arith.constant 0 : i32
      %dma_wait3A_923 = tpu.memref_slice %arg9[%dma_wait3A_921, %dma_wait3A_922] : memref<2560x32xbf16, #tpu.memory_space<vmem>> -> memref<128x32xbf16, #tpu.memory_space<vmem>>
      %dma_wait3A_924 = arith.constant 0 : i32
      %dma_wait3A_925 = tpu.memref_slice %arg7[%dma_wait3A_920, %dma_wait3A_924] : memref<20x128xi32, #tpu.memory_space<vmem>> -> memref<1x128xi32, #tpu.memory_space<vmem>>
      %dma_wait3A_926 = tpu.memref_squeeze %dma_wait3A_925 : memref<1x128xi32, #tpu.memory_space<vmem>> -> memref<128xi32, #tpu.memory_space<vmem>>
      %dma_wait3A_927 = arith.constant 0 : i32
      %dma_wait3A_928 = arith.constant 0 : i32
      %dma_wait3A_929 = tpu.memref_slice %arg3[%dma_wait3A_927, %dma_wait3A_928] : memref<100001x32xbf16, #tpu.memory_space<hbm>> -> memref<100001x32xbf16, #tpu.memory_space<hbm>>
      tpu.wait_indirect_dma semaphore(%arg16 : memref<!tpu.dma_semaphore, #tpu.memory_space<semaphore_mem>>) src(%dma_wait3A_929 : memref<100001x32xbf16, #tpu.memory_space<hbm>>) dst(%dma_wait3A_923 : memref<128x32xbf16, #tpu.memory_space<vmem>>)
      %dma_wait3A_930 = arith.constant 8 : i32
      %dma_wait3A_931 = arith.constant 1024 : i32
      %dma_wait3A_932 = arith.constant 0 : i32
      %dma_wait3A_933 = tpu.memref_slice %arg9[%dma_wait3A_931, %dma_wait3A_932] : memref<2560x32xbf16, #tpu.memory_space<vmem>> -> memref<128x32xbf16, #tpu.memory_space<vmem>>
      %dma_wait3A_934 = arith.constant 0 : i32
      %dma_wait3A_935 = tpu.memref_slice %arg7[%dma_wait3A_930, %dma_wait3A_934] : memref<20x128xi32, #tpu.memory_space<vmem>> -> memref<1x128xi32, #tpu.memory_space<vmem>>
      %dma_wait3A_936 = tpu.memref_squeeze %dma_wait3A_935 : memref<1x128xi32, #tpu.memory_space<vmem>> -> memref<128xi32, #tpu.memory_space<vmem>>
      %dma_wait3A_937 = arith.constant 0 : i32
      %dma_wait3A_938 = arith.constant 0 : i32
      %dma_wait3A_939 = tpu.memref_slice %arg3[%dma_wait3A_937, %dma_wait3A_938] : memref<100001x32xbf16, #tpu.memory_space<hbm>> -> memref<100001x32xbf16, #tpu.memory_space<hbm>>
      tpu.wait_indirect_dma semaphore(%arg16 : memref<!tpu.dma_semaphore, #tpu.memory_space<semaphore_mem>>) src(%dma_wait3A_939 : memref<100001x32xbf16, #tpu.memory_space<hbm>>) dst(%dma_wait3A_933 : memref<128x32xbf16, #tpu.memory_space<vmem>>)
      %dma_wait3A_940 = arith.constant 9 : i32
      %dma_wait3A_941 = arith.constant 1152 : i32
      %dma_wait3A_942 = arith.constant 0 : i32
      %dma_wait3A_943 = tpu.memref_slice %arg9[%dma_wait3A_941, %dma_wait3A_942] : memref<2560x32xbf16, #tpu.memory_space<vmem>> -> memref<128x32xbf16, #tpu.memory_space<vmem>>
      %dma_wait3A_944 = arith.constant 0 : i32
      %dma_wait3A_945 = tpu.memref_slice %arg7[%dma_wait3A_940, %dma_wait3A_944] : memref<20x128xi32, #tpu.memory_space<vmem>> -> memref<1x128xi32, #tpu.memory_space<vmem>>
      %dma_wait3A_946 = tpu.memref_squeeze %dma_wait3A_945 : memref<1x128xi32, #tpu.memory_space<vmem>> -> memref<128xi32, #tpu.memory_space<vmem>>
      %dma_wait3A_947 = arith.constant 0 : i32
      %dma_wait3A_948 = arith.constant 0 : i32
      %dma_wait3A_949 = tpu.memref_slice %arg3[%dma_wait3A_947, %dma_wait3A_948] : memref<100001x32xbf16, #tpu.memory_space<hbm>> -> memref<100001x32xbf16, #tpu.memory_space<hbm>>
      tpu.wait_indirect_dma semaphore(%arg16 : memref<!tpu.dma_semaphore, #tpu.memory_space<semaphore_mem>>) src(%dma_wait3A_949 : memref<100001x32xbf16, #tpu.memory_space<hbm>>) dst(%dma_wait3A_943 : memref<128x32xbf16, #tpu.memory_space<vmem>>)
      %dma_wait3A_950 = arith.constant 10 : i32
      %dma_wait3A_951 = arith.constant 1280 : i32
      %dma_wait3A_952 = arith.constant 0 : i32
      %dma_wait3A_953 = tpu.memref_slice %arg9[%dma_wait3A_951, %dma_wait3A_952] : memref<2560x32xbf16, #tpu.memory_space<vmem>> -> memref<128x32xbf16, #tpu.memory_space<vmem>>
      %dma_wait3A_954 = arith.constant 0 : i32
      %dma_wait3A_955 = tpu.memref_slice %arg7[%dma_wait3A_950, %dma_wait3A_954] : memref<20x128xi32, #tpu.memory_space<vmem>> -> memref<1x128xi32, #tpu.memory_space<vmem>>
      %dma_wait3A_956 = tpu.memref_squeeze %dma_wait3A_955 : memref<1x128xi32, #tpu.memory_space<vmem>> -> memref<128xi32, #tpu.memory_space<vmem>>
      %dma_wait3A_957 = arith.constant 0 : i32
      %dma_wait3A_958 = arith.constant 0 : i32
      %dma_wait3A_959 = tpu.memref_slice %arg3[%dma_wait3A_957, %dma_wait3A_958] : memref<100001x32xbf16, #tpu.memory_space<hbm>> -> memref<100001x32xbf16, #tpu.memory_space<hbm>>
      tpu.wait_indirect_dma semaphore(%arg16 : memref<!tpu.dma_semaphore, #tpu.memory_space<semaphore_mem>>) src(%dma_wait3A_959 : memref<100001x32xbf16, #tpu.memory_space<hbm>>) dst(%dma_wait3A_953 : memref<128x32xbf16, #tpu.memory_space<vmem>>)
      %dma_wait3A_960 = arith.constant 11 : i32
      %dma_wait3A_961 = arith.constant 1408 : i32
      %dma_wait3A_962 = arith.constant 0 : i32
      %dma_wait3A_963 = tpu.memref_slice %arg9[%dma_wait3A_961, %dma_wait3A_962] : memref<2560x32xbf16, #tpu.memory_space<vmem>> -> memref<128x32xbf16, #tpu.memory_space<vmem>>
      %dma_wait3A_964 = arith.constant 0 : i32
      %dma_wait3A_965 = tpu.memref_slice %arg7[%dma_wait3A_960, %dma_wait3A_964] : memref<20x128xi32, #tpu.memory_space<vmem>> -> memref<1x128xi32, #tpu.memory_space<vmem>>
      %dma_wait3A_966 = tpu.memref_squeeze %dma_wait3A_965 : memref<1x128xi32, #tpu.memory_space<vmem>> -> memref<128xi32, #tpu.memory_space<vmem>>
      %dma_wait3A_967 = arith.constant 0 : i32
      %dma_wait3A_968 = arith.constant 0 : i32
      %dma_wait3A_969 = tpu.memref_slice %arg3[%dma_wait3A_967, %dma_wait3A_968] : memref<100001x32xbf16, #tpu.memory_space<hbm>> -> memref<100001x32xbf16, #tpu.memory_space<hbm>>
      tpu.wait_indirect_dma semaphore(%arg16 : memref<!tpu.dma_semaphore, #tpu.memory_space<semaphore_mem>>) src(%dma_wait3A_969 : memref<100001x32xbf16, #tpu.memory_space<hbm>>) dst(%dma_wait3A_963 : memref<128x32xbf16, #tpu.memory_space<vmem>>)
      %dma_wait3A_970 = arith.constant 12 : i32
      %dma_wait3A_971 = arith.constant 1536 : i32
      %dma_wait3A_972 = arith.constant 0 : i32
      %dma_wait3A_973 = tpu.memref_slice %arg9[%dma_wait3A_971, %dma_wait3A_972] : memref<2560x32xbf16, #tpu.memory_space<vmem>> -> memref<128x32xbf16, #tpu.memory_space<vmem>>
      %dma_wait3A_974 = arith.constant 0 : i32
      %dma_wait3A_975 = tpu.memref_slice %arg7[%dma_wait3A_970, %dma_wait3A_974] : memref<20x128xi32, #tpu.memory_space<vmem>> -> memref<1x128xi32, #tpu.memory_space<vmem>>
      %dma_wait3A_976 = tpu.memref_squeeze %dma_wait3A_975 : memref<1x128xi32, #tpu.memory_space<vmem>> -> memref<128xi32, #tpu.memory_space<vmem>>
      %dma_wait3A_977 = arith.constant 0 : i32
      %dma_wait3A_978 = arith.constant 0 : i32
      %dma_wait3A_979 = tpu.memref_slice %arg3[%dma_wait3A_977, %dma_wait3A_978] : memref<100001x32xbf16, #tpu.memory_space<hbm>> -> memref<100001x32xbf16, #tpu.memory_space<hbm>>
      tpu.wait_indirect_dma semaphore(%arg16 : memref<!tpu.dma_semaphore, #tpu.memory_space<semaphore_mem>>) src(%dma_wait3A_979 : memref<100001x32xbf16, #tpu.memory_space<hbm>>) dst(%dma_wait3A_973 : memref<128x32xbf16, #tpu.memory_space<vmem>>)
      %dma_wait3A_980 = arith.constant 13 : i32
      %dma_wait3A_981 = arith.constant 1664 : i32
      %dma_wait3A_982 = arith.constant 0 : i32
      %dma_wait3A_983 = tpu.memref_slice %arg9[%dma_wait3A_981, %dma_wait3A_982] : memref<2560x32xbf16, #tpu.memory_space<vmem>> -> memref<128x32xbf16, #tpu.memory_space<vmem>>
      %dma_wait3A_984 = arith.constant 0 : i32
      %dma_wait3A_985 = tpu.memref_slice %arg7[%dma_wait3A_980, %dma_wait3A_984] : memref<20x128xi32, #tpu.memory_space<vmem>> -> memref<1x128xi32, #tpu.memory_space<vmem>>
      %dma_wait3A_986 = tpu.memref_squeeze %dma_wait3A_985 : memref<1x128xi32, #tpu.memory_space<vmem>> -> memref<128xi32, #tpu.memory_space<vmem>>
      %dma_wait3A_987 = arith.constant 0 : i32
      %dma_wait3A_988 = arith.constant 0 : i32
      %dma_wait3A_989 = tpu.memref_slice %arg3[%dma_wait3A_987, %dma_wait3A_988] : memref<100001x32xbf16, #tpu.memory_space<hbm>> -> memref<100001x32xbf16, #tpu.memory_space<hbm>>
      tpu.wait_indirect_dma semaphore(%arg16 : memref<!tpu.dma_semaphore, #tpu.memory_space<semaphore_mem>>) src(%dma_wait3A_989 : memref<100001x32xbf16, #tpu.memory_space<hbm>>) dst(%dma_wait3A_983 : memref<128x32xbf16, #tpu.memory_space<vmem>>)
      %dma_wait3A_990 = arith.constant 14 : i32
      %dma_wait3A_991 = arith.constant 1792 : i32
      %dma_wait3A_992 = arith.constant 0 : i32
      %dma_wait3A_993 = tpu.memref_slice %arg9[%dma_wait3A_991, %dma_wait3A_992] : memref<2560x32xbf16, #tpu.memory_space<vmem>> -> memref<128x32xbf16, #tpu.memory_space<vmem>>
      %dma_wait3A_994 = arith.constant 0 : i32
      %dma_wait3A_995 = tpu.memref_slice %arg7[%dma_wait3A_990, %dma_wait3A_994] : memref<20x128xi32, #tpu.memory_space<vmem>> -> memref<1x128xi32, #tpu.memory_space<vmem>>
      %dma_wait3A_996 = tpu.memref_squeeze %dma_wait3A_995 : memref<1x128xi32, #tpu.memory_space<vmem>> -> memref<128xi32, #tpu.memory_space<vmem>>
      %dma_wait3A_997 = arith.constant 0 : i32
      %dma_wait3A_998 = arith.constant 0 : i32
      %dma_wait3A_999 = tpu.memref_slice %arg3[%dma_wait3A_997, %dma_wait3A_998] : memref<100001x32xbf16, #tpu.memory_space<hbm>> -> memref<100001x32xbf16, #tpu.memory_space<hbm>>
      tpu.wait_indirect_dma semaphore(%arg16 : memref<!tpu.dma_semaphore, #tpu.memory_space<semaphore_mem>>) src(%dma_wait3A_999 : memref<100001x32xbf16, #tpu.memory_space<hbm>>) dst(%dma_wait3A_993 : memref<128x32xbf16, #tpu.memory_space<vmem>>)
      %dma_wait3A_1000 = arith.constant 15 : i32
      %dma_wait3A_1001 = arith.constant 1920 : i32
      %dma_wait3A_1002 = arith.constant 0 : i32
      %dma_wait3A_1003 = tpu.memref_slice %arg9[%dma_wait3A_1001, %dma_wait3A_1002] : memref<2560x32xbf16, #tpu.memory_space<vmem>> -> memref<128x32xbf16, #tpu.memory_space<vmem>>
      %dma_wait3A_1004 = arith.constant 0 : i32
      %dma_wait3A_1005 = tpu.memref_slice %arg7[%dma_wait3A_1000, %dma_wait3A_1004] : memref<20x128xi32, #tpu.memory_space<vmem>> -> memref<1x128xi32, #tpu.memory_space<vmem>>
      %dma_wait3A_1006 = tpu.memref_squeeze %dma_wait3A_1005 : memref<1x128xi32, #tpu.memory_space<vmem>> -> memref<128xi32, #tpu.memory_space<vmem>>
      %dma_wait3A_1007 = arith.constant 0 : i32
      %dma_wait3A_1008 = arith.constant 0 : i32
      %dma_wait3A_1009 = tpu.memref_slice %arg3[%dma_wait3A_1007, %dma_wait3A_1008] : memref<100001x32xbf16, #tpu.memory_space<hbm>> -> memref<100001x32xbf16, #tpu.memory_space<hbm>>
      tpu.wait_indirect_dma semaphore(%arg16 : memref<!tpu.dma_semaphore, #tpu.memory_space<semaphore_mem>>) src(%dma_wait3A_1009 : memref<100001x32xbf16, #tpu.memory_space<hbm>>) dst(%dma_wait3A_1003 : memref<128x32xbf16, #tpu.memory_space<vmem>>)
      %dma_wait3A_1010 = arith.constant 16 : i32
      %dma_wait3A_1011 = arith.constant 2048 : i32
      %dma_wait3A_1012 = arith.constant 0 : i32
      %dma_wait3A_1013 = tpu.memref_slice %arg9[%dma_wait3A_1011, %dma_wait3A_1012] : memref<2560x32xbf16, #tpu.memory_space<vmem>> -> memref<128x32xbf16, #tpu.memory_space<vmem>>
      %dma_wait3A_1014 = arith.constant 0 : i32
      %dma_wait3A_1015 = tpu.memref_slice %arg7[%dma_wait3A_1010, %dma_wait3A_1014] : memref<20x128xi32, #tpu.memory_space<vmem>> -> memref<1x128xi32, #tpu.memory_space<vmem>>
      %dma_wait3A_1016 = tpu.memref_squeeze %dma_wait3A_1015 : memref<1x128xi32, #tpu.memory_space<vmem>> -> memref<128xi32, #tpu.memory_space<vmem>>
      %dma_wait3A_1017 = arith.constant 0 : i32
      %dma_wait3A_1018 = arith.constant 0 : i32
      %dma_wait3A_1019 = tpu.memref_slice %arg3[%dma_wait3A_1017, %dma_wait3A_1018] : memref<100001x32xbf16, #tpu.memory_space<hbm>> -> memref<100001x32xbf16, #tpu.memory_space<hbm>>
      tpu.wait_indirect_dma semaphore(%arg16 : memref<!tpu.dma_semaphore, #tpu.memory_space<semaphore_mem>>) src(%dma_wait3A_1019 : memref<100001x32xbf16, #tpu.memory_space<hbm>>) dst(%dma_wait3A_1013 : memref<128x32xbf16, #tpu.memory_space<vmem>>)
      %dma_wait3A_1020 = arith.constant 17 : i32
      %dma_wait3A_1021 = arith.constant 2176 : i32
      %dma_wait3A_1022 = arith.constant 0 : i32
      %dma_wait3A_1023 = tpu.memref_slice %arg9[%dma_wait3A_1021, %dma_wait3A_1022] : memref<2560x32xbf16, #tpu.memory_space<vmem>> -> memref<128x32xbf16, #tpu.memory_space<vmem>>
      %dma_wait3A_1024 = arith.constant 0 : i32
      %dma_wait3A_1025 = tpu.memref_slice %arg7[%dma_wait3A_1020, %dma_wait3A_1024] : memref<20x128xi32, #tpu.memory_space<vmem>> -> memref<1x128xi32, #tpu.memory_space<vmem>>
      %dma_wait3A_1026 = tpu.memref_squeeze %dma_wait3A_1025 : memref<1x128xi32, #tpu.memory_space<vmem>> -> memref<128xi32, #tpu.memory_space<vmem>>
      %dma_wait3A_1027 = arith.constant 0 : i32
      %dma_wait3A_1028 = arith.constant 0 : i32
      %dma_wait3A_1029 = tpu.memref_slice %arg3[%dma_wait3A_1027, %dma_wait3A_1028] : memref<100001x32xbf16, #tpu.memory_space<hbm>> -> memref<100001x32xbf16, #tpu.memory_space<hbm>>
      tpu.wait_indirect_dma semaphore(%arg16 : memref<!tpu.dma_semaphore, #tpu.memory_space<semaphore_mem>>) src(%dma_wait3A_1029 : memref<100001x32xbf16, #tpu.memory_space<hbm>>) dst(%dma_wait3A_1023 : memref<128x32xbf16, #tpu.memory_space<vmem>>)
      %dma_wait3A_1030 = arith.constant 18 : i32
      %dma_wait3A_1031 = arith.constant 2304 : i32
      %dma_wait3A_1032 = arith.constant 0 : i32
      %dma_wait3A_1033 = tpu.memref_slice %arg9[%dma_wait3A_1031, %dma_wait3A_1032] : memref<2560x32xbf16, #tpu.memory_space<vmem>> -> memref<128x32xbf16, #tpu.memory_space<vmem>>
      %dma_wait3A_1034 = arith.constant 0 : i32
      %dma_wait3A_1035 = tpu.memref_slice %arg7[%dma_wait3A_1030, %dma_wait3A_1034] : memref<20x128xi32, #tpu.memory_space<vmem>> -> memref<1x128xi32, #tpu.memory_space<vmem>>
      %dma_wait3A_1036 = tpu.memref_squeeze %dma_wait3A_1035 : memref<1x128xi32, #tpu.memory_space<vmem>> -> memref<128xi32, #tpu.memory_space<vmem>>
      %dma_wait3A_1037 = arith.constant 0 : i32
      %dma_wait3A_1038 = arith.constant 0 : i32
      %dma_wait3A_1039 = tpu.memref_slice %arg3[%dma_wait3A_1037, %dma_wait3A_1038] : memref<100001x32xbf16, #tpu.memory_space<hbm>> -> memref<100001x32xbf16, #tpu.memory_space<hbm>>
      tpu.wait_indirect_dma semaphore(%arg16 : memref<!tpu.dma_semaphore, #tpu.memory_space<semaphore_mem>>) src(%dma_wait3A_1039 : memref<100001x32xbf16, #tpu.memory_space<hbm>>) dst(%dma_wait3A_1033 : memref<128x32xbf16, #tpu.memory_space<vmem>>)
      %dma_wait3A_1040 = arith.constant 19 : i32
      %dma_wait3A_1041 = arith.constant 2432 : i32
      %dma_wait3A_1042 = arith.constant 0 : i32
      %dma_wait3A_1043 = tpu.memref_slice %arg9[%dma_wait3A_1041, %dma_wait3A_1042] : memref<2560x32xbf16, #tpu.memory_space<vmem>> -> memref<128x32xbf16, #tpu.memory_space<vmem>>
      %dma_wait3A_1044 = arith.constant 0 : i32
      %dma_wait3A_1045 = tpu.memref_slice %arg7[%dma_wait3A_1040, %dma_wait3A_1044] : memref<20x128xi32, #tpu.memory_space<vmem>> -> memref<1x128xi32, #tpu.memory_space<vmem>>
      %dma_wait3A_1046 = tpu.memref_squeeze %dma_wait3A_1045 : memref<1x128xi32, #tpu.memory_space<vmem>> -> memref<128xi32, #tpu.memory_space<vmem>>
      %dma_wait3A_1047 = arith.constant 0 : i32
      %dma_wait3A_1048 = arith.constant 0 : i32
      %dma_wait3A_1049 = tpu.memref_slice %arg3[%dma_wait3A_1047, %dma_wait3A_1048] : memref<100001x32xbf16, #tpu.memory_space<hbm>> -> memref<100001x32xbf16, #tpu.memory_space<hbm>>
      tpu.wait_indirect_dma semaphore(%arg16 : memref<!tpu.dma_semaphore, #tpu.memory_space<semaphore_mem>>) src(%dma_wait3A_1049 : memref<100001x32xbf16, #tpu.memory_space<hbm>>) dst(%dma_wait3A_1043 : memref<128x32xbf16, #tpu.memory_space<vmem>>)
      %ge3A_1050 = arith.constant 1 : i32
      %ge3A_1051 = arith.cmpi sge, %scan3A_362, %ge3A_1050 : i32
      %convert_element_type3A_1052 = arith.extui %ge3A_1051 : i1 to i32
      %cond3A_1053 = arith.constant 0 : i32
      %cond3A_1054 = arith.cmpi ne, %convert_element_type3A_1052, %cond3A_1053 : i32
      scf.if %cond3A_1054 {
        %dma_wait3A_1124 = arith.constant 0 : i32
        %dma_wait3A_1125 = arith.constant 0 : i32
        %dma_wait3A_1126 = arith.constant 0 : i32
        %dma_wait3A_1127 = arith.constant 0 : i32
        %dma_wait3A_1128 = tpu.memref_slice %arg11[%dma_wait3A_1126, %dma_wait3A_1127] : memref<32x128xf32, #tpu.memory_space<vmem>> -> memref<8x128xf32, #tpu.memory_space<vmem>>
        %dma_wait3A_1129 = arith.constant 0 : i32
        %dma_wait3A_1130 = arith.constant 0 : i32
        %dma_wait3A_1131 = tpu.memref_slice %arg5[%dma_wait3A_1124, %dma_wait3A_1125, %add3A, %dma_wait3A_1129, %dma_wait3A_1130] : memref<50x4x32x8x128xf32, #tpu.memory_space<hbm>> -> memref<1x1x1x8x128xf32, #tpu.memory_space<hbm>>
        %dma_wait3A_1132 = tpu.memref_squeeze %dma_wait3A_1131 : memref<1x1x1x8x128xf32, #tpu.memory_space<hbm>> -> memref<8x128xf32, #tpu.memory_space<hbm>>
        %dma_wait3A_1133 = arith.constant 0 : i32
        %dma_wait3A_1134 = arith.constant 0 : i32
        %dma_wait3A_1135 = tpu.memref_slice %arg5[%dma_wait3A_1124, %dma_wait3A_1125, %add3A, %dma_wait3A_1133, %dma_wait3A_1134] : memref<50x4x32x8x128xf32, #tpu.memory_space<hbm>> -> memref<1x1x1x8x128xf32, #tpu.memory_space<hbm>>
        %dma_wait3A_1136 = tpu.memref_squeeze %dma_wait3A_1135 : memref<1x1x1x8x128xf32, #tpu.memory_space<hbm>> -> memref<8x128xf32, #tpu.memory_space<hbm>>
        %dma_wait3A_1137 = arith.constant 0 : i32
        %dma_wait3A_1138 = arith.constant 0 : i32
        %dma_wait3A_1139 = tpu.memref_slice %arg11[%dma_wait3A_1137, %dma_wait3A_1138] : memref<32x128xf32, #tpu.memory_space<vmem>> -> memref<8x128xf32, #tpu.memory_space<vmem>>
        tpu.wait_dma2 semaphore(%arg18 : memref<!tpu.dma_semaphore, #tpu.memory_space<semaphore_mem>>) src(%dma_wait3A_1139 : memref<8x128xf32, #tpu.memory_space<vmem>>) dst(%dma_wait3A_1136 : memref<8x128xf32, #tpu.memory_space<hbm>>)
        %dma_wait3A_1140 = arith.constant 0 : i32
        %dma_wait3A_1141 = arith.constant 1 : i32
        %dma_wait3A_1142 = arith.constant 8 : i32
        %dma_wait3A_1143 = arith.constant 0 : i32
        %dma_wait3A_1144 = tpu.memref_slice %arg11[%dma_wait3A_1142, %dma_wait3A_1143] : memref<32x128xf32, #tpu.memory_space<vmem>> -> memref<8x128xf32, #tpu.memory_space<vmem>>
        %dma_wait3A_1145 = arith.constant 0 : i32
        %dma_wait3A_1146 = arith.constant 0 : i32
        %dma_wait3A_1147 = tpu.memref_slice %arg5[%dma_wait3A_1140, %dma_wait3A_1141, %add3A, %dma_wait3A_1145, %dma_wait3A_1146] : memref<50x4x32x8x128xf32, #tpu.memory_space<hbm>> -> memref<1x1x1x8x128xf32, #tpu.memory_space<hbm>>
        %dma_wait3A_1148 = tpu.memref_squeeze %dma_wait3A_1147 : memref<1x1x1x8x128xf32, #tpu.memory_space<hbm>> -> memref<8x128xf32, #tpu.memory_space<hbm>>
        %dma_wait3A_1149 = arith.constant 0 : i32
        %dma_wait3A_1150 = arith.constant 0 : i32
        %dma_wait3A_1151 = tpu.memref_slice %arg5[%dma_wait3A_1140, %dma_wait3A_1141, %add3A, %dma_wait3A_1149, %dma_wait3A_1150] : memref<50x4x32x8x128xf32, #tpu.memory_space<hbm>> -> memref<1x1x1x8x128xf32, #tpu.memory_space<hbm>>
        %dma_wait3A_1152 = tpu.memref_squeeze %dma_wait3A_1151 : memref<1x1x1x8x128xf32, #tpu.memory_space<hbm>> -> memref<8x128xf32, #tpu.memory_space<hbm>>
        %dma_wait3A_1153 = arith.constant 8 : i32
        %dma_wait3A_1154 = arith.constant 0 : i32
        %dma_wait3A_1155 = tpu.memref_slice %arg11[%dma_wait3A_1153, %dma_wait3A_1154] : memref<32x128xf32, #tpu.memory_space<vmem>> -> memref<8x128xf32, #tpu.memory_space<vmem>>
        tpu.wait_dma2 semaphore(%arg18 : memref<!tpu.dma_semaphore, #tpu.memory_space<semaphore_mem>>) src(%dma_wait3A_1155 : memref<8x128xf32, #tpu.memory_space<vmem>>) dst(%dma_wait3A_1152 : memref<8x128xf32, #tpu.memory_space<hbm>>)
        %dma_wait3A_1156 = arith.constant 0 : i32
        %dma_wait3A_1157 = arith.constant 2 : i32
        %dma_wait3A_1158 = arith.constant 16 : i32
        %dma_wait3A_1159 = arith.constant 0 : i32
        %dma_wait3A_1160 = tpu.memref_slice %arg11[%dma_wait3A_1158, %dma_wait3A_1159] : memref<32x128xf32, #tpu.memory_space<vmem>> -> memref<8x128xf32, #tpu.memory_space<vmem>>
        %dma_wait3A_1161 = arith.constant 0 : i32
        %dma_wait3A_1162 = arith.constant 0 : i32
        %dma_wait3A_1163 = tpu.memref_slice %arg5[%dma_wait3A_1156, %dma_wait3A_1157, %add3A, %dma_wait3A_1161, %dma_wait3A_1162] : memref<50x4x32x8x128xf32, #tpu.memory_space<hbm>> -> memref<1x1x1x8x128xf32, #tpu.memory_space<hbm>>
        %dma_wait3A_1164 = tpu.memref_squeeze %dma_wait3A_1163 : memref<1x1x1x8x128xf32, #tpu.memory_space<hbm>> -> memref<8x128xf32, #tpu.memory_space<hbm>>
        %dma_wait3A_1165 = arith.constant 0 : i32
        %dma_wait3A_1166 = arith.constant 0 : i32
        %dma_wait3A_1167 = tpu.memref_slice %arg5[%dma_wait3A_1156, %dma_wait3A_1157, %add3A, %dma_wait3A_1165, %dma_wait3A_1166] : memref<50x4x32x8x128xf32, #tpu.memory_space<hbm>> -> memref<1x1x1x8x128xf32, #tpu.memory_space<hbm>>
        %dma_wait3A_1168 = tpu.memref_squeeze %dma_wait3A_1167 : memref<1x1x1x8x128xf32, #tpu.memory_space<hbm>> -> memref<8x128xf32, #tpu.memory_space<hbm>>
        %dma_wait3A_1169 = arith.constant 16 : i32
        %dma_wait3A_1170 = arith.constant 0 : i32
        %dma_wait3A_1171 = tpu.memref_slice %arg11[%dma_wait3A_1169, %dma_wait3A_1170] : memref<32x128xf32, #tpu.memory_space<vmem>> -> memref<8x128xf32, #tpu.memory_space<vmem>>
        tpu.wait_dma2 semaphore(%arg18 : memref<!tpu.dma_semaphore, #tpu.memory_space<semaphore_mem>>) src(%dma_wait3A_1171 : memref<8x128xf32, #tpu.memory_space<vmem>>) dst(%dma_wait3A_1168 : memref<8x128xf32, #tpu.memory_space<hbm>>)
        %dma_wait3A_1172 = arith.constant 0 : i32
        %dma_wait3A_1173 = arith.constant 3 : i32
        %dma_wait3A_1174 = arith.constant 24 : i32
        %dma_wait3A_1175 = arith.constant 0 : i32
        %dma_wait3A_1176 = tpu.memref_slice %arg11[%dma_wait3A_1174, %dma_wait3A_1175] : memref<32x128xf32, #tpu.memory_space<vmem>> -> memref<8x128xf32, #tpu.memory_space<vmem>>
        %dma_wait3A_1177 = arith.constant 0 : i32
        %dma_wait3A_1178 = arith.constant 0 : i32
        %dma_wait3A_1179 = tpu.memref_slice %arg5[%dma_wait3A_1172, %dma_wait3A_1173, %add3A, %dma_wait3A_1177, %dma_wait3A_1178] : memref<50x4x32x8x128xf32, #tpu.memory_space<hbm>> -> memref<1x1x1x8x128xf32, #tpu.memory_space<hbm>>
        %dma_wait3A_1180 = tpu.memref_squeeze %dma_wait3A_1179 : memref<1x1x1x8x128xf32, #tpu.memory_space<hbm>> -> memref<8x128xf32, #tpu.memory_space<hbm>>
        %dma_wait3A_1181 = arith.constant 0 : i32
        %dma_wait3A_1182 = arith.constant 0 : i32
        %dma_wait3A_1183 = tpu.memref_slice %arg5[%dma_wait3A_1172, %dma_wait3A_1173, %add3A, %dma_wait3A_1181, %dma_wait3A_1182] : memref<50x4x32x8x128xf32, #tpu.memory_space<hbm>> -> memref<1x1x1x8x128xf32, #tpu.memory_space<hbm>>
        %dma_wait3A_1184 = tpu.memref_squeeze %dma_wait3A_1183 : memref<1x1x1x8x128xf32, #tpu.memory_space<hbm>> -> memref<8x128xf32, #tpu.memory_space<hbm>>
        %dma_wait3A_1185 = arith.constant 24 : i32
        %dma_wait3A_1186 = arith.constant 0 : i32
        %dma_wait3A_1187 = tpu.memref_slice %arg11[%dma_wait3A_1185, %dma_wait3A_1186] : memref<32x128xf32, #tpu.memory_space<vmem>> -> memref<8x128xf32, #tpu.memory_space<vmem>>
        tpu.wait_dma2 semaphore(%arg18 : memref<!tpu.dma_semaphore, #tpu.memory_space<semaphore_mem>>) src(%dma_wait3A_1187 : memref<8x128xf32, #tpu.memory_space<vmem>>) dst(%dma_wait3A_1184 : memref<8x128xf32, #tpu.memory_space<hbm>>)
      } else {
      }
      %parallel_loop3A_1055 = arith.constant 0 : i32
      %parallel_loop3A_1056 = arith.constant 32 : i32
      %parallel_loop3A_1057 = arith.constant 1 : i32
      scf.for %parallel_loop3A_1124 = %parallel_loop3A_1055 to %parallel_loop3A_1056 step %parallel_loop3A_1057  : i32 {
        %parallel_loop3A_1125 = arith.constant 0.000000e+00 : bf16
        %parallel_loop3A_1126 = vector.broadcast %parallel_loop3A_1125 : bf16 to vector<32xbf16>
        %parallel_loop3A_1127 = arith.constant 0.000000e+00 : bf16
        %parallel_loop3A_1128 = vector.broadcast %parallel_loop3A_1127 : bf16 to vector<32xbf16>
        %parallel_loop3A_1129 = arith.constant 0.000000e+00 : bf16
        %parallel_loop3A_1130 = vector.broadcast %parallel_loop3A_1129 : bf16 to vector<32xbf16>
        %parallel_loop3A_1131 = arith.constant 0.000000e+00 : bf16
        %parallel_loop3A_1132 = vector.broadcast %parallel_loop3A_1131 : bf16 to vector<32xbf16>
        %parallel_loop3A_1133 = arith.constant 0 : i32
        %parallel_loop3A_1134 = arith.index_cast %parallel_loop3A_1133 : i32 to index
        %parallel_loop3A_1135 = arith.constant 0 : index
        %parallel_loop3A_1136 = tpu.vector_load %arg12[%parallel_loop3A_1134, %parallel_loop3A_1135] {strides = array<i32>} : memref<20x32xbf16, #tpu.memory_space<vmem>>, vector<32xbf16>,
        %parallel_loop3A_1137 = arith.constant 4 : i32
        %parallel_loop3A_1138 = arith.muli %parallel_loop3A_1124, %parallel_loop3A_1137 : i32
        %parallel_loop3A_1139 = arith.constant 0 : i32
        %parallel_loop3A_1140 = arith.addi %parallel_loop3A_1139, %parallel_loop3A_1138 : i32
        %parallel_loop3A_1141 = arith.constant 0 : i32
        %parallel_loop3A_1142 = arith.addi %parallel_loop3A_1140, %parallel_loop3A_1141 : i32
        %parallel_loop3A_1143 = arith.index_cast %parallel_loop3A_1142 : i32 to index
        %parallel_loop3A_1144 = arith.constant 0 : index
        %parallel_loop3A_1145 = tpu.vector_load %arg9[%parallel_loop3A_1143, %parallel_loop3A_1144] {strides = array<i32>} : memref<2560x32xbf16, #tpu.memory_space<vmem>>, vector<32xbf16>,
        %parallel_loop3A_1146 = arith.mulf %parallel_loop3A_1145, %parallel_loop3A_1136 : vector<32xbf16>
        %parallel_loop3A_1147 = arith.addf %parallel_loop3A_1126, %parallel_loop3A_1146 : vector<32xbf16>
        %parallel_loop3A_1148 = arith.constant 1 : i32
        %parallel_loop3A_1149 = arith.addi %parallel_loop3A_1140, %parallel_loop3A_1148 : i32
        %parallel_loop3A_1150 = arith.index_cast %parallel_loop3A_1149 : i32 to index
        %parallel_loop3A_1151 = arith.constant 0 : index
        %parallel_loop3A_1152 = tpu.vector_load %arg9[%parallel_loop3A_1150, %parallel_loop3A_1151] {strides = array<i32>} : memref<2560x32xbf16, #tpu.memory_space<vmem>>, vector<32xbf16>,
        %parallel_loop3A_1153 = arith.mulf %parallel_loop3A_1152, %parallel_loop3A_1136 : vector<32xbf16>
        %parallel_loop3A_1154 = arith.addf %parallel_loop3A_1128, %parallel_loop3A_1153 : vector<32xbf16>
        %parallel_loop3A_1155 = arith.constant 2 : i32
        %parallel_loop3A_1156 = arith.addi %parallel_loop3A_1140, %parallel_loop3A_1155 : i32
        %parallel_loop3A_1157 = arith.index_cast %parallel_loop3A_1156 : i32 to index
        %parallel_loop3A_1158 = arith.constant 0 : index
        %parallel_loop3A_1159 = tpu.vector_load %arg9[%parallel_loop3A_1157, %parallel_loop3A_1158] {strides = array<i32>} : memref<2560x32xbf16, #tpu.memory_space<vmem>>, vector<32xbf16>,
        %parallel_loop3A_1160 = arith.mulf %parallel_loop3A_1159, %parallel_loop3A_1136 : vector<32xbf16>
        %parallel_loop3A_1161 = arith.addf %parallel_loop3A_1130, %parallel_loop3A_1160 : vector<32xbf16>
        %parallel_loop3A_1162 = arith.constant 3 : i32
        %parallel_loop3A_1163 = arith.addi %parallel_loop3A_1140, %parallel_loop3A_1162 : i32
        %parallel_loop3A_1164 = arith.index_cast %parallel_loop3A_1163 : i32 to index
        %parallel_loop3A_1165 = arith.constant 0 : index
        %parallel_loop3A_1166 = tpu.vector_load %arg9[%parallel_loop3A_1164, %parallel_loop3A_1165] {strides = array<i32>} : memref<2560x32xbf16, #tpu.memory_space<vmem>>, vector<32xbf16>,
        %parallel_loop3A_1167 = arith.mulf %parallel_loop3A_1166, %parallel_loop3A_1136 : vector<32xbf16>
        %parallel_loop3A_1168 = arith.addf %parallel_loop3A_1132, %parallel_loop3A_1167 : vector<32xbf16>
        %parallel_loop3A_1169 = arith.constant 1 : i32
        %parallel_loop3A_1170 = arith.index_cast %parallel_loop3A_1169 : i32 to index
        %parallel_loop3A_1171 = arith.constant 0 : index
        %parallel_loop3A_1172 = tpu.vector_load %arg12[%parallel_loop3A_1170, %parallel_loop3A_1171] {strides = array<i32>} : memref<20x32xbf16, #tpu.memory_space<vmem>>, vector<32xbf16>,
        %parallel_loop3A_1173 = arith.constant 4 : i32
        %parallel_loop3A_1174 = arith.muli %parallel_loop3A_1124, %parallel_loop3A_1173 : i32
        %parallel_loop3A_1175 = arith.constant 128 : i32
        %parallel_loop3A_1176 = arith.addi %parallel_loop3A_1175, %parallel_loop3A_1174 : i32
        %parallel_loop3A_1177 = arith.constant 0 : i32
        %parallel_loop3A_1178 = arith.addi %parallel_loop3A_1176, %parallel_loop3A_1177 : i32
        %parallel_loop3A_1179 = arith.index_cast %parallel_loop3A_1178 : i32 to index
        %parallel_loop3A_1180 = arith.constant 0 : index
        %parallel_loop3A_1181 = tpu.vector_load %arg9[%parallel_loop3A_1179, %parallel_loop3A_1180] {strides = array<i32>} : memref<2560x32xbf16, #tpu.memory_space<vmem>>, vector<32xbf16>,
        %parallel_loop3A_1182 = arith.mulf %parallel_loop3A_1181, %parallel_loop3A_1172 : vector<32xbf16>
        %parallel_loop3A_1183 = arith.addf %parallel_loop3A_1147, %parallel_loop3A_1182 : vector<32xbf16>
        %parallel_loop3A_1184 = arith.constant 1 : i32
        %parallel_loop3A_1185 = arith.addi %parallel_loop3A_1176, %parallel_loop3A_1184 : i32
        %parallel_loop3A_1186 = arith.index_cast %parallel_loop3A_1185 : i32 to index
        %parallel_loop3A_1187 = arith.constant 0 : index
        %parallel_loop3A_1188 = tpu.vector_load %arg9[%parallel_loop3A_1186, %parallel_loop3A_1187] {strides = array<i32>} : memref<2560x32xbf16, #tpu.memory_space<vmem>>, vector<32xbf16>,
        %parallel_loop3A_1189 = arith.mulf %parallel_loop3A_1188, %parallel_loop3A_1172 : vector<32xbf16>
        %parallel_loop3A_1190 = arith.addf %parallel_loop3A_1154, %parallel_loop3A_1189 : vector<32xbf16>
        %parallel_loop3A_1191 = arith.constant 2 : i32
        %parallel_loop3A_1192 = arith.addi %parallel_loop3A_1176, %parallel_loop3A_1191 : i32
        %parallel_loop3A_1193 = arith.index_cast %parallel_loop3A_1192 : i32 to index
        %parallel_loop3A_1194 = arith.constant 0 : index
        %parallel_loop3A_1195 = tpu.vector_load %arg9[%parallel_loop3A_1193, %parallel_loop3A_1194] {strides = array<i32>} : memref<2560x32xbf16, #tpu.memory_space<vmem>>, vector<32xbf16>,
        %parallel_loop3A_1196 = arith.mulf %parallel_loop3A_1195, %parallel_loop3A_1172 : vector<32xbf16>
        %parallel_loop3A_1197 = arith.addf %parallel_loop3A_1161, %parallel_loop3A_1196 : vector<32xbf16>
        %parallel_loop3A_1198 = arith.constant 3 : i32
        %parallel_loop3A_1199 = arith.addi %parallel_loop3A_1176, %parallel_loop3A_1198 : i32
        %parallel_loop3A_1200 = arith.index_cast %parallel_loop3A_1199 : i32 to index
        %parallel_loop3A_1201 = arith.constant 0 : index
        %parallel_loop3A_1202 = tpu.vector_load %arg9[%parallel_loop3A_1200, %parallel_loop3A_1201] {strides = array<i32>} : memref<2560x32xbf16, #tpu.memory_space<vmem>>, vector<32xbf16>,
        %parallel_loop3A_1203 = arith.mulf %parallel_loop3A_1202, %parallel_loop3A_1172 : vector<32xbf16>
        %parallel_loop3A_1204 = arith.addf %parallel_loop3A_1168, %parallel_loop3A_1203 : vector<32xbf16>
        %parallel_loop3A_1205 = arith.constant 2 : i32
        %parallel_loop3A_1206 = arith.index_cast %parallel_loop3A_1205 : i32 to index
        %parallel_loop3A_1207 = arith.constant 0 : index
        %parallel_loop3A_1208 = tpu.vector_load %arg12[%parallel_loop3A_1206, %parallel_loop3A_1207] {strides = array<i32>} : memref<20x32xbf16, #tpu.memory_space<vmem>>, vector<32xbf16>,
        %parallel_loop3A_1209 = arith.constant 4 : i32
        %parallel_loop3A_1210 = arith.muli %parallel_loop3A_1124, %parallel_loop3A_1209 : i32
        %parallel_loop3A_1211 = arith.constant 256 : i32
        %parallel_loop3A_1212 = arith.addi %parallel_loop3A_1211, %parallel_loop3A_1210 : i32
        %parallel_loop3A_1213 = arith.constant 0 : i32
        %parallel_loop3A_1214 = arith.addi %parallel_loop3A_1212, %parallel_loop3A_1213 : i32
        %parallel_loop3A_1215 = arith.index_cast %parallel_loop3A_1214 : i32 to index
        %parallel_loop3A_1216 = arith.constant 0 : index
        %parallel_loop3A_1217 = tpu.vector_load %arg9[%parallel_loop3A_1215, %parallel_loop3A_1216] {strides = array<i32>} : memref<2560x32xbf16, #tpu.memory_space<vmem>>, vector<32xbf16>,
        %parallel_loop3A_1218 = arith.mulf %parallel_loop3A_1217, %parallel_loop3A_1208 : vector<32xbf16>
        %parallel_loop3A_1219 = arith.addf %parallel_loop3A_1183, %parallel_loop3A_1218 : vector<32xbf16>
        %parallel_loop3A_1220 = arith.constant 1 : i32
        %parallel_loop3A_1221 = arith.addi %parallel_loop3A_1212, %parallel_loop3A_1220 : i32
        %parallel_loop3A_1222 = arith.index_cast %parallel_loop3A_1221 : i32 to index
        %parallel_loop3A_1223 = arith.constant 0 : index
        %parallel_loop3A_1224 = tpu.vector_load %arg9[%parallel_loop3A_1222, %parallel_loop3A_1223] {strides = array<i32>} : memref<2560x32xbf16, #tpu.memory_space<vmem>>, vector<32xbf16>,
        %parallel_loop3A_1225 = arith.mulf %parallel_loop3A_1224, %parallel_loop3A_1208 : vector<32xbf16>
        %parallel_loop3A_1226 = arith.addf %parallel_loop3A_1190, %parallel_loop3A_1225 : vector<32xbf16>
        %parallel_loop3A_1227 = arith.constant 2 : i32
        %parallel_loop3A_1228 = arith.addi %parallel_loop3A_1212, %parallel_loop3A_1227 : i32
        %parallel_loop3A_1229 = arith.index_cast %parallel_loop3A_1228 : i32 to index
        %parallel_loop3A_1230 = arith.constant 0 : index
        %parallel_loop3A_1231 = tpu.vector_load %arg9[%parallel_loop3A_1229, %parallel_loop3A_1230] {strides = array<i32>} : memref<2560x32xbf16, #tpu.memory_space<vmem>>, vector<32xbf16>,
        %parallel_loop3A_1232 = arith.mulf %parallel_loop3A_1231, %parallel_loop3A_1208 : vector<32xbf16>
        %parallel_loop3A_1233 = arith.addf %parallel_loop3A_1197, %parallel_loop3A_1232 : vector<32xbf16>
        %parallel_loop3A_1234 = arith.constant 3 : i32
        %parallel_loop3A_1235 = arith.addi %parallel_loop3A_1212, %parallel_loop3A_1234 : i32
        %parallel_loop3A_1236 = arith.index_cast %parallel_loop3A_1235 : i32 to index
        %parallel_loop3A_1237 = arith.constant 0 : index
        %parallel_loop3A_1238 = tpu.vector_load %arg9[%parallel_loop3A_1236, %parallel_loop3A_1237] {strides = array<i32>} : memref<2560x32xbf16, #tpu.memory_space<vmem>>, vector<32xbf16>,
        %parallel_loop3A_1239 = arith.mulf %parallel_loop3A_1238, %parallel_loop3A_1208 : vector<32xbf16>
        %parallel_loop3A_1240 = arith.addf %parallel_loop3A_1204, %parallel_loop3A_1239 : vector<32xbf16>
        %parallel_loop3A_1241 = arith.constant 3 : i32
        %parallel_loop3A_1242 = arith.index_cast %parallel_loop3A_1241 : i32 to index
        %parallel_loop3A_1243 = arith.constant 0 : index
        %parallel_loop3A_1244 = tpu.vector_load %arg12[%parallel_loop3A_1242, %parallel_loop3A_1243] {strides = array<i32>} : memref<20x32xbf16, #tpu.memory_space<vmem>>, vector<32xbf16>,
        %parallel_loop3A_1245 = arith.constant 4 : i32
        %parallel_loop3A_1246 = arith.muli %parallel_loop3A_1124, %parallel_loop3A_1245 : i32
        %parallel_loop3A_1247 = arith.constant 384 : i32
        %parallel_loop3A_1248 = arith.addi %parallel_loop3A_1247, %parallel_loop3A_1246 : i32
        %parallel_loop3A_1249 = arith.constant 0 : i32
        %parallel_loop3A_1250 = arith.addi %parallel_loop3A_1248, %parallel_loop3A_1249 : i32
        %parallel_loop3A_1251 = arith.index_cast %parallel_loop3A_1250 : i32 to index
        %parallel_loop3A_1252 = arith.constant 0 : index
        %parallel_loop3A_1253 = tpu.vector_load %arg9[%parallel_loop3A_1251, %parallel_loop3A_1252] {strides = array<i32>} : memref<2560x32xbf16, #tpu.memory_space<vmem>>, vector<32xbf16>,
        %parallel_loop3A_1254 = arith.mulf %parallel_loop3A_1253, %parallel_loop3A_1244 : vector<32xbf16>
        %parallel_loop3A_1255 = arith.addf %parallel_loop3A_1219, %parallel_loop3A_1254 : vector<32xbf16>
        %parallel_loop3A_1256 = arith.constant 1 : i32
        %parallel_loop3A_1257 = arith.addi %parallel_loop3A_1248, %parallel_loop3A_1256 : i32
        %parallel_loop3A_1258 = arith.index_cast %parallel_loop3A_1257 : i32 to index
        %parallel_loop3A_1259 = arith.constant 0 : index
        %parallel_loop3A_1260 = tpu.vector_load %arg9[%parallel_loop3A_1258, %parallel_loop3A_1259] {strides = array<i32>} : memref<2560x32xbf16, #tpu.memory_space<vmem>>, vector<32xbf16>,
        %parallel_loop3A_1261 = arith.mulf %parallel_loop3A_1260, %parallel_loop3A_1244 : vector<32xbf16>
        %parallel_loop3A_1262 = arith.addf %parallel_loop3A_1226, %parallel_loop3A_1261 : vector<32xbf16>
        %parallel_loop3A_1263 = arith.constant 2 : i32
        %parallel_loop3A_1264 = arith.addi %parallel_loop3A_1248, %parallel_loop3A_1263 : i32
        %parallel_loop3A_1265 = arith.index_cast %parallel_loop3A_1264 : i32 to index
        %parallel_loop3A_1266 = arith.constant 0 : index
        %parallel_loop3A_1267 = tpu.vector_load %arg9[%parallel_loop3A_1265, %parallel_loop3A_1266] {strides = array<i32>} : memref<2560x32xbf16, #tpu.memory_space<vmem>>, vector<32xbf16>,
        %parallel_loop3A_1268 = arith.mulf %parallel_loop3A_1267, %parallel_loop3A_1244 : vector<32xbf16>
        %parallel_loop3A_1269 = arith.addf %parallel_loop3A_1233, %parallel_loop3A_1268 : vector<32xbf16>
        %parallel_loop3A_1270 = arith.constant 3 : i32
        %parallel_loop3A_1271 = arith.addi %parallel_loop3A_1248, %parallel_loop3A_1270 : i32
        %parallel_loop3A_1272 = arith.index_cast %parallel_loop3A_1271 : i32 to index
        %parallel_loop3A_1273 = arith.constant 0 : index
        %parallel_loop3A_1274 = tpu.vector_load %arg9[%parallel_loop3A_1272, %parallel_loop3A_1273] {strides = array<i32>} : memref<2560x32xbf16, #tpu.memory_space<vmem>>, vector<32xbf16>,
        %parallel_loop3A_1275 = arith.mulf %parallel_loop3A_1274, %parallel_loop3A_1244 : vector<32xbf16>
        %parallel_loop3A_1276 = arith.addf %parallel_loop3A_1240, %parallel_loop3A_1275 : vector<32xbf16>
        %parallel_loop3A_1277 = arith.constant 4 : i32
        %parallel_loop3A_1278 = arith.index_cast %parallel_loop3A_1277 : i32 to index
        %parallel_loop3A_1279 = arith.constant 0 : index
        %parallel_loop3A_1280 = tpu.vector_load %arg12[%parallel_loop3A_1278, %parallel_loop3A_1279] {strides = array<i32>} : memref<20x32xbf16, #tpu.memory_space<vmem>>, vector<32xbf16>,
        %parallel_loop3A_1281 = arith.constant 4 : i32
        %parallel_loop3A_1282 = arith.muli %parallel_loop3A_1124, %parallel_loop3A_1281 : i32
        %parallel_loop3A_1283 = arith.constant 512 : i32
        %parallel_loop3A_1284 = arith.addi %parallel_loop3A_1283, %parallel_loop3A_1282 : i32
        %parallel_loop3A_1285 = arith.constant 0 : i32
        %parallel_loop3A_1286 = arith.addi %parallel_loop3A_1284, %parallel_loop3A_1285 : i32
        %parallel_loop3A_1287 = arith.index_cast %parallel_loop3A_1286 : i32 to index
        %parallel_loop3A_1288 = arith.constant 0 : index
        %parallel_loop3A_1289 = tpu.vector_load %arg9[%parallel_loop3A_1287, %parallel_loop3A_1288] {strides = array<i32>} : memref<2560x32xbf16, #tpu.memory_space<vmem>>, vector<32xbf16>,
        %parallel_loop3A_1290 = arith.mulf %parallel_loop3A_1289, %parallel_loop3A_1280 : vector<32xbf16>
        %parallel_loop3A_1291 = arith.addf %parallel_loop3A_1255, %parallel_loop3A_1290 : vector<32xbf16>
        %parallel_loop3A_1292 = arith.constant 1 : i32
        %parallel_loop3A_1293 = arith.addi %parallel_loop3A_1284, %parallel_loop3A_1292 : i32
        %parallel_loop3A_1294 = arith.index_cast %parallel_loop3A_1293 : i32 to index
        %parallel_loop3A_1295 = arith.constant 0 : index
        %parallel_loop3A_1296 = tpu.vector_load %arg9[%parallel_loop3A_1294, %parallel_loop3A_1295] {strides = array<i32>} : memref<2560x32xbf16, #tpu.memory_space<vmem>>, vector<32xbf16>,
        %parallel_loop3A_1297 = arith.mulf %parallel_loop3A_1296, %parallel_loop3A_1280 : vector<32xbf16>
        %parallel_loop3A_1298 = arith.addf %parallel_loop3A_1262, %parallel_loop3A_1297 : vector<32xbf16>
        %parallel_loop3A_1299 = arith.constant 2 : i32
        %parallel_loop3A_1300 = arith.addi %parallel_loop3A_1284, %parallel_loop3A_1299 : i32
        %parallel_loop3A_1301 = arith.index_cast %parallel_loop3A_1300 : i32 to index
        %parallel_loop3A_1302 = arith.constant 0 : index
        %parallel_loop3A_1303 = tpu.vector_load %arg9[%parallel_loop3A_1301, %parallel_loop3A_1302] {strides = array<i32>} : memref<2560x32xbf16, #tpu.memory_space<vmem>>, vector<32xbf16>,
        %parallel_loop3A_1304 = arith.mulf %parallel_loop3A_1303, %parallel_loop3A_1280 : vector<32xbf16>
        %parallel_loop3A_1305 = arith.addf %parallel_loop3A_1269, %parallel_loop3A_1304 : vector<32xbf16>
        %parallel_loop3A_1306 = arith.constant 3 : i32
        %parallel_loop3A_1307 = arith.addi %parallel_loop3A_1284, %parallel_loop3A_1306 : i32
        %parallel_loop3A_1308 = arith.index_cast %parallel_loop3A_1307 : i32 to index
        %parallel_loop3A_1309 = arith.constant 0 : index
        %parallel_loop3A_1310 = tpu.vector_load %arg9[%parallel_loop3A_1308, %parallel_loop3A_1309] {strides = array<i32>} : memref<2560x32xbf16, #tpu.memory_space<vmem>>, vector<32xbf16>,
        %parallel_loop3A_1311 = arith.mulf %parallel_loop3A_1310, %parallel_loop3A_1280 : vector<32xbf16>
        %parallel_loop3A_1312 = arith.addf %parallel_loop3A_1276, %parallel_loop3A_1311 : vector<32xbf16>
        %parallel_loop3A_1313 = arith.constant 5 : i32
        %parallel_loop3A_1314 = arith.index_cast %parallel_loop3A_1313 : i32 to index
        %parallel_loop3A_1315 = arith.constant 0 : index
        %parallel_loop3A_1316 = tpu.vector_load %arg12[%parallel_loop3A_1314, %parallel_loop3A_1315] {strides = array<i32>} : memref<20x32xbf16, #tpu.memory_space<vmem>>, vector<32xbf16>,
        %parallel_loop3A_1317 = arith.constant 4 : i32
        %parallel_loop3A_1318 = arith.muli %parallel_loop3A_1124, %parallel_loop3A_1317 : i32
        %parallel_loop3A_1319 = arith.constant 640 : i32
        %parallel_loop3A_1320 = arith.addi %parallel_loop3A_1319, %parallel_loop3A_1318 : i32
        %parallel_loop3A_1321 = arith.constant 0 : i32
        %parallel_loop3A_1322 = arith.addi %parallel_loop3A_1320, %parallel_loop3A_1321 : i32
        %parallel_loop3A_1323 = arith.index_cast %parallel_loop3A_1322 : i32 to index
        %parallel_loop3A_1324 = arith.constant 0 : index
        %parallel_loop3A_1325 = tpu.vector_load %arg9[%parallel_loop3A_1323, %parallel_loop3A_1324] {strides = array<i32>} : memref<2560x32xbf16, #tpu.memory_space<vmem>>, vector<32xbf16>,
        %parallel_loop3A_1326 = arith.mulf %parallel_loop3A_1325, %parallel_loop3A_1316 : vector<32xbf16>
        %parallel_loop3A_1327 = arith.addf %parallel_loop3A_1291, %parallel_loop3A_1326 : vector<32xbf16>
        %parallel_loop3A_1328 = arith.constant 1 : i32
        %parallel_loop3A_1329 = arith.addi %parallel_loop3A_1320, %parallel_loop3A_1328 : i32
        %parallel_loop3A_1330 = arith.index_cast %parallel_loop3A_1329 : i32 to index
        %parallel_loop3A_1331 = arith.constant 0 : index
        %parallel_loop3A_1332 = tpu.vector_load %arg9[%parallel_loop3A_1330, %parallel_loop3A_1331] {strides = array<i32>} : memref<2560x32xbf16, #tpu.memory_space<vmem>>, vector<32xbf16>,
        %parallel_loop3A_1333 = arith.mulf %parallel_loop3A_1332, %parallel_loop3A_1316 : vector<32xbf16>
        %parallel_loop3A_1334 = arith.addf %parallel_loop3A_1298, %parallel_loop3A_1333 : vector<32xbf16>
        %parallel_loop3A_1335 = arith.constant 2 : i32
        %parallel_loop3A_1336 = arith.addi %parallel_loop3A_1320, %parallel_loop3A_1335 : i32
        %parallel_loop3A_1337 = arith.index_cast %parallel_loop3A_1336 : i32 to index
        %parallel_loop3A_1338 = arith.constant 0 : index
        %parallel_loop3A_1339 = tpu.vector_load %arg9[%parallel_loop3A_1337, %parallel_loop3A_1338] {strides = array<i32>} : memref<2560x32xbf16, #tpu.memory_space<vmem>>, vector<32xbf16>,
        %parallel_loop3A_1340 = arith.mulf %parallel_loop3A_1339, %parallel_loop3A_1316 : vector<32xbf16>
        %parallel_loop3A_1341 = arith.addf %parallel_loop3A_1305, %parallel_loop3A_1340 : vector<32xbf16>
        %parallel_loop3A_1342 = arith.constant 3 : i32
        %parallel_loop3A_1343 = arith.addi %parallel_loop3A_1320, %parallel_loop3A_1342 : i32
        %parallel_loop3A_1344 = arith.index_cast %parallel_loop3A_1343 : i32 to index
        %parallel_loop3A_1345 = arith.constant 0 : index
        %parallel_loop3A_1346 = tpu.vector_load %arg9[%parallel_loop3A_1344, %parallel_loop3A_1345] {strides = array<i32>} : memref<2560x32xbf16, #tpu.memory_space<vmem>>, vector<32xbf16>,
        %parallel_loop3A_1347 = arith.mulf %parallel_loop3A_1346, %parallel_loop3A_1316 : vector<32xbf16>
        %parallel_loop3A_1348 = arith.addf %parallel_loop3A_1312, %parallel_loop3A_1347 : vector<32xbf16>
        %parallel_loop3A_1349 = arith.constant 6 : i32
        %parallel_loop3A_1350 = arith.index_cast %parallel_loop3A_1349 : i32 to index
        %parallel_loop3A_1351 = arith.constant 0 : index
        %parallel_loop3A_1352 = tpu.vector_load %arg12[%parallel_loop3A_1350, %parallel_loop3A_1351] {strides = array<i32>} : memref<20x32xbf16, #tpu.memory_space<vmem>>, vector<32xbf16>,
        %parallel_loop3A_1353 = arith.constant 4 : i32
        %parallel_loop3A_1354 = arith.muli %parallel_loop3A_1124, %parallel_loop3A_1353 : i32
        %parallel_loop3A_1355 = arith.constant 768 : i32
        %parallel_loop3A_1356 = arith.addi %parallel_loop3A_1355, %parallel_loop3A_1354 : i32
        %parallel_loop3A_1357 = arith.constant 0 : i32
        %parallel_loop3A_1358 = arith.addi %parallel_loop3A_1356, %parallel_loop3A_1357 : i32
        %parallel_loop3A_1359 = arith.index_cast %parallel_loop3A_1358 : i32 to index
        %parallel_loop3A_1360 = arith.constant 0 : index
        %parallel_loop3A_1361 = tpu.vector_load %arg9[%parallel_loop3A_1359, %parallel_loop3A_1360] {strides = array<i32>} : memref<2560x32xbf16, #tpu.memory_space<vmem>>, vector<32xbf16>,
        %parallel_loop3A_1362 = arith.mulf %parallel_loop3A_1361, %parallel_loop3A_1352 : vector<32xbf16>
        %parallel_loop3A_1363 = arith.addf %parallel_loop3A_1327, %parallel_loop3A_1362 : vector<32xbf16>
        %parallel_loop3A_1364 = arith.constant 1 : i32
        %parallel_loop3A_1365 = arith.addi %parallel_loop3A_1356, %parallel_loop3A_1364 : i32
        %parallel_loop3A_1366 = arith.index_cast %parallel_loop3A_1365 : i32 to index
        %parallel_loop3A_1367 = arith.constant 0 : index
        %parallel_loop3A_1368 = tpu.vector_load %arg9[%parallel_loop3A_1366, %parallel_loop3A_1367] {strides = array<i32>} : memref<2560x32xbf16, #tpu.memory_space<vmem>>, vector<32xbf16>,
        %parallel_loop3A_1369 = arith.mulf %parallel_loop3A_1368, %parallel_loop3A_1352 : vector<32xbf16>
        %parallel_loop3A_1370 = arith.addf %parallel_loop3A_1334, %parallel_loop3A_1369 : vector<32xbf16>
        %parallel_loop3A_1371 = arith.constant 2 : i32
        %parallel_loop3A_1372 = arith.addi %parallel_loop3A_1356, %parallel_loop3A_1371 : i32
        %parallel_loop3A_1373 = arith.index_cast %parallel_loop3A_1372 : i32 to index
        %parallel_loop3A_1374 = arith.constant 0 : index
        %parallel_loop3A_1375 = tpu.vector_load %arg9[%parallel_loop3A_1373, %parallel_loop3A_1374] {strides = array<i32>} : memref<2560x32xbf16, #tpu.memory_space<vmem>>, vector<32xbf16>,
        %parallel_loop3A_1376 = arith.mulf %parallel_loop3A_1375, %parallel_loop3A_1352 : vector<32xbf16>
        %parallel_loop3A_1377 = arith.addf %parallel_loop3A_1341, %parallel_loop3A_1376 : vector<32xbf16>
        %parallel_loop3A_1378 = arith.constant 3 : i32
        %parallel_loop3A_1379 = arith.addi %parallel_loop3A_1356, %parallel_loop3A_1378 : i32
        %parallel_loop3A_1380 = arith.index_cast %parallel_loop3A_1379 : i32 to index
        %parallel_loop3A_1381 = arith.constant 0 : index
        %parallel_loop3A_1382 = tpu.vector_load %arg9[%parallel_loop3A_1380, %parallel_loop3A_1381] {strides = array<i32>} : memref<2560x32xbf16, #tpu.memory_space<vmem>>, vector<32xbf16>,
        %parallel_loop3A_1383 = arith.mulf %parallel_loop3A_1382, %parallel_loop3A_1352 : vector<32xbf16>
        %parallel_loop3A_1384 = arith.addf %parallel_loop3A_1348, %parallel_loop3A_1383 : vector<32xbf16>
        %parallel_loop3A_1385 = arith.constant 7 : i32
        %parallel_loop3A_1386 = arith.index_cast %parallel_loop3A_1385 : i32 to index
        %parallel_loop3A_1387 = arith.constant 0 : index
        %parallel_loop3A_1388 = tpu.vector_load %arg12[%parallel_loop3A_1386, %parallel_loop3A_1387] {strides = array<i32>} : memref<20x32xbf16, #tpu.memory_space<vmem>>, vector<32xbf16>,
        %parallel_loop3A_1389 = arith.constant 4 : i32
        %parallel_loop3A_1390 = arith.muli %parallel_loop3A_1124, %parallel_loop3A_1389 : i32
        %parallel_loop3A_1391 = arith.constant 896 : i32
        %parallel_loop3A_1392 = arith.addi %parallel_loop3A_1391, %parallel_loop3A_1390 : i32
        %parallel_loop3A_1393 = arith.constant 0 : i32
        %parallel_loop3A_1394 = arith.addi %parallel_loop3A_1392, %parallel_loop3A_1393 : i32
        %parallel_loop3A_1395 = arith.index_cast %parallel_loop3A_1394 : i32 to index
        %parallel_loop3A_1396 = arith.constant 0 : index
        %parallel_loop3A_1397 = tpu.vector_load %arg9[%parallel_loop3A_1395, %parallel_loop3A_1396] {strides = array<i32>} : memref<2560x32xbf16, #tpu.memory_space<vmem>>, vector<32xbf16>,
        %parallel_loop3A_1398 = arith.mulf %parallel_loop3A_1397, %parallel_loop3A_1388 : vector<32xbf16>
        %parallel_loop3A_1399 = arith.addf %parallel_loop3A_1363, %parallel_loop3A_1398 : vector<32xbf16>
        %parallel_loop3A_1400 = arith.constant 1 : i32
        %parallel_loop3A_1401 = arith.addi %parallel_loop3A_1392, %parallel_loop3A_1400 : i32
        %parallel_loop3A_1402 = arith.index_cast %parallel_loop3A_1401 : i32 to index
        %parallel_loop3A_1403 = arith.constant 0 : index
        %parallel_loop3A_1404 = tpu.vector_load %arg9[%parallel_loop3A_1402, %parallel_loop3A_1403] {strides = array<i32>} : memref<2560x32xbf16, #tpu.memory_space<vmem>>, vector<32xbf16>,
        %parallel_loop3A_1405 = arith.mulf %parallel_loop3A_1404, %parallel_loop3A_1388 : vector<32xbf16>
        %parallel_loop3A_1406 = arith.addf %parallel_loop3A_1370, %parallel_loop3A_1405 : vector<32xbf16>
        %parallel_loop3A_1407 = arith.constant 2 : i32
        %parallel_loop3A_1408 = arith.addi %parallel_loop3A_1392, %parallel_loop3A_1407 : i32
        %parallel_loop3A_1409 = arith.index_cast %parallel_loop3A_1408 : i32 to index
        %parallel_loop3A_1410 = arith.constant 0 : index
        %parallel_loop3A_1411 = tpu.vector_load %arg9[%parallel_loop3A_1409, %parallel_loop3A_1410] {strides = array<i32>} : memref<2560x32xbf16, #tpu.memory_space<vmem>>, vector<32xbf16>,
        %parallel_loop3A_1412 = arith.mulf %parallel_loop3A_1411, %parallel_loop3A_1388 : vector<32xbf16>
        %parallel_loop3A_1413 = arith.addf %parallel_loop3A_1377, %parallel_loop3A_1412 : vector<32xbf16>
        %parallel_loop3A_1414 = arith.constant 3 : i32
        %parallel_loop3A_1415 = arith.addi %parallel_loop3A_1392, %parallel_loop3A_1414 : i32
        %parallel_loop3A_1416 = arith.index_cast %parallel_loop3A_1415 : i32 to index
        %parallel_loop3A_1417 = arith.constant 0 : index
        %parallel_loop3A_1418 = tpu.vector_load %arg9[%parallel_loop3A_1416, %parallel_loop3A_1417] {strides = array<i32>} : memref<2560x32xbf16, #tpu.memory_space<vmem>>, vector<32xbf16>,
        %parallel_loop3A_1419 = arith.mulf %parallel_loop3A_1418, %parallel_loop3A_1388 : vector<32xbf16>
        %parallel_loop3A_1420 = arith.addf %parallel_loop3A_1384, %parallel_loop3A_1419 : vector<32xbf16>
        %parallel_loop3A_1421 = arith.constant 8 : i32
        %parallel_loop3A_1422 = arith.index_cast %parallel_loop3A_1421 : i32 to index
        %parallel_loop3A_1423 = arith.constant 0 : index
        %parallel_loop3A_1424 = tpu.vector_load %arg12[%parallel_loop3A_1422, %parallel_loop3A_1423] {strides = array<i32>} : memref<20x32xbf16, #tpu.memory_space<vmem>>, vector<32xbf16>,
        %parallel_loop3A_1425 = arith.constant 4 : i32
        %parallel_loop3A_1426 = arith.muli %parallel_loop3A_1124, %parallel_loop3A_1425 : i32
        %parallel_loop3A_1427 = arith.constant 1024 : i32
        %parallel_loop3A_1428 = arith.addi %parallel_loop3A_1427, %parallel_loop3A_1426 : i32
        %parallel_loop3A_1429 = arith.constant 0 : i32
        %parallel_loop3A_1430 = arith.addi %parallel_loop3A_1428, %parallel_loop3A_1429 : i32
        %parallel_loop3A_1431 = arith.index_cast %parallel_loop3A_1430 : i32 to index
        %parallel_loop3A_1432 = arith.constant 0 : index
        %parallel_loop3A_1433 = tpu.vector_load %arg9[%parallel_loop3A_1431, %parallel_loop3A_1432] {strides = array<i32>} : memref<2560x32xbf16, #tpu.memory_space<vmem>>, vector<32xbf16>,
        %parallel_loop3A_1434 = arith.mulf %parallel_loop3A_1433, %parallel_loop3A_1424 : vector<32xbf16>
        %parallel_loop3A_1435 = arith.addf %parallel_loop3A_1399, %parallel_loop3A_1434 : vector<32xbf16>
        %parallel_loop3A_1436 = arith.constant 1 : i32
        %parallel_loop3A_1437 = arith.addi %parallel_loop3A_1428, %parallel_loop3A_1436 : i32
        %parallel_loop3A_1438 = arith.index_cast %parallel_loop3A_1437 : i32 to index
        %parallel_loop3A_1439 = arith.constant 0 : index
        %parallel_loop3A_1440 = tpu.vector_load %arg9[%parallel_loop3A_1438, %parallel_loop3A_1439] {strides = array<i32>} : memref<2560x32xbf16, #tpu.memory_space<vmem>>, vector<32xbf16>,
        %parallel_loop3A_1441 = arith.mulf %parallel_loop3A_1440, %parallel_loop3A_1424 : vector<32xbf16>
        %parallel_loop3A_1442 = arith.addf %parallel_loop3A_1406, %parallel_loop3A_1441 : vector<32xbf16>
        %parallel_loop3A_1443 = arith.constant 2 : i32
        %parallel_loop3A_1444 = arith.addi %parallel_loop3A_1428, %parallel_loop3A_1443 : i32
        %parallel_loop3A_1445 = arith.index_cast %parallel_loop3A_1444 : i32 to index
        %parallel_loop3A_1446 = arith.constant 0 : index
        %parallel_loop3A_1447 = tpu.vector_load %arg9[%parallel_loop3A_1445, %parallel_loop3A_1446] {strides = array<i32>} : memref<2560x32xbf16, #tpu.memory_space<vmem>>, vector<32xbf16>,
        %parallel_loop3A_1448 = arith.mulf %parallel_loop3A_1447, %parallel_loop3A_1424 : vector<32xbf16>
        %parallel_loop3A_1449 = arith.addf %parallel_loop3A_1413, %parallel_loop3A_1448 : vector<32xbf16>
        %parallel_loop3A_1450 = arith.constant 3 : i32
        %parallel_loop3A_1451 = arith.addi %parallel_loop3A_1428, %parallel_loop3A_1450 : i32
        %parallel_loop3A_1452 = arith.index_cast %parallel_loop3A_1451 : i32 to index
        %parallel_loop3A_1453 = arith.constant 0 : index
        %parallel_loop3A_1454 = tpu.vector_load %arg9[%parallel_loop3A_1452, %parallel_loop3A_1453] {strides = array<i32>} : memref<2560x32xbf16, #tpu.memory_space<vmem>>, vector<32xbf16>,
        %parallel_loop3A_1455 = arith.mulf %parallel_loop3A_1454, %parallel_loop3A_1424 : vector<32xbf16>
        %parallel_loop3A_1456 = arith.addf %parallel_loop3A_1420, %parallel_loop3A_1455 : vector<32xbf16>
        %parallel_loop3A_1457 = arith.constant 9 : i32
        %parallel_loop3A_1458 = arith.index_cast %parallel_loop3A_1457 : i32 to index
        %parallel_loop3A_1459 = arith.constant 0 : index
        %parallel_loop3A_1460 = tpu.vector_load %arg12[%parallel_loop3A_1458, %parallel_loop3A_1459] {strides = array<i32>} : memref<20x32xbf16, #tpu.memory_space<vmem>>, vector<32xbf16>,
        %parallel_loop3A_1461 = arith.constant 4 : i32
        %parallel_loop3A_1462 = arith.muli %parallel_loop3A_1124, %parallel_loop3A_1461 : i32
        %parallel_loop3A_1463 = arith.constant 1152 : i32
        %parallel_loop3A_1464 = arith.addi %parallel_loop3A_1463, %parallel_loop3A_1462 : i32
        %parallel_loop3A_1465 = arith.constant 0 : i32
        %parallel_loop3A_1466 = arith.addi %parallel_loop3A_1464, %parallel_loop3A_1465 : i32
        %parallel_loop3A_1467 = arith.index_cast %parallel_loop3A_1466 : i32 to index
        %parallel_loop3A_1468 = arith.constant 0 : index
        %parallel_loop3A_1469 = tpu.vector_load %arg9[%parallel_loop3A_1467, %parallel_loop3A_1468] {strides = array<i32>} : memref<2560x32xbf16, #tpu.memory_space<vmem>>, vector<32xbf16>,
        %parallel_loop3A_1470 = arith.mulf %parallel_loop3A_1469, %parallel_loop3A_1460 : vector<32xbf16>
        %parallel_loop3A_1471 = arith.addf %parallel_loop3A_1435, %parallel_loop3A_1470 : vector<32xbf16>
        %parallel_loop3A_1472 = arith.constant 1 : i32
        %parallel_loop3A_1473 = arith.addi %parallel_loop3A_1464, %parallel_loop3A_1472 : i32
        %parallel_loop3A_1474 = arith.index_cast %parallel_loop3A_1473 : i32 to index
        %parallel_loop3A_1475 = arith.constant 0 : index
        %parallel_loop3A_1476 = tpu.vector_load %arg9[%parallel_loop3A_1474, %parallel_loop3A_1475] {strides = array<i32>} : memref<2560x32xbf16, #tpu.memory_space<vmem>>, vector<32xbf16>,
        %parallel_loop3A_1477 = arith.mulf %parallel_loop3A_1476, %parallel_loop3A_1460 : vector<32xbf16>
        %parallel_loop3A_1478 = arith.addf %parallel_loop3A_1442, %parallel_loop3A_1477 : vector<32xbf16>
        %parallel_loop3A_1479 = arith.constant 2 : i32
        %parallel_loop3A_1480 = arith.addi %parallel_loop3A_1464, %parallel_loop3A_1479 : i32
        %parallel_loop3A_1481 = arith.index_cast %parallel_loop3A_1480 : i32 to index
        %parallel_loop3A_1482 = arith.constant 0 : index
        %parallel_loop3A_1483 = tpu.vector_load %arg9[%parallel_loop3A_1481, %parallel_loop3A_1482] {strides = array<i32>} : memref<2560x32xbf16, #tpu.memory_space<vmem>>, vector<32xbf16>,
        %parallel_loop3A_1484 = arith.mulf %parallel_loop3A_1483, %parallel_loop3A_1460 : vector<32xbf16>
        %parallel_loop3A_1485 = arith.addf %parallel_loop3A_1449, %parallel_loop3A_1484 : vector<32xbf16>
        %parallel_loop3A_1486 = arith.constant 3 : i32
        %parallel_loop3A_1487 = arith.addi %parallel_loop3A_1464, %parallel_loop3A_1486 : i32
        %parallel_loop3A_1488 = arith.index_cast %parallel_loop3A_1487 : i32 to index
        %parallel_loop3A_1489 = arith.constant 0 : index
        %parallel_loop3A_1490 = tpu.vector_load %arg9[%parallel_loop3A_1488, %parallel_loop3A_1489] {strides = array<i32>} : memref<2560x32xbf16, #tpu.memory_space<vmem>>, vector<32xbf16>,
        %parallel_loop3A_1491 = arith.mulf %parallel_loop3A_1490, %parallel_loop3A_1460 : vector<32xbf16>
        %parallel_loop3A_1492 = arith.addf %parallel_loop3A_1456, %parallel_loop3A_1491 : vector<32xbf16>
        %parallel_loop3A_1493 = arith.constant 10 : i32
        %parallel_loop3A_1494 = arith.index_cast %parallel_loop3A_1493 : i32 to index
        %parallel_loop3A_1495 = arith.constant 0 : index
        %parallel_loop3A_1496 = tpu.vector_load %arg12[%parallel_loop3A_1494, %parallel_loop3A_1495] {strides = array<i32>} : memref<20x32xbf16, #tpu.memory_space<vmem>>, vector<32xbf16>,
        %parallel_loop3A_1497 = arith.constant 4 : i32
        %parallel_loop3A_1498 = arith.muli %parallel_loop3A_1124, %parallel_loop3A_1497 : i32
        %parallel_loop3A_1499 = arith.constant 1280 : i32
        %parallel_loop3A_1500 = arith.addi %parallel_loop3A_1499, %parallel_loop3A_1498 : i32
        %parallel_loop3A_1501 = arith.constant 0 : i32
        %parallel_loop3A_1502 = arith.addi %parallel_loop3A_1500, %parallel_loop3A_1501 : i32
        %parallel_loop3A_1503 = arith.index_cast %parallel_loop3A_1502 : i32 to index
        %parallel_loop3A_1504 = arith.constant 0 : index
        %parallel_loop3A_1505 = tpu.vector_load %arg9[%parallel_loop3A_1503, %parallel_loop3A_1504] {strides = array<i32>} : memref<2560x32xbf16, #tpu.memory_space<vmem>>, vector<32xbf16>,
        %parallel_loop3A_1506 = arith.mulf %parallel_loop3A_1505, %parallel_loop3A_1496 : vector<32xbf16>
        %parallel_loop3A_1507 = arith.addf %parallel_loop3A_1471, %parallel_loop3A_1506 : vector<32xbf16>
        %parallel_loop3A_1508 = arith.constant 1 : i32
        %parallel_loop3A_1509 = arith.addi %parallel_loop3A_1500, %parallel_loop3A_1508 : i32
        %parallel_loop3A_1510 = arith.index_cast %parallel_loop3A_1509 : i32 to index
        %parallel_loop3A_1511 = arith.constant 0 : index
        %parallel_loop3A_1512 = tpu.vector_load %arg9[%parallel_loop3A_1510, %parallel_loop3A_1511] {strides = array<i32>} : memref<2560x32xbf16, #tpu.memory_space<vmem>>, vector<32xbf16>,
        %parallel_loop3A_1513 = arith.mulf %parallel_loop3A_1512, %parallel_loop3A_1496 : vector<32xbf16>
        %parallel_loop3A_1514 = arith.addf %parallel_loop3A_1478, %parallel_loop3A_1513 : vector<32xbf16>
        %parallel_loop3A_1515 = arith.constant 2 : i32
        %parallel_loop3A_1516 = arith.addi %parallel_loop3A_1500, %parallel_loop3A_1515 : i32
        %parallel_loop3A_1517 = arith.index_cast %parallel_loop3A_1516 : i32 to index
        %parallel_loop3A_1518 = arith.constant 0 : index
        %parallel_loop3A_1519 = tpu.vector_load %arg9[%parallel_loop3A_1517, %parallel_loop3A_1518] {strides = array<i32>} : memref<2560x32xbf16, #tpu.memory_space<vmem>>, vector<32xbf16>,
        %parallel_loop3A_1520 = arith.mulf %parallel_loop3A_1519, %parallel_loop3A_1496 : vector<32xbf16>
        %parallel_loop3A_1521 = arith.addf %parallel_loop3A_1485, %parallel_loop3A_1520 : vector<32xbf16>
        %parallel_loop3A_1522 = arith.constant 3 : i32
        %parallel_loop3A_1523 = arith.addi %parallel_loop3A_1500, %parallel_loop3A_1522 : i32
        %parallel_loop3A_1524 = arith.index_cast %parallel_loop3A_1523 : i32 to index
        %parallel_loop3A_1525 = arith.constant 0 : index
        %parallel_loop3A_1526 = tpu.vector_load %arg9[%parallel_loop3A_1524, %parallel_loop3A_1525] {strides = array<i32>} : memref<2560x32xbf16, #tpu.memory_space<vmem>>, vector<32xbf16>,
        %parallel_loop3A_1527 = arith.mulf %parallel_loop3A_1526, %parallel_loop3A_1496 : vector<32xbf16>
        %parallel_loop3A_1528 = arith.addf %parallel_loop3A_1492, %parallel_loop3A_1527 : vector<32xbf16>
        %parallel_loop3A_1529 = arith.constant 11 : i32
        %parallel_loop3A_1530 = arith.index_cast %parallel_loop3A_1529 : i32 to index
        %parallel_loop3A_1531 = arith.constant 0 : index
        %parallel_loop3A_1532 = tpu.vector_load %arg12[%parallel_loop3A_1530, %parallel_loop3A_1531] {strides = array<i32>} : memref<20x32xbf16, #tpu.memory_space<vmem>>, vector<32xbf16>,
        %parallel_loop3A_1533 = arith.constant 4 : i32
        %parallel_loop3A_1534 = arith.muli %parallel_loop3A_1124, %parallel_loop3A_1533 : i32
        %parallel_loop3A_1535 = arith.constant 1408 : i32
        %parallel_loop3A_1536 = arith.addi %parallel_loop3A_1535, %parallel_loop3A_1534 : i32
        %parallel_loop3A_1537 = arith.constant 0 : i32
        %parallel_loop3A_1538 = arith.addi %parallel_loop3A_1536, %parallel_loop3A_1537 : i32
        %parallel_loop3A_1539 = arith.index_cast %parallel_loop3A_1538 : i32 to index
        %parallel_loop3A_1540 = arith.constant 0 : index
        %parallel_loop3A_1541 = tpu.vector_load %arg9[%parallel_loop3A_1539, %parallel_loop3A_1540] {strides = array<i32>} : memref<2560x32xbf16, #tpu.memory_space<vmem>>, vector<32xbf16>,
        %parallel_loop3A_1542 = arith.mulf %parallel_loop3A_1541, %parallel_loop3A_1532 : vector<32xbf16>
        %parallel_loop3A_1543 = arith.addf %parallel_loop3A_1507, %parallel_loop3A_1542 : vector<32xbf16>
        %parallel_loop3A_1544 = arith.constant 1 : i32
        %parallel_loop3A_1545 = arith.addi %parallel_loop3A_1536, %parallel_loop3A_1544 : i32
        %parallel_loop3A_1546 = arith.index_cast %parallel_loop3A_1545 : i32 to index
        %parallel_loop3A_1547 = arith.constant 0 : index
        %parallel_loop3A_1548 = tpu.vector_load %arg9[%parallel_loop3A_1546, %parallel_loop3A_1547] {strides = array<i32>} : memref<2560x32xbf16, #tpu.memory_space<vmem>>, vector<32xbf16>,
        %parallel_loop3A_1549 = arith.mulf %parallel_loop3A_1548, %parallel_loop3A_1532 : vector<32xbf16>
        %parallel_loop3A_1550 = arith.addf %parallel_loop3A_1514, %parallel_loop3A_1549 : vector<32xbf16>
        %parallel_loop3A_1551 = arith.constant 2 : i32
        %parallel_loop3A_1552 = arith.addi %parallel_loop3A_1536, %parallel_loop3A_1551 : i32
        %parallel_loop3A_1553 = arith.index_cast %parallel_loop3A_1552 : i32 to index
        %parallel_loop3A_1554 = arith.constant 0 : index
        %parallel_loop3A_1555 = tpu.vector_load %arg9[%parallel_loop3A_1553, %parallel_loop3A_1554] {strides = array<i32>} : memref<2560x32xbf16, #tpu.memory_space<vmem>>, vector<32xbf16>,
        %parallel_loop3A_1556 = arith.mulf %parallel_loop3A_1555, %parallel_loop3A_1532 : vector<32xbf16>
        %parallel_loop3A_1557 = arith.addf %parallel_loop3A_1521, %parallel_loop3A_1556 : vector<32xbf16>
        %parallel_loop3A_1558 = arith.constant 3 : i32
        %parallel_loop3A_1559 = arith.addi %parallel_loop3A_1536, %parallel_loop3A_1558 : i32
        %parallel_loop3A_1560 = arith.index_cast %parallel_loop3A_1559 : i32 to index
        %parallel_loop3A_1561 = arith.constant 0 : index
        %parallel_loop3A_1562 = tpu.vector_load %arg9[%parallel_loop3A_1560, %parallel_loop3A_1561] {strides = array<i32>} : memref<2560x32xbf16, #tpu.memory_space<vmem>>, vector<32xbf16>,
        %parallel_loop3A_1563 = arith.mulf %parallel_loop3A_1562, %parallel_loop3A_1532 : vector<32xbf16>
        %parallel_loop3A_1564 = arith.addf %parallel_loop3A_1528, %parallel_loop3A_1563 : vector<32xbf16>
        %parallel_loop3A_1565 = arith.constant 12 : i32
        %parallel_loop3A_1566 = arith.index_cast %parallel_loop3A_1565 : i32 to index
        %parallel_loop3A_1567 = arith.constant 0 : index
        %parallel_loop3A_1568 = tpu.vector_load %arg12[%parallel_loop3A_1566, %parallel_loop3A_1567] {strides = array<i32>} : memref<20x32xbf16, #tpu.memory_space<vmem>>, vector<32xbf16>,
        %parallel_loop3A_1569 = arith.constant 4 : i32
        %parallel_loop3A_1570 = arith.muli %parallel_loop3A_1124, %parallel_loop3A_1569 : i32
        %parallel_loop3A_1571 = arith.constant 1536 : i32
        %parallel_loop3A_1572 = arith.addi %parallel_loop3A_1571, %parallel_loop3A_1570 : i32
        %parallel_loop3A_1573 = arith.constant 0 : i32
        %parallel_loop3A_1574 = arith.addi %parallel_loop3A_1572, %parallel_loop3A_1573 : i32
        %parallel_loop3A_1575 = arith.index_cast %parallel_loop3A_1574 : i32 to index
        %parallel_loop3A_1576 = arith.constant 0 : index
        %parallel_loop3A_1577 = tpu.vector_load %arg9[%parallel_loop3A_1575, %parallel_loop3A_1576] {strides = array<i32>} : memref<2560x32xbf16, #tpu.memory_space<vmem>>, vector<32xbf16>,
        %parallel_loop3A_1578 = arith.mulf %parallel_loop3A_1577, %parallel_loop3A_1568 : vector<32xbf16>
        %parallel_loop3A_1579 = arith.addf %parallel_loop3A_1543, %parallel_loop3A_1578 : vector<32xbf16>
        %parallel_loop3A_1580 = arith.constant 1 : i32
        %parallel_loop3A_1581 = arith.addi %parallel_loop3A_1572, %parallel_loop3A_1580 : i32
        %parallel_loop3A_1582 = arith.index_cast %parallel_loop3A_1581 : i32 to index
        %parallel_loop3A_1583 = arith.constant 0 : index
        %parallel_loop3A_1584 = tpu.vector_load %arg9[%parallel_loop3A_1582, %parallel_loop3A_1583] {strides = array<i32>} : memref<2560x32xbf16, #tpu.memory_space<vmem>>, vector<32xbf16>,
        %parallel_loop3A_1585 = arith.mulf %parallel_loop3A_1584, %parallel_loop3A_1568 : vector<32xbf16>
        %parallel_loop3A_1586 = arith.addf %parallel_loop3A_1550, %parallel_loop3A_1585 : vector<32xbf16>
        %parallel_loop3A_1587 = arith.constant 2 : i32
        %parallel_loop3A_1588 = arith.addi %parallel_loop3A_1572, %parallel_loop3A_1587 : i32
        %parallel_loop3A_1589 = arith.index_cast %parallel_loop3A_1588 : i32 to index
        %parallel_loop3A_1590 = arith.constant 0 : index
        %parallel_loop3A_1591 = tpu.vector_load %arg9[%parallel_loop3A_1589, %parallel_loop3A_1590] {strides = array<i32>} : memref<2560x32xbf16, #tpu.memory_space<vmem>>, vector<32xbf16>,
        %parallel_loop3A_1592 = arith.mulf %parallel_loop3A_1591, %parallel_loop3A_1568 : vector<32xbf16>
        %parallel_loop3A_1593 = arith.addf %parallel_loop3A_1557, %parallel_loop3A_1592 : vector<32xbf16>
        %parallel_loop3A_1594 = arith.constant 3 : i32
        %parallel_loop3A_1595 = arith.addi %parallel_loop3A_1572, %parallel_loop3A_1594 : i32
        %parallel_loop3A_1596 = arith.index_cast %parallel_loop3A_1595 : i32 to index
        %parallel_loop3A_1597 = arith.constant 0 : index
        %parallel_loop3A_1598 = tpu.vector_load %arg9[%parallel_loop3A_1596, %parallel_loop3A_1597] {strides = array<i32>} : memref<2560x32xbf16, #tpu.memory_space<vmem>>, vector<32xbf16>,
        %parallel_loop3A_1599 = arith.mulf %parallel_loop3A_1598, %parallel_loop3A_1568 : vector<32xbf16>
        %parallel_loop3A_1600 = arith.addf %parallel_loop3A_1564, %parallel_loop3A_1599 : vector<32xbf16>
        %parallel_loop3A_1601 = arith.constant 13 : i32
        %parallel_loop3A_1602 = arith.index_cast %parallel_loop3A_1601 : i32 to index
        %parallel_loop3A_1603 = arith.constant 0 : index
        %parallel_loop3A_1604 = tpu.vector_load %arg12[%parallel_loop3A_1602, %parallel_loop3A_1603] {strides = array<i32>} : memref<20x32xbf16, #tpu.memory_space<vmem>>, vector<32xbf16>,
        %parallel_loop3A_1605 = arith.constant 4 : i32
        %parallel_loop3A_1606 = arith.muli %parallel_loop3A_1124, %parallel_loop3A_1605 : i32
        %parallel_loop3A_1607 = arith.constant 1664 : i32
        %parallel_loop3A_1608 = arith.addi %parallel_loop3A_1607, %parallel_loop3A_1606 : i32
        %parallel_loop3A_1609 = arith.constant 0 : i32
        %parallel_loop3A_1610 = arith.addi %parallel_loop3A_1608, %parallel_loop3A_1609 : i32
        %parallel_loop3A_1611 = arith.index_cast %parallel_loop3A_1610 : i32 to index
        %parallel_loop3A_1612 = arith.constant 0 : index
        %parallel_loop3A_1613 = tpu.vector_load %arg9[%parallel_loop3A_1611, %parallel_loop3A_1612] {strides = array<i32>} : memref<2560x32xbf16, #tpu.memory_space<vmem>>, vector<32xbf16>,
        %parallel_loop3A_1614 = arith.mulf %parallel_loop3A_1613, %parallel_loop3A_1604 : vector<32xbf16>
        %parallel_loop3A_1615 = arith.addf %parallel_loop3A_1579, %parallel_loop3A_1614 : vector<32xbf16>
        %parallel_loop3A_1616 = arith.constant 1 : i32
        %parallel_loop3A_1617 = arith.addi %parallel_loop3A_1608, %parallel_loop3A_1616 : i32
        %parallel_loop3A_1618 = arith.index_cast %parallel_loop3A_1617 : i32 to index
        %parallel_loop3A_1619 = arith.constant 0 : index
        %parallel_loop3A_1620 = tpu.vector_load %arg9[%parallel_loop3A_1618, %parallel_loop3A_1619] {strides = array<i32>} : memref<2560x32xbf16, #tpu.memory_space<vmem>>, vector<32xbf16>,
        %parallel_loop3A_1621 = arith.mulf %parallel_loop3A_1620, %parallel_loop3A_1604 : vector<32xbf16>
        %parallel_loop3A_1622 = arith.addf %parallel_loop3A_1586, %parallel_loop3A_1621 : vector<32xbf16>
        %parallel_loop3A_1623 = arith.constant 2 : i32
        %parallel_loop3A_1624 = arith.addi %parallel_loop3A_1608, %parallel_loop3A_1623 : i32
        %parallel_loop3A_1625 = arith.index_cast %parallel_loop3A_1624 : i32 to index
        %parallel_loop3A_1626 = arith.constant 0 : index
        %parallel_loop3A_1627 = tpu.vector_load %arg9[%parallel_loop3A_1625, %parallel_loop3A_1626] {strides = array<i32>} : memref<2560x32xbf16, #tpu.memory_space<vmem>>, vector<32xbf16>,
        %parallel_loop3A_1628 = arith.mulf %parallel_loop3A_1627, %parallel_loop3A_1604 : vector<32xbf16>
        %parallel_loop3A_1629 = arith.addf %parallel_loop3A_1593, %parallel_loop3A_1628 : vector<32xbf16>
        %parallel_loop3A_1630 = arith.constant 3 : i32
        %parallel_loop3A_1631 = arith.addi %parallel_loop3A_1608, %parallel_loop3A_1630 : i32
        %parallel_loop3A_1632 = arith.index_cast %parallel_loop3A_1631 : i32 to index
        %parallel_loop3A_1633 = arith.constant 0 : index
        %parallel_loop3A_1634 = tpu.vector_load %arg9[%parallel_loop3A_1632, %parallel_loop3A_1633] {strides = array<i32>} : memref<2560x32xbf16, #tpu.memory_space<vmem>>, vector<32xbf16>,
        %parallel_loop3A_1635 = arith.mulf %parallel_loop3A_1634, %parallel_loop3A_1604 : vector<32xbf16>
        %parallel_loop3A_1636 = arith.addf %parallel_loop3A_1600, %parallel_loop3A_1635 : vector<32xbf16>
        %parallel_loop3A_1637 = arith.constant 14 : i32
        %parallel_loop3A_1638 = arith.index_cast %parallel_loop3A_1637 : i32 to index
        %parallel_loop3A_1639 = arith.constant 0 : index
        %parallel_loop3A_1640 = tpu.vector_load %arg12[%parallel_loop3A_1638, %parallel_loop3A_1639] {strides = array<i32>} : memref<20x32xbf16, #tpu.memory_space<vmem>>, vector<32xbf16>,
        %parallel_loop3A_1641 = arith.constant 4 : i32
        %parallel_loop3A_1642 = arith.muli %parallel_loop3A_1124, %parallel_loop3A_1641 : i32
        %parallel_loop3A_1643 = arith.constant 1792 : i32
        %parallel_loop3A_1644 = arith.addi %parallel_loop3A_1643, %parallel_loop3A_1642 : i32
        %parallel_loop3A_1645 = arith.constant 0 : i32
        %parallel_loop3A_1646 = arith.addi %parallel_loop3A_1644, %parallel_loop3A_1645 : i32
        %parallel_loop3A_1647 = arith.index_cast %parallel_loop3A_1646 : i32 to index
        %parallel_loop3A_1648 = arith.constant 0 : index
        %parallel_loop3A_1649 = tpu.vector_load %arg9[%parallel_loop3A_1647, %parallel_loop3A_1648] {strides = array<i32>} : memref<2560x32xbf16, #tpu.memory_space<vmem>>, vector<32xbf16>,
        %parallel_loop3A_1650 = arith.mulf %parallel_loop3A_1649, %parallel_loop3A_1640 : vector<32xbf16>
        %parallel_loop3A_1651 = arith.addf %parallel_loop3A_1615, %parallel_loop3A_1650 : vector<32xbf16>
        %parallel_loop3A_1652 = arith.constant 1 : i32
        %parallel_loop3A_1653 = arith.addi %parallel_loop3A_1644, %parallel_loop3A_1652 : i32
        %parallel_loop3A_1654 = arith.index_cast %parallel_loop3A_1653 : i32 to index
        %parallel_loop3A_1655 = arith.constant 0 : index
        %parallel_loop3A_1656 = tpu.vector_load %arg9[%parallel_loop3A_1654, %parallel_loop3A_1655] {strides = array<i32>} : memref<2560x32xbf16, #tpu.memory_space<vmem>>, vector<32xbf16>,
        %parallel_loop3A_1657 = arith.mulf %parallel_loop3A_1656, %parallel_loop3A_1640 : vector<32xbf16>
        %parallel_loop3A_1658 = arith.addf %parallel_loop3A_1622, %parallel_loop3A_1657 : vector<32xbf16>
        %parallel_loop3A_1659 = arith.constant 2 : i32
        %parallel_loop3A_1660 = arith.addi %parallel_loop3A_1644, %parallel_loop3A_1659 : i32
        %parallel_loop3A_1661 = arith.index_cast %parallel_loop3A_1660 : i32 to index
        %parallel_loop3A_1662 = arith.constant 0 : index
        %parallel_loop3A_1663 = tpu.vector_load %arg9[%parallel_loop3A_1661, %parallel_loop3A_1662] {strides = array<i32>} : memref<2560x32xbf16, #tpu.memory_space<vmem>>, vector<32xbf16>,
        %parallel_loop3A_1664 = arith.mulf %parallel_loop3A_1663, %parallel_loop3A_1640 : vector<32xbf16>
        %parallel_loop3A_1665 = arith.addf %parallel_loop3A_1629, %parallel_loop3A_1664 : vector<32xbf16>
        %parallel_loop3A_1666 = arith.constant 3 : i32
        %parallel_loop3A_1667 = arith.addi %parallel_loop3A_1644, %parallel_loop3A_1666 : i32
        %parallel_loop3A_1668 = arith.index_cast %parallel_loop3A_1667 : i32 to index
        %parallel_loop3A_1669 = arith.constant 0 : index
        %parallel_loop3A_1670 = tpu.vector_load %arg9[%parallel_loop3A_1668, %parallel_loop3A_1669] {strides = array<i32>} : memref<2560x32xbf16, #tpu.memory_space<vmem>>, vector<32xbf16>,
        %parallel_loop3A_1671 = arith.mulf %parallel_loop3A_1670, %parallel_loop3A_1640 : vector<32xbf16>
        %parallel_loop3A_1672 = arith.addf %parallel_loop3A_1636, %parallel_loop3A_1671 : vector<32xbf16>
        %parallel_loop3A_1673 = arith.constant 15 : i32
        %parallel_loop3A_1674 = arith.index_cast %parallel_loop3A_1673 : i32 to index
        %parallel_loop3A_1675 = arith.constant 0 : index
        %parallel_loop3A_1676 = tpu.vector_load %arg12[%parallel_loop3A_1674, %parallel_loop3A_1675] {strides = array<i32>} : memref<20x32xbf16, #tpu.memory_space<vmem>>, vector<32xbf16>,
        %parallel_loop3A_1677 = arith.constant 4 : i32
        %parallel_loop3A_1678 = arith.muli %parallel_loop3A_1124, %parallel_loop3A_1677 : i32
        %parallel_loop3A_1679 = arith.constant 1920 : i32
        %parallel_loop3A_1680 = arith.addi %parallel_loop3A_1679, %parallel_loop3A_1678 : i32
        %parallel_loop3A_1681 = arith.constant 0 : i32
        %parallel_loop3A_1682 = arith.addi %parallel_loop3A_1680, %parallel_loop3A_1681 : i32
        %parallel_loop3A_1683 = arith.index_cast %parallel_loop3A_1682 : i32 to index
        %parallel_loop3A_1684 = arith.constant 0 : index
        %parallel_loop3A_1685 = tpu.vector_load %arg9[%parallel_loop3A_1683, %parallel_loop3A_1684] {strides = array<i32>} : memref<2560x32xbf16, #tpu.memory_space<vmem>>, vector<32xbf16>,
        %parallel_loop3A_1686 = arith.mulf %parallel_loop3A_1685, %parallel_loop3A_1676 : vector<32xbf16>
        %parallel_loop3A_1687 = arith.addf %parallel_loop3A_1651, %parallel_loop3A_1686 : vector<32xbf16>
        %parallel_loop3A_1688 = arith.constant 1 : i32
        %parallel_loop3A_1689 = arith.addi %parallel_loop3A_1680, %parallel_loop3A_1688 : i32
        %parallel_loop3A_1690 = arith.index_cast %parallel_loop3A_1689 : i32 to index
        %parallel_loop3A_1691 = arith.constant 0 : index
        %parallel_loop3A_1692 = tpu.vector_load %arg9[%parallel_loop3A_1690, %parallel_loop3A_1691] {strides = array<i32>} : memref<2560x32xbf16, #tpu.memory_space<vmem>>, vector<32xbf16>,
        %parallel_loop3A_1693 = arith.mulf %parallel_loop3A_1692, %parallel_loop3A_1676 : vector<32xbf16>
        %parallel_loop3A_1694 = arith.addf %parallel_loop3A_1658, %parallel_loop3A_1693 : vector<32xbf16>
        %parallel_loop3A_1695 = arith.constant 2 : i32
        %parallel_loop3A_1696 = arith.addi %parallel_loop3A_1680, %parallel_loop3A_1695 : i32
        %parallel_loop3A_1697 = arith.index_cast %parallel_loop3A_1696 : i32 to index
        %parallel_loop3A_1698 = arith.constant 0 : index
        %parallel_loop3A_1699 = tpu.vector_load %arg9[%parallel_loop3A_1697, %parallel_loop3A_1698] {strides = array<i32>} : memref<2560x32xbf16, #tpu.memory_space<vmem>>, vector<32xbf16>,
        %parallel_loop3A_1700 = arith.mulf %parallel_loop3A_1699, %parallel_loop3A_1676 : vector<32xbf16>
        %parallel_loop3A_1701 = arith.addf %parallel_loop3A_1665, %parallel_loop3A_1700 : vector<32xbf16>
        %parallel_loop3A_1702 = arith.constant 3 : i32
        %parallel_loop3A_1703 = arith.addi %parallel_loop3A_1680, %parallel_loop3A_1702 : i32
        %parallel_loop3A_1704 = arith.index_cast %parallel_loop3A_1703 : i32 to index
        %parallel_loop3A_1705 = arith.constant 0 : index
        %parallel_loop3A_1706 = tpu.vector_load %arg9[%parallel_loop3A_1704, %parallel_loop3A_1705] {strides = array<i32>} : memref<2560x32xbf16, #tpu.memory_space<vmem>>, vector<32xbf16>,
        %parallel_loop3A_1707 = arith.mulf %parallel_loop3A_1706, %parallel_loop3A_1676 : vector<32xbf16>
        %parallel_loop3A_1708 = arith.addf %parallel_loop3A_1672, %parallel_loop3A_1707 : vector<32xbf16>
        %parallel_loop3A_1709 = arith.constant 16 : i32
        %parallel_loop3A_1710 = arith.index_cast %parallel_loop3A_1709 : i32 to index
        %parallel_loop3A_1711 = arith.constant 0 : index
        %parallel_loop3A_1712 = tpu.vector_load %arg12[%parallel_loop3A_1710, %parallel_loop3A_1711] {strides = array<i32>} : memref<20x32xbf16, #tpu.memory_space<vmem>>, vector<32xbf16>,
        %parallel_loop3A_1713 = arith.constant 4 : i32
        %parallel_loop3A_1714 = arith.muli %parallel_loop3A_1124, %parallel_loop3A_1713 : i32
        %parallel_loop3A_1715 = arith.constant 2048 : i32
        %parallel_loop3A_1716 = arith.addi %parallel_loop3A_1715, %parallel_loop3A_1714 : i32
        %parallel_loop3A_1717 = arith.constant 0 : i32
        %parallel_loop3A_1718 = arith.addi %parallel_loop3A_1716, %parallel_loop3A_1717 : i32
        %parallel_loop3A_1719 = arith.index_cast %parallel_loop3A_1718 : i32 to index
        %parallel_loop3A_1720 = arith.constant 0 : index
        %parallel_loop3A_1721 = tpu.vector_load %arg9[%parallel_loop3A_1719, %parallel_loop3A_1720] {strides = array<i32>} : memref<2560x32xbf16, #tpu.memory_space<vmem>>, vector<32xbf16>,
        %parallel_loop3A_1722 = arith.mulf %parallel_loop3A_1721, %parallel_loop3A_1712 : vector<32xbf16>
        %parallel_loop3A_1723 = arith.addf %parallel_loop3A_1687, %parallel_loop3A_1722 : vector<32xbf16>
        %parallel_loop3A_1724 = arith.constant 1 : i32
        %parallel_loop3A_1725 = arith.addi %parallel_loop3A_1716, %parallel_loop3A_1724 : i32
        %parallel_loop3A_1726 = arith.index_cast %parallel_loop3A_1725 : i32 to index
        %parallel_loop3A_1727 = arith.constant 0 : index
        %parallel_loop3A_1728 = tpu.vector_load %arg9[%parallel_loop3A_1726, %parallel_loop3A_1727] {strides = array<i32>} : memref<2560x32xbf16, #tpu.memory_space<vmem>>, vector<32xbf16>,
        %parallel_loop3A_1729 = arith.mulf %parallel_loop3A_1728, %parallel_loop3A_1712 : vector<32xbf16>
        %parallel_loop3A_1730 = arith.addf %parallel_loop3A_1694, %parallel_loop3A_1729 : vector<32xbf16>
        %parallel_loop3A_1731 = arith.constant 2 : i32
        %parallel_loop3A_1732 = arith.addi %parallel_loop3A_1716, %parallel_loop3A_1731 : i32
        %parallel_loop3A_1733 = arith.index_cast %parallel_loop3A_1732 : i32 to index
        %parallel_loop3A_1734 = arith.constant 0 : index
        %parallel_loop3A_1735 = tpu.vector_load %arg9[%parallel_loop3A_1733, %parallel_loop3A_1734] {strides = array<i32>} : memref<2560x32xbf16, #tpu.memory_space<vmem>>, vector<32xbf16>,
        %parallel_loop3A_1736 = arith.mulf %parallel_loop3A_1735, %parallel_loop3A_1712 : vector<32xbf16>
        %parallel_loop3A_1737 = arith.addf %parallel_loop3A_1701, %parallel_loop3A_1736 : vector<32xbf16>
        %parallel_loop3A_1738 = arith.constant 3 : i32
        %parallel_loop3A_1739 = arith.addi %parallel_loop3A_1716, %parallel_loop3A_1738 : i32
        %parallel_loop3A_1740 = arith.index_cast %parallel_loop3A_1739 : i32 to index
        %parallel_loop3A_1741 = arith.constant 0 : index
        %parallel_loop3A_1742 = tpu.vector_load %arg9[%parallel_loop3A_1740, %parallel_loop3A_1741] {strides = array<i32>} : memref<2560x32xbf16, #tpu.memory_space<vmem>>, vector<32xbf16>,
        %parallel_loop3A_1743 = arith.mulf %parallel_loop3A_1742, %parallel_loop3A_1712 : vector<32xbf16>
        %parallel_loop3A_1744 = arith.addf %parallel_loop3A_1708, %parallel_loop3A_1743 : vector<32xbf16>
        %parallel_loop3A_1745 = arith.constant 17 : i32
        %parallel_loop3A_1746 = arith.index_cast %parallel_loop3A_1745 : i32 to index
        %parallel_loop3A_1747 = arith.constant 0 : index
        %parallel_loop3A_1748 = tpu.vector_load %arg12[%parallel_loop3A_1746, %parallel_loop3A_1747] {strides = array<i32>} : memref<20x32xbf16, #tpu.memory_space<vmem>>, vector<32xbf16>,
        %parallel_loop3A_1749 = arith.constant 4 : i32
        %parallel_loop3A_1750 = arith.muli %parallel_loop3A_1124, %parallel_loop3A_1749 : i32
        %parallel_loop3A_1751 = arith.constant 2176 : i32
        %parallel_loop3A_1752 = arith.addi %parallel_loop3A_1751, %parallel_loop3A_1750 : i32
        %parallel_loop3A_1753 = arith.constant 0 : i32
        %parallel_loop3A_1754 = arith.addi %parallel_loop3A_1752, %parallel_loop3A_1753 : i32
        %parallel_loop3A_1755 = arith.index_cast %parallel_loop3A_1754 : i32 to index
        %parallel_loop3A_1756 = arith.constant 0 : index
        %parallel_loop3A_1757 = tpu.vector_load %arg9[%parallel_loop3A_1755, %parallel_loop3A_1756] {strides = array<i32>} : memref<2560x32xbf16, #tpu.memory_space<vmem>>, vector<32xbf16>,
        %parallel_loop3A_1758 = arith.mulf %parallel_loop3A_1757, %parallel_loop3A_1748 : vector<32xbf16>
        %parallel_loop3A_1759 = arith.addf %parallel_loop3A_1723, %parallel_loop3A_1758 : vector<32xbf16>
        %parallel_loop3A_1760 = arith.constant 1 : i32
        %parallel_loop3A_1761 = arith.addi %parallel_loop3A_1752, %parallel_loop3A_1760 : i32
        %parallel_loop3A_1762 = arith.index_cast %parallel_loop3A_1761 : i32 to index
        %parallel_loop3A_1763 = arith.constant 0 : index
        %parallel_loop3A_1764 = tpu.vector_load %arg9[%parallel_loop3A_1762, %parallel_loop3A_1763] {strides = array<i32>} : memref<2560x32xbf16, #tpu.memory_space<vmem>>, vector<32xbf16>,
        %parallel_loop3A_1765 = arith.mulf %parallel_loop3A_1764, %parallel_loop3A_1748 : vector<32xbf16>
        %parallel_loop3A_1766 = arith.addf %parallel_loop3A_1730, %parallel_loop3A_1765 : vector<32xbf16>
        %parallel_loop3A_1767 = arith.constant 2 : i32
        %parallel_loop3A_1768 = arith.addi %parallel_loop3A_1752, %parallel_loop3A_1767 : i32
        %parallel_loop3A_1769 = arith.index_cast %parallel_loop3A_1768 : i32 to index
        %parallel_loop3A_1770 = arith.constant 0 : index
        %parallel_loop3A_1771 = tpu.vector_load %arg9[%parallel_loop3A_1769, %parallel_loop3A_1770] {strides = array<i32>} : memref<2560x32xbf16, #tpu.memory_space<vmem>>, vector<32xbf16>,
        %parallel_loop3A_1772 = arith.mulf %parallel_loop3A_1771, %parallel_loop3A_1748 : vector<32xbf16>
        %parallel_loop3A_1773 = arith.addf %parallel_loop3A_1737, %parallel_loop3A_1772 : vector<32xbf16>
        %parallel_loop3A_1774 = arith.constant 3 : i32
        %parallel_loop3A_1775 = arith.addi %parallel_loop3A_1752, %parallel_loop3A_1774 : i32
        %parallel_loop3A_1776 = arith.index_cast %parallel_loop3A_1775 : i32 to index
        %parallel_loop3A_1777 = arith.constant 0 : index
        %parallel_loop3A_1778 = tpu.vector_load %arg9[%parallel_loop3A_1776, %parallel_loop3A_1777] {strides = array<i32>} : memref<2560x32xbf16, #tpu.memory_space<vmem>>, vector<32xbf16>,
        %parallel_loop3A_1779 = arith.mulf %parallel_loop3A_1778, %parallel_loop3A_1748 : vector<32xbf16>
        %parallel_loop3A_1780 = arith.addf %parallel_loop3A_1744, %parallel_loop3A_1779 : vector<32xbf16>
        %parallel_loop3A_1781 = arith.constant 18 : i32
        %parallel_loop3A_1782 = arith.index_cast %parallel_loop3A_1781 : i32 to index
        %parallel_loop3A_1783 = arith.constant 0 : index
        %parallel_loop3A_1784 = tpu.vector_load %arg12[%parallel_loop3A_1782, %parallel_loop3A_1783] {strides = array<i32>} : memref<20x32xbf16, #tpu.memory_space<vmem>>, vector<32xbf16>,
        %parallel_loop3A_1785 = arith.constant 4 : i32
        %parallel_loop3A_1786 = arith.muli %parallel_loop3A_1124, %parallel_loop3A_1785 : i32
        %parallel_loop3A_1787 = arith.constant 2304 : i32
        %parallel_loop3A_1788 = arith.addi %parallel_loop3A_1787, %parallel_loop3A_1786 : i32
        %parallel_loop3A_1789 = arith.constant 0 : i32
        %parallel_loop3A_1790 = arith.addi %parallel_loop3A_1788, %parallel_loop3A_1789 : i32
        %parallel_loop3A_1791 = arith.index_cast %parallel_loop3A_1790 : i32 to index
        %parallel_loop3A_1792 = arith.constant 0 : index
        %parallel_loop3A_1793 = tpu.vector_load %arg9[%parallel_loop3A_1791, %parallel_loop3A_1792] {strides = array<i32>} : memref<2560x32xbf16, #tpu.memory_space<vmem>>, vector<32xbf16>,
        %parallel_loop3A_1794 = arith.mulf %parallel_loop3A_1793, %parallel_loop3A_1784 : vector<32xbf16>
        %parallel_loop3A_1795 = arith.addf %parallel_loop3A_1759, %parallel_loop3A_1794 : vector<32xbf16>
        %parallel_loop3A_1796 = arith.constant 1 : i32
        %parallel_loop3A_1797 = arith.addi %parallel_loop3A_1788, %parallel_loop3A_1796 : i32
        %parallel_loop3A_1798 = arith.index_cast %parallel_loop3A_1797 : i32 to index
        %parallel_loop3A_1799 = arith.constant 0 : index
        %parallel_loop3A_1800 = tpu.vector_load %arg9[%parallel_loop3A_1798, %parallel_loop3A_1799] {strides = array<i32>} : memref<2560x32xbf16, #tpu.memory_space<vmem>>, vector<32xbf16>,
        %parallel_loop3A_1801 = arith.mulf %parallel_loop3A_1800, %parallel_loop3A_1784 : vector<32xbf16>
        %parallel_loop3A_1802 = arith.addf %parallel_loop3A_1766, %parallel_loop3A_1801 : vector<32xbf16>
        %parallel_loop3A_1803 = arith.constant 2 : i32
        %parallel_loop3A_1804 = arith.addi %parallel_loop3A_1788, %parallel_loop3A_1803 : i32
        %parallel_loop3A_1805 = arith.index_cast %parallel_loop3A_1804 : i32 to index
        %parallel_loop3A_1806 = arith.constant 0 : index
        %parallel_loop3A_1807 = tpu.vector_load %arg9[%parallel_loop3A_1805, %parallel_loop3A_1806] {strides = array<i32>} : memref<2560x32xbf16, #tpu.memory_space<vmem>>, vector<32xbf16>,
        %parallel_loop3A_1808 = arith.mulf %parallel_loop3A_1807, %parallel_loop3A_1784 : vector<32xbf16>
        %parallel_loop3A_1809 = arith.addf %parallel_loop3A_1773, %parallel_loop3A_1808 : vector<32xbf16>
        %parallel_loop3A_1810 = arith.constant 3 : i32
        %parallel_loop3A_1811 = arith.addi %parallel_loop3A_1788, %parallel_loop3A_1810 : i32
        %parallel_loop3A_1812 = arith.index_cast %parallel_loop3A_1811 : i32 to index
        %parallel_loop3A_1813 = arith.constant 0 : index
        %parallel_loop3A_1814 = tpu.vector_load %arg9[%parallel_loop3A_1812, %parallel_loop3A_1813] {strides = array<i32>} : memref<2560x32xbf16, #tpu.memory_space<vmem>>, vector<32xbf16>,
        %parallel_loop3A_1815 = arith.mulf %parallel_loop3A_1814, %parallel_loop3A_1784 : vector<32xbf16>
        %parallel_loop3A_1816 = arith.addf %parallel_loop3A_1780, %parallel_loop3A_1815 : vector<32xbf16>
        %parallel_loop3A_1817 = arith.constant 19 : i32
        %parallel_loop3A_1818 = arith.index_cast %parallel_loop3A_1817 : i32 to index
        %parallel_loop3A_1819 = arith.constant 0 : index
        %parallel_loop3A_1820 = tpu.vector_load %arg12[%parallel_loop3A_1818, %parallel_loop3A_1819] {strides = array<i32>} : memref<20x32xbf16, #tpu.memory_space<vmem>>, vector<32xbf16>,
        %parallel_loop3A_1821 = arith.constant 4 : i32
        %parallel_loop3A_1822 = arith.muli %parallel_loop3A_1124, %parallel_loop3A_1821 : i32
        %parallel_loop3A_1823 = arith.constant 2432 : i32
        %parallel_loop3A_1824 = arith.addi %parallel_loop3A_1823, %parallel_loop3A_1822 : i32
        %parallel_loop3A_1825 = arith.constant 0 : i32
        %parallel_loop3A_1826 = arith.addi %parallel_loop3A_1824, %parallel_loop3A_1825 : i32
        %parallel_loop3A_1827 = arith.index_cast %parallel_loop3A_1826 : i32 to index
        %parallel_loop3A_1828 = arith.constant 0 : index
        %parallel_loop3A_1829 = tpu.vector_load %arg9[%parallel_loop3A_1827, %parallel_loop3A_1828] {strides = array<i32>} : memref<2560x32xbf16, #tpu.memory_space<vmem>>, vector<32xbf16>,
        %parallel_loop3A_1830 = arith.mulf %parallel_loop3A_1829, %parallel_loop3A_1820 : vector<32xbf16>
        %parallel_loop3A_1831 = arith.addf %parallel_loop3A_1795, %parallel_loop3A_1830 : vector<32xbf16>
        %parallel_loop3A_1832 = arith.constant 1 : i32
        %parallel_loop3A_1833 = arith.addi %parallel_loop3A_1824, %parallel_loop3A_1832 : i32
        %parallel_loop3A_1834 = arith.index_cast %parallel_loop3A_1833 : i32 to index
        %parallel_loop3A_1835 = arith.constant 0 : index
        %parallel_loop3A_1836 = tpu.vector_load %arg9[%parallel_loop3A_1834, %parallel_loop3A_1835] {strides = array<i32>} : memref<2560x32xbf16, #tpu.memory_space<vmem>>, vector<32xbf16>,
        %parallel_loop3A_1837 = arith.mulf %parallel_loop3A_1836, %parallel_loop3A_1820 : vector<32xbf16>
        %parallel_loop3A_1838 = arith.addf %parallel_loop3A_1802, %parallel_loop3A_1837 : vector<32xbf16>
        %parallel_loop3A_1839 = arith.constant 2 : i32
        %parallel_loop3A_1840 = arith.addi %parallel_loop3A_1824, %parallel_loop3A_1839 : i32
        %parallel_loop3A_1841 = arith.index_cast %parallel_loop3A_1840 : i32 to index
        %parallel_loop3A_1842 = arith.constant 0 : index
        %parallel_loop3A_1843 = tpu.vector_load %arg9[%parallel_loop3A_1841, %parallel_loop3A_1842] {strides = array<i32>} : memref<2560x32xbf16, #tpu.memory_space<vmem>>, vector<32xbf16>,
        %parallel_loop3A_1844 = arith.mulf %parallel_loop3A_1843, %parallel_loop3A_1820 : vector<32xbf16>
        %parallel_loop3A_1845 = arith.addf %parallel_loop3A_1809, %parallel_loop3A_1844 : vector<32xbf16>
        %parallel_loop3A_1846 = arith.constant 3 : i32
        %parallel_loop3A_1847 = arith.addi %parallel_loop3A_1824, %parallel_loop3A_1846 : i32
        %parallel_loop3A_1848 = arith.index_cast %parallel_loop3A_1847 : i32 to index
        %parallel_loop3A_1849 = arith.constant 0 : index
        %parallel_loop3A_1850 = tpu.vector_load %arg9[%parallel_loop3A_1848, %parallel_loop3A_1849] {strides = array<i32>} : memref<2560x32xbf16, #tpu.memory_space<vmem>>, vector<32xbf16>,
        %parallel_loop3A_1851 = arith.mulf %parallel_loop3A_1850, %parallel_loop3A_1820 : vector<32xbf16>
        %parallel_loop3A_1852 = arith.addf %parallel_loop3A_1816, %parallel_loop3A_1851 : vector<32xbf16>
        %parallel_loop3A_1853 = arith.constant 4 : i32
        %parallel_loop3A_1854 = arith.muli %parallel_loop3A_1124, %parallel_loop3A_1853 : i32
        %parallel_loop3A_1855 = arith.constant 0 : i32
        %parallel_loop3A_1856 = arith.addi %parallel_loop3A_1854, %parallel_loop3A_1855 : i32
        %parallel_loop3A_1857 = vector.broadcast %parallel_loop3A_1856 : i32 to vector<16xi32>
        %parallel_loop3A_1858 = tpu.unpack_subelements %parallel_loop3A_1831, 0 {pack_format = #tpu.pack_format<interleaved>} : vector<32xbf16> -> vector<16xf32>
        %parallel_loop3A_1859 = tpu.unpack_subelements %parallel_loop3A_1831, 1 {pack_format = #tpu.pack_format<interleaved>} : vector<32xbf16> -> vector<16xf32>
        tpu.vector_store_idx %arg11[%mul3A_5, %parallel_loop3A_1857], %parallel_loop3A_1858 : memref<32x128xf32, #tpu.memory_space<vmem>>[vector<16xi32>, vector<16xi32>], vector<16xf32>,
        tpu.vector_store_idx %arg11[%add3A_8, %parallel_loop3A_1857], %parallel_loop3A_1859 : memref<32x128xf32, #tpu.memory_space<vmem>>[vector<16xi32>, vector<16xi32>], vector<16xf32>,
        %parallel_loop3A_1860 = arith.constant 4 : i32
        %parallel_loop3A_1861 = arith.muli %parallel_loop3A_1124, %parallel_loop3A_1860 : i32
        %parallel_loop3A_1862 = arith.constant 1 : i32
        %parallel_loop3A_1863 = arith.addi %parallel_loop3A_1861, %parallel_loop3A_1862 : i32
        %parallel_loop3A_1864 = vector.broadcast %parallel_loop3A_1863 : i32 to vector<16xi32>
        %parallel_loop3A_1865 = tpu.unpack_subelements %parallel_loop3A_1838, 0 {pack_format = #tpu.pack_format<interleaved>} : vector<32xbf16> -> vector<16xf32>
        %parallel_loop3A_1866 = tpu.unpack_subelements %parallel_loop3A_1838, 1 {pack_format = #tpu.pack_format<interleaved>} : vector<32xbf16> -> vector<16xf32>
        tpu.vector_store_idx %arg11[%mul3A_5, %parallel_loop3A_1864], %parallel_loop3A_1865 : memref<32x128xf32, #tpu.memory_space<vmem>>[vector<16xi32>, vector<16xi32>], vector<16xf32>,
        tpu.vector_store_idx %arg11[%add3A_8, %parallel_loop3A_1864], %parallel_loop3A_1866 : memref<32x128xf32, #tpu.memory_space<vmem>>[vector<16xi32>, vector<16xi32>], vector<16xf32>,
        %parallel_loop3A_1867 = arith.constant 4 : i32
        %parallel_loop3A_1868 = arith.muli %parallel_loop3A_1124, %parallel_loop3A_1867 : i32
        %parallel_loop3A_1869 = arith.constant 2 : i32
        %parallel_loop3A_1870 = arith.addi %parallel_loop3A_1868, %parallel_loop3A_1869 : i32
        %parallel_loop3A_1871 = vector.broadcast %parallel_loop3A_1870 : i32 to vector<16xi32>
        %parallel_loop3A_1872 = tpu.unpack_subelements %parallel_loop3A_1845, 0 {pack_format = #tpu.pack_format<interleaved>} : vector<32xbf16> -> vector<16xf32>
        %parallel_loop3A_1873 = tpu.unpack_subelements %parallel_loop3A_1845, 1 {pack_format = #tpu.pack_format<interleaved>} : vector<32xbf16> -> vector<16xf32>
        tpu.vector_store_idx %arg11[%mul3A_5, %parallel_loop3A_1871], %parallel_loop3A_1872 : memref<32x128xf32, #tpu.memory_space<vmem>>[vector<16xi32>, vector<16xi32>], vector<16xf32>,
        tpu.vector_store_idx %arg11[%add3A_8, %parallel_loop3A_1871], %parallel_loop3A_1873 : memref<32x128xf32, #tpu.memory_space<vmem>>[vector<16xi32>, vector<16xi32>], vector<16xf32>,
        %parallel_loop3A_1874 = arith.constant 4 : i32
        %parallel_loop3A_1875 = arith.muli %parallel_loop3A_1124, %parallel_loop3A_1874 : i32
        %parallel_loop3A_1876 = arith.constant 3 : i32
        %parallel_loop3A_1877 = arith.addi %parallel_loop3A_1875, %parallel_loop3A_1876 : i32
        %parallel_loop3A_1878 = vector.broadcast %parallel_loop3A_1877 : i32 to vector<16xi32>
        %parallel_loop3A_1879 = tpu.unpack_subelements %parallel_loop3A_1852, 0 {pack_format = #tpu.pack_format<interleaved>} : vector<32xbf16> -> vector<16xf32>
        %parallel_loop3A_1880 = tpu.unpack_subelements %parallel_loop3A_1852, 1 {pack_format = #tpu.pack_format<interleaved>} : vector<32xbf16> -> vector<16xf32>
        tpu.vector_store_idx %arg11[%mul3A_5, %parallel_loop3A_1878], %parallel_loop3A_1879 : memref<32x128xf32, #tpu.memory_space<vmem>>[vector<16xi32>, vector<16xi32>], vector<16xf32>,
        tpu.vector_store_idx %arg11[%add3A_8, %parallel_loop3A_1878], %parallel_loop3A_1880 : memref<32x128xf32, #tpu.memory_space<vmem>>[vector<16xi32>, vector<16xi32>], vector<16xf32>,
      } {sc.loop_unroll_factor = 2 : i64, sc.parallel_access}
      %dma_start3A_1058 = arith.constant 0 : i32
      %dma_start3A_1059 = arith.constant 0 : i32
      %dma_start3A_1060 = arith.constant 0 : i32
      %dma_start3A_1061 = tpu.memref_slice %arg11[%dma_start3A_1059, %dma_start3A_1060] : memref<32x128xf32, #tpu.memory_space<vmem>> -> memref<8x128xf32, #tpu.memory_space<vmem>>
      %dma_start3A_1062 = arith.constant 0 : i32
      %dma_start3A_1063 = arith.constant 0 : i32
      %dma_start3A_1064 = tpu.memref_slice %arg5[%add3A_367, %dma_start3A_1058, %add3A, %dma_start3A_1062, %dma_start3A_1063] : memref<50x4x32x8x128xf32, #tpu.memory_space<hbm>> -> memref<1x1x1x8x128xf32, #tpu.memory_space<hbm>>
      %dma_start3A_1065 = tpu.memref_squeeze %dma_start3A_1064 : memref<1x1x1x8x128xf32, #tpu.memory_space<hbm>> -> memref<8x128xf32, #tpu.memory_space<hbm>>
      %dma_start3A_1066 = arith.constant 0 : i32
      %dma_start3A_1067 = arith.constant 0 : i32
      %dma_start3A_1068 = tpu.memref_slice %arg5[%add3A_367, %dma_start3A_1058, %add3A, %dma_start3A_1066, %dma_start3A_1067] : memref<50x4x32x8x128xf32, #tpu.memory_space<hbm>> -> memref<1x1x1x8x128xf32, #tpu.memory_space<hbm>>
      %dma_start3A_1069 = tpu.memref_squeeze %dma_start3A_1068 : memref<1x1x1x8x128xf32, #tpu.memory_space<hbm>> -> memref<8x128xf32, #tpu.memory_space<hbm>>
      %dma_start3A_1070 = arith.constant 0 : i32
      %dma_start3A_1071 = arith.constant 0 : i32
      %dma_start3A_1072 = tpu.memref_slice %arg11[%dma_start3A_1070, %dma_start3A_1071] : memref<32x128xf32, #tpu.memory_space<vmem>> -> memref<8x128xf32, #tpu.memory_space<vmem>>
      tpu.enqueue_dma source(%dma_start3A_1072 : memref<8x128xf32, #tpu.memory_space<vmem>>) target(%dma_start3A_1069 : memref<8x128xf32, #tpu.memory_space<hbm>>) target_semaphore(%arg18 : memref<!tpu.dma_semaphore, #tpu.memory_space<semaphore_mem>>)
      %dma_start3A_1073 = arith.constant 1 : i32
      %dma_start3A_1074 = arith.constant 8 : i32
      %dma_start3A_1075 = arith.constant 0 : i32
      %dma_start3A_1076 = tpu.memref_slice %arg11[%dma_start3A_1074, %dma_start3A_1075] : memref<32x128xf32, #tpu.memory_space<vmem>> -> memref<8x128xf32, #tpu.memory_space<vmem>>
      %dma_start3A_1077 = arith.constant 0 : i32
      %dma_start3A_1078 = arith.constant 0 : i32
      %dma_start3A_1079 = tpu.memref_slice %arg5[%add3A_367, %dma_start3A_1073, %add3A, %dma_start3A_1077, %dma_start3A_1078] : memref<50x4x32x8x128xf32, #tpu.memory_space<hbm>> -> memref<1x1x1x8x128xf32, #tpu.memory_space<hbm>>
      %dma_start3A_1080 = tpu.memref_squeeze %dma_start3A_1079 : memref<1x1x1x8x128xf32, #tpu.memory_space<hbm>> -> memref<8x128xf32, #tpu.memory_space<hbm>>
      %dma_start3A_1081 = arith.constant 0 : i32
      %dma_start3A_1082 = arith.constant 0 : i32
      %dma_start3A_1083 = tpu.memref_slice %arg5[%add3A_367, %dma_start3A_1073, %add3A, %dma_start3A_1081, %dma_start3A_1082] : memref<50x4x32x8x128xf32, #tpu.memory_space<hbm>> -> memref<1x1x1x8x128xf32, #tpu.memory_space<hbm>>
      %dma_start3A_1084 = tpu.memref_squeeze %dma_start3A_1083 : memref<1x1x1x8x128xf32, #tpu.memory_space<hbm>> -> memref<8x128xf32, #tpu.memory_space<hbm>>
      %dma_start3A_1085 = arith.constant 8 : i32
      %dma_start3A_1086 = arith.constant 0 : i32
      %dma_start3A_1087 = tpu.memref_slice %arg11[%dma_start3A_1085, %dma_start3A_1086] : memref<32x128xf32, #tpu.memory_space<vmem>> -> memref<8x128xf32, #tpu.memory_space<vmem>>
      tpu.enqueue_dma source(%dma_start3A_1087 : memref<8x128xf32, #tpu.memory_space<vmem>>) target(%dma_start3A_1084 : memref<8x128xf32, #tpu.memory_space<hbm>>) target_semaphore(%arg18 : memref<!tpu.dma_semaphore, #tpu.memory_space<semaphore_mem>>)
      %dma_start3A_1088 = arith.constant 2 : i32
      %dma_start3A_1089 = arith.constant 16 : i32
      %dma_start3A_1090 = arith.constant 0 : i32
      %dma_start3A_1091 = tpu.memref_slice %arg11[%dma_start3A_1089, %dma_start3A_1090] : memref<32x128xf32, #tpu.memory_space<vmem>> -> memref<8x128xf32, #tpu.memory_space<vmem>>
      %dma_start3A_1092 = arith.constant 0 : i32
      %dma_start3A_1093 = arith.constant 0 : i32
      %dma_start3A_1094 = tpu.memref_slice %arg5[%add3A_367, %dma_start3A_1088, %add3A, %dma_start3A_1092, %dma_start3A_1093] : memref<50x4x32x8x128xf32, #tpu.memory_space<hbm>> -> memref<1x1x1x8x128xf32, #tpu.memory_space<hbm>>
      %dma_start3A_1095 = tpu.memref_squeeze %dma_start3A_1094 : memref<1x1x1x8x128xf32, #tpu.memory_space<hbm>> -> memref<8x128xf32, #tpu.memory_space<hbm>>
      %dma_start3A_1096 = arith.constant 0 : i32
      %dma_start3A_1097 = arith.constant 0 : i32
      %dma_start3A_1098 = tpu.memref_slice %arg5[%add3A_367, %dma_start3A_1088, %add3A, %dma_start3A_1096, %dma_start3A_1097] : memref<50x4x32x8x128xf32, #tpu.memory_space<hbm>> -> memref<1x1x1x8x128xf32, #tpu.memory_space<hbm>>
      %dma_start3A_1099 = tpu.memref_squeeze %dma_start3A_1098 : memref<1x1x1x8x128xf32, #tpu.memory_space<hbm>> -> memref<8x128xf32, #tpu.memory_space<hbm>>
      %dma_start3A_1100 = arith.constant 16 : i32
      %dma_start3A_1101 = arith.constant 0 : i32
      %dma_start3A_1102 = tpu.memref_slice %arg11[%dma_start3A_1100, %dma_start3A_1101] : memref<32x128xf32, #tpu.memory_space<vmem>> -> memref<8x128xf32, #tpu.memory_space<vmem>>
      tpu.enqueue_dma source(%dma_start3A_1102 : memref<8x128xf32, #tpu.memory_space<vmem>>) target(%dma_start3A_1099 : memref<8x128xf32, #tpu.memory_space<hbm>>) target_semaphore(%arg18 : memref<!tpu.dma_semaphore, #tpu.memory_space<semaphore_mem>>)
      %dma_start3A_1103 = arith.constant 3 : i32
      %dma_start3A_1104 = arith.constant 24 : i32
      %dma_start3A_1105 = arith.constant 0 : i32
      %dma_start3A_1106 = tpu.memref_slice %arg11[%dma_start3A_1104, %dma_start3A_1105] : memref<32x128xf32, #tpu.memory_space<vmem>> -> memref<8x128xf32, #tpu.memory_space<vmem>>
      %dma_start3A_1107 = arith.constant 0 : i32
      %dma_start3A_1108 = arith.constant 0 : i32
      %dma_start3A_1109 = tpu.memref_slice %arg5[%add3A_367, %dma_start3A_1103, %add3A, %dma_start3A_1107, %dma_start3A_1108] : memref<50x4x32x8x128xf32, #tpu.memory_space<hbm>> -> memref<1x1x1x8x128xf32, #tpu.memory_space<hbm>>
      %dma_start3A_1110 = tpu.memref_squeeze %dma_start3A_1109 : memref<1x1x1x8x128xf32, #tpu.memory_space<hbm>> -> memref<8x128xf32, #tpu.memory_space<hbm>>
      %dma_start3A_1111 = arith.constant 0 : i32
      %dma_start3A_1112 = arith.constant 0 : i32
      %dma_start3A_1113 = tpu.memref_slice %arg5[%add3A_367, %dma_start3A_1103, %add3A, %dma_start3A_1111, %dma_start3A_1112] : memref<50x4x32x8x128xf32, #tpu.memory_space<hbm>> -> memref<1x1x1x8x128xf32, #tpu.memory_space<hbm>>
      %dma_start3A_1114 = tpu.memref_squeeze %dma_start3A_1113 : memref<1x1x1x8x128xf32, #tpu.memory_space<hbm>> -> memref<8x128xf32, #tpu.memory_space<hbm>>
      %dma_start3A_1115 = arith.constant 24 : i32
      %dma_start3A_1116 = arith.constant 0 : i32
      %dma_start3A_1117 = tpu.memref_slice %arg11[%dma_start3A_1115, %dma_start3A_1116] : memref<32x128xf32, #tpu.memory_space<vmem>> -> memref<8x128xf32, #tpu.memory_space<vmem>>
      tpu.enqueue_dma source(%dma_start3A_1117 : memref<8x128xf32, #tpu.memory_space<vmem>>) target(%dma_start3A_1114 : memref<8x128xf32, #tpu.memory_space<hbm>>) target_semaphore(%arg18 : memref<!tpu.dma_semaphore, #tpu.memory_space<semaphore_mem>>)
      %not3A_1118 = arith.constant true
      %not3A_1119 = arith.xori %ge3A_368, %not3A_1118 : i1
      %convert_element_type3A_1120 = arith.extui %not3A_1119 : i1 to i32
      %cond3A_1121 = arith.constant 0 : i32
      %cond3A_1122 = arith.cmpi ne, %convert_element_type3A_1120, %cond3A_1121 : i32
      scf.if %cond3A_1122 {
        %add3A_1124 = arith.constant 2 : i32
        %add3A_1125 = arith.addi %add3A_367, %add3A_1124 : i32
        %dma_start3A_1126 = arith.constant 0 : i32
        %dma_start3A_1127 = tpu.memref_slice %arg2[%dma_start3A_1126, %add3A_1125, %mul3A_2] : memref<20x50x4096xi32, #tpu.memory_space<hbm>> -> memref<20x1x128xi32, #tpu.memory_space<hbm>>
        %dma_start3A_1128 = tpu.memref_squeeze %dma_start3A_1127 : memref<20x1x128xi32, #tpu.memory_space<hbm>> -> memref<20x128xi32, #tpu.memory_space<hbm>>
        %dma_start3A_1129 = arith.constant 0 : i32
        %dma_start3A_1130 = tpu.memref_slice %arg2[%dma_start3A_1129, %add3A_1125, %mul3A_2] : memref<20x50x4096xi32, #tpu.memory_space<hbm>> -> memref<20x1x128xi32, #tpu.memory_space<hbm>>
        %dma_start3A_1131 = tpu.memref_squeeze %dma_start3A_1130 : memref<20x1x128xi32, #tpu.memory_space<hbm>> -> memref<20x128xi32, #tpu.memory_space<hbm>>
        tpu.enqueue_dma source(%dma_start3A_1131 : memref<20x128xi32, #tpu.memory_space<hbm>>) target(%arg7 : memref<20x128xi32, #tpu.memory_space<vmem>>) target_semaphore(%arg14 : memref<!tpu.dma_semaphore, #tpu.memory_space<semaphore_mem>>)
      } else {
      }
      %scan3A_1123 = arith.constant 0 : i32
      scf.yield %scan3A_1123 : i32
    }
    %scan3A_233 = arith.constant 25 : i32
    %dma_wait3A_234 = arith.constant 0 : i32
    %dma_wait3A_235 = arith.constant 0 : i32
    %dma_wait3A_236 = arith.constant 0 : i32
    %dma_wait3A_237 = arith.constant 0 : i32
    %dma_wait3A_238 = tpu.memref_slice %arg10[%dma_wait3A_236, %dma_wait3A_237] : memref<32x128xf32, #tpu.memory_space<vmem>> -> memref<8x128xf32, #tpu.memory_space<vmem>>
    %dma_wait3A_239 = arith.constant 0 : i32
    %dma_wait3A_240 = arith.constant 0 : i32
    %dma_wait3A_241 = tpu.memref_slice %arg5[%dma_wait3A_234, %dma_wait3A_235, %add3A, %dma_wait3A_239, %dma_wait3A_240] : memref<50x4x32x8x128xf32, #tpu.memory_space<hbm>> -> memref<1x1x1x8x128xf32, #tpu.memory_space<hbm>>
    %dma_wait3A_242 = tpu.memref_squeeze %dma_wait3A_241 : memref<1x1x1x8x128xf32, #tpu.memory_space<hbm>> -> memref<8x128xf32, #tpu.memory_space<hbm>>
    %dma_wait3A_243 = arith.constant 0 : i32
    %dma_wait3A_244 = arith.constant 0 : i32
    %dma_wait3A_245 = tpu.memref_slice %arg5[%dma_wait3A_234, %dma_wait3A_235, %add3A, %dma_wait3A_243, %dma_wait3A_244] : memref<50x4x32x8x128xf32, #tpu.memory_space<hbm>> -> memref<1x1x1x8x128xf32, #tpu.memory_space<hbm>>
    %dma_wait3A_246 = tpu.memref_squeeze %dma_wait3A_245 : memref<1x1x1x8x128xf32, #tpu.memory_space<hbm>> -> memref<8x128xf32, #tpu.memory_space<hbm>>
    %dma_wait3A_247 = arith.constant 0 : i32
    %dma_wait3A_248 = arith.constant 0 : i32
    %dma_wait3A_249 = tpu.memref_slice %arg10[%dma_wait3A_247, %dma_wait3A_248] : memref<32x128xf32, #tpu.memory_space<vmem>> -> memref<8x128xf32, #tpu.memory_space<vmem>>
    tpu.wait_dma2 semaphore(%arg17 : memref<!tpu.dma_semaphore, #tpu.memory_space<semaphore_mem>>) src(%dma_wait3A_249 : memref<8x128xf32, #tpu.memory_space<vmem>>) dst(%dma_wait3A_246 : memref<8x128xf32, #tpu.memory_space<hbm>>)
    %dma_wait3A_250 = arith.constant 0 : i32
    %dma_wait3A_251 = arith.constant 1 : i32
    %dma_wait3A_252 = arith.constant 8 : i32
    %dma_wait3A_253 = arith.constant 0 : i32
    %dma_wait3A_254 = tpu.memref_slice %arg10[%dma_wait3A_252, %dma_wait3A_253] : memref<32x128xf32, #tpu.memory_space<vmem>> -> memref<8x128xf32, #tpu.memory_space<vmem>>
    %dma_wait3A_255 = arith.constant 0 : i32
    %dma_wait3A_256 = arith.constant 0 : i32
    %dma_wait3A_257 = tpu.memref_slice %arg5[%dma_wait3A_250, %dma_wait3A_251, %add3A, %dma_wait3A_255, %dma_wait3A_256] : memref<50x4x32x8x128xf32, #tpu.memory_space<hbm>> -> memref<1x1x1x8x128xf32, #tpu.memory_space<hbm>>
    %dma_wait3A_258 = tpu.memref_squeeze %dma_wait3A_257 : memref<1x1x1x8x128xf32, #tpu.memory_space<hbm>> -> memref<8x128xf32, #tpu.memory_space<hbm>>
    %dma_wait3A_259 = arith.constant 0 : i32
    %dma_wait3A_260 = arith.constant 0 : i32
    %dma_wait3A_261 = tpu.memref_slice %arg5[%dma_wait3A_250, %dma_wait3A_251, %add3A, %dma_wait3A_259, %dma_wait3A_260] : memref<50x4x32x8x128xf32, #tpu.memory_space<hbm>> -> memref<1x1x1x8x128xf32, #tpu.memory_space<hbm>>
    %dma_wait3A_262 = tpu.memref_squeeze %dma_wait3A_261 : memref<1x1x1x8x128xf32, #tpu.memory_space<hbm>> -> memref<8x128xf32, #tpu.memory_space<hbm>>
    %dma_wait3A_263 = arith.constant 8 : i32
    %dma_wait3A_264 = arith.constant 0 : i32
    %dma_wait3A_265 = tpu.memref_slice %arg10[%dma_wait3A_263, %dma_wait3A_264] : memref<32x128xf32, #tpu.memory_space<vmem>> -> memref<8x128xf32, #tpu.memory_space<vmem>>
    tpu.wait_dma2 semaphore(%arg17 : memref<!tpu.dma_semaphore, #tpu.memory_space<semaphore_mem>>) src(%dma_wait3A_265 : memref<8x128xf32, #tpu.memory_space<vmem>>) dst(%dma_wait3A_262 : memref<8x128xf32, #tpu.memory_space<hbm>>)
    %dma_wait3A_266 = arith.constant 0 : i32
    %dma_wait3A_267 = arith.constant 2 : i32
    %dma_wait3A_268 = arith.constant 16 : i32
    %dma_wait3A_269 = arith.constant 0 : i32
    %dma_wait3A_270 = tpu.memref_slice %arg10[%dma_wait3A_268, %dma_wait3A_269] : memref<32x128xf32, #tpu.memory_space<vmem>> -> memref<8x128xf32, #tpu.memory_space<vmem>>
    %dma_wait3A_271 = arith.constant 0 : i32
    %dma_wait3A_272 = arith.constant 0 : i32
    %dma_wait3A_273 = tpu.memref_slice %arg5[%dma_wait3A_266, %dma_wait3A_267, %add3A, %dma_wait3A_271, %dma_wait3A_272] : memref<50x4x32x8x128xf32, #tpu.memory_space<hbm>> -> memref<1x1x1x8x128xf32, #tpu.memory_space<hbm>>
    %dma_wait3A_274 = tpu.memref_squeeze %dma_wait3A_273 : memref<1x1x1x8x128xf32, #tpu.memory_space<hbm>> -> memref<8x128xf32, #tpu.memory_space<hbm>>
    %dma_wait3A_275 = arith.constant 0 : i32
    %dma_wait3A_276 = arith.constant 0 : i32
    %dma_wait3A_277 = tpu.memref_slice %arg5[%dma_wait3A_266, %dma_wait3A_267, %add3A, %dma_wait3A_275, %dma_wait3A_276] : memref<50x4x32x8x128xf32, #tpu.memory_space<hbm>> -> memref<1x1x1x8x128xf32, #tpu.memory_space<hbm>>
    %dma_wait3A_278 = tpu.memref_squeeze %dma_wait3A_277 : memref<1x1x1x8x128xf32, #tpu.memory_space<hbm>> -> memref<8x128xf32, #tpu.memory_space<hbm>>
    %dma_wait3A_279 = arith.constant 16 : i32
    %dma_wait3A_280 = arith.constant 0 : i32
    %dma_wait3A_281 = tpu.memref_slice %arg10[%dma_wait3A_279, %dma_wait3A_280] : memref<32x128xf32, #tpu.memory_space<vmem>> -> memref<8x128xf32, #tpu.memory_space<vmem>>
    tpu.wait_dma2 semaphore(%arg17 : memref<!tpu.dma_semaphore, #tpu.memory_space<semaphore_mem>>) src(%dma_wait3A_281 : memref<8x128xf32, #tpu.memory_space<vmem>>) dst(%dma_wait3A_278 : memref<8x128xf32, #tpu.memory_space<hbm>>)
    %dma_wait3A_282 = arith.constant 0 : i32
    %dma_wait3A_283 = arith.constant 3 : i32
    %dma_wait3A_284 = arith.constant 24 : i32
    %dma_wait3A_285 = arith.constant 0 : i32
    %dma_wait3A_286 = tpu.memref_slice %arg10[%dma_wait3A_284, %dma_wait3A_285] : memref<32x128xf32, #tpu.memory_space<vmem>> -> memref<8x128xf32, #tpu.memory_space<vmem>>
    %dma_wait3A_287 = arith.constant 0 : i32
    %dma_wait3A_288 = arith.constant 0 : i32
    %dma_wait3A_289 = tpu.memref_slice %arg5[%dma_wait3A_282, %dma_wait3A_283, %add3A, %dma_wait3A_287, %dma_wait3A_288] : memref<50x4x32x8x128xf32, #tpu.memory_space<hbm>> -> memref<1x1x1x8x128xf32, #tpu.memory_space<hbm>>
    %dma_wait3A_290 = tpu.memref_squeeze %dma_wait3A_289 : memref<1x1x1x8x128xf32, #tpu.memory_space<hbm>> -> memref<8x128xf32, #tpu.memory_space<hbm>>
    %dma_wait3A_291 = arith.constant 0 : i32
    %dma_wait3A_292 = arith.constant 0 : i32
    %dma_wait3A_293 = tpu.memref_slice %arg5[%dma_wait3A_282, %dma_wait3A_283, %add3A, %dma_wait3A_291, %dma_wait3A_292] : memref<50x4x32x8x128xf32, #tpu.memory_space<hbm>> -> memref<1x1x1x8x128xf32, #tpu.memory_space<hbm>>
    %dma_wait3A_294 = tpu.memref_squeeze %dma_wait3A_293 : memref<1x1x1x8x128xf32, #tpu.memory_space<hbm>> -> memref<8x128xf32, #tpu.memory_space<hbm>>
    %dma_wait3A_295 = arith.constant 24 : i32
    %dma_wait3A_296 = arith.constant 0 : i32
    %dma_wait3A_297 = tpu.memref_slice %arg10[%dma_wait3A_295, %dma_wait3A_296] : memref<32x128xf32, #tpu.memory_space<vmem>> -> memref<8x128xf32, #tpu.memory_space<vmem>>
    tpu.wait_dma2 semaphore(%arg17 : memref<!tpu.dma_semaphore, #tpu.memory_space<semaphore_mem>>) src(%dma_wait3A_297 : memref<8x128xf32, #tpu.memory_space<vmem>>) dst(%dma_wait3A_294 : memref<8x128xf32, #tpu.memory_space<hbm>>)
    %dma_wait3A_298 = arith.constant 0 : i32
    %dma_wait3A_299 = arith.constant 0 : i32
    %dma_wait3A_300 = arith.constant 0 : i32
    %dma_wait3A_301 = arith.constant 0 : i32
    %dma_wait3A_302 = tpu.memref_slice %arg11[%dma_wait3A_300, %dma_wait3A_301] : memref<32x128xf32, #tpu.memory_space<vmem>> -> memref<8x128xf32, #tpu.memory_space<vmem>>
    %dma_wait3A_303 = arith.constant 0 : i32
    %dma_wait3A_304 = arith.constant 0 : i32
    %dma_wait3A_305 = tpu.memref_slice %arg5[%dma_wait3A_298, %dma_wait3A_299, %add3A, %dma_wait3A_303, %dma_wait3A_304] : memref<50x4x32x8x128xf32, #tpu.memory_space<hbm>> -> memref<1x1x1x8x128xf32, #tpu.memory_space<hbm>>
    %dma_wait3A_306 = tpu.memref_squeeze %dma_wait3A_305 : memref<1x1x1x8x128xf32, #tpu.memory_space<hbm>> -> memref<8x128xf32, #tpu.memory_space<hbm>>
    %dma_wait3A_307 = arith.constant 0 : i32
    %dma_wait3A_308 = arith.constant 0 : i32
    %dma_wait3A_309 = tpu.memref_slice %arg5[%dma_wait3A_298, %dma_wait3A_299, %add3A, %dma_wait3A_307, %dma_wait3A_308] : memref<50x4x32x8x128xf32, #tpu.memory_space<hbm>> -> memref<1x1x1x8x128xf32, #tpu.memory_space<hbm>>
    %dma_wait3A_310 = tpu.memref_squeeze %dma_wait3A_309 : memref<1x1x1x8x128xf32, #tpu.memory_space<hbm>> -> memref<8x128xf32, #tpu.memory_space<hbm>>
    %dma_wait3A_311 = arith.constant 0 : i32
    %dma_wait3A_312 = arith.constant 0 : i32
    %dma_wait3A_313 = tpu.memref_slice %arg11[%dma_wait3A_311, %dma_wait3A_312] : memref<32x128xf32, #tpu.memory_space<vmem>> -> memref<8x128xf32, #tpu.memory_space<vmem>>
    tpu.wait_dma2 semaphore(%arg18 : memref<!tpu.dma_semaphore, #tpu.memory_space<semaphore_mem>>) src(%dma_wait3A_313 : memref<8x128xf32, #tpu.memory_space<vmem>>) dst(%dma_wait3A_310 : memref<8x128xf32, #tpu.memory_space<hbm>>)
    %dma_wait3A_314 = arith.constant 0 : i32
    %dma_wait3A_315 = arith.constant 1 : i32
    %dma_wait3A_316 = arith.constant 8 : i32
    %dma_wait3A_317 = arith.constant 0 : i32
    %dma_wait3A_318 = tpu.memref_slice %arg11[%dma_wait3A_316, %dma_wait3A_317] : memref<32x128xf32, #tpu.memory_space<vmem>> -> memref<8x128xf32, #tpu.memory_space<vmem>>
    %dma_wait3A_319 = arith.constant 0 : i32
    %dma_wait3A_320 = arith.constant 0 : i32
    %dma_wait3A_321 = tpu.memref_slice %arg5[%dma_wait3A_314, %dma_wait3A_315, %add3A, %dma_wait3A_319, %dma_wait3A_320] : memref<50x4x32x8x128xf32, #tpu.memory_space<hbm>> -> memref<1x1x1x8x128xf32, #tpu.memory_space<hbm>>
    %dma_wait3A_322 = tpu.memref_squeeze %dma_wait3A_321 : memref<1x1x1x8x128xf32, #tpu.memory_space<hbm>> -> memref<8x128xf32, #tpu.memory_space<hbm>>
    %dma_wait3A_323 = arith.constant 0 : i32
    %dma_wait3A_324 = arith.constant 0 : i32
    %dma_wait3A_325 = tpu.memref_slice %arg5[%dma_wait3A_314, %dma_wait3A_315, %add3A, %dma_wait3A_323, %dma_wait3A_324] : memref<50x4x32x8x128xf32, #tpu.memory_space<hbm>> -> memref<1x1x1x8x128xf32, #tpu.memory_space<hbm>>
    %dma_wait3A_326 = tpu.memref_squeeze %dma_wait3A_325 : memref<1x1x1x8x128xf32, #tpu.memory_space<hbm>> -> memref<8x128xf32, #tpu.memory_space<hbm>>
    %dma_wait3A_327 = arith.constant 8 : i32
    %dma_wait3A_328 = arith.constant 0 : i32
    %dma_wait3A_329 = tpu.memref_slice %arg11[%dma_wait3A_327, %dma_wait3A_328] : memref<32x128xf32, #tpu.memory_space<vmem>> -> memref<8x128xf32, #tpu.memory_space<vmem>>
    tpu.wait_dma2 semaphore(%arg18 : memref<!tpu.dma_semaphore, #tpu.memory_space<semaphore_mem>>) src(%dma_wait3A_329 : memref<8x128xf32, #tpu.memory_space<vmem>>) dst(%dma_wait3A_326 : memref<8x128xf32, #tpu.memory_space<hbm>>)
    %dma_wait3A_330 = arith.constant 0 : i32
    %dma_wait3A_331 = arith.constant 2 : i32
    %dma_wait3A_332 = arith.constant 16 : i32
    %dma_wait3A_333 = arith.constant 0 : i32
    %dma_wait3A_334 = tpu.memref_slice %arg11[%dma_wait3A_332, %dma_wait3A_333] : memref<32x128xf32, #tpu.memory_space<vmem>> -> memref<8x128xf32, #tpu.memory_space<vmem>>
    %dma_wait3A_335 = arith.constant 0 : i32
    %dma_wait3A_336 = arith.constant 0 : i32
    %dma_wait3A_337 = tpu.memref_slice %arg5[%dma_wait3A_330, %dma_wait3A_331, %add3A, %dma_wait3A_335, %dma_wait3A_336] : memref<50x4x32x8x128xf32, #tpu.memory_space<hbm>> -> memref<1x1x1x8x128xf32, #tpu.memory_space<hbm>>
    %dma_wait3A_338 = tpu.memref_squeeze %dma_wait3A_337 : memref<1x1x1x8x128xf32, #tpu.memory_space<hbm>> -> memref<8x128xf32, #tpu.memory_space<hbm>>
    %dma_wait3A_339 = arith.constant 0 : i32
    %dma_wait3A_340 = arith.constant 0 : i32
    %dma_wait3A_341 = tpu.memref_slice %arg5[%dma_wait3A_330, %dma_wait3A_331, %add3A, %dma_wait3A_339, %dma_wait3A_340] : memref<50x4x32x8x128xf32, #tpu.memory_space<hbm>> -> memref<1x1x1x8x128xf32, #tpu.memory_space<hbm>>
    %dma_wait3A_342 = tpu.memref_squeeze %dma_wait3A_341 : memref<1x1x1x8x128xf32, #tpu.memory_space<hbm>> -> memref<8x128xf32, #tpu.memory_space<hbm>>
    %dma_wait3A_343 = arith.constant 16 : i32
    %dma_wait3A_344 = arith.constant 0 : i32
    %dma_wait3A_345 = tpu.memref_slice %arg11[%dma_wait3A_343, %dma_wait3A_344] : memref<32x128xf32, #tpu.memory_space<vmem>> -> memref<8x128xf32, #tpu.memory_space<vmem>>
    tpu.wait_dma2 semaphore(%arg18 : memref<!tpu.dma_semaphore, #tpu.memory_space<semaphore_mem>>) src(%dma_wait3A_345 : memref<8x128xf32, #tpu.memory_space<vmem>>) dst(%dma_wait3A_342 : memref<8x128xf32, #tpu.memory_space<hbm>>)
    %dma_wait3A_346 = arith.constant 0 : i32
    %dma_wait3A_347 = arith.constant 3 : i32
    %dma_wait3A_348 = arith.constant 24 : i32
    %dma_wait3A_349 = arith.constant 0 : i32
    %dma_wait3A_350 = tpu.memref_slice %arg11[%dma_wait3A_348, %dma_wait3A_349] : memref<32x128xf32, #tpu.memory_space<vmem>> -> memref<8x128xf32, #tpu.memory_space<vmem>>
    %dma_wait3A_351 = arith.constant 0 : i32
    %dma_wait3A_352 = arith.constant 0 : i32
    %dma_wait3A_353 = tpu.memref_slice %arg5[%dma_wait3A_346, %dma_wait3A_347, %add3A, %dma_wait3A_351, %dma_wait3A_352] : memref<50x4x32x8x128xf32, #tpu.memory_space<hbm>> -> memref<1x1x1x8x128xf32, #tpu.memory_space<hbm>>
    %dma_wait3A_354 = tpu.memref_squeeze %dma_wait3A_353 : memref<1x1x1x8x128xf32, #tpu.memory_space<hbm>> -> memref<8x128xf32, #tpu.memory_space<hbm>>
    %dma_wait3A_355 = arith.constant 0 : i32
    %dma_wait3A_356 = arith.constant 0 : i32
    %dma_wait3A_357 = tpu.memref_slice %arg5[%dma_wait3A_346, %dma_wait3A_347, %add3A, %dma_wait3A_355, %dma_wait3A_356] : memref<50x4x32x8x128xf32, #tpu.memory_space<hbm>> -> memref<1x1x1x8x128xf32, #tpu.memory_space<hbm>>
    %dma_wait3A_358 = tpu.memref_squeeze %dma_wait3A_357 : memref<1x1x1x8x128xf32, #tpu.memory_space<hbm>> -> memref<8x128xf32, #tpu.memory_space<hbm>>
    %dma_wait3A_359 = arith.constant 24 : i32
    %dma_wait3A_360 = arith.constant 0 : i32
    %dma_wait3A_361 = tpu.memref_slice %arg11[%dma_wait3A_359, %dma_wait3A_360] : memref<32x128xf32, #tpu.memory_space<vmem>> -> memref<8x128xf32, #tpu.memory_space<vmem>>
    tpu.wait_dma2 semaphore(%arg18 : memref<!tpu.dma_semaphore, #tpu.memory_space<semaphore_mem>>) src(%dma_wait3A_361 : memref<8x128xf32, #tpu.memory_space<vmem>>) dst(%dma_wait3A_358 : memref<8x128xf32, #tpu.memory_space<hbm>>)
    return
  }
}

</mosaic_0001>

<sc_bundles>
// kernel: _syntax_embed.3.cloned.1.call-start
scs
__scs_entry_jumppad:
0x0: {  	(pc) =	sbr.rel $0x88, $3  }
0x1: {  	(tag) =	ssettag $0x0;
	lr =	simm.s32 $0x1  }
0x2: {  	[smem:$0x3F9E] =	sst lr;
	_ =	strace $0xD0000000  }
0x3: {  	_ = 	snop  }
0x4: {  	_ = 	snop  }
0x5: {  	_ = 	snop  }
0x6: {  	_ = 	snop  }
0x7: {  	_ = 	snop  }
__scs_overlays_trampoline_lowered:
0x8: {  	[smem:$0x3FAD] =	sst s0  }
0x9: {  	[smem:$0x3FAE] =	sst s1  }
0xa: {  	[smem:$0x3FAF] =	sst s2  }
0xb: {  	[smem:$0x3FB0] =	sst s3  }
0xc: {  	[smem:$0x3FB1] =	sst s4  }
0xd: {  	[smem:$0x3FB2] =	sst s5  }
0xe: {  	[smem:$0x3FB3] =	sst s6  }
0xf: {  	[smem:$0x3FB4] =	sst s7  }
0x10: {  	[smem:$0x3FB5] =	sst s8  }
0x11: {  	[smem:$0x3FB6] =	sst s9;
	s0 =	simm.s32 @!p0 $0x0  }
0x12: {  	s1 =	sld [smem:$0x3F9C];
	s0 =	simm.s32 @p0 $0x1  }
0x13: {  	[smem:$0x3FB7] =	sst s0;
	s0 =	simm.s32 @!p1 $0x0  }
0x14: {  	s2 =	sld [smem:$0x3F9B];
	s0 =	simm.s32 @p1 $0x1  }
0x15: {  	[smem:$0x3FB8] =	sst s0;
	s0 =	simm.s32 @!p2 $0x0  }
0x16: {  	s3 =	sld [smem:$0x3FDB];
	s0 =	simm.s32 @p2 $0x1  }
0x17: {  	s4 =	simm.s32 $0x1BF5;
	[smem:$0x3FBA] =	sst s0  }
0x18: {  	s0 =	sld [smem:$0x3F9D];
	_ =	swait.ge [sflag:s4], $0x0  }
0x19: {  	s7 =	sld [smem:$0x3F9E]  }
0x1a: {  	s8 =	sadd.s32 $0xFFFFE003, lr  }
0x1b: {  	s9 =	sadd.s32 $0xFFFFFEF7, lr;
	s5 =	simm.s32 $0xFFFFFFFF;
	p2 =	slt.u32 s8, $0xFFFFF086  }
0x1c: {  	p1 =	slt.u32 s9, $0xF7A;
	s5 =	simm.s32 @!p2 $0x0  }
0x1d: {  	s5 =	simm.s32 @p1 $0x1;
	p0 =	seq.s32 s7, s2  }
0x1e: {  	s7 =	smul.u32 @!p0 $0xF7A, s2;
	p2 =	seq.s32 @!p0 s5, $0x0  }
0x1f: {  	s9 =	smul.u32 $0xF7A, s1;
	s8 =	simm.s32 @!p0 $0x1BF5;
	p2 =	por !p2, p0  }
0x20: {  	[sflag:s8] =	ssyncset.s32 @!p0 $0xFFFFF086;
	s6 =	sadd.s32 @!p0 s3, s7;
	s7 =	simm.s32 @!p0 $0x108  }
0x21: {  	s3 =	sadd.s32 s3, s9;
	s6 =	sadd.s32 @!p0 $0x88, s6;
	s7 =	simm.s32 @p2 $0x1082  }
0x22: {  	[simem:s7], [sflag:s8] =	dma.local @!p0 [hbm:s6], $0xF7A  }
0x23: {  	s9 =	sor.u32 $0xD0000000, s2;
	s6 =	simm.s32 $0x108;
	_ =	swait.ge @!p0 [sflag:s8], $0x0  }
0x24: {  	s3 =	sadd.s32 $0x88, s3;
	s6 =	simm.s32 @!p1 $0x1082;
	[sflag:s4] =	ssyncset.s32 $0xFFFFF086  }
0x25: {  	[simem:s6], [sflag:s4] =	dma.local [hbm:s3], $0xF7A  }
0x26: {  	[smem:$0x3F9E] =	sst s1;
	(tag) =	ssettag s2;
	_ =	strace s9  }
0x27: {  	s1 =	sld [smem:$0x3FAE]  }
0x28: {  	s2 =	sld [smem:$0x3FAF]  }
0x29: {  	s4 =	sld [smem:$0x3FB1]  }
0x2a: {  	p0 =	seq.s32 s5, $0x0;
	s5 =	sld [smem:$0x3FB2]  }
0x2b: {  	s6 =	sld [smem:$0x3FB3]  }
0x2c: {  	s7 =	sld [smem:$0x3FB4]  }
0x2d: {  	s3 =	simm.s32 $0x108;
	s8 =	sld [smem:$0x3FB5]  }
0x2e: {  	s3 =	simm.s32 @!p0 $0x1082;
	s9 =	sld [smem:$0x3FB6]  }
0x2f: {  	lr =	sadd.s32 s0, s3;
	s0 =	sld [smem:$0x3FAD]  }
0x30: {  	s3 =	sld [smem:$0x3FB0]  }
0x31: {  	[smem:$0x3FB9] =	sst s10  }
0x32: {  	s10 =	sld [smem:$0x3FB7];
	_ =	sdelay $0x3  }
0x33: {  	p0 =	seq.s32 s10, $0x1;
	s10 =	sld [smem:$0x3FB9];
	_ =	sdelay $0x3  }
0x34: {  	[smem:$0x3FB9] =	sst s10  }
0x35: {  	s10 =	sld [smem:$0x3FB8];
	_ =	sdelay $0x3  }
0x36: {  	p1 =	seq.s32 s10, $0x1;
	s10 =	sld [smem:$0x3FB9];
	_ =	sdelay $0x3  }
0x37: {  	[smem:$0x3FB9] =	sst s10  }
0x38: {  	s10 =	sld [smem:$0x3FBA]  }
0x39: {  	_ = 	snop;
	(pc) =	sbr.ind lr, $3  }
0x3a: {  	_ = 	snop  }
0x3b: {  	_ = 	snop  }
0x3c: {  	p2 =	seq.s32 s10, $0x1;
	s10 =	sld [smem:$0x3FB9]  }
0x3d: {  	_ =	shalt  }
0x3e: {  	_ =	shalt  }
0x3f: {  	_ =	shalt  }
0x40: {  	_ =	shalt  }
0x41: {  	_ =	shalt  }
0x42: {  	_ =	shalt  }
0x43: {  	_ =	shalt  }
0x44: {  	_ =	shalt  }
0x45: {  	_ =	shalt  }
0x46: {  	_ =	shalt  }
0x47: {  	_ =	shalt  }
0x48: {  	_ =	shalt  }
0x49: {  	_ =	shalt  }
0x4a: {  	_ =	shalt  }
0x4b: {  	_ =	shalt  }
0x4c: {  	_ =	shalt  }
0x4d: {  	_ =	shalt  }
0x4e: {  	_ =	shalt  }
0x4f: {  	_ =	shalt  }
0x50: {  	_ =	shalt  }
0x51: {  	_ =	shalt  }
0x52: {  	_ =	shalt  }
0x53: {  	_ =	shalt  }
0x54: {  	_ =	shalt  }
0x55: {  	_ =	shalt  }
0x56: {  	_ =	shalt  }
0x57: {  	_ =	shalt  }
0x58: {  	_ =	shalt  }
0x59: {  	_ =	shalt  }
0x5a: {  	_ =	shalt  }
0x5b: {  	_ =	shalt  }
0x5c: {  	_ =	shalt  }
0x5d: {  	_ =	shalt  }
0x5e: {  	_ =	shalt  }
0x5f: {  	_ =	shalt  }
0x60: {  	_ =	shalt  }
0x61: {  	_ =	shalt  }
0x62: {  	_ =	shalt  }
0x63: {  	_ =	shalt  }
0x64: {  	_ =	shalt  }
0x65: {  	_ =	shalt  }
0x66: {  	_ =	shalt  }
0x67: {  	_ =	shalt  }
0x68: {  	_ =	shalt  }
0x69: {  	_ =	shalt  }
0x6a: {  	_ =	shalt  }
0x6b: {  	_ =	shalt  }
0x6c: {  	_ =	shalt  }
0x6d: {  	_ =	shalt  }
0x6e: {  	_ =	shalt  }
0x6f: {  	_ =	shalt  }
0x70: {  	_ =	shalt  }
0x71: {  	_ =	shalt  }
0x72: {  	_ =	shalt  }
0x73: {  	_ =	shalt  }
0x74: {  	_ =	shalt  }
0x75: {  	_ =	shalt  }
0x76: {  	_ =	shalt  }
0x77: {  	_ =	shalt  }
0x78: {  	_ =	shalt  }
0x79: {  	_ =	shalt  }
0x7a: {  	_ =	shalt  }
0x7b: {  	_ =	shalt  }
0x7c: {  	_ =	shalt  }
0x7d: {  	_ =	shalt  }
0x7e: {  	_ =	shalt  }
0x7f: {  	_ =	shalt  }
0x80: {  	_ =	shalt  }
0x81: {  	_ =	shalt  }
0x82: {  	_ =	shalt  }
0x83: {  	_ =	shalt  }
0x84: {  	_ =	shalt  }
0x85: {  	_ =	shalt  }
0x86: {  	_ =	shalt  }
0x87: {  	_ =	shalt  }
.Lfunc_end0:
.L_simem_size_0:
called_computation_lowered:
.L_overlay_start_0:
0x88: {  	s2 =	sld [smem:$0x3FD9]  }
0x89: {  	s3 =	sld [smem:$0x3FFE];
	_ =	sdelay $0x1  }
0x8a: {  	s1 =	srdreg.scid  }
0x8b: {  	s0 =	sand.u32 $0x1, s1  }
0x8c: {  	s17 =	sshll.u32 s0, $0xA;
	s2 =	sadd.s32 s3, s2  }
0x8d: {  	s2 =	sadd.s32 s2, s17  }
0x8e: {  	[smem:$0x3FC5] =	sst s2  }
0x8f: {  	_ = 	snop  }
0x90: {  	s2 =	sld [smem:$0x3FD0];
	(tm) =	ssettm $0x1  }
0x91: {  	s18 =	sld [smem:$0x3FFB];
	_ =	sdelay $0x3  }
0x92: {  	_ =	strace s18  }
0x93: {  	s3 =	sld [smem:$0x3FFC];
	_ =	sdelay $0x3  }
0x94: {  	_ =	strace s3  }
0x95: {  	s3 =	sld [smem:$0x3FFD];
	_ =	sdelay $0x3  }
0x96: {  	_ =	strace s3  }
0x97: {  	_ =	strace $0x8FFFFFFF  }
0x98: {  	s19 =	sld [smem:$0x3FDB];
	_ =	sdelay $0x1  }
0x99: {  	s4 =	simm.s32 $_scs_section_size  }
0x9a: {  	s5 =	simm.s32 $_size__tile_overlayer_lowered;
	s6 =	simm.s32 $_tile_overlayer_lowered  }
0x9b: {  	s22 =	simm.s32 $0x1BFF;
	s21 =	sshll.u32 s6, $0x1;
	s3 =	sadd.s32 s4, s19  }
0x9c: {  	s7 =	simm.s32 $0x0;
	s20 =	sshll.u32 s5, $0x1;
	s5 =	sadd.s32 s21, s3  }
0x9d: {  	[timem:s7], [sflag:s22] =	dma.local [hbm:s5], s20  }
0x9e: {  	_ =	swait.ge [sflag:s22], s20  }
0x9f: {  	s4 =	ssub.s32 $0x0, s20;
	[sflag:s22] =	ssyncset.done $0x0  }
0xa0: {  	[sflag:s22] =	ssyncadd.s32 s4;
	_ =	sdelay $0x1  }
0xa1: {  	s23 =	simm.s32 $0x1B8B  }
0xa2: {  	_ =	swait.ge [sflag:s23], $0x1  }
0xa3: {  	[sflag:s23] =	ssyncset.done $0x0  }
0xa4: {  	s25 =	simm.s32 $0x1B8E;
	s24 =	sld [smem:$0x3FFE];
	[sflag:s23] =	ssyncadd.s32 $0xFFFFFFFF  }
0xa5: {  	s26 =	simm.s32 $execute0_lowered;
	[smem:$0x3FD2] =	sst s25  }
0xa6: {  	s5 =	sshll.u32 s26, $0x1;
	_ =	strace $0x80000046;
	[dreg:$0x1] =	wrdreg $0xFFFFFFFF  }
0xa7: {  	s28 =	simm.s32 $_size_execute0_lowered;
	s3 =	sadd.s32 s3, s5;
	[dreg:$0x0] =	wrdreg $0x0  }
0xa8: {  	s5 =	sshll.u32 s28, $0x1;
	[dreg:$0x2] =	wrdreg s3  }
0xa9: {  	[dreg:$0x3] =	wrdreg s5  }
0xaa: {  	[dreg:$0x4] =	wrdreg $0xC0  }
0xab: {  	_ =	task [dreg:s7], $0x5FFFF  }
0xac: {  	[dreg:$0x1] =	wrdreg $0xFFFFFFFF  }
0xad: {  	[dreg:$0x0] =	wrdreg $0x60  }
0xae: {  	[dreg:$0x2] =	wrdreg s24  }
0xaf: {  	[dreg:$0x3] =	wrdreg s2  }
0xb0: {  	[dreg:$0x4] =	wrdreg $0x9  }
0xb1: {  	_ =	task.clear_ibuf [dreg:s7], $0x5FFFF;
	_ =	strace $0x90000046  }
0xb2: {  	s29 =	simm.s32 $0x9;
	_ =	strace $0x80000048  }
0xb3: {  	_ =	swait.ge [sflag:s29], $0x1  }
0xb4: {  	[sflag:s29] =	ssyncadd.s32 $0xFFFFFFFF  }
0xb5: {  	_ =	strace $0x90000048  }
0xb6: {  	_ =	sfence  }
0xb7: {  	s30 =	sld [smem:$0x0];
	_ =	sdelay $0x2  }
0xb8: {  	s31 =	sshll.u32 s1, $0xD;
	s1 =	sshrl.u32 s1, $0x2  }
0xb9: {  	s3 =	sand.u32 $0x4000, s31;
	s1 =	sadd.s32 s1, s30  }
0xba: {  	s0 =	sor.u32 s3, s0;
	s1 =	sshll.u32 s1, $0x11  }
0xbb: {  	s0 =	sor.u32 s1, s0  }
0xbc: {  	s0 =	sadd.s32 $0x8F2B, s0  }
0xbd: {  	[sflag:s0] =	ssyncadd.remote.s32 $0x1  }
0xbe: {  	_ =	sfence.sel $0xFFFF  }
0xbf: {  	[dreg:$0x0] =	wrdreg $0xFFFFFFFF;
	(pc) =	sbr.abs _section_cstart, $3  }
0xc0: {  	[dreg:$0x1] =	wrdreg $0xFFFFFFFF  }
0xc1: {  	_ =	task.clear_ibuf [dreg:s7], $0x2FFFF;
	_ =	strace $0x9FFFFFFF  }
0xc2: {  	(tm) =	ssettm $0x7FFFFFFF  }
0xc3: {  	_ =	shalt  }
tec
execute0_lowered:
.L_overlay_start_1:
0x0: {  	(tag) =	ssettag $0x1  }
0x1: {  	s0 =	rddreg [dreg:$0x0];
	s3 =	simm.s32 $0x0;
	v0 =	vlaneseq.u32;
	v2 =	vimm.s32 $0x0;
	vm0 =	vcmask $0x300  }
0x2: {  	[smem:$0x7FF] =	sst s3;
	v19 =	vmul.u32 $0x100, v0;
	v17 =	vsel vm0, $0x3, v2  }
0x3: {  	s8 =	rddreg [dreg:$0x1];
	_ =	strace $0x80000047;
	[tilespmem:$0x1FFB0] =	vst v17  }
0x4: {  	v0 =	vor.u32 $0x84, v19;
	[tilespmem:$0x1FF60] =	vst v19  }
0x5: {  	v58 =	vor.u32 $0x5, v19;
	[tilespmem:$0x1FEF0] =	vst v0  }
0x6: {  	s1 =	srdreg.scid;
	s2 =	stileid.u32;
	v59 =	vor.u32 $0x85, v19;
	[tilespmem:$0x1FF00] =	vst v58  }
0x7: {  	s22 =	simm.s32 $0x80;
	s28 =	simm.s32 $0xA00;
	s29 =	simm.s32 $0x2;
	v60 =	vor.u32 $0x6, v19;
	[tilespmem:$0x1FF10] =	vst v59  }
0x8: {  	s21 =	simm.s32 $0x3;
	s24 =	simm.s32 $0x15400;
	s9 =	simm.s32 $0x0;
	v61 =	vor.u32 $0x86, v19;
	[tilespmem:$0x1FF20] =	vst v60  }
0x9: {  	s4 =	sadd.s32 $0x800, s0;
	s1 =	sand.u32 $0x1, s1;
	s2 =	sshll.u32 s2, $0x1;
	v62 =	vor.u32 $0x7, v19;
	[tilespmem:$0x1FF30] =	vst v61  }
0xa: {  	s5 =	sadd.s32 $0x7D800, s0;
	s0 =	sadd.s32 $0x600, s0;
	s12 =	sadd.s32 $0x1000, s8;
	v63 =	vor.u32 $0x87, v19;
	[tilespmem:$0x1FF40] =	vst v62  }
0xb: {  	s13 =	sadd.s32 $0x2000, s8;
	s14 =	sadd.s32 $0x3000, s8;
	s15 =	sadd.s32 $0x4000, s8;
	v56 =	vor.u32 $0x80, v19;
	[tilespmem:$0x1FF50] =	vst v63  }
0xc: {  	s16 =	sadd.s32 $0x5000, s8;
	s6 =	ssub.s32 $0x2, s1;
	s1 =	sor.u32 s1, s2;
	v18 =	vor.u32 $0x1, v19;
	[tilespmem:$0x1FF70] =	vst v56  }
0xd: {  	s17 =	sadd.s32 $0x6000, s8;
	s18 =	sadd.s32 $0x7000, s8;
	s2 =	sshll.u32 s1, $0x4;
	v55 =	vor.u32 $0x82, v19;
	[tilespmem:$0x1FF80] =	vst v18  }
0xe: {  	[dreg:$0x3] =	wrdreg s0;
	s7 =	sshll.u32 s1, $0x7;
	v50 =	vor.u32 $0x3, v19;
	s26 =	sadd.s32 s4, s2;
	[tilespmem:$0x1FF90] =	vst v55  }
.Ltmp0:
0xf: {  	v48 =	vor.u32 $0x81, v19;
	s30 =	sor.u32 $0x2000, s7;
	[tilespmem:$0x1FFA0] =	vst v50;
	[dreg:$0x4] =	wrdreg s26;
	(pc) =	sbr.rel .LBB2_1-.Ltmp0, $4  }
0x10: {  	s25 =	sshrl.u32 s6, $0x1;
	v49 =	vor.u32 $0x2, v19;
	s31 =	sor.u32 $0x3000, s7;
	[tilespmem:$0x1FFC0] =	vst v48;
	[dreg:$0x6] =	wrdreg s30  }
0x11: {  	v53 =	vor.u32 $0x83, v19;
	s0 =	ssub.s32 s6, s25;
	[tilespmem:$0x1FFD0] =	vst v49;
	s1 =	sadd.s32 $0x200, s26;
	[dreg:$0x7] =	wrdreg s31  }
0x12: {  	v54 =	vor.u32 $0x4, v19;
	s2 =	simm.s32 $0x16400;
	[tilespmem:$0x1FFE0] =	vst v53;
	s0 =	smax.u32 s0, $0x1;
	[dreg:$0x5] =	wrdreg s1  }
0x13: {  	v16 =	vimm.bf16 $0.0e+00;
	s6 =	simm.s32 $0x5;
	[tilespmem:$0x1FFF0] =	vst v54;
	[dreg:$0x8] =	wrdreg s0;
	s0 =	simm.s32 $0x4  }
.LBB2_11:
0x14: {  	_ =	swait.ge [sflag:s6], $0x400  }
0x15: {  	[sflag:s6] =	ssyncset.done $0x0  }
0x16: {  	[sflag:s6] =	ssyncadd.s32 $0xFFFFFC00  }
0x17: {  	_ =	swait.ge [sflag:s6], $0x400  }
0x18: {  	[sflag:s6] =	ssyncset.done $0x0  }
0x19: {  	[sflag:s6] =	ssyncadd.s32 $0xFFFFFC00  }
0x1a: {  	_ =	swait.ge [sflag:s6], $0x400  }
0x1b: {  	[sflag:s6] =	ssyncset.done $0x0  }
0x1c: {  	[sflag:s6] =	ssyncadd.s32 $0xFFFFFC00  }
0x1d: {  	_ =	swait.ge [sflag:s6], $0x400  }
0x1e: {  	[sflag:s6] =	ssyncset.done $0x0  }
0x1f: {  	s8 =	simm.s32 $0x6;
	[sflag:s6] =	ssyncadd.s32 $0xFFFFFC00  }
0x20: {  	_ =	swait.ge [sflag:s8], $0x400  }
0x21: {  	[sflag:s8] =	ssyncset.done $0x0  }
0x22: {  	[sflag:s8] =	ssyncadd.s32 $0xFFFFFC00  }
0x23: {  	_ =	swait.ge [sflag:s8], $0x400  }
0x24: {  	[sflag:s8] =	ssyncset.done $0x0  }
0x25: {  	[sflag:s8] =	ssyncadd.s32 $0xFFFFFC00  }
0x26: {  	_ =	swait.ge [sflag:s8], $0x400  }
0x27: {  	[sflag:s8] =	ssyncset.done $0x0  }
0x28: {  	[sflag:s8] =	ssyncadd.s32 $0xFFFFFC00  }
0x29: {  	_ =	swait.ge [sflag:s8], $0x400  }
0x2a: {  	s9 =	rddreg [dreg:$0x9]  }
0x2b: {  	s1 =	rddreg [dreg:$0x8];
	s9 =	sadd.s32 $0x1, s9  }
0x2c: {  	p0 =	sne.s32 s9, s1  }
.Ltmp1:
0x2d: {  	_ = 	snop;
	(pc) =	sbr.rel @!p0 .LBB2_12-.Ltmp1, $3  }
0x2e: {  	_ =	sdelay $0x1  }
0x2f: {  	[sflag:s8] =	ssyncset.done $0x0  }
0x30: {  	v16 =	vimm.bf16 $0.0e+00;
	[sflag:s8] =	ssyncadd.s32 $0xFFFFFC00  }
.LBB2_1:
0x31: {  	[dreg:$0x9] =	wrdreg s9  }
0x32: {  	s1 =	rddreg [dreg:$0x3];
	s8 =	simm.s32 $0x17400;
	s26 =	simm.s32 $0x7  }
0x33: {  	[tilespmem:s8], [sflag:$0x7] =	stream.linear.gather [hbm4b:s1+s3], $0x140, $0x38;
	[tilespmem:$0x17540] =	vst v63  }
0x34: {  	_ =	swait.ge [sflag:s26], $0x140  }
0x35: {  	s31 =	simm.s32 $0x1;
	[sflag:s26] =	ssyncset.done $0x0  }
0x36: {  	s8 =	simm.s32 $0x32000;
	s30 =	rddreg [dreg:$0x4];
	[sflag:s26] =	ssyncadd.s32 $0xFFFFFEC0  }
0x37: {  	[tilespmem:s3], [sflag:$0x1] =	stream.strided.gather [hbm4b:s30+s22], $0xA00, s8, s22, $0x38;
	[tilespmem:$0x17540] =	vst v63  }
0x38: {  	_ =	swait.ge [sflag:s31], $0xA00  }
0x39: {  	[sflag:s31] =	ssyncset.done $0x0  }
0x3a: {  	s9 =	simm.s32 $0x1400;
	[sflag:s31] =	ssyncadd.s32 $0xFFFFF600  }
0x3b: {  	[tilespmem:s9], [sflag:$0x3] =	stream.indirect.gather [hbm4b:s5+s22], $0x10, s3, s22, $0xb8;
	[tilespmem:$0x17540] =	vst v63  }
0x3c: {  	s10 =	simm.s32 $0x1C00  }
0x3d: {  	[tilespmem:s10], [sflag:$0x3] =	stream.indirect.gather [hbm4b:s5+s22], $0x10, s22, s22, $0xb8;
	[tilespmem:$0x17540] =	vst v63  }
0x3e: {  	s11 =	simm.s32 $0x100;
	s19 =	simm.s32 $0x2400  }
0x3f: {  	[tilespmem:s19], [sflag:$0x3] =	stream.indirect.gather [hbm4b:s5+s22], $0x10, s11, s22, $0xb8;
	[tilespmem:$0x17540] =	vst v63  }
0x40: {  	s20 =	simm.s32 $0x180;
	s23 =	simm.s32 $0x2C00  }
0x41: {  	[tilespmem:s23], [sflag:$0x3] =	stream.indirect.gather [hbm4b:s5+s22], $0x10, s20, s22, $0xb8;
	[tilespmem:$0x17540] =	vst v63  }
0x42: {  	s25 =	simm.s32 $0x200;
	s26 =	simm.s32 $0x3400  }
0x43: {  	[tilespmem:s26], [sflag:$0x3] =	stream.indirect.gather [hbm4b:s5+s22], $0x10, s25, s22, $0xb8;
	[tilespmem:$0x17540] =	vst v63  }
0x44: {  	s30 =	simm.s32 $0x280;
	s31 =	simm.s32 $0x3C00  }
0x45: {  	[tilespmem:s31], [sflag:$0x3] =	stream.indirect.gather [hbm4b:s5+s22], $0x10, s30, s22, $0xb8;
	[tilespmem:$0x17540] =	vst v63  }
0x46: {  	s9 =	simm.s32 $0x300;
	s10 =	simm.s32 $0x4400  }
0x47: {  	[tilespmem:s10], [sflag:$0x3] =	stream.indirect.gather [hbm4b:s5+s22], $0x10, s9, s22, $0xb8;
	[tilespmem:$0x17540] =	vst v63  }
0x48: {  	s11 =	simm.s32 $0x380;
	s19 =	simm.s32 $0x4C00  }
0x49: {  	[tilespmem:s19], [sflag:$0x3] =	stream.indirect.gather [hbm4b:s5+s22], $0x10, s11, s22, $0xb8;
	[tilespmem:$0x17540] =	vst v63  }
0x4a: {  	s20 =	simm.s32 $0x400;
	s23 =	simm.s32 $0x5400  }
0x4b: {  	[tilespmem:s23], [sflag:$0x3] =	stream.indirect.gather [hbm4b:s5+s22], $0x10, s20, s22, $0xb8;
	[tilespmem:$0x17540] =	vst v63  }
0x4c: {  	s25 =	simm.s32 $0x480;
	s26 =	simm.s32 $0x5C00  }
0x4d: {  	[tilespmem:s26], [sflag:$0x3] =	stream.indirect.gather [hbm4b:s5+s22], $0x10, s25, s22, $0xb8;
	[tilespmem:$0x17540] =	vst v63  }
0x4e: {  	s30 =	simm.s32 $0x500;
	s31 =	simm.s32 $0x6400  }
0x4f: {  	[tilespmem:s31], [sflag:$0x3] =	stream.indirect.gather [hbm4b:s5+s22], $0x10, s30, s22, $0xb8;
	[tilespmem:$0x17540] =	vst v63  }
0x50: {  	s9 =	simm.s32 $0x580;
	s10 =	simm.s32 $0x6C00  }
0x51: {  	[tilespmem:s10], [sflag:$0x3] =	stream.indirect.gather [hbm4b:s5+s22], $0x10, s9, s22, $0xb8;
	[tilespmem:$0x17540] =	vst v63  }
0x52: {  	s11 =	simm.s32 $0x600;
	s19 =	simm.s32 $0x7400  }
0x53: {  	[tilespmem:s19], [sflag:$0x3] =	stream.indirect.gather [hbm4b:s5+s22], $0x10, s11, s22, $0xb8;
	[tilespmem:$0x17540] =	vst v63  }
0x54: {  	s20 =	simm.s32 $0x680;
	s23 =	simm.s32 $0x7C00  }
0x55: {  	[tilespmem:s23], [sflag:$0x3] =	stream.indirect.gather [hbm4b:s5+s22], $0x10, s20, s22, $0xb8;
	[tilespmem:$0x17540] =	vst v63  }
0x56: {  	s25 =	simm.s32 $0x700;
	s26 =	simm.s32 $0x8400  }
0x57: {  	[tilespmem:s26], [sflag:$0x3] =	stream.indirect.gather [hbm4b:s5+s22], $0x10, s25, s22, $0xb8;
	[tilespmem:$0x17540] =	vst v63  }
0x58: {  	s30 =	simm.s32 $0x780;
	s31 =	simm.s32 $0x8C00  }
0x59: {  	[tilespmem:s31], [sflag:$0x3] =	stream.indirect.gather [hbm4b:s5+s22], $0x10, s30, s22, $0xb8;
	[tilespmem:$0x17540] =	vst v63  }
0x5a: {  	s10 =	simm.s32 $0x800;
	s11 =	simm.s32 $0x9400  }
0x5b: {  	[tilespmem:s11], [sflag:$0x3] =	stream.indirect.gather [hbm4b:s5+s22], $0x10, s10, s22, $0xb8;
	[tilespmem:$0x17540] =	vst v63  }
0x5c: {  	s19 =	simm.s32 $0x880;
	s20 =	simm.s32 $0x9C00  }
0x5d: {  	[tilespmem:s20], [sflag:$0x3] =	stream.indirect.gather [hbm4b:s5+s22], $0x10, s19, s22, $0xb8;
	[tilespmem:$0x17540] =	vst v63  }
0x5e: {  	s23 =	simm.s32 $0x900;
	s25 =	simm.s32 $0xA400  }
0x5f: {  	[tilespmem:s25], [sflag:$0x3] =	stream.indirect.gather [hbm4b:s5+s22], $0x10, s23, s22, $0xb8;
	[tilespmem:$0x17540] =	vst v63  }
0x60: {  	s26 =	simm.s32 $0x980;
	s30 =	simm.s32 $0xAC00  }
0x61: {  	[tilespmem:s30], [sflag:$0x3] =	stream.indirect.gather [hbm4b:s5+s22], $0x10, s26, s22, $0xb8;
	[tilespmem:$0x17540] =	vst v63  }
0x62: {  	s9 =	simm.s32 $0x0;
	s31 =	rddreg [dreg:$0x5]  }
0x63: {  	[tilespmem:s28], [sflag:$0x2] =	stream.strided.gather [hbm4b:s31+s22], $0xA00, s8, s22, $0x38;
	[tilespmem:$0x17540] =	vst v63  }
.LBB2_2:
0x64: {  	_ =	swait.ge [sflag:s29], $0xA00  }
0x65: {  	[sflag:s29] =	ssyncset.done $0x0  }
0x66: {  	s1 =	simm.s32 $0xB400;
	[sflag:s29] =	ssyncadd.s32 $0xFFFFF600  }
0x67: {  	[tilespmem:s1], [sflag:$0x4] =	stream.indirect.gather [hbm4b:s5+s22], $0x10, s28, s22, $0xb8;
	[tilespmem:$0x17540] =	vst v63  }
0x68: {  	s19 =	simm.s32 $0xA80;
	s8 =	simm.s32 $0xBC00  }
0x69: {  	[tilespmem:s8], [sflag:$0x4] =	stream.indirect.gather [hbm4b:s5+s22], $0x10, s19, s22, $0xb8;
	[tilespmem:$0x17540] =	vst v63  }
0x6a: {  	s20 =	simm.s32 $0xB00;
	s23 =	simm.s32 $0xC400  }
0x6b: {  	[tilespmem:s23], [sflag:$0x4] =	stream.indirect.gather [hbm4b:s5+s22], $0x10, s20, s22, $0xb8;
	[tilespmem:$0x17540] =	vst v63  }
0x6c: {  	s25 =	simm.s32 $0xB80;
	s26 =	simm.s32 $0xCC00  }
0x6d: {  	[tilespmem:s26], [sflag:$0x4] =	stream.indirect.gather [hbm4b:s5+s22], $0x10, s25, s22, $0xb8;
	[tilespmem:$0x17540] =	vst v63  }
0x6e: {  	s30 =	simm.s32 $0xC00;
	s31 =	simm.s32 $0xD400  }
0x6f: {  	[tilespmem:s31], [sflag:$0x4] =	stream.indirect.gather [hbm4b:s5+s22], $0x10, s30, s22, $0xb8;
	[tilespmem:$0x17540] =	vst v63  }
0x70: {  	s10 =	simm.s32 $0xDC00;
	s8 =	simm.s32 $0xC80  }
0x71: {  	[tilespmem:s10], [sflag:$0x4] =	stream.indirect.gather [hbm4b:s5+s22], $0x10, s8, s22, $0xb8;
	[tilespmem:$0x17540] =	vst v63  }
0x72: {  	s11 =	simm.s32 $0xD00;
	s19 =	simm.s32 $0xE400  }
0x73: {  	[tilespmem:s19], [sflag:$0x4] =	stream.indirect.gather [hbm4b:s5+s22], $0x10, s11, s22, $0xb8;
	[tilespmem:$0x17540] =	vst v63  }
0x74: {  	s20 =	simm.s32 $0xD80;
	s23 =	simm.s32 $0xEC00  }
0x75: {  	[tilespmem:s23], [sflag:$0x4] =	stream.indirect.gather [hbm4b:s5+s22], $0x10, s20, s22, $0xb8;
	[tilespmem:$0x17540] =	vst v63  }
0x76: {  	s25 =	simm.s32 $0xE00;
	s26 =	simm.s32 $0xF400  }
0x77: {  	[tilespmem:s26], [sflag:$0x4] =	stream.indirect.gather [hbm4b:s5+s22], $0x10, s25, s22, $0xb8;
	[tilespmem:$0x17540] =	vst v63  }
0x78: {  	s30 =	simm.s32 $0xE80;
	s31 =	simm.s32 $0xFC00  }
0x79: {  	[tilespmem:s31], [sflag:$0x4] =	stream.indirect.gather [hbm4b:s5+s22], $0x10, s30, s22, $0xb8;
	[tilespmem:$0x17540] =	vst v63  }
0x7a: {  	s8 =	simm.s32 $0xF00;
	s10 =	simm.s32 $0x10400  }
0x7b: {  	[tilespmem:s10], [sflag:$0x4] =	stream.indirect.gather [hbm4b:s5+s22], $0x10, s8, s22, $0xb8;
	[tilespmem:$0x17540] =	vst v63  }
0x7c: {  	s11 =	simm.s32 $0xF80;
	s19 =	simm.s32 $0x10C00  }
0x7d: {  	[tilespmem:s19], [sflag:$0x4] =	stream.indirect.gather [hbm4b:s5+s22], $0x10, s11, s22, $0xb8;
	[tilespmem:$0x17540] =	vst v63  }
0x7e: {  	s20 =	simm.s32 $0x1000;
	s23 =	simm.s32 $0x11400  }
0x7f: {  	[tilespmem:s23], [sflag:$0x4] =	stream.indirect.gather [hbm4b:s5+s22], $0x10, s20, s22, $0xb8;
	[tilespmem:$0x17540] =	vst v63  }
0x80: {  	s25 =	simm.s32 $0x1080;
	s26 =	simm.s32 $0x11C00  }
0x81: {  	[tilespmem:s26], [sflag:$0x4] =	stream.indirect.gather [hbm4b:s5+s22], $0x10, s25, s22, $0xb8;
	[tilespmem:$0x17540] =	vst v63  }
0x82: {  	s30 =	simm.s32 $0x1100;
	s31 =	simm.s32 $0x12400  }
0x83: {  	[tilespmem:s31], [sflag:$0x4] =	stream.indirect.gather [hbm4b:s5+s22], $0x10, s30, s22, $0xb8;
	[tilespmem:$0x17540] =	vst v63  }
0x84: {  	s8 =	simm.s32 $0x1180;
	s10 =	simm.s32 $0x12C00  }
0x85: {  	[tilespmem:s10], [sflag:$0x4] =	stream.indirect.gather [hbm4b:s5+s22], $0x10, s8, s22, $0xb8;
	[tilespmem:$0x17540] =	vst v63  }
0x86: {  	s11 =	simm.s32 $0x1200;
	s19 =	simm.s32 $0x13400  }
0x87: {  	[tilespmem:s19], [sflag:$0x4] =	stream.indirect.gather [hbm4b:s5+s22], $0x10, s11, s22, $0xb8;
	[tilespmem:$0x17540] =	vst v63  }
0x88: {  	s20 =	simm.s32 $0x1280;
	s23 =	simm.s32 $0x13C00  }
0x89: {  	[tilespmem:s23], [sflag:$0x4] =	stream.indirect.gather [hbm4b:s5+s22], $0x10, s20, s22, $0xb8;
	[tilespmem:$0x17540] =	vst v63  }
0x8a: {  	s25 =	simm.s32 $0x1300;
	s26 =	simm.s32 $0x14400  }
0x8b: {  	[tilespmem:s26], [sflag:$0x4] =	stream.indirect.gather [hbm4b:s5+s22], $0x10, s25, s22, $0xb8;
	[tilespmem:$0x17540] =	vst v63  }
0x8c: {  	s30 =	simm.s32 $0x1380;
	s31 =	simm.s32 $0x14C00  }
0x8d: {  	[tilespmem:s31], [sflag:$0x4] =	stream.indirect.gather [hbm4b:s5+s22], $0x10, s30, s22, $0xb8;
	[tilespmem:$0x17540] =	vst v63  }
0x8e: {  	_ =	swait.ge [sflag:s21], $0x800  }
0x8f: {  	[sflag:s21] =	ssyncset.done $0x0  }
0x90: {  	[sflag:s21] =	ssyncadd.s32 $0xFFFFF800  }
0x91: {  	_ =	swait.ge [sflag:s21], $0x800  }
0x92: {  	[sflag:s21] =	ssyncset.done $0x0  }
0x93: {  	[sflag:s21] =	ssyncadd.s32 $0xFFFFF800  }
0x94: {  	_ =	swait.ge [sflag:s21], $0x800  }
0x95: {  	[sflag:s21] =	ssyncset.done $0x0  }
0x96: {  	[sflag:s21] =	ssyncadd.s32 $0xFFFFF800  }
0x97: {  	_ =	swait.ge [sflag:s21], $0x800  }
0x98: {  	[sflag:s21] =	ssyncset.done $0x0  }
0x99: {  	[sflag:s21] =	ssyncadd.s32 $0xFFFFF800  }
0x9a: {  	_ =	swait.ge [sflag:s21], $0x800  }
0x9b: {  	[sflag:s21] =	ssyncset.done $0x0  }
0x9c: {  	[sflag:s21] =	ssyncadd.s32 $0xFFFFF800  }
0x9d: {  	_ =	swait.ge [sflag:s21], $0x800  }
0x9e: {  	[sflag:s21] =	ssyncset.done $0x0  }
0x9f: {  	[sflag:s21] =	ssyncadd.s32 $0xFFFFF800  }
0xa0: {  	_ =	swait.ge [sflag:s21], $0x800  }
0xa1: {  	[sflag:s21] =	ssyncset.done $0x0  }
0xa2: {  	[sflag:s21] =	ssyncadd.s32 $0xFFFFF800  }
0xa3: {  	_ =	swait.ge [sflag:s21], $0x800  }
0xa4: {  	[sflag:s21] =	ssyncset.done $0x0  }
0xa5: {  	[sflag:s21] =	ssyncadd.s32 $0xFFFFF800  }
0xa6: {  	_ =	swait.ge [sflag:s21], $0x800  }
0xa7: {  	[sflag:s21] =	ssyncset.done $0x0  }
0xa8: {  	[sflag:s21] =	ssyncadd.s32 $0xFFFFF800  }
0xa9: {  	_ =	swait.ge [sflag:s21], $0x800  }
0xaa: {  	[sflag:s21] =	ssyncset.done $0x0  }
0xab: {  	[sflag:s21] =	ssyncadd.s32 $0xFFFFF800  }
0xac: {  	_ =	swait.ge [sflag:s21], $0x800  }
0xad: {  	[sflag:s21] =	ssyncset.done $0x0  }
0xae: {  	[sflag:s21] =	ssyncadd.s32 $0xFFFFF800  }
0xaf: {  	_ =	swait.ge [sflag:s21], $0x800  }
0xb0: {  	[sflag:s21] =	ssyncset.done $0x0  }
0xb1: {  	[sflag:s21] =	ssyncadd.s32 $0xFFFFF800  }
0xb2: {  	_ =	swait.ge [sflag:s21], $0x800  }
0xb3: {  	[sflag:s21] =	ssyncset.done $0x0  }
0xb4: {  	[sflag:s21] =	ssyncadd.s32 $0xFFFFF800  }
0xb5: {  	_ =	swait.ge [sflag:s21], $0x800  }
0xb6: {  	[sflag:s21] =	ssyncset.done $0x0  }
0xb7: {  	[sflag:s21] =	ssyncadd.s32 $0xFFFFF800  }
0xb8: {  	_ =	swait.ge [sflag:s21], $0x800  }
0xb9: {  	[sflag:s21] =	ssyncset.done $0x0  }
0xba: {  	[sflag:s21] =	ssyncadd.s32 $0xFFFFF800  }
0xbb: {  	_ =	swait.ge [sflag:s21], $0x800  }
0xbc: {  	[sflag:s21] =	ssyncset.done $0x0  }
0xbd: {  	[sflag:s21] =	ssyncadd.s32 $0xFFFFF800  }
0xbe: {  	_ =	swait.ge [sflag:s21], $0x800  }
0xbf: {  	[sflag:s21] =	ssyncset.done $0x0  }
0xc0: {  	[sflag:s21] =	ssyncadd.s32 $0xFFFFF800  }
0xc1: {  	_ =	swait.ge [sflag:s21], $0x800  }
0xc2: {  	[sflag:s21] =	ssyncset.done $0x0  }
0xc3: {  	[sflag:s21] =	ssyncadd.s32 $0xFFFFF800  }
0xc4: {  	_ =	swait.ge [sflag:s21], $0x800  }
0xc5: {  	p0 =	seq.s32 s9, $0x18;
	[sflag:s21] =	ssyncset.done $0x0  }
0xc6: {  	p1 =	seq.s32 @!p0 s9, $0x0;
	[sflag:s21] =	ssyncadd.s32 $0xFFFFF800  }
0xc7: {  	p1 =	por p0, !p1;
	_ =	swait.ge [sflag:s21], $0x800  }
.Ltmp2:
0xc8: {  	s19 =	sshll.u32 s9, $0xD;
	s1 =	rddreg [dreg:$0x6];
	(pc) =	sbr.rel @!p1 .LBB2_3-.Ltmp2, $4  }
0xc9: {  	s8 =	simm.s32 @!p0 $0x80;
	s1 =	sadd.s32 @!p0 s1, s19  }
0xca: {  	s23 =	simm.s32 @!p0 $0x32000;
	[sflag:s21] =	ssyncset.done $0x0;
	s1 =	sshrl.u32 @!p0 s1, $0x3  }
0xcb: {  	s30 =	simm.s32 @!p0 $0x0;
	[sflag:s21] =	ssyncadd.s32 $0xFFFFF800;
	s1 =	sadd.s32 @!p0 s4, s1  }
0xcc: {  	[tilespmem:s30], [sflag:$0x1] =	stream.strided.gather @!p0 [hbm4b:s1+s8], $0xA00, s23, s8, $0x38;
	[tilespmem:$0x17540] =	vst v63  }
0xcd: {  	_ =	swait.ge [sflag:s6], $0x400  }
0xce: {  	[sflag:s6] =	ssyncset.done $0x0  }
0xcf: {  	[sflag:s6] =	ssyncadd.s32 $0xFFFFFC00  }
0xd0: {  	_ =	swait.ge [sflag:s6], $0x400  }
0xd1: {  	[sflag:s6] =	ssyncset.done $0x0  }
0xd2: {  	[sflag:s6] =	ssyncadd.s32 $0xFFFFFC00  }
0xd3: {  	_ =	swait.ge [sflag:s6], $0x400  }
.Ltmp3:
0xd4: {  	[sflag:s6] =	ssyncset.done $0x0;
	(pc) =	sbr.rel .LBB2_5-.Ltmp3, $4  }
0xd5: {  	[sflag:s6] =	ssyncadd.s32 $0xFFFFFC00  }
0xd6: {  	_ =	swait.ge [sflag:s6], $0x400  }
0xd7: {  	[sflag:s6] =	ssyncset.done $0x0  }
0xd8: {  	p1 =	por $0x0, $0x0;
	[sflag:s6] =	ssyncadd.s32 $0xFFFFFC00  }
.LBB2_3:
0xd9: {  	p1 =	por @!p0 $0x1, $0x1  }
.LBB2_5:
0xda: {  	v52 =	vld [tilespmem:$0x17530]  }
0xdb: {  	v1 =	vld [tilespmem:$0x17520]  }
0xdc: {  	v20 =	vld [tilespmem:$0x17510]  }
0xdd: {  	v21 =	vld [tilespmem:$0x17500]  }
0xde: {  	v22 =	vld [tilespmem:$0x174F0]  }
0xdf: {  	v23 =	vld [tilespmem:$0x174E0]  }
0xe0: {  	v24 =	vld [tilespmem:$0x174D0]  }
0xe1: {  	v25 =	vld [tilespmem:$0x174C0]  }
0xe2: {  	v26 =	vld [tilespmem:$0x174B0]  }
0xe3: {  	v27 =	vld [tilespmem:$0x174A0]  }
0xe4: {  	v28 =	vld [tilespmem:$0x17490]  }
0xe5: {  	v29 =	vld [tilespmem:$0x17480]  }
0xe6: {  	v30 =	vld [tilespmem:$0x17470]  }
0xe7: {  	v31 =	vld [tilespmem:$0x17460]  }
0xe8: {  	v32 =	vld [tilespmem:$0x17450];
	s8 =	simm.s32 $0xAC70  }
0xe9: {  	v0 =	vld [tilespmem:s8+$0xFFFFFFD0]  }
0xea: {  	v33 =	vld [tilespmem:$0x17440]  }
0xeb: {  	v34 =	vld [tilespmem:$0x17430]  }
0xec: {  	v35 =	vld [tilespmem:$0x17420]  }
0xed: {  	v36 =	vld [tilespmem:$0x17410]  }
0xee: {  	v37 =	vld [tilespmem:$0x17400];
	[tilespmem:$0x1FEA0] =	vst v0  }
0xef: {  	v0 =	vld [tilespmem:s8+$0xFFFFFFE0];
	_ =	sdelay $0x4  }
0xf0: {  	[tilespmem:$0x1FEC0] =	vst v0  }
0xf1: {  	v0 =	vld [tilespmem:s8+$0xFFFFFFF0];
	_ =	sdelay $0x4  }
0xf2: {  	[tilespmem:$0x1FED0] =	vst v0  }
0xf3: {  	v0 =	vld [tilespmem:s8+$0x0];
	_ =	sdelay $0x4  }
0xf4: {  	[tilespmem:$0x1FEE0] =	vst v0  }
0xf5: {  	v0 =	vld [tilespmem:s8+$0xFFFFF7D0];
	_ =	sdelay $0x4  }
0xf6: {  	[tilespmem:$0x1FE70] =	vst v0  }
0xf7: {  	v0 =	vld [tilespmem:s8+$0xFFFFF7E0];
	_ =	sdelay $0x4  }
0xf8: {  	[tilespmem:$0x1FE80] =	vst v0  }
0xf9: {  	v0 =	vld [tilespmem:s8+$0xFFFFF7F0];
	_ =	sdelay $0x4  }
0xfa: {  	[tilespmem:$0x1FE90] =	vst v0  }
0xfb: {  	v0 =	vld [tilespmem:s8+$0xFFFFF800];
	_ =	sdelay $0x4  }
0xfc: {  	[tilespmem:$0x1FEB0] =	vst v0  }
0xfd: {  	v45 =	vld [tilespmem:s8+$0xFFFFEFD0]  }
0xfe: {  	v47 =	vld [tilespmem:s8+$0xFFFFEFE0]  }
0xff: {  	v46 =	vld [tilespmem:s8+$0xFFFFEFF0]  }
0x100: {  	v2 =	vld [tilespmem:s8+$0xFFFFE7D0]  }
0x101: {  	v51 =	vld [tilespmem:s8+$0xFFFFDFD0]  }
0x102: {  	v44 =	vld [tilespmem:s8+$0xFFFFDFE0]  }
0x103: {  	v43 =	vld [tilespmem:s8+$0xFFFFD7D0]  }
0x104: {  	v42 =	vld [tilespmem:s8+$0xFFFFCFD0]  }
0x105: {  	v40 =	vld [tilespmem:s8+$0xFFFFC7D0]  }
0x106: {  	v41 =	vld [tilespmem:s8+$0xFFFFC7E0]  }
0x107: {  	v39 =	vld [tilespmem:s8+$0xFFFFBFD0]  }
0x108: {  	v38 =	vld [tilespmem:s8+$0xFFFFB7D0]  }
0x109: {  	v9 =	vld [tilespmem:s8+$0xFFFFAFD0]  }
0x10a: {  	v10 =	vld [tilespmem:s8+$0xFFFFAFE0]  }
0x10b: {  	v11 =	vld [tilespmem:s8+$0xFFFFA7D0]  }
0x10c: {  	v12 =	vld [tilespmem:s8+$0xFFFF9FD0]  }
0x10d: {  	v13 =	vld [tilespmem:s8+$0xFFFF97D0]  }
0x10e: {  	v14 =	vld [tilespmem:s8+$0xFFFF97E0]  }
0x10f: {  	v15 =	vld [tilespmem:s8+$0xFFFF8FD0]  }
0x110: {  	v57 =	vld [tilespmem:s8+$0xFFFF87D0]  }
0x111: {  	v58 =	vld [tilespmem:s8+$0xFFFF7FD0]  }
0x112: {  	v59 =	vld [tilespmem:s8+$0xFFFF7FE0]  }
0x113: {  	v61 =	vld [tilespmem:s8+$0xFFFF67D0]  }
0x114: {  	v62 =	vld [tilespmem:s8+$0xFFFF67E0]  }
0x115: {  	v63 =	vld [tilespmem:s8+$0xFFFF6FD0]  }
0x116: {  	v0 =	vld [tilespmem:s8+$0xFFFF6FE0]  }
0x117: {  	v3 =	vld [tilespmem:s8+$0xFFFF67F0]  }
0x118: {  	v4 =	vld [tilespmem:s8+$0xFFFF6800]  }
0x119: {  	v6 =	vld [tilespmem:s8+$0xFFFF6FF0]  }
0x11a: {  	v7 =	vld [tilespmem:s8+$0xFFFF7000];
	v61 =	vmul.bf16 v61, v37  }
0x11b: {  	v60 =	vld [tilespmem:s8+$0xFFFF77D0];
	v62 =	vmul.bf16 v62, v37  }
0x11c: {  	v5 =	vld [tilespmem:s8+$0xFFFF77E0];
	v63 =	vmul.bf16 v63, v36;
	v3 =	vmul.bf16 v3, v37;
	v61 =	vadd.bf16 v16, v61  }
0x11d: {  	v8 =	vld [tilespmem:s8+$0xFFFF77F0];
	v0 =	vmul.bf16 v0, v36;
	v4 =	vmul.bf16 v4, v37;
	v62 =	vadd.bf16 v16, v62  }
0x11e: {  	v6 =	vmul.bf16 v6, v36;
	v3 =	vadd.bf16 v16, v3;
	v61 =	vadd.bf16 v63, v61;
	v63 =	vld [tilespmem:s8+$0xFFFF87E0]  }
0x11f: {  	v7 =	vmul.bf16 v7, v36;
	v4 =	vadd.bf16 v16, v4;
	v0 =	vadd.bf16 v0, v62;
	v62 =	vld [tilespmem:s8+$0xFFFF7800]  }
0x120: {  	v60 =	vmul.bf16 v60, v35;
	v3 =	vadd.bf16 v6, v3;
	v6 =	vld [tilespmem:s8+$0xFFFF8000]  }
0x121: {  	v5 =	vmul.bf16 v5, v35;
	v4 =	vadd.bf16 v7, v4;
	v7 =	vld [tilespmem:s8+$0xFFFF8FE0]  }
0x122: {  	v58 =	vmul.bf16 v58, v34;
	v8 =	vmul.bf16 v8, v35;
	v60 =	vadd.bf16 v60, v61;
	v61 =	vld [tilespmem:s8+$0xFFFF7FF0]  }
0x123: {  	v59 =	vmul.bf16 v59, v34;
	v0 =	vadd.bf16 v5, v0;
	v5 =	vld [tilespmem:s8+$0xFFFF87F0]  }
0x124: {  	v57 =	vmul.bf16 v57, v33;
	v3 =	vadd.bf16 v8, v3;
	v8 =	vld [tilespmem:s8+$0xFFFF8800];
	v58 =	vadd.bf16 v58, v60  }
0x125: {  	v0 =	vadd.bf16 v59, v0;
	v59 =	vmul.bf16 v62, v35;
	v62 =	vld [tilespmem:s8+$0xFFFFA7F0]  }
0x126: {  	v15 =	vmul.bf16 v15, v32;
	v60 =	vmul.bf16 v63, v33;
	v57 =	vadd.bf16 v57, v58;
	v58 =	vld [tilespmem:s8+$0xFFFF8FF0]  }
0x127: {  	v13 =	vmul.bf16 v13, v31;
	v6 =	vmul.bf16 v6, v34;
	v4 =	vadd.bf16 v59, v4;
	v59 =	vld [tilespmem:s8+$0xFFFF9FE0]  }
0x128: {  	v7 =	vmul.bf16 v7, v32;
	v61 =	vmul.bf16 v61, v34;
	v0 =	vadd.bf16 v60, v0;
	v60 =	vld [tilespmem:s8+$0xFFFF9000]  }
0x129: {  	v8 =	vmul.bf16 v8, v33;
	v15 =	vadd.bf16 v15, v57;
	v4 =	vadd.bf16 v6, v4;
	v6 =	vld [tilespmem:s8+$0xFFFF97F0]  }
0x12a: {  	v5 =	vmul.bf16 v5, v33;
	v3 =	vadd.bf16 v61, v3;
	v0 =	vadd.bf16 v7, v0;
	v7 =	vld [tilespmem:s8+$0xFFFF9FF0]  }
0x12b: {  	v14 =	vmul.bf16 v14, v31;
	v4 =	vadd.bf16 v8, v4;
	v8 =	vld [tilespmem:s8+$0xFFFFA7E0]  }
0x12c: {  	v12 =	vmul.bf16 v12, v30;
	v13 =	vadd.bf16 v13, v15;
	v3 =	vadd.bf16 v5, v3;
	v5 =	vld [tilespmem:s8+$0xFFFF9800]  }
0x12d: {  	v63 =	vmul.bf16 v58, v32;
	v0 =	vadd.bf16 v14, v0;
	v14 =	vld [tilespmem:s8+$0xFFFFA000];
	v60 =	vmul.bf16 v60, v32  }
0x12e: {  	v61 =	vmul.bf16 v59, v30;
	v12 =	vadd.bf16 v12, v13;
	v13 =	vmul.bf16 v62, v29;
	v62 =	vld [tilespmem:s8+$0xFFFFCFF0]  }
0x12f: {  	v11 =	vmul.bf16 v11, v29;
	v3 =	vadd.bf16 v63, v3;
	v63 =	vld [tilespmem:s8+$0xFFFFB7E0];
	v6 =	vmul.bf16 v6, v31  }
0x130: {  	v4 =	vadd.bf16 v60, v4;
	v0 =	vadd.bf16 v61, v0;
	v60 =	vld [tilespmem:s8+$0xFFFFBFF0];
	v8 =	vmul.bf16 v8, v29  }
0x131: {  	v11 =	vadd.bf16 v11, v12;
	v12 =	vld [tilespmem:s8+$0xFFFFD000];
	v3 =	vadd.bf16 v6, v3;
	v6 =	vmul.bf16 v7, v30  }
0x132: {  	v10 =	vmul.bf16 v10, v28;
	v7 =	vld [tilespmem:s8+$0xFFFFA800];
	v0 =	vadd.bf16 v8, v0  }
0x133: {  	v9 =	vmul.bf16 v9, v28;
	v5 =	vmul.bf16 v5, v31;
	v3 =	vadd.bf16 v6, v3;
	v6 =	vld [tilespmem:s8+$0xFFFFB000]  }
0x134: {  	v0 =	vadd.bf16 v10, v0;
	v10 =	vld [tilespmem:s8+$0xFFFFB800]  }
0x135: {  	v58 =	vmul.bf16 v14, v30;
	v9 =	vadd.bf16 v9, v11;
	v11 =	vld [tilespmem:s8+$0xFFFFBFE0];
	v4 =	vadd.bf16 v5, v4  }
0x136: {  	v38 =	vmul.bf16 v38, v27;
	v5 =	vld [tilespmem:s8+$0xFFFFAFF0]  }
0x137: {  	v8 =	vld [tilespmem:s8+$0xFFFFB7F0];
	v4 =	vadd.bf16 v58, v4;
	v7 =	vmul.bf16 v7, v29  }
0x138: {  	v59 =	vmul.bf16 v63, v27;
	v9 =	vadd.bf16 v38, v9;
	v63 =	vld [tilespmem:s8+$0xFFFFD7E0];
	v38 =	vmul.bf16 v60, v26  }
0x139: {  	v60 =	vld [tilespmem:s8+$0xFFFFF000];
	v4 =	vadd.bf16 v7, v4;
	v6 =	vmul.bf16 v6, v28;
	v10 =	vmul.bf16 v10, v27  }
0x13a: {  	v3 =	vadd.bf16 v13, v3;
	v13 =	vld [tilespmem:s8+$0xFFFFD7F0]  }
0x13b: {  	v39 =	vmul.bf16 v39, v26;
	v40 =	vmul.bf16 v40, v25;
	v58 =	vld [tilespmem:s8+$0xFFFFE7F0];
	v4 =	vadd.bf16 v6, v4  }
0x13c: {  	v0 =	vadd.bf16 v59, v0;
	v59 =	vmul.bf16 v2, v21;
	v2 =	vld [tilespmem:s8+$0xFFFF77A0];
	v5 =	vmul.bf16 v5, v28  }
0x13d: {  	v9 =	vadd.bf16 v39, v9;
	v61 =	vmul.bf16 v11, v26;
	v4 =	vadd.bf16 v10, v4;
	v10 =	vmovc v1;
	v1 =	vld [tilespmem:$0x1FE70]  }
0x13e: {  	v7 =	vld [tilespmem:s8+$0xFFFFCFE0];
	v3 =	vadd.bf16 v5, v3;
	v5 =	vmul.bf16 v8, v27  }
0x13f: {  	v42 =	vmul.bf16 v42, v24;
	v9 =	vadd.bf16 v40, v9;
	v0 =	vadd.bf16 v61, v0;
	v61 =	vld [tilespmem:s8+$0xFFFFE800]  }
0x140: {  	v8 =	vld [tilespmem:s8+$0xFFFFC000];
	v3 =	vadd.bf16 v5, v3  }
0x141: {  	v41 =	vmul.bf16 v41, v25;
	v14 =	vmul.bf16 v43, v23;
	v9 =	vadd.bf16 v42, v9;
	v6 =	vld [tilespmem:s8+$0xFFFFC7F0]  }
0x142: {  	v3 =	vadd.bf16 v38, v3;
	v38 =	vmul.bf16 v12, v24;
	v12 =	vmul.bf16 v1, v10;
	v1 =	vld [tilespmem:$0x1FE80]  }
0x143: {  	v51 =	vmul.bf16 v51, v22;
	v9 =	vadd.bf16 v14, v9;
	v5 =	vld [tilespmem:s8+$0xFFFFC800]  }
0x144: {  	v42 =	vld [tilespmem:s8+$0xFFFF6790];
	v0 =	vadd.bf16 v41, v0;
	v7 =	vmul.bf16 v7, v24  }
0x145: {  	v15 =	vmul.bf16 v63, v23;
	v9 =	vadd.bf16 v51, v9;
	v51 =	vld [tilespmem:s8+$0xFFFF6FB0]  }
0x146: {  	v41 =	vmul.bf16 v13, v23;
	v8 =	vmul.bf16 v8, v26;
	v0 =	vadd.bf16 v7, v0;
	v7 =	vld [tilespmem:s8+$0xFFFFD800]  }
0x147: {  	v6 =	vmul.bf16 v6, v25;
	v13 =	vmul.bf16 v1, v10;
	v1 =	vld [tilespmem:$0x1FE90]  }
0x148: {  	v57 =	vmul.bf16 v44, v22;
	v4 =	vadd.bf16 v8, v4;
	v8 =	vld [tilespmem:s8+$0xFFFFE7E0];
	v5 =	vmul.bf16 v5, v25  }
0x149: {  	v3 =	vadd.bf16 v6, v3;
	v6 =	vmul.bf16 v62, v24;
	v0 =	vadd.bf16 v15, v0;
	v15 =	vld [tilespmem:s8+$0xFFFF6FA0]  }
0x14a: {  	v9 =	vadd.bf16 v59, v9;
	v62 =	vmul.bf16 v45, v20;
	v4 =	vadd.bf16 v5, v4;
	v5 =	vld [tilespmem:s8+$0xFFFFDFF0]  }
0x14b: {  	v3 =	vadd.bf16 v6, v3;
	v6 =	vld [tilespmem:s8+$0xFFFFE000];
	v0 =	vadd.bf16 v57, v0  }
0x14c: {  	v9 =	vadd.bf16 v62, v9;
	v7 =	vmul.bf16 v7, v23;
	v57 =	vmul.bf16 v1, v10;
	v1 =	vld [tilespmem:$0x1FEA0]  }
0x14d: {  	v4 =	vadd.bf16 v38, v4;
	v3 =	vadd.bf16 v41, v3;
	v41 =	vmul.bf16 v61, v21;
	v61 =	vld [tilespmem:s8+$0xFFFF7790]  }
0x14e: {  	v9 =	vadd.bf16 v12, v9;
	v12 =	vld [tilespmem:s8+$0xFFFF7F90];
	v8 =	vmul.bf16 v8, v21  }
0x14f: {  	v4 =	vadd.bf16 v7, v4;
	v7 =	vld [tilespmem:s8+$0xFFFF67A0]  }
0x150: {  	v6 =	vmul.bf16 v6, v22;
	v0 =	vadd.bf16 v8, v0;
	v8 =	vld [tilespmem:s8+$0xFFFF67B0]  }
0x151: {  	v5 =	vmul.bf16 v5, v22;
	v59 =	vmul.bf16 v1, v52;
	v1 =	vld [tilespmem:$0x1FEB0]  }
0x152: {  	v63 =	vmul.bf16 v47, v20;
	v4 =	vadd.bf16 v6, v4;
	v6 =	vld [tilespmem:s8+$0xFFFF67C0]  }
0x153: {  	v3 =	vadd.bf16 v5, v3;
	v5 =	vmul.bf16 v58, v21;
	v58 =	vld [tilespmem:s8+$0xFFFF6FC0]  }
0x154: {  	v0 =	vadd.bf16 v63, v0;
	v63 =	vld [tilespmem:s8+$0xFFFF77B0]  }
0x155: {  	v14 =	vmul.bf16 v46, v20;
	v3 =	vadd.bf16 v5, v3;
	v5 =	vld [tilespmem:s8+$0xFFFF6F90]  }
0x156: {  	v38 =	vmul.bf16 v60, v20;
	v60 =	vmul.bf16 v1, v10;
	v1 =	vld [tilespmem:$0x1FEC0]  }
0x157: {  	v0 =	vadd.bf16 v13, v0;
	v13 =	vmul.bf16 v15, v36;
	v15 =	vld [tilespmem:s8+$0xFFFF7FC0];
	v3 =	vadd.bf16 v14, v3  }
0x158: {  	v4 =	vadd.bf16 v41, v4;
	v41 =	vadd.bf16 v59, v9;
	v9 =	vld [tilespmem:$0x1FEE0]  }
0x159: {  	v14 =	vmul.bf16 v51, v36;
	v3 =	vadd.bf16 v57, v3;
	v57 =	vld [tilespmem:s8+$0xFFFF87A0]  }
0x15a: {  	v51 =	vmul.bf16 v61, v35;
	v61 =	vld [tilespmem:s8+$0xFFFF8F90];
	v6 =	vmul.bf16 v6, v37  }
0x15b: {  	v4 =	vadd.bf16 v38, v4;
	v44 =	vmul.bf16 v63, v35;
	v62 =	vmul.bf16 v1, v52;
	v1 =	vld [tilespmem:$0x1FED0]  }
0x15c: {  	v63 =	vld [tilespmem:s8+$0xFFFF8FB0];
	v5 =	vmul.bf16 v5, v36;
	v36 =	vmul.bf16 v58, v36;
	v6 =	vadd.bf16 v16, v6  }
0x15d: {  	v59 =	vld [tilespmem:s8+$0xFFFF87B0];
	v9 =	vmul.bf16 v9, v52;
	v4 =	vadd.bf16 v60, v4  }
0x15e: {  	v6 =	vadd.bf16 v36, v6;
	v36 =	vmul.bf16 v57, v33;
	v57 =	vld [tilespmem:s8+$0xFFFF9FA0]  }
0x15f: {  	v60 =	vld [tilespmem:s8+$0xFFFF87C0];
	v38 =	vadd.bf16 v9, v4;
	v4 =	vmul.bf16 v8, v37  }
0x160: {  	v9 =	vld [tilespmem:s8+$0xFFFF7FB0];
	v1 =	vmul.bf16 v1, v52  }
0x161: {  	v7 =	vmul.bf16 v7, v37;
	v8 =	vld [tilespmem:s8+$0xFFFF7FA0];
	v4 =	vadd.bf16 v16, v4  }
0x162: {  	v40 =	vadd.bf16 v62, v0;
	v0 =	vld [tilespmem:s8+$0xFFFF77C0];
	v39 =	vadd.bf16 v1, v3;
	v3 =	vmul.bf16 v42, v37  }
0x163: {  	v62 =	vld [tilespmem:s8+$0xFFFF8FA0];
	v4 =	vadd.bf16 v14, v4  }
0x164: {  	v7 =	vadd.bf16 v16, v7;
	v14 =	vld [tilespmem:s8+$0xFFFF97B0];
	v3 =	vadd.bf16 v16, v3  }
0x165: {  	v9 =	vmul.bf16 v9, v34;
	v4 =	vadd.bf16 v44, v4;
	v44 =	vmul.bf16 v61, v32;
	v61 =	vld [tilespmem:s8+$0xFFFFA7B0]  }
0x166: {  	v58 =	vmul.bf16 v2, v35;
	v3 =	vadd.bf16 v5, v3;
	v5 =	vadd.bf16 v13, v7;
	v7 =	vld [tilespmem:s8+$0xFFFF8790]  }
0x167: {  	s26 =	simm.s32 $0x1;
	v43 =	vmul.bf16 v63, v32;
	v8 =	vmul.bf16 v8, v34;
	v4 =	vadd.bf16 v9, v4;
	v9 =	vld [tilespmem:s8+$0xFFFF8FC0]  }
0x168: {  	s1 =	simm.s32 $0x0;
	v63 =	vmov s26;
	v0 =	vmul.bf16 v0, v35;
	v42 =	vmul.bf16 v12, v34;
	v12 =	vld [tilespmem:s8+$0xFFFF9790]  }
0x169: {  	s25 =	simm.s32 $0x7;
	v35 =	vmov s1;
	v37 =	vmul.bf16 v59, v33;
	v59 =	vld [tilespmem:s8+$0xFFFF9FC0];
	v3 =	vadd.bf16 v51, v3  }
0x16a: {  	v34 =	vmul.bf16 v15, v34;
	v15 =	vmov s25;
	v1 =	vld [tilespmem:$0x1FEF0];
	v35 =	vshrl.u32 v35, $0x3  }
0x16b: {  	v0 =	vadd.bf16 v0, v6;
	v16 =	vld [tilespmem:s8+$0xFFFF97C0];
	v3 =	vadd.bf16 v42, v3;
	v7 =	vmul.bf16 v7, v33  }
0x16c: {  	s23 =	simm.s32 $0x4;
	v4 =	vadd.bf16 v37, v4;
	v37 =	vshrl.u32 v15, $0x3;
	v15 =	vld [tilespmem:s8+$0xFFFFAFC0];
	v5 =	vadd.bf16 v58, v5  }
0x16d: {  	s20 =	simm.s32 $0x6;
	v6 =	vmov s23;
	v0 =	vadd.bf16 v34, v0;
	v3 =	vadd.bf16 v7, v3;
	v7 =	vld [tilespmem:s8+$0xFFFF97A0]  }
0x16e: {  	v13 =	vmov s20;
	v34 =	vmul.bf16 v12, v31;
	v12 =	vld [tilespmem:s8+$0xFFFFAF90];
	v5 =	vadd.bf16 v8, v5  }
0x16f: {  	v4 =	vadd.bf16 v43, v4;
	v45 =	vshrl.u32 v13, $0x3;
	v51 =	vld [tilespmem:s8+$0xFFFF9F90];
	v33 =	vmul.bf16 v60, v33  }
0x170: {  	s31 =	simm.s32 $0x2;
	v9 =	vmul.bf16 v9, v32;
	v13 =	vld [tilespmem:s8+$0xFFFFAFA0];
	v42 =	vmul.bf16 v62, v32;
	v5 =	vadd.bf16 v36, v5  }
0x171: {  	v58 =	vld [tilespmem:s8+$0xFFFF9FB0];
	v36 =	vmul.bf16 v14, v31;
	v14 =	vmov s31;
	v0 =	vadd.bf16 v33, v0  }
0x172: {  	v62 =	vld [tilespmem:s8+$0xFFFFA7C0];
	v5 =	vadd.bf16 v42, v5;
	v3 =	vadd.bf16 v44, v3;
	v7 =	vmul.bf16 v7, v31  }
0x173: {  	v60 =	vld [tilespmem:s8+$0xFFFFA7A0];
	v33 =	vmul.bf16 v61, v29;
	v0 =	vadd.bf16 v9, v0;
	v31 =	vmul.bf16 v16, v31  }
0x174: {  	v61 =	vld [tilespmem:s8+$0xFFFFC7B0];
	v3 =	vadd.bf16 v34, v3;
	v5 =	vadd.bf16 v7, v5;
	v7 =	vmul.bf16 v51, v30  }
0x175: {  	v43 =	vshrl.u32 v14, $0x3;
	v14 =	vld [tilespmem:s8+$0xFFFFD790];
	v4 =	vadd.bf16 v36, v4;
	v0 =	vadd.bf16 v31, v0  }
0x176: {  	v9 =	vld [tilespmem:s8+$0xFFFFA790];
	v31 =	vmul.bf16 v57, v30;
	v3 =	vadd.bf16 v7, v3;
	v7 =	vmul.bf16 v58, v30  }
0x177: {  	v6 =	vshrl.u32 v6, $0x3;
	v42 =	vmul.bf16 v13, v28;
	v13 =	vld [tilespmem:s8+$0xFFFFCFC0];
	v44 =	vshrl.u32 v63, $0x3  }
0x178: {  	v63 =	vld [tilespmem:s8+$0xFFFFCF90];
	v5 =	vadd.bf16 v31, v5;
	v4 =	vadd.bf16 v7, v4;
	v7 =	vmul.bf16 v60, v29  }
0x179: {  	v35 =	vshll.u32 v35, v17;
	v6 =	vshll.u32 v6, v17;
	v16 =	vld [tilespmem:s8+$0xFFFFB7B0]  }
0x17a: {  	s30 =	simm.s32 $0x5;
	v37 =	vshll.u32 v37, v17;
	v6 =	vbroadcast v6, $0x0;
	v5 =	vadd.bf16 v7, v5;
	v7 =	vld [tilespmem:s8+$0xFFFFB7A0]  }
0x17b: {  	v45 =	vshll.u32 v45, v17;
	v8 =	vmov s30;
	v9 =	vmul.bf16 v9, v29;
	v31 =	vld [tilespmem:s8+$0xFFFFAFB0]  }
0x17c: {  	v30 =	vmul.bf16 v59, v30;
	v59 =	vadd.s32 v54, v6;
	v6 =	vadd.s32 v1, v6;
	v1 =	vld [tilespmem:$0x1FF00]  }
0x17d: {  	v45 =	vbroadcast v45, $0x0;
	v8 =	vshrl.u32 v8, $0x3;
	v3 =	vadd.bf16 v9, v3;
	v9 =	vld [tilespmem:s8+$0xFFFFB790]  }
0x17e: {  	v8 =	vshll.u32 v8, v17;
	v51 =	vld [tilespmem:s8+$0xFFFFB7C0];
	v0 =	vadd.bf16 v30, v0;
	v29 =	vmul.bf16 v62, v29  }
0x17f: {  	v8 =	vbroadcast v8, $0x0;
	v57 =	vld [tilespmem:s8+$0xFFFFBFA0];
	v5 =	vadd.bf16 v42, v5;
	v7 =	vmul.bf16 v7, v27  }
0x180: {  	v32 =	vmul.bf16 v12, v28;
	v58 =	vld [tilespmem:s8+$0xFFFFBFB0];
	v4 =	vadd.bf16 v33, v4;
	v0 =	vadd.bf16 v29, v0  }
0x181: {  	v31 =	vmul.bf16 v31, v28;
	v5 =	vadd.bf16 v7, v5;
	v7 =	vadd.s32 v1, v8;
	v1 =	vld [tilespmem:$0x1FF10]  }
0x182: {  	s30 =	simm.s32 $0x3;
	v29 =	vld [tilespmem:s8+$0xFFFFBF90];
	v3 =	vadd.bf16 v32, v3;
	v28 =	vmul.bf16 v15, v28;
	v9 =	vmul.bf16 v9, v27  }
0x183: {  	v43 =	vshll.u32 v43, v17;
	v30 =	vmov s30;
	v4 =	vadd.bf16 v31, v4;
	v31 =	vld [tilespmem:s8+$0xFFFFBFC0]  }
0x184: {  	v0 =	vadd.bf16 v28, v0;
	v28 =	vld [tilespmem:s8+$0xFFFFC790];
	v3 =	vadd.bf16 v9, v3;
	v9 =	vmul.bf16 v16, v27  }
0x185: {  	v44 =	vshll.u32 v44, v17;
	v60 =	vld [tilespmem:s8+$0xFFFFC7A0];
	v30 =	vshrl.u32 v30, $0x3;
	v27 =	vmul.bf16 v51, v27  }
0x186: {  	v30 =	vshll.u32 v30, v17;
	v4 =	vadd.bf16 v9, v4;
	v8 =	vadd.s32 v1, v8;
	v1 =	vld [tilespmem:$0x1FF20]  }
0x187: {  	v17 =	vld [tilespmem:s8+$0xFFFFD7C0];
	v9 =	vmul.bf16 v29, v26;
	v0 =	vadd.bf16 v27, v0;
	v27 =	vmul.bf16 v57, v26  }
0x188: {  	v62 =	vmul.bf16 v58, v26;
	v26 =	vmul.bf16 v31, v26;
	v31 =	vld [tilespmem:s8+$0xFFFFCFA0]  }
0x189: {  	v29 =	vld [tilespmem:s8+$0xFFFFC7C0];
	v3 =	vadd.bf16 v9, v3;
	v5 =	vadd.bf16 v27, v5;
	v27 =	vmul.bf16 v28, v25  }
0x18a: {  	v4 =	vadd.bf16 v62, v4;
	v28 =	vld [tilespmem:s8+$0xFFFFCFB0]  }
0x18b: {  	v3 =	vadd.bf16 v27, v3;
	v27 =	vmul.bf16 v61, v25;
	v9 =	vadd.s32 v1, v45;
	v1 =	vld [tilespmem:$0x1FF30]  }
0x18c: {  	v15 =	vld [tilespmem:s8+$0xFFFFD7A0]  }
0x18d: {  	v36 =	vmul.bf16 v60, v25;
	v4 =	vadd.bf16 v27, v4;
	v27 =	vmul.bf16 v31, v24;
	v31 =	vld [tilespmem:s8+$0xFFFFD7B0]  }
0x18e: {  	v42 =	vmul.bf16 v14, v23;
	v0 =	vadd.bf16 v26, v0;
	v25 =	vmul.bf16 v29, v25  }
0x18f: {  	v46 =	vld [tilespmem:s8+$0xFFFFDFA0];
	v5 =	vadd.bf16 v36, v5;
	v29 =	vmul.bf16 v63, v24;
	v28 =	vmul.bf16 v28, v24  }
0x190: {  	v0 =	vadd.bf16 v25, v0;
	v24 =	vmul.bf16 v13, v24;
	v45 =	vadd.s32 v1, v45;
	v1 =	vld [tilespmem:$0x1FF40]  }
0x191: {  	v5 =	vadd.bf16 v27, v5;
	v4 =	vadd.bf16 v28, v4;
	v28 =	vmul.bf16 v15, v23  }
0x192: {  	v47 =	vld [tilespmem:s8+$0xFFFFDFB0];
	v0 =	vadd.bf16 v24, v0;
	v54 =	vmul.bf16 v31, v23;
	v23 =	vmul.bf16 v17, v23  }
0x193: {  	v37 =	vbroadcast v37, $0x0;
	v12 =	vunpack.i.l.bf16.f32 v41;
	v3 =	vadd.bf16 v29, v3;
	v27 =	vld [tilespmem:s8+$0xFFFFDF90]  }
0x194: {  	v41 =	vunpack.i.u.bf16.f32 v41;
	v58 =	vld [tilespmem:s8+$0xFFFFE7B0];
	v5 =	vadd.bf16 v28, v5;
	v0 =	vadd.bf16 v23, v0;
	[tilespmem:v59+s24+$0x0] =	vst.idx.msk $0xffff, v12  }
0x195: {  	v29 =	vunpack.i.l.bf16.f32 v40;
	v23 =	vmul.bf16 v46, v22;
	v16 =	vadd.s32 v1, v37;
	v1 =	vld [tilespmem:$0x1FF50];
	[tilespmem:v6+s24+$0x0] =	vst.idx.msk $0xffff, v41  }
0x196: {  	v60 =	vbroadcast v35, $0x0;
	v51 =	vld [tilespmem:s8+$0xFFFFDFC0];
	v40 =	vunpack.i.u.bf16.f32 v40;
	v3 =	vadd.bf16 v42, v3;
	[tilespmem:v7+s24+$0x0] =	vst.idx.msk $0xffff, v29  }
0x197: {  	v28 =	vld [tilespmem:s8+$0xFFFFE790];
	v4 =	vadd.bf16 v54, v4;
	v5 =	vadd.bf16 v23, v5;
	v6 =	vunpack.i.l.bf16.f32 v39;
	[tilespmem:v8+s24+$0x0] =	vst.idx.msk $0xffff, v40  }
0x198: {  	v57 =	vld [tilespmem:s8+$0xFFFFE7A0];
	v7 =	vunpack.i.u.bf16.f32 v39;
	v29 =	vunpack.i.u.bf16.f32 v38;
	[tilespmem:v9+s24+$0x0] =	vst.idx.msk $0xffff, v6;
	v9 =	vmul.bf16 v27, v22  }
0x199: {  	v59 =	vld [tilespmem:s8+$0xFFFFEF90];
	v8 =	vunpack.i.l.bf16.f32 v38;
	v6 =	vbroadcast v44, $0x0;
	[tilespmem:v45+s24+$0x0] =	vst.idx.msk $0xffff, v7;
	v7 =	vbroadcast v43, $0x0  }
0x19a: {  	v27 =	vld [tilespmem:s8+$0xFFFFE7C0];
	v37 =	vadd.s32 v1, v37;
	v3 =	vadd.bf16 v9, v3;
	v9 =	vmul.bf16 v47, v22  }
0x19b: {  	v61 =	vld [tilespmem:s8+$0xFFFFEFB0];
	[tilespmem:v16+s24+$0x0] =	vst.idx.msk $0xffff, v8;
	v8 =	vbroadcast v30, $0x0;
	v22 =	vmul.bf16 v51, v22;
	v30 =	vadd.s32 v18, v6  }
0x19c: {  	v23 =	vld [tilespmem:s8+$0xFFFFEFA0];
	v31 =	vadd.s32 v48, v6;
	v4 =	vadd.bf16 v9, v4;
	v9 =	vmul.bf16 v28, v21  }
0x19d: {  	v6 =	vmul.bf16 v57, v21;
	v32 =	vadd.s32 v49, v7;
	v0 =	vadd.bf16 v22, v0;
	v22 =	vld [tilespmem:s8+$0xFFFFEFC0]  }
0x19e: {  	v62 =	vld [tilespmem:s8+$0xFFFFF790];
	v33 =	vadd.s32 v55, v7;
	v3 =	vadd.bf16 v9, v3;
	v9 =	vmul.bf16 v58, v21  }
0x19f: {  	v63 =	vld [tilespmem:s8+$0xFFFFF7A0];
	v5 =	vadd.bf16 v6, v5;
	v6 =	vmul.bf16 v59, v20;
	v21 =	vmul.bf16 v27, v21  }
0x1a0: {  	v34 =	vadd.s32 v50, v8;
	v35 =	vadd.s32 v53, v8;
	v27 =	vld [tilespmem:s8+$0xFFFFF7B0];
	v7 =	vadd.bf16 v9, v4  }
0x1a1: {  	v21 =	vadd.bf16 v21, v0;
	v6 =	vadd.bf16 v6, v3;
	v3 =	vmul.bf16 v61, v20;
	v0 =	vld [tilespmem:s8+$0xFFFFF7C0]  }
0x1a2: {  	v28 =	vor.u32 v56, v60;
	v9 =	vmul.bf16 v23, v20;
	v4 =	vld [tilespmem:s8+$0xFFFFFF90];
	v8 =	vmul.bf16 v22, v20  }
0x1a3: {  	[tilespmem:v37+s24+$0x0] =	vst.idx.msk $0xffff, v29;
	v20 =	vmul.bf16 v62, v10;
	v3 =	vadd.bf16 v3, v7;
	v7 =	vld [tilespmem:s8+$0xFFFFFFA0]  }
0x1a4: {  	v29 =	vor.u32 v19, v60;
	v9 =	vadd.bf16 v9, v5;
	v5 =	vadd.bf16 v8, v21;
	v8 =	vld [tilespmem:s8+$0xFFFFFFB0]  }
0x1a5: {  	s30 =	simm.s32 $0x0;
	v21 =	vmul.bf16 v63, v10;
	v22 =	vadd.bf16 v20, v6;
	v20 =	vmul.bf16 v27, v10;
	v6 =	vld [tilespmem:s8+$0xFFFFFFC0]  }
.LBB2_6:
0x1a6: {  	v24 =	vld [tilespmem:$0x17530]  }
0x1a7: {  	v47 =	vld [tilespmem:$0x17520]  }
0x1a8: {  	v46 =	vld [tilespmem:$0x17510]  }
0x1a9: {  	v23 =	vld [tilespmem:$0x174E0]  }
0x1aa: {  	v41 =	vld [tilespmem:$0x1FFB0]  }
0x1ab: {  	s8 =	sadd.s32 $0x80, s8;
	v9 =	vadd.bf16 v21, v9;
	v21 =	vld [tilespmem:$0x17500]  }
0x1ac: {  	v3 =	vadd.bf16 v20, v3;
	v20 =	vld [tilespmem:s8+$0xFFFFF7F0]  }
0x1ad: {  	v1 =	vld [tilespmem:s8+$0xFFFFF800]  }
0x1ae: {  	v38 =	vld [tilespmem:s8+$0xFFFFEFD0]  }
0x1af: {  	v39 =	vld [tilespmem:s8+$0xFFFFEFE0]  }
0x1b0: {  	v40 =	vld [tilespmem:s8+$0xFFFFEFF0]  }
0x1b1: {  	v19 =	vld [tilespmem:s8+$0xFFFFE7D0]  }
0x1b2: {  	v57 =	vld [tilespmem:s8+$0xFFFFE7E0]  }
0x1b3: {  	v59 =	vld [tilespmem:s8+$0xFFFFDFD0]  }
0x1b4: {  	v61 =	vld [tilespmem:s8+$0xFFFFDFE0]  }
0x1b5: {  	v62 =	vld [tilespmem:s8+$0xFFFFD7D0]  }
0x1b6: {  	v63 =	vld [tilespmem:s8+$0xFFFFD7E0]  }
0x1b7: {  	v11 =	vld [tilespmem:s8+$0xFFFFCFE0]  }
0x1b8: {  	v12 =	vld [tilespmem:s8+$0xFFFFC7D0]  }
0x1b9: {  	v13 =	vld [tilespmem:s8+$0xFFFFC7E0]  }
0x1ba: {  	v14 =	vld [tilespmem:s8+$0xFFFFBFD0]  }
0x1bb: {  	v15 =	vld [tilespmem:s8+$0xFFFFBFE0]  }
0x1bc: {  	v16 =	vld [tilespmem:s8+$0xFFFFB7D0]  }
0x1bd: {  	v17 =	vld [tilespmem:s8+$0xFFFFB7E0]  }
0x1be: {  	v2 =	vld [tilespmem:s8+$0xFFFFAFE0]  }
0x1bf: {  	s1 =	sadd.s32 $0x8, s1;
	v18 =	vld [tilespmem:s8+$0xFFFFA7D0]  }
0x1c0: {  	s23 =	sadd.s32 $0x4, s1;
	v48 =	vld [tilespmem:s8+$0xFFFFA7E0]  }
0x1c1: {  	s31 =	sadd.s32 $0x5, s1;
	s20 =	sadd.s32 $0x6, s1;
	s11 =	sadd.s32 $0x7, s1;
	v53 =	vld [tilespmem:s8+$0xFFFF97E0];
	v42 =	vmov s23  }
0x1c2: {  	v54 =	vld [tilespmem:s8+$0xFFFF8FD0];
	v43 =	vmov s31;
	v44 =	vmov s20;
	v45 =	vmov s11  }
0x1c3: {  	v55 =	vld [tilespmem:s8+$0xFFFF8FE0];
	v42 =	vshrl.u32 v42, $0x3;
	v43 =	vshrl.u32 v43, $0x3;
	v44 =	vshrl.u32 v44, $0x3  }
0x1c4: {  	v56 =	vld [tilespmem:s8+$0xFFFF87D0];
	v45 =	vshrl.u32 v45, $0x3;
	v0 =	vmul.bf16 v0, v10;
	v4 =	vmul.bf16 v4, v52  }
0x1c5: {  	v6 =	vmul.bf16 v6, v52;
	v10 =	vld [tilespmem:s8+$0xFFFFCFD0];
	v42 =	vshll.u32 v42, v41;
	v49 =	vshll.u32 v43, v41  }
0x1c6: {  	v0 =	vadd.bf16 v0, v5;
	v5 =	vmul.bf16 v7, v52;
	v4 =	vadd.bf16 v4, v22;
	v22 =	vld [tilespmem:$0x174F0]  }
0x1c7: {  	v50 =	vshll.u32 v44, v41;
	v7 =	vmul.bf16 v8, v52;
	v8 =	vmovc v24;
	v24 =	vld [tilespmem:$0x174D0];
	v60 =	vbroadcast v42, $0x0  }
0x1c8: {  	v42 =	vbroadcast v49, $0x0;
	v51 =	vbroadcast v50, $0x0;
	v52 =	vshll.u32 v45, v41;
	v49 =	vld [tilespmem:s8+$0xFFFF9FD0]  }
0x1c9: {  	v45 =	vbroadcast v52, $0x0;
	v52 =	vld [tilespmem:s8+$0xFFFF97D0];
	v5 =	vadd.bf16 v5, v9  }
0x1ca: {  	v3 =	vadd.bf16 v7, v3;
	v7 =	vunpack.i.u.bf16.f32 v4;
	v4 =	vunpack.i.l.bf16.f32 v4;
	v9 =	vld [tilespmem:s8+$0xFFFFAFD0];
	[tilespmem:$0x1FDD0] =	vst v51  }
0x1cb: {  	v51 =	vld [tilespmem:s8+$0xFFFF9FE0];
	[tilespmem:v29+s24+$0x0] =	vst.idx.msk $0xffff, v4  }
0x1cc: {  	v25 =	vld [tilespmem:$0x174C0]  }
0x1cd: {  	v4 =	vunpack.i.u.bf16.f32 v5;
	v5 =	vunpack.i.l.bf16.f32 v5;
	[tilespmem:v28+s24+$0x0] =	vst.idx.msk $0xffff, v7;
	v7 =	vld [tilespmem:s8+$0xFFFFF7E0]  }
0x1ce: {  	v26 =	vld [tilespmem:$0x174B0];
	[tilespmem:v30+s24+$0x0] =	vst.idx.msk $0xffff, v5  }
0x1cf: {  	v27 =	vld [tilespmem:$0x174A0]  }
0x1d0: {  	[tilespmem:v31+s24+$0x0] =	vst.idx.msk $0xffff, v4;
	v4 =	vld [tilespmem:s8+$0xFFFFFFF0]  }
0x1d1: {  	v0 =	vadd.bf16 v6, v0;
	v6 =	vunpack.i.u.bf16.f32 v3;
	v3 =	vunpack.i.l.bf16.f32 v3;
	v28 =	vld [tilespmem:$0x17490]  }
0x1d2: {  	[tilespmem:v32+s24+$0x0] =	vst.idx.msk $0xffff, v3;
	v3 =	vld [tilespmem:s8+$0xFFFFFFE0]  }
0x1d3: {  	v29 =	vld [tilespmem:$0x17480]  }
0x1d4: {  	[tilespmem:v33+s24+$0x0] =	vst.idx.msk $0xffff, v6;
	v6 =	vld [tilespmem:s8+$0xFFFFF7D0]  }
0x1d5: {  	v5 =	vunpack.i.u.bf16.f32 v0;
	v0 =	vunpack.i.l.bf16.f32 v0;
	v30 =	vld [tilespmem:$0x17470]  }
0x1d6: {  	v1 =	vmul.bf16 v1, v47;
	[tilespmem:v34+s24+$0x0] =	vst.idx.msk $0xffff, v0;
	v0 =	vld [tilespmem:s8+$0xFFFFFFD0]  }
0x1d7: {  	[tilespmem:$0x1FDC0] =	vst v42;
	v42 =	vmul.bf16 v13, v25;
	v13 =	vld [tilespmem:s8+$0xFFFF77E0]  }
0x1d8: {  	[tilespmem:$0x1FE00] =	vst v1;
	v1 =	vmul.bf16 v39, v46;
	v31 =	vld [tilespmem:$0x17460]  }
0x1d9: {  	[tilespmem:v35+s24+$0x0] =	vst.idx.msk $0xffff, v5;
	v5 =	vld [tilespmem:s8+$0x0]  }
0x1da: {  	[tilespmem:$0x1FD70] =	vst v1;
	v1 =	vmul.bf16 v40, v46;
	v39 =	vmul.bf16 v14, v26;
	v14 =	vld [tilespmem:s8+$0xFFFF6FD0]  }
0x1db: {  	v43 =	vmul.bf16 v10, v24;
	v44 =	vmul.bf16 v11, v24;
	v32 =	vld [tilespmem:$0x17450]  }
0x1dc: {  	v40 =	vmul.bf16 v15, v26;
	v33 =	vld [tilespmem:$0x17440];
	v11 =	vmul.bf16 v16, v27  }
0x1dd: {  	v34 =	vld [tilespmem:$0x17430];
	v3 =	vmul.bf16 v3, v8;
	v10 =	vmul.bf16 v2, v28  }
0x1de: {  	v35 =	vld [tilespmem:$0x17420];
	v15 =	vmul.bf16 v18, v29;
	v16 =	vmul.bf16 v48, v29  }
0x1df: {  	v36 =	vld [tilespmem:$0x17410];
	v0 =	vmul.bf16 v0, v8;
	[tilespmem:$0x1FDF0] =	vst v3;
	v3 =	vmul.bf16 v4, v8  }
0x1e0: {  	v37 =	vld [tilespmem:$0x17400];
	v4 =	vmul.bf16 v6, v47;
	v18 =	vmul.bf16 v49, v30  }
0x1e1: {  	s25 =	sadd.s32 $0x1, s1;
	v2 =	vld [tilespmem:s8+$0xFFFF67D0];
	v48 =	vmul.bf16 v51, v30;
	v51 =	vmul.bf16 v52, v31;
	[tilespmem:$0x1FDB0] =	vst v0  }
0x1e2: {  	s26 =	sadd.s32 $0x2, s1;
	s31 =	sadd.s32 $0x3, s1;
	v50 =	vmov s25;
	v49 =	vld [tilespmem:s8+$0xFFFF67E0];
	v52 =	vmul.bf16 v53, v31;
	[tilespmem:$0x1FD80] =	vst v4;
	v4 =	vmul.bf16 v5, v8  }
0x1e3: {  	v6 =	vld [tilespmem:s8+$0xFFFF77F0];
	v0 =	vmov s26;
	[tilespmem:$0x1FE10] =	vst v3;
	v3 =	vmov s31;
	v5 =	vmul.bf16 v7, v47  }
0x1e4: {  	v53 =	vld [tilespmem:s8+$0xFFFF67F0];
	v0 =	vshrl.u32 v0, $0x3;
	[tilespmem:$0x1FE20] =	vst v4;
	v4 =	vshrl.u32 v50, $0x3;
	v50 =	vmul.bf16 v59, v22  }
0x1e5: {  	[tilespmem:$0x1FD90] =	vst v1;
	v3 =	vshrl.u32 v3, $0x3;
	v59 =	vmul.bf16 v61, v22;
	v61 =	vmul.bf16 v63, v23;
	v63 =	vld [tilespmem:s8+$0xFFFF7FD0]  }
0x1e6: {  	[tilespmem:$0x1FDA0] =	vst v5;
	v5 =	vmul.bf16 v20, v47;
	v0 =	vshll.u32 v0, v41;
	v1 =	vshll.u32 v4, v41;
	v4 =	vld [tilespmem:s8+$0xFFFF7000]  }
0x1e7: {  	v2 =	vmul.bf16 v2, v37;
	[tilespmem:$0x1FE40] =	vst v0;
	v0 =	vshll.u32 v3, v41;
	v3 =	vld [tilespmem:s8+$0xFFFF7FF0]  }
0x1e8: {  	[tilespmem:$0x1FDE0] =	vst v5;
	v5 =	vmul.bf16 v38, v46;
	v38 =	vmul.bf16 v17, v27;
	v17 =	vld [tilespmem:s8+$0xFFFF6FE0]  }
0x1e9: {  	v58 =	vmov s1;
	v14 =	vmul.bf16 v14, v36;
	v20 =	vimm.bf16 $0.0e+00;
	[tilespmem:$0x1FE30] =	vst v1;
	v1 =	vld [tilespmem:s8+$0xFFFF7FE0]  }
0x1ea: {  	v2 =	vadd.bf16 v20, v2;
	[tilespmem:$0x1FD60] =	vst v5;
	v5 =	vshrl.u32 v58, $0x3;
	v58 =	vmul.bf16 v19, v21;
	v19 =	vld [tilespmem:s8+$0xFFFF87E0]  }
0x1eb: {  	v49 =	vmul.bf16 v49, v37;
	[tilespmem:$0x1FE50] =	vst v0;
	v0 =	vshll.u32 v5, v41;
	v41 =	vmul.bf16 v12, v25;
	v12 =	vld [tilespmem:s8+$0xFFFF77D0]  }
0x1ec: {  	v5 =	vld [tilespmem:s8+$0xFFFF6FF0]  }
0x1ed: {  	v49 =	vadd.bf16 v20, v49;
	v2 =	vadd.bf16 v14, v2;
	[tilespmem:$0x1FE60] =	vst v0;
	v0 =	vld [tilespmem:s8+$0xFFFF6800];
	v14 =	vmul.bf16 v17, v36  }
0x1ee: {  	v13 =	vmul.bf16 v13, v35;
	v17 =	vld [tilespmem:s8+$0xFFFF7800]  }
0x1ef: {  	v53 =	vmul.bf16 v53, v37;
	v7 =	vmul.bf16 v1, v34;
	v1 =	vld [tilespmem:s8+$0xFFFF87F0];
	v14 =	vadd.bf16 v14, v49  }
0x1f0: {  	v49 =	vld [tilespmem:s8+$0xFFFF8FF0];
	v12 =	vmul.bf16 v12, v35  }
0x1f1: {  	v53 =	vadd.bf16 v20, v53;
	v5 =	vmul.bf16 v5, v36;
	v13 =	vadd.bf16 v13, v14;
	v14 =	vld [tilespmem:s8+$0xFFFF8800]  }
0x1f2: {  	v0 =	vmul.bf16 v0, v37;
	v2 =	vadd.bf16 v12, v2;
	v12 =	vld [tilespmem:s8+$0xFFFF8000]  }
0x1f3: {  	v6 =	vmul.bf16 v6, v35;
	v63 =	vmul.bf16 v63, v34;
	v5 =	vadd.bf16 v5, v53;
	v53 =	vld [tilespmem:s8+$0xFFFF9000]  }
0x1f4: {  	v4 =	vmul.bf16 v4, v36;
	v0 =	vadd.bf16 v20, v0;
	v7 =	vadd.bf16 v7, v13;
	v13 =	vld [tilespmem:s8+$0xFFFF6FB0]  }
0x1f5: {  	v2 =	vadd.bf16 v63, v2;
	v63 =	vld [tilespmem:$0x1FF10]  }
0x1f6: {  	v19 =	vmul.bf16 v19, v33;
	v0 =	vadd.bf16 v4, v0;
	v4 =	vadd.bf16 v6, v5;
	v6 =	vld [tilespmem:s8+$0xFFFF97F0]  }
0x1f7: {  	v56 =	vmul.bf16 v56, v33;
	v5 =	vmul.bf16 v17, v35;
	v17 =	vld [tilespmem:s8+$0xFFFF9800]  }
0x1f8: {  	v7 =	vadd.bf16 v19, v7;
	v19 =	vld [tilespmem:$0x1FDE0]  }
0x1f9: {  	v55 =	vmul.bf16 v55, v32;
	v3 =	vmul.bf16 v3, v34;
	v2 =	vadd.bf16 v56, v2;
	v56 =	vld [tilespmem:$0x1FF70]  }
0x1fa: {  	v54 =	vmul.bf16 v54, v32;
	v1 =	vmul.bf16 v1, v33;
	v0 =	vadd.bf16 v5, v0;
	v5 =	vld [tilespmem:s8+$0xFFFF9FF0]  }
0x1fb: {  	v3 =	vadd.bf16 v3, v4;
	v4 =	vmul.bf16 v12, v34;
	v7 =	vadd.bf16 v55, v7;
	v55 =	vld [tilespmem:s8+$0xFFFFB800]  }
0x1fc: {  	v2 =	vadd.bf16 v54, v2;
	v54 =	vmul.bf16 v49, v32;
	v49 =	vld [tilespmem:s8+$0xFFFFAFF0]  }
0x1fd: {  	v0 =	vadd.bf16 v4, v0;
	v1 =	vadd.bf16 v1, v3;
	v3 =	vmul.bf16 v14, v33;
	v4 =	vld [tilespmem:s8+$0xFFFFA7F0]  }
0x1fe: {  	v14 =	vld [tilespmem:s8+$0xFFFFA000]  }
0x1ff: {  	v7 =	vadd.bf16 v52, v7;
	v0 =	vadd.bf16 v3, v0;
	v3 =	vmul.bf16 v53, v32;
	v53 =	vld [tilespmem:s8+$0xFFFFA800]  }
0x200: {  	v2 =	vadd.bf16 v51, v2;
	v1 =	vadd.bf16 v54, v1;
	v54 =	vld [tilespmem:s8+$0xFFFFB000]  }
0x201: {  	v6 =	vmul.bf16 v6, v31;
	v7 =	vadd.bf16 v48, v7;
	v48 =	vld [tilespmem:s8+$0xFFFF6FC0]  }
0x202: {  	v2 =	vadd.bf16 v18, v2;
	v18 =	vld [tilespmem:s8+$0xFFFF77A0]  }
0x203: {  	v1 =	vadd.bf16 v6, v1;
	v6 =	vld [tilespmem:s8+$0xFFFFB7F0]  }
0x204: {  	v52 =	vmovc v8;
	v0 =	vadd.bf16 v3, v0;
	v3 =	vmul.bf16 v17, v31;
	v8 =	vmul.bf16 v49, v28;
	v49 =	vld [tilespmem:$0x1FDA0]  }
0x205: {  	v9 =	vmul.bf16 v9, v28;
	v5 =	vmul.bf16 v5, v30;
	v17 =	vld [tilespmem:$0x1FDC0]  }
0x206: {  	v7 =	vadd.bf16 v16, v7;
	v16 =	vld [tilespmem:s8+$0xFFFF7790];
	v0 =	vadd.bf16 v3, v0;
	v3 =	vmul.bf16 v14, v30  }
0x207: {  	v2 =	vadd.bf16 v15, v2;
	v4 =	vmul.bf16 v4, v29;
	v1 =	vadd.bf16 v5, v1;
	v5 =	vld [tilespmem:s8+$0xFFFFBFF0]  }
0x208: {  	v7 =	vadd.bf16 v10, v7;
	v10 =	vld [tilespmem:s8+$0xFFFFC800];
	v0 =	vadd.bf16 v3, v0;
	v3 =	vmul.bf16 v53, v29  }
0x209: {  	v2 =	vadd.bf16 v9, v2;
	v9 =	vld [tilespmem:s8+$0xFFFFC000]  }
0x20a: {  	v1 =	vadd.bf16 v4, v1;
	v4 =	vld [tilespmem:s8+$0xFFFFC7F0];
	v0 =	vadd.bf16 v3, v0;
	v3 =	vmul.bf16 v54, v28  }
0x20b: {  	v53 =	vld [tilespmem:$0x1FDD0]  }
0x20c: {  	v2 =	vadd.bf16 v11, v2;
	v11 =	vld [tilespmem:s8+$0xFFFFD000];
	v0 =	vadd.bf16 v3, v0;
	v3 =	vmul.bf16 v55, v27  }
0x20d: {  	v1 =	vadd.bf16 v8, v1;
	v8 =	vld [tilespmem:s8+$0xFFFFCFF0]  }
0x20e: {  	v6 =	vmul.bf16 v6, v27;
	v54 =	vld [tilespmem:s8+$0xFFFF77B0];
	v0 =	vadd.bf16 v3, v0;
	v3 =	vmul.bf16 v9, v26  }
0x20f: {  	v7 =	vadd.bf16 v38, v7;
	v9 =	vld [tilespmem:s8+$0xFFFFD800]  }
0x210: {  	v1 =	vadd.bf16 v6, v1;
	v6 =	vld [tilespmem:s8+$0xFFFFD7F0];
	v0 =	vadd.bf16 v3, v0;
	v3 =	vmul.bf16 v10, v25  }
0x211: {  	v7 =	vadd.bf16 v40, v7;
	v10 =	vld [tilespmem:s8+$0xFFFFE000]  }
0x212: {  	v5 =	vmul.bf16 v5, v26;
	v55 =	vld [tilespmem:s8+$0xFFFF77C0];
	v0 =	vadd.bf16 v3, v0;
	v3 =	vmul.bf16 v11, v24  }
0x213: {  	v2 =	vadd.bf16 v39, v2;
	v7 =	vadd.bf16 v42, v7;
	v4 =	vmul.bf16 v4, v25;
	v11 =	vld [tilespmem:s8+$0xFFFFE800]  }
0x214: {  	v1 =	vadd.bf16 v5, v1;
	v5 =	vld [tilespmem:s8+$0xFFFFDFF0];
	v0 =	vadd.bf16 v3, v0;
	v3 =	vmul.bf16 v9, v23  }
0x215: {  	v2 =	vadd.bf16 v41, v2;
	v7 =	vadd.bf16 v44, v7;
	v44 =	vld [tilespmem:s8+$0xFFFF6790]  }
0x216: {  	v1 =	vadd.bf16 v4, v1;
	v4 =	vld [tilespmem:s8+$0xFFFFE7F0];
	v0 =	vadd.bf16 v3, v0;
	v3 =	vmul.bf16 v10, v22  }
0x217: {  	v62 =	vmul.bf16 v62, v23;
	v2 =	vadd.bf16 v43, v2;
	v7 =	vadd.bf16 v61, v7;
	v61 =	vld [tilespmem:$0x1FEF0]  }
0x218: {  	v8 =	vmul.bf16 v8, v24;
	v0 =	vadd.bf16 v3, v0;
	v3 =	vmul.bf16 v11, v21;
	v11 =	vld [tilespmem:$0x1FD70]  }
0x219: {  	v57 =	vmul.bf16 v57, v21;
	v2 =	vadd.bf16 v62, v2;
	v62 =	vld [tilespmem:$0x1FF00];
	v7 =	vadd.bf16 v59, v7  }
0x21a: {  	v1 =	vadd.bf16 v8, v1;
	v8 =	vld [tilespmem:s8+$0xFFFFF000]  }
0x21b: {  	v7 =	vadd.bf16 v57, v7;
	v10 =	vld [tilespmem:$0x1FD60]  }
0x21c: {  	v6 =	vmul.bf16 v6, v23;
	v59 =	vld [tilespmem:s8+$0xFFFF7F90];
	v2 =	vadd.bf16 v50, v2  }
0x21d: {  	v7 =	vadd.bf16 v11, v7;
	v11 =	vld [tilespmem:$0x1FD80]  }
0x21e: {  	v5 =	vmul.bf16 v5, v22;
	v50 =	vld [tilespmem:$0x1FDB0];
	v1 =	vadd.bf16 v6, v1;
	v2 =	vadd.bf16 v58, v2  }
0x21f: {  	v0 =	vadd.bf16 v3, v0;
	v3 =	vld [tilespmem:$0x1FD90]  }
0x220: {  	v6 =	vld [tilespmem:s8+$0xFFFF67A0];
	v4 =	vmul.bf16 v4, v21;
	v1 =	vadd.bf16 v5, v1;
	v2 =	vadd.bf16 v10, v2  }
0x221: {  	v9 =	vld [tilespmem:s8+$0xFFFF67B0]  }
0x222: {  	v1 =	vadd.bf16 v4, v1;
	v2 =	vadd.bf16 v11, v2;
	v11 =	vld [tilespmem:$0x1FFF0]  }
0x223: {  	v57 =	vld [tilespmem:$0x1FE00]  }
0x224: {  	v58 =	vld [tilespmem:$0x1FE10];
	v1 =	vadd.bf16 v3, v1  }
0x225: {  	v5 =	vld [tilespmem:s8+$0xFFFF67C0]  }
0x226: {  	v8 =	vmul.bf16 v8, v46;
	v1 =	vadd.bf16 v19, v1;
	v19 =	vld [tilespmem:$0x1FDF0]  }
0x227: {  	v4 =	vld [tilespmem:s8+$0xFFFF6FA0];
	v11 =	vadd.s32 v11, v60  }
0x228: {  	v51 =	vadd.s32 v62, v17;
	v10 =	vld [tilespmem:s8+$0xFFFF6F90];
	v0 =	vadd.bf16 v8, v0;
	v3 =	vadd.s32 v61, v60  }
0x229: {  	v8 =	vadd.s32 v63, v17;
	v17 =	vld [tilespmem:$0x1FF20];
	v7 =	vadd.bf16 v49, v7;
	v2 =	vadd.bf16 v50, v2  }
0x22a: {  	v0 =	vadd.bf16 v57, v0;
	v57 =	vld [tilespmem:$0x1FF80]  }
0x22b: {  	v7 =	vadd.bf16 v19, v7;
	v19 =	vunpack.i.l.bf16.f32 v2;
	v60 =	vld [tilespmem:s8+$0xFFFF7FA0]  }
0x22c: {  	v2 =	vunpack.i.u.bf16.f32 v2;
	[tilespmem:v11+s24+$0x0] =	vst.idx.msk $0xffff, v19;
	v11 =	vld [tilespmem:$0x1FF30]  }
0x22d: {  	v19 =	vld [tilespmem:$0x1FF40];
	[tilespmem:v3+s24+$0x0] =	vst.idx.msk $0xffff, v2;
	v2 =	vunpack.i.l.bf16.f32 v7  }
0x22e: {  	[tilespmem:v51+s24+$0x0] =	vst.idx.msk $0xffff, v2;
	v2 =	vld [tilespmem:$0x1FF50]  }
0x22f: {  	v3 =	vmul.bf16 v44, v37;
	v44 =	vld [tilespmem:$0x1FE20]  }
0x230: {  	v17 =	vadd.s32 v17, v53;
	v1 =	vadd.bf16 v58, v1;
	v58 =	vld [tilespmem:$0x1FFC0]  }
0x231: {  	v50 =	vld [tilespmem:s8+$0xFFFF8FB0];
	v11 =	vadd.s32 v11, v53  }
0x232: {  	v6 =	vmul.bf16 v6, v37;
	v49 =	vmul.bf16 v60, v34;
	v60 =	vld [tilespmem:s8+$0xFFFFF7B0];
	v19 =	vadd.s32 v19, v45  }
0x233: {  	v5 =	vmul.bf16 v5, v37;
	v7 =	vunpack.i.u.bf16.f32 v7;
	v51 =	vld [tilespmem:s8+$0xFFFF97B0];
	v2 =	vadd.s32 v2, v45  }
0x234: {  	[tilespmem:v8+s24+$0x0] =	vst.idx.msk $0xffff, v7;
	v7 =	vunpack.i.l.bf16.f32 v1;
	v8 =	vmul.bf16 v9, v37;
	v9 =	vld [tilespmem:s8+$0xFFFF7FB0];
	v0 =	vadd.bf16 v44, v0  }
0x235: {  	v1 =	vunpack.i.u.bf16.f32 v1;
	[tilespmem:v17+s24+$0x0] =	vst.idx.msk $0xffff, v7;
	v7 =	vld [tilespmem:s8+$0xFFFF7FC0]  }
0x236: {  	v6 =	vadd.bf16 v20, v6;
	v5 =	vadd.bf16 v20, v5;
	v53 =	vld [tilespmem:$0x1FE40];
	[tilespmem:v11+s24+$0x0] =	vst.idx.msk $0xffff, v1;
	v1 =	vunpack.i.l.bf16.f32 v0  }
0x237: {  	v4 =	vmul.bf16 v4, v36;
	v3 =	vadd.bf16 v20, v3;
	v45 =	vld [tilespmem:s8+$0xFFFF87B0];
	v0 =	vunpack.i.u.bf16.f32 v0;
	[tilespmem:v19+s24+$0x0] =	vst.idx.msk $0xffff, v1  }
0x238: {  	v11 =	vld [tilespmem:s8+$0xFFFF8790];
	v1 =	vmul.bf16 v10, v36;
	[tilespmem:v2+s24+$0x0] =	vst.idx.msk $0xffff, v0;
	v0 =	vmul.bf16 v13, v36  }
0x239: {  	v8 =	vadd.bf16 v20, v8;
	v10 =	vld [tilespmem:s8+$0xFFFF87A0];
	v2 =	vmul.bf16 v48, v36;
	v48 =	vmul.bf16 v55, v35  }
0x23a: {  	v55 =	vld [tilespmem:$0x1FE60];
	v1 =	vadd.bf16 v1, v3;
	v3 =	vadd.bf16 v4, v6;
	v4 =	vmul.bf16 v16, v35  }
0x23b: {  	v6 =	vld [tilespmem:s8+$0xFFFF87C0];
	v2 =	vadd.bf16 v2, v5;
	v5 =	vmul.bf16 v18, v35  }
0x23c: {  	v16 =	vld [tilespmem:s8+$0xFFFF8FA0];
	v0 =	vadd.bf16 v0, v8;
	v1 =	vadd.bf16 v4, v1;
	v4 =	vmul.bf16 v54, v35  }
0x23d: {  	v8 =	vld [tilespmem:s8+$0xFFFF8F90];
	v3 =	vadd.bf16 v5, v3;
	v5 =	vmul.bf16 v59, v34  }
0x23e: {  	v2 =	vadd.bf16 v48, v2;
	v0 =	vadd.bf16 v4, v0;
	v4 =	vmul.bf16 v9, v34;
	v9 =	vld [tilespmem:s8+$0xFFFF8FC0]  }
0x23f: {  	v10 =	vmul.bf16 v10, v33;
	v1 =	vadd.bf16 v5, v1;
	v5 =	vmul.bf16 v7, v34;
	v7 =	vld [tilespmem:s8+$0xFFFF9790]  }
0x240: {  	v3 =	vadd.bf16 v49, v3;
	v0 =	vadd.bf16 v4, v0;
	v4 =	vmul.bf16 v11, v33;
	v11 =	vld [tilespmem:s8+$0xFFFF97A0]  }
0x241: {  	v54 =	vld [tilespmem:$0x1FE50];
	v6 =	vmul.bf16 v6, v33;
	v2 =	vadd.bf16 v5, v2;
	v5 =	vmul.bf16 v45, v33  }
0x242: {  	v3 =	vadd.bf16 v10, v3;
	v10 =	vld [tilespmem:s8+$0xFFFF9FA0];
	v1 =	vadd.bf16 v4, v1;
	v4 =	vmul.bf16 v8, v32  }
0x243: {  	v8 =	vld [tilespmem:s8+$0xFFFF97C0];
	v0 =	vadd.bf16 v5, v0;
	v2 =	vadd.bf16 v6, v2;
	v5 =	vmul.bf16 v16, v32  }
0x244: {  	v6 =	vld [tilespmem:s8+$0xFFFF9F90];
	v9 =	vmul.bf16 v9, v32;
	v1 =	vadd.bf16 v4, v1;
	v4 =	vmul.bf16 v50, v32  }
0x245: {  	v3 =	vadd.bf16 v5, v3;
	v5 =	vmul.bf16 v7, v31;
	v7 =	vmul.bf16 v11, v31;
	v11 =	vld [tilespmem:s8+$0xFFFF9FB0]  }
0x246: {  	v2 =	vadd.bf16 v9, v2;
	v9 =	vld [tilespmem:s8+$0xFFFF9FC0]  }
0x247: {  	v0 =	vadd.bf16 v4, v0;
	v4 =	vmul.bf16 v51, v31;
	v3 =	vadd.bf16 v7, v3;
	v7 =	vld [tilespmem:s8+$0xFFFFA790]  }
0x248: {  	v1 =	vadd.bf16 v5, v1;
	v5 =	vmul.bf16 v8, v31;
	v8 =	vld [tilespmem:$0x1FE30]  }
0x249: {  	v0 =	vadd.bf16 v4, v0;
	v4 =	vmul.bf16 v6, v30;
	v6 =	vld [tilespmem:s8+$0xFFFFA7A0]  }
0x24a: {  	v2 =	vadd.bf16 v5, v2;
	v5 =	vmul.bf16 v10, v30;
	v10 =	vld [tilespmem:s8+$0xFFFFA7B0]  }
0x24b: {  	v1 =	vadd.bf16 v4, v1;
	v4 =	vmul.bf16 v11, v30;
	v11 =	vld [tilespmem:s8+$0xFFFFA7C0]  }
0x24c: {  	v3 =	vadd.bf16 v5, v3;
	v5 =	vmul.bf16 v9, v30;
	v9 =	vld [tilespmem:s8+$0xFFFFAF90]  }
0x24d: {  	v0 =	vadd.bf16 v4, v0;
	v4 =	vmul.bf16 v7, v29;
	v7 =	vld [tilespmem:s8+$0xFFFFAFA0]  }
0x24e: {  	v8 =	vbroadcast v8, $0x0;
	v2 =	vadd.bf16 v5, v2;
	v5 =	vmul.bf16 v6, v29;
	v6 =	vld [tilespmem:s8+$0xFFFFAFB0]  }
0x24f: {  	v1 =	vadd.bf16 v4, v1;
	v4 =	vmul.bf16 v10, v29;
	v10 =	vld [tilespmem:$0x1FFD0]  }
0x250: {  	v30 =	vadd.s32 v57, v8;
	v31 =	vadd.s32 v58, v8;
	v8 =	vld [tilespmem:s8+$0xFFFFAFC0]  }
0x251: {  	v3 =	vadd.bf16 v5, v3;
	v5 =	vmul.bf16 v11, v29;
	v11 =	vld [tilespmem:$0x1FF90]  }
0x252: {  	v12 =	vbroadcast v53, $0x0;
	v0 =	vadd.bf16 v4, v0;
	v4 =	vmul.bf16 v9, v28;
	v9 =	vld [tilespmem:s8+$0xFFFFB7A0]  }
0x253: {  	v2 =	vadd.bf16 v5, v2;
	v5 =	vmul.bf16 v7, v28;
	v7 =	vld [tilespmem:s8+$0xFFFFB7B0]  }
0x254: {  	v32 =	vadd.s32 v10, v12;
	v10 =	vld [tilespmem:s8+$0xFFFFB790]  }
0x255: {  	v1 =	vadd.bf16 v4, v1;
	v4 =	vmul.bf16 v6, v28;
	v6 =	vld [tilespmem:s8+$0xFFFFB7C0]  }
0x256: {  	v3 =	vadd.bf16 v5, v3;
	v5 =	vmul.bf16 v8, v28;
	v8 =	vld [tilespmem:s8+$0xFFFFBF90]  }
0x257: {  	v33 =	vadd.s32 v11, v12;
	v11 =	vld [tilespmem:$0x1FFA0]  }
0x258: {  	v2 =	vadd.bf16 v5, v2;
	v5 =	vmul.bf16 v9, v27;
	v9 =	vld [tilespmem:s8+$0xFFFFBFB0]  }
0x259: {  	v0 =	vadd.bf16 v4, v0;
	v4 =	vmul.bf16 v10, v27;
	v10 =	vld [tilespmem:s8+$0xFFFFBFA0]  }
0x25a: {  	v13 =	vbroadcast v54, $0x0;
	v3 =	vadd.bf16 v5, v3;
	v5 =	vmul.bf16 v6, v27;
	v6 =	vld [tilespmem:s8+$0xFFFFC790]  }
0x25b: {  	v1 =	vadd.bf16 v4, v1;
	v4 =	vmul.bf16 v7, v27;
	v7 =	vld [tilespmem:s8+$0xFFFFBFC0]  }
0x25c: {  	v34 =	vadd.s32 v11, v13;
	v11 =	vld [tilespmem:$0x1FFE0]  }
0x25d: {  	v0 =	vadd.bf16 v4, v0;
	v4 =	vmul.bf16 v8, v26;
	v8 =	vld [tilespmem:s8+$0xFFFFC7A0]  }
0x25e: {  	v2 =	vadd.bf16 v5, v2;
	v5 =	vmul.bf16 v10, v26;
	v10 =	vld [tilespmem:s8+$0xFFFFC7B0]  }
0x25f: {  	v1 =	vadd.bf16 v4, v1;
	v4 =	vmul.bf16 v9, v26;
	v9 =	vld [tilespmem:s8+$0xFFFFC7C0]  }
0x260: {  	v3 =	vadd.bf16 v5, v3;
	v5 =	vmul.bf16 v7, v26;
	v7 =	vld [tilespmem:s8+$0xFFFFCF90]  }
0x261: {  	v0 =	vadd.bf16 v4, v0;
	v4 =	vmul.bf16 v6, v25;
	v6 =	vld [tilespmem:s8+$0xFFFFCFA0]  }
0x262: {  	v2 =	vadd.bf16 v5, v2;
	v5 =	vmul.bf16 v8, v25;
	v8 =	vld [tilespmem:s8+$0xFFFFCFB0]  }
0x263: {  	v1 =	vadd.bf16 v4, v1;
	v4 =	vmul.bf16 v10, v25;
	v10 =	vld [tilespmem:s8+$0xFFFFCFC0]  }
0x264: {  	v3 =	vadd.bf16 v5, v3;
	v5 =	vmul.bf16 v9, v25;
	v9 =	vld [tilespmem:s8+$0xFFFFD790]  }
0x265: {  	v0 =	vadd.bf16 v4, v0;
	v4 =	vmul.bf16 v7, v24;
	v7 =	vld [tilespmem:s8+$0xFFFFD7A0]  }
0x266: {  	v2 =	vadd.bf16 v5, v2;
	v5 =	vmul.bf16 v6, v24;
	v6 =	vld [tilespmem:s8+$0xFFFFD7B0]  }
0x267: {  	v1 =	vadd.bf16 v4, v1;
	v4 =	vmul.bf16 v8, v24;
	v8 =	vld [tilespmem:s8+$0xFFFFD7C0]  }
0x268: {  	v3 =	vadd.bf16 v5, v3;
	v5 =	vmul.bf16 v10, v24;
	v10 =	vld [tilespmem:s8+$0xFFFFDF90]  }
0x269: {  	v0 =	vadd.bf16 v4, v0;
	v4 =	vmul.bf16 v9, v23;
	v9 =	vld [tilespmem:s8+$0xFFFFDFA0]  }
0x26a: {  	v2 =	vadd.bf16 v5, v2;
	v5 =	vmul.bf16 v7, v23;
	v7 =	vld [tilespmem:s8+$0xFFFFDFB0]  }
0x26b: {  	v1 =	vadd.bf16 v4, v1;
	v4 =	vmul.bf16 v6, v23;
	v6 =	vld [tilespmem:s8+$0xFFFFDFC0]  }
0x26c: {  	v3 =	vadd.bf16 v5, v3;
	v5 =	vmul.bf16 v8, v23;
	v8 =	vld [tilespmem:s8+$0xFFFFE790]  }
0x26d: {  	v0 =	vadd.bf16 v4, v0;
	v4 =	vmul.bf16 v10, v22;
	v10 =	vld [tilespmem:s8+$0xFFFFE7A0]  }
0x26e: {  	v2 =	vadd.bf16 v5, v2;
	v5 =	vmul.bf16 v9, v22;
	v9 =	vld [tilespmem:s8+$0xFFFFE7B0]  }
0x26f: {  	v1 =	vadd.bf16 v4, v1;
	v4 =	vmul.bf16 v7, v22;
	v7 =	vld [tilespmem:s8+$0xFFFFE7C0]  }
0x270: {  	v3 =	vadd.bf16 v5, v3;
	v5 =	vmul.bf16 v6, v22;
	v6 =	vld [tilespmem:s8+$0xFFFFEF90]  }
0x271: {  	v0 =	vadd.bf16 v4, v0;
	v4 =	vmul.bf16 v8, v21;
	v8 =	vld [tilespmem:s8+$0xFFFFEFA0]  }
0x272: {  	v35 =	vadd.s32 v11, v13;
	v11 =	vld [tilespmem:s8+$0xFFFFEFC0];
	v2 =	vadd.bf16 v5, v2;
	v5 =	vmul.bf16 v10, v21  }
0x273: {  	v10 =	vld [tilespmem:s8+$0xFFFFEFB0];
	v1 =	vadd.bf16 v4, v1;
	v4 =	vmul.bf16 v9, v21  }
0x274: {  	v3 =	vadd.bf16 v5, v3;
	v5 =	vmul.bf16 v7, v21;
	v7 =	vld [tilespmem:s8+$0xFFFFF790]  }
0x275: {  	s30 =	sadd.s32 $0x2, s30;
	v19 =	vld [tilespmem:$0x1FF60];
	v59 =	vadd.bf16 v4, v0;
	v0 =	vmul.bf16 v6, v46  }
0x276: {  	p2 =	slt.u32 s30, $0x1E;
	v6 =	vld [tilespmem:s8+$0xFFFFF7A0];
	v4 =	vmul.bf16 v8, v46  }
.Ltmp4:
0x277: {  	v14 =	vbroadcast v55, $0x0;
	v2 =	vadd.bf16 v5, v2;
	v1 =	vadd.bf16 v0, v1;
	v0 =	vld [tilespmem:s8+$0xFFFFF7C0];
	(pc) =	sbr.rel @p2 .LBB2_6-.Ltmp4, $4  }
0x278: {  	v8 =	vmul.bf16 v11, v46;
	v5 =	vmul.bf16 v10, v46;
	v9 =	vadd.bf16 v4, v3;
	v4 =	vld [tilespmem:s8+$0xFFFFFF90]  }
0x279: {  	v20 =	vmul.bf16 v60, v47;
	v11 =	vmul.bf16 v7, v47;
	v7 =	vld [tilespmem:s8+$0xFFFFFFA0]  }
0x27a: {  	v29 =	vor.u32 v19, v14;
	v3 =	vadd.bf16 v5, v59;
	v5 =	vadd.bf16 v8, v2;
	v8 =	vld [tilespmem:s8+$0xFFFFFFB0]  }
0x27b: {  	v28 =	vor.u32 v56, v14;
	v10 =	vmovc v47;
	v21 =	vmul.bf16 v6, v47;
	v6 =	vld [tilespmem:s8+$0xFFFFFFC0];
	v22 =	vadd.bf16 v11, v1  }
0x27c: {  	_ = 	snop  }
0x27d: {  	v1 =	vmul.bf16 v4, v52;
	_ =	sdelay $0x1  }
0x27e: {  	v2 =	vadd.bf16 v21, v9;
	v4 =	vmul.bf16 v7, v52;
	v1 =	vadd.bf16 v1, v22  }
0x27f: {  	v0 =	vmul.bf16 v0, v10;
	v3 =	vadd.bf16 v20, v3  }
0x280: {  	v7 =	vmul.bf16 v8, v52;
	v2 =	vadd.bf16 v4, v2;
	v4 =	vunpack.i.l.bf16.f32 v1  }
0x281: {  	v0 =	vadd.bf16 v0, v5;
	v1 =	vunpack.i.u.bf16.f32 v1;
	[tilespmem:v29+s24+$0x0] =	vst.idx.msk $0xffff, v4  }
0x282: {  	v3 =	vadd.bf16 v7, v3;
	v4 =	vmul.bf16 v6, v52;
	v5 =	vunpack.i.l.bf16.f32 v2;
	[tilespmem:v28+s24+$0x0] =	vst.idx.msk $0xffff, v1  }
0x283: {  	v1 =	vunpack.i.u.bf16.f32 v2;
	[tilespmem:v30+s24+$0x0] =	vst.idx.msk $0xffff, v5  }
0x284: {  	v2 =	vunpack.i.l.bf16.f32 v3;
	v0 =	vadd.bf16 v4, v0;
	[tilespmem:v31+s24+$0x0] =	vst.idx.msk $0xffff, v1  }
0x285: {  	v1 =	vunpack.i.u.bf16.f32 v3;
	[tilespmem:v32+s24+$0x0] =	vst.idx.msk $0xffff, v2  }
0x286: {  	s1 =	sshll.u32 s9, $0xF;
	v2 =	vunpack.i.l.bf16.f32 v0;
	[tilespmem:v33+s24+$0x0] =	vst.idx.msk $0xffff, v1  }
0x287: {  	s10 =	rddreg [dreg:$0x1];
	s8 =	sor.u32 s7, s1;
	v0 =	vunpack.i.u.bf16.f32 v0;
	[tilespmem:v34+s24+$0x0] =	vst.idx.msk $0xffff, v2  }
0x288: {  	s1 =	sadd.s32 s10, s8;
	[tilespmem:v35+s24+$0x0] =	vst.idx.msk $0xffff, v0  }
0x289: {  	[hbm4b:s1+s3] =	stream.linear.scatter [tilespmem:s24], [sflag:$0x5], $0x400, $0x38;
	[tilespmem:$0x17540] =	vst v63  }
0x28a: {  	s11 =	sadd.s32 s8, s12;
	s10 =	simm.s32 $0x15800  }
0x28b: {  	[hbm4b:s11+s3] =	stream.linear.scatter [tilespmem:s10], [sflag:$0x5], $0x400, $0x38;
	[tilespmem:$0x17540] =	vst v63  }
0x28c: {  	s23 =	simm.s32 $0x15C00;
	s20 =	sadd.s32 s8, s13  }
0x28d: {  	[hbm4b:s20+s3] =	stream.linear.scatter [tilespmem:s23], [sflag:$0x5], $0x400, $0x38;
	[tilespmem:$0x17540] =	vst v63  }
0x28e: {  	s26 =	simm.s32 $0x16000;
	s25 =	sadd.s32 s8, s14;
	s1 =	simm.s32 @!p0 $0x1  }
0x28f: {  	[hbm4b:s25+s3] =	stream.linear.scatter [tilespmem:s26], [sflag:$0x5], $0x400, $0x38;
	[tilespmem:$0x17540] =	vst v63  }
0x290: {  	_ =	swait.ge @!p0 [sflag:s1], $0xA00  }
0x291: {  	s11 =	simm.s32 @!p0 $0x0;
	[sflag:s1] =	ssyncset.done @!p0 $0x0  }
0x292: {  	s20 =	simm.s32 @!p0 $0x1400;
	[sflag:s1] =	ssyncadd.s32 @!p0 $0xFFFFF600;
	s1 =	simm.s32 @!p0 $0x80  }
0x293: {  	[tilespmem:s20], [sflag:$0x3] =	stream.indirect.gather @!p0 [hbm4b:s5+s1], $0x10, s11, s1, $0xb8;
	[tilespmem:$0x17540] =	vst v63  }
0x294: {  	s11 =	simm.s32 @!p0 $0x1C00  }
0x295: {  	[tilespmem:s11], [sflag:$0x3] =	stream.indirect.gather @!p0 [hbm4b:s5+s1], $0x10, s1, s1, $0xb8;
	[tilespmem:$0x17540] =	vst v63  }
0x296: {  	s20 =	simm.s32 @!p0 $0x2400;
	s11 =	simm.s32 @!p0 $0x100  }
0x297: {  	[tilespmem:s20], [sflag:$0x3] =	stream.indirect.gather @!p0 [hbm4b:s5+s1], $0x10, s11, s1, $0xb8;
	[tilespmem:$0x17540] =	vst v63  }
0x298: {  	s11 =	simm.s32 @!p0 $0x180;
	s20 =	simm.s32 @!p0 $0x2C00  }
0x299: {  	[tilespmem:s20], [sflag:$0x3] =	stream.indirect.gather @!p0 [hbm4b:s5+s1], $0x10, s11, s1, $0xb8;
	[tilespmem:$0x17540] =	vst v63  }
0x29a: {  	s11 =	simm.s32 @!p0 $0x200;
	s20 =	simm.s32 @!p0 $0x3400  }
0x29b: {  	[tilespmem:s20], [sflag:$0x3] =	stream.indirect.gather @!p0 [hbm4b:s5+s1], $0x10, s11, s1, $0xb8;
	[tilespmem:$0x17540] =	vst v63  }
0x29c: {  	s11 =	simm.s32 @!p0 $0x280;
	s20 =	simm.s32 @!p0 $0x3C00  }
0x29d: {  	[tilespmem:s20], [sflag:$0x3] =	stream.indirect.gather @!p0 [hbm4b:s5+s1], $0x10, s11, s1, $0xb8;
	[tilespmem:$0x17540] =	vst v63  }
0x29e: {  	s11 =	simm.s32 @!p0 $0x300;
	s20 =	simm.s32 @!p0 $0x4400  }
0x29f: {  	[tilespmem:s20], [sflag:$0x3] =	stream.indirect.gather @!p0 [hbm4b:s5+s1], $0x10, s11, s1, $0xb8;
	[tilespmem:$0x17540] =	vst v63  }
0x2a0: {  	s11 =	simm.s32 @!p0 $0x380;
	s20 =	simm.s32 @!p0 $0x4C00  }
0x2a1: {  	[tilespmem:s20], [sflag:$0x3] =	stream.indirect.gather @!p0 [hbm4b:s5+s1], $0x10, s11, s1, $0xb8;
	[tilespmem:$0x17540] =	vst v63  }
0x2a2: {  	s11 =	simm.s32 @!p0 $0x400;
	s20 =	simm.s32 @!p0 $0x5400  }
0x2a3: {  	[tilespmem:s20], [sflag:$0x3] =	stream.indirect.gather @!p0 [hbm4b:s5+s1], $0x10, s11, s1, $0xb8;
	[tilespmem:$0x17540] =	vst v63  }
0x2a4: {  	s11 =	simm.s32 @!p0 $0x480;
	s20 =	simm.s32 @!p0 $0x5C00  }
0x2a5: {  	[tilespmem:s20], [sflag:$0x3] =	stream.indirect.gather @!p0 [hbm4b:s5+s1], $0x10, s11, s1, $0xb8;
	[tilespmem:$0x17540] =	vst v63  }
0x2a6: {  	s11 =	simm.s32 @!p0 $0x500;
	s20 =	simm.s32 @!p0 $0x6400  }
0x2a7: {  	[tilespmem:s20], [sflag:$0x3] =	stream.indirect.gather @!p0 [hbm4b:s5+s1], $0x10, s11, s1, $0xb8;
	[tilespmem:$0x17540] =	vst v63  }
0x2a8: {  	s11 =	simm.s32 @!p0 $0x580;
	s20 =	simm.s32 @!p0 $0x6C00  }
0x2a9: {  	[tilespmem:s20], [sflag:$0x3] =	stream.indirect.gather @!p0 [hbm4b:s5+s1], $0x10, s11, s1, $0xb8;
	[tilespmem:$0x17540] =	vst v63  }
0x2aa: {  	s11 =	simm.s32 @!p0 $0x600;
	s20 =	simm.s32 @!p0 $0x7400  }
0x2ab: {  	[tilespmem:s20], [sflag:$0x3] =	stream.indirect.gather @!p0 [hbm4b:s5+s1], $0x10, s11, s1, $0xb8;
	[tilespmem:$0x17540] =	vst v63  }
0x2ac: {  	s11 =	simm.s32 @!p0 $0x680;
	s20 =	simm.s32 @!p0 $0x7C00  }
0x2ad: {  	[tilespmem:s20], [sflag:$0x3] =	stream.indirect.gather @!p0 [hbm4b:s5+s1], $0x10, s11, s1, $0xb8;
	[tilespmem:$0x17540] =	vst v63  }
0x2ae: {  	s11 =	simm.s32 @!p0 $0x700;
	s20 =	simm.s32 @!p0 $0x8400  }
0x2af: {  	[tilespmem:s20], [sflag:$0x3] =	stream.indirect.gather @!p0 [hbm4b:s5+s1], $0x10, s11, s1, $0xb8;
	[tilespmem:$0x17540] =	vst v63  }
0x2b0: {  	s11 =	simm.s32 @!p0 $0x780;
	s20 =	simm.s32 @!p0 $0x8C00  }
0x2b1: {  	[tilespmem:s20], [sflag:$0x3] =	stream.indirect.gather @!p0 [hbm4b:s5+s1], $0x10, s11, s1, $0xb8;
	[tilespmem:$0x17540] =	vst v63  }
0x2b2: {  	s11 =	simm.s32 @!p0 $0x800;
	s20 =	simm.s32 @!p0 $0x9400  }
0x2b3: {  	[tilespmem:s20], [sflag:$0x3] =	stream.indirect.gather @!p0 [hbm4b:s5+s1], $0x10, s11, s1, $0xb8;
	[tilespmem:$0x17540] =	vst v63  }
0x2b4: {  	s11 =	simm.s32 @!p0 $0x880;
	s20 =	simm.s32 @!p0 $0x9C00  }
0x2b5: {  	[tilespmem:s20], [sflag:$0x3] =	stream.indirect.gather @!p0 [hbm4b:s5+s1], $0x10, s11, s1, $0xb8;
	[tilespmem:$0x17540] =	vst v63  }
0x2b6: {  	s11 =	simm.s32 @!p0 $0x900;
	s20 =	simm.s32 @!p0 $0xA400  }
0x2b7: {  	[tilespmem:s20], [sflag:$0x3] =	stream.indirect.gather @!p0 [hbm4b:s5+s1], $0x10, s11, s1, $0xb8;
	[tilespmem:$0x17540] =	vst v63  }
0x2b8: {  	s11 =	simm.s32 @!p0 $0x980;
	s20 =	simm.s32 @!p0 $0xAC00  }
0x2b9: {  	[tilespmem:s20], [sflag:$0x3] =	stream.indirect.gather @!p0 [hbm4b:s5+s1], $0x10, s11, s1, $0xb8;
	[tilespmem:$0x17540] =	vst v63  }
0x2ba: {  	_ =	swait.ge [sflag:s0], $0x800  }
0x2bb: {  	[sflag:s0] =	ssyncset.done $0x0  }
0x2bc: {  	[sflag:s0] =	ssyncadd.s32 $0xFFFFF800  }
0x2bd: {  	_ =	swait.ge [sflag:s0], $0x800  }
0x2be: {  	[sflag:s0] =	ssyncset.done $0x0  }
0x2bf: {  	[sflag:s0] =	ssyncadd.s32 $0xFFFFF800  }
0x2c0: {  	_ =	swait.ge [sflag:s0], $0x800  }
0x2c1: {  	[sflag:s0] =	ssyncset.done $0x0  }
0x2c2: {  	[sflag:s0] =	ssyncadd.s32 $0xFFFFF800  }
0x2c3: {  	_ =	swait.ge [sflag:s0], $0x800  }
0x2c4: {  	[sflag:s0] =	ssyncset.done $0x0  }
0x2c5: {  	[sflag:s0] =	ssyncadd.s32 $0xFFFFF800  }
0x2c6: {  	_ =	swait.ge [sflag:s0], $0x800  }
0x2c7: {  	[sflag:s0] =	ssyncset.done $0x0  }
0x2c8: {  	[sflag:s0] =	ssyncadd.s32 $0xFFFFF800  }
0x2c9: {  	_ =	swait.ge [sflag:s0], $0x800  }
0x2ca: {  	[sflag:s0] =	ssyncset.done $0x0  }
0x2cb: {  	[sflag:s0] =	ssyncadd.s32 $0xFFFFF800  }
0x2cc: {  	_ =	swait.ge [sflag:s0], $0x800  }
0x2cd: {  	[sflag:s0] =	ssyncset.done $0x0  }
0x2ce: {  	[sflag:s0] =	ssyncadd.s32 $0xFFFFF800  }
0x2cf: {  	_ =	swait.ge [sflag:s0], $0x800  }
0x2d0: {  	[sflag:s0] =	ssyncset.done $0x0  }
0x2d1: {  	[sflag:s0] =	ssyncadd.s32 $0xFFFFF800  }
0x2d2: {  	_ =	swait.ge [sflag:s0], $0x800  }
0x2d3: {  	[sflag:s0] =	ssyncset.done $0x0  }
0x2d4: {  	[sflag:s0] =	ssyncadd.s32 $0xFFFFF800  }
0x2d5: {  	_ =	swait.ge [sflag:s0], $0x800  }
0x2d6: {  	[sflag:s0] =	ssyncset.done $0x0  }
0x2d7: {  	[sflag:s0] =	ssyncadd.s32 $0xFFFFF800  }
0x2d8: {  	_ =	swait.ge [sflag:s0], $0x800  }
0x2d9: {  	[sflag:s0] =	ssyncset.done $0x0  }
0x2da: {  	[sflag:s0] =	ssyncadd.s32 $0xFFFFF800  }
0x2db: {  	_ =	swait.ge [sflag:s0], $0x800  }
0x2dc: {  	[sflag:s0] =	ssyncset.done $0x0  }
0x2dd: {  	[sflag:s0] =	ssyncadd.s32 $0xFFFFF800  }
0x2de: {  	_ =	swait.ge [sflag:s0], $0x800  }
0x2df: {  	[sflag:s0] =	ssyncset.done $0x0  }
0x2e0: {  	[sflag:s0] =	ssyncadd.s32 $0xFFFFF800  }
0x2e1: {  	_ =	swait.ge [sflag:s0], $0x800  }
0x2e2: {  	[sflag:s0] =	ssyncset.done $0x0  }
0x2e3: {  	[sflag:s0] =	ssyncadd.s32 $0xFFFFF800  }
0x2e4: {  	_ =	swait.ge [sflag:s0], $0x800  }
0x2e5: {  	[sflag:s0] =	ssyncset.done $0x0  }
0x2e6: {  	[sflag:s0] =	ssyncadd.s32 $0xFFFFF800  }
0x2e7: {  	_ =	swait.ge [sflag:s0], $0x800  }
0x2e8: {  	[sflag:s0] =	ssyncset.done $0x0  }
0x2e9: {  	[sflag:s0] =	ssyncadd.s32 $0xFFFFF800  }
0x2ea: {  	_ =	swait.ge [sflag:s0], $0x800  }
0x2eb: {  	[sflag:s0] =	ssyncset.done $0x0  }
0x2ec: {  	[sflag:s0] =	ssyncadd.s32 $0xFFFFF800  }
0x2ed: {  	_ =	swait.ge [sflag:s0], $0x800  }
0x2ee: {  	[sflag:s0] =	ssyncset.done $0x0  }
0x2ef: {  	[sflag:s0] =	ssyncadd.s32 $0xFFFFF800  }
0x2f0: {  	_ =	swait.ge [sflag:s0], $0x800  }
0x2f1: {  	[sflag:s0] =	ssyncset.done $0x0  }
0x2f2: {  	[sflag:s0] =	ssyncadd.s32 $0xFFFFF800  }
0x2f3: {  	_ =	swait.ge [sflag:s0], $0x800  }
0x2f4: {  	[sflag:s0] =	ssyncset.done $0x0  }
0x2f5: {  	s1 =	simm.s32 @!p1 $0x6;
	[sflag:s0] =	ssyncadd.s32 $0xFFFFF800  }
0x2f6: {  	_ =	swait.ge @!p1 [sflag:s1], $0x400  }
0x2f7: {  	[sflag:s1] =	ssyncset.done @!p1 $0x0  }
0x2f8: {  	[sflag:s1] =	ssyncadd.s32 @!p1 $0xFFFFFC00  }
0x2f9: {  	_ =	swait.ge @!p1 [sflag:s1], $0x400  }
0x2fa: {  	[sflag:s1] =	ssyncset.done @!p1 $0x0  }
0x2fb: {  	[sflag:s1] =	ssyncadd.s32 @!p1 $0xFFFFFC00  }
0x2fc: {  	_ =	swait.ge @!p1 [sflag:s1], $0x400  }
0x2fd: {  	[sflag:s1] =	ssyncset.done @!p1 $0x0  }
0x2fe: {  	[sflag:s1] =	ssyncadd.s32 @!p1 $0xFFFFFC00  }
0x2ff: {  	_ =	swait.ge @!p1 [sflag:s1], $0x400  }
0x300: {  	[sflag:s1] =	ssyncset.done @!p1 $0x0  }
0x301: {  	[sflag:s1] =	ssyncadd.s32 @!p1 $0xFFFFFC00  }
0x302: {  	v42 =	vld [tilespmem:$0x17530]  }
0x303: {  	v38 =	vld [tilespmem:$0x17520]  }
0x304: {  	v20 =	vld [tilespmem:$0x17510]  }
0x305: {  	v21 =	vld [tilespmem:$0x17500]  }
0x306: {  	v22 =	vld [tilespmem:$0x174F0]  }
0x307: {  	v23 =	vld [tilespmem:$0x174E0]  }
0x308: {  	v24 =	vld [tilespmem:$0x174D0]  }
0x309: {  	v25 =	vld [tilespmem:$0x174C0]  }
0x30a: {  	v26 =	vld [tilespmem:$0x174B0]  }
0x30b: {  	v27 =	vld [tilespmem:$0x174A0]  }
0x30c: {  	v28 =	vld [tilespmem:$0x17490]  }
0x30d: {  	v29 =	vld [tilespmem:$0x17480]  }
0x30e: {  	v30 =	vld [tilespmem:$0x17470]  }
0x30f: {  	v31 =	vld [tilespmem:$0x17460]  }
0x310: {  	v32 =	vld [tilespmem:$0x17450]  }
0x311: {  	s1 =	simm.s32 $0x14C70;
	v33 =	vld [tilespmem:$0x17440]  }
0x312: {  	v0 =	vld [tilespmem:s1+$0xFFFFFFE0]  }
0x313: {  	v34 =	vld [tilespmem:$0x17430]  }
0x314: {  	v35 =	vld [tilespmem:$0x17420]  }
0x315: {  	v36 =	vld [tilespmem:$0x17410]  }
0x316: {  	v37 =	vld [tilespmem:$0x17400]  }
0x317: {  	v41 =	vld [tilespmem:s1+$0xFFFFFFD0];
	[tilespmem:$0x1FD30] =	vst v0  }
0x318: {  	v0 =	vld [tilespmem:s1+$0xFFFFFFF0];
	_ =	sdelay $0x4  }
0x319: {  	[tilespmem:$0x1FD40] =	vst v0  }
0x31a: {  	v0 =	vld [tilespmem:s1+$0x0];
	_ =	sdelay $0x4  }
0x31b: {  	[tilespmem:$0x1FD50] =	vst v0  }
0x31c: {  	v45 =	vld [tilespmem:s1+$0xFFFFF7D0]  }
0x31d: {  	v44 =	vld [tilespmem:s1+$0xFFFFF7E0]  }
0x31e: {  	v39 =	vld [tilespmem:s1+$0xFFFFF7F0]  }
0x31f: {  	v40 =	vld [tilespmem:s1+$0xFFFFF800]  }
0x320: {  	v43 =	vld [tilespmem:s1+$0xFFFFEFD0]  }
0x321: {  	v47 =	vld [tilespmem:s1+$0xFFFFEFE0]  }
0x322: {  	v46 =	vld [tilespmem:s1+$0xFFFFEFF0]  }
0x323: {  	v48 =	vld [tilespmem:s1+$0xFFFFE7D0]  }
0x324: {  	v50 =	vld [tilespmem:s1+$0xFFFFDFD0]  }
0x325: {  	v0 =	vld [tilespmem:s1+$0xFFFFDFE0]  }
0x326: {  	v3 =	vld [tilespmem:s1+$0xFFFFD7D0]  }
0x327: {  	v4 =	vld [tilespmem:s1+$0xFFFFCFD0]  }
0x328: {  	v6 =	vld [tilespmem:s1+$0xFFFFC7D0]  }
0x329: {  	v5 =	vld [tilespmem:s1+$0xFFFFC7E0]  }
0x32a: {  	v1 =	vld [tilespmem:s1+$0xFFFFBFD0]  }
0x32b: {  	v2 =	vld [tilespmem:s1+$0xFFFFB7D0]  }
0x32c: {  	v7 =	vld [tilespmem:s1+$0xFFFFAFD0]  }
0x32d: {  	v8 =	vld [tilespmem:s1+$0xFFFFAFE0]  }
0x32e: {  	v9 =	vld [tilespmem:s1+$0xFFFFA7D0]  }
0x32f: {  	v10 =	vld [tilespmem:s1+$0xFFFF9FD0]  }
0x330: {  	v11 =	vld [tilespmem:s1+$0xFFFF97D0]  }
0x331: {  	v12 =	vld [tilespmem:s1+$0xFFFF97E0]  }
0x332: {  	v13 =	vld [tilespmem:s1+$0xFFFF8FD0]  }
0x333: {  	v14 =	vld [tilespmem:s1+$0xFFFF87D0]  }
0x334: {  	v15 =	vld [tilespmem:s1+$0xFFFF7FD0]  }
0x335: {  	v16 =	vld [tilespmem:s1+$0xFFFF7FE0]  }
0x336: {  	v17 =	vld [tilespmem:s1+$0xFFFF77D0]  }
0x337: {  	v51 =	vld [tilespmem:s1+$0xFFFF67D0]  }
0x338: {  	v60 =	vld [tilespmem:s1+$0xFFFF67E0]  }
0x339: {  	v49 =	vld [tilespmem:s1+$0xFFFF6FD0]  }
0x33a: {  	v54 =	vld [tilespmem:s1+$0xFFFF67F0]  }
0x33b: {  	v53 =	vld [tilespmem:s1+$0xFFFF6FE0]  }
0x33c: {  	v55 =	vld [tilespmem:s1+$0xFFFF6FF0]  }
0x33d: {  	v57 =	vld [tilespmem:s1+$0xFFFF6800];
	v51 =	vmul.bf16 v51, v37  }
0x33e: {  	v18 =	vimm.bf16 $0.0e+00;
	v58 =	vld [tilespmem:s1+$0xFFFF77E0];
	v52 =	vmul.bf16 v60, v37  }
0x33f: {  	v49 =	vmul.bf16 v49, v36;
	v60 =	vld [tilespmem:s1+$0xFFFF77F0];
	v54 =	vmul.bf16 v54, v37;
	v51 =	vadd.bf16 v18, v51  }
0x340: {  	v59 =	vld [tilespmem:s1+$0xFFFF7000];
	v53 =	vmul.bf16 v53, v36;
	v52 =	vadd.bf16 v18, v52  }
0x341: {  	v55 =	vmul.bf16 v55, v36;
	v54 =	vadd.bf16 v18, v54;
	v51 =	vadd.bf16 v49, v51;
	v49 =	vld [tilespmem:s1+$0xFFFF87E0]  }
0x342: {  	v17 =	vmul.bf16 v17, v35;
	v52 =	vadd.bf16 v53, v52;
	v53 =	vld [tilespmem:s1+$0xFFFF7800]  }
0x343: {  	v57 =	vmul.bf16 v57, v37;
	v58 =	vmul.bf16 v58, v35;
	v54 =	vadd.bf16 v55, v54;
	v55 =	vld [tilespmem:s1+$0xFFFF8000]  }
0x344: {  	v15 =	vmul.bf16 v15, v34;
	v60 =	vmul.bf16 v60, v35;
	v17 =	vadd.bf16 v17, v51;
	v51 =	vld [tilespmem:s1+$0xFFFF7FF0]  }
0x345: {  	v59 =	vmul.bf16 v59, v36;
	v57 =	vadd.bf16 v18, v57;
	v52 =	vadd.bf16 v58, v52;
	v58 =	vld [tilespmem:s1+$0xFFFF87F0]  }
0x346: {  	v16 =	vmul.bf16 v16, v34;
	v54 =	vadd.bf16 v60, v54;
	v60 =	vld [tilespmem:s1+$0xFFFF97F0]  }
0x347: {  	v14 =	vmul.bf16 v14, v33;
	v15 =	vadd.bf16 v15, v17;
	v17 =	vadd.bf16 v59, v57;
	v57 =	vld [tilespmem:s1+$0xFFFF8FE0]  }
0x348: {  	v16 =	vadd.bf16 v16, v52;
	v52 =	vld [tilespmem:s1+$0xFFFF8800];
	v53 =	vmul.bf16 v53, v35  }
0x349: {  	v49 =	vmul.bf16 v49, v33;
	v14 =	vadd.bf16 v14, v15;
	v15 =	vld [tilespmem:s1+$0xFFFF8FF0];
	v51 =	vmul.bf16 v51, v34  }
0x34a: {  	v13 =	vmul.bf16 v13, v32;
	v55 =	vmul.bf16 v55, v34;
	v17 =	vadd.bf16 v53, v17;
	v53 =	vld [tilespmem:s1+$0xFFFF9FE0]  }
0x34b: {  	v16 =	vadd.bf16 v49, v16;
	v49 =	vld [tilespmem:s1+$0xFFFFB7F0];
	v51 =	vadd.bf16 v51, v54;
	v54 =	vmul.bf16 v58, v33  }
0x34c: {  	v11 =	vmul.bf16 v11, v31;
	v13 =	vadd.bf16 v13, v14;
	v58 =	vld [tilespmem:s1+$0xFFFF9000];
	v59 =	vmul.bf16 v57, v32  }
0x34d: {  	v17 =	vadd.bf16 v55, v17;
	v52 =	vmul.bf16 v52, v33;
	v51 =	vadd.bf16 v54, v51;
	v54 =	vld [tilespmem:s1+$0xFFFF9800]  }
0x34e: {  	v14 =	vadd.bf16 v59, v16;
	v16 =	vld [tilespmem:s1+$0xFFFF9FF0]  }
0x34f: {  	v10 =	vmul.bf16 v10, v30;
	v11 =	vadd.bf16 v11, v13;
	v57 =	vadd.bf16 v52, v17;
	v17 =	vld [tilespmem:s1+$0xFFFFA7E0]  }
0x350: {  	v52 =	vld [tilespmem:s1+$0xFFFF6FC0]  }
0x351: {  	v12 =	vmul.bf16 v12, v31;
	v9 =	vmul.bf16 v9, v29;
	v10 =	vadd.bf16 v10, v11;
	v11 =	vld [tilespmem:s1+$0xFFFFA7F0]  }
0x352: {  	v15 =	vmul.bf16 v15, v32;
	v59 =	vmul.bf16 v53, v30;
	v53 =	vld [tilespmem:s1+$0xFFFFBFE0]  }
0x353: {  	v7 =	vmul.bf16 v7, v28;
	v12 =	vadd.bf16 v12, v14;
	v14 =	vld [tilespmem:s1+$0xFFFFA000]  }
0x354: {  	v60 =	vmul.bf16 v60, v31;
	v15 =	vadd.bf16 v15, v51;
	v51 =	vld [tilespmem:s1+$0xFFFFB7E0];
	v9 =	vadd.bf16 v9, v10  }
0x355: {  	v58 =	vmul.bf16 v58, v32;
	v12 =	vadd.bf16 v59, v12;
	v59 =	vld [tilespmem:s1+$0xFFFFAFF0]  }
0x356: {  	v2 =	vmul.bf16 v2, v27;
	v15 =	vadd.bf16 v60, v15;
	v60 =	vld [tilespmem:s1+$0xFFFFB000];
	v7 =	vadd.bf16 v7, v9  }
0x357: {  	v13 =	vadd.bf16 v58, v57;
	v57 =	vmul.bf16 v54, v31;
	v58 =	vld [tilespmem:s1+$0xFFFFA800];
	v10 =	vmul.bf16 v17, v29  }
0x358: {  	v8 =	vmul.bf16 v8, v28;
	v1 =	vmul.bf16 v1, v26;
	v2 =	vadd.bf16 v2, v7;
	v7 =	vld [tilespmem:s1+$0xFFFFBFF0]  }
0x359: {  	v16 =	vmul.bf16 v16, v30;
	v13 =	vadd.bf16 v57, v13;
	v10 =	vadd.bf16 v10, v12;
	v57 =	vld [tilespmem:s1+$0xFFFFCFE0]  }
0x35a: {  	v12 =	vmul.bf16 v49, v27;
	v49 =	vmul.bf16 v44, v38;
	v44 =	vld [tilespmem:s1+$0xFFFF8F90]  }
0x35b: {  	v6 =	vmul.bf16 v6, v25;
	v11 =	vmul.bf16 v11, v29;
	v8 =	vadd.bf16 v8, v10;
	v10 =	vld [tilespmem:s1+$0xFFFFB800]  }
0x35c: {  	v15 =	vadd.bf16 v16, v15;
	v55 =	vmul.bf16 v51, v27;
	v17 =	vmul.bf16 v59, v28;
	v59 =	vld [tilespmem:s1+$0xFFFFC7F0]  }
0x35d: {  	v14 =	vmul.bf16 v14, v30;
	v16 =	vmul.bf16 v60, v28;
	v1 =	vadd.bf16 v1, v2;
	v60 =	vld [tilespmem:s1+$0xFFFFC800]  }
0x35e: {  	v2 =	vmul.bf16 v53, v26;
	v54 =	vmul.bf16 v58, v29;
	v58 =	vld [tilespmem:s1+$0xFFFFC000];
	v8 =	vadd.bf16 v55, v8  }
0x35f: {  	v4 =	vmul.bf16 v4, v24;
	v11 =	vadd.bf16 v11, v15;
	v1 =	vadd.bf16 v6, v1;
	v55 =	vld [tilespmem:$0x1FD30]  }
0x360: {  	v9 =	vadd.bf16 v14, v13;
	v2 =	vadd.bf16 v2, v8;
	v8 =	vld [tilespmem:s1+$0xFFFFCFF0]  }
0x361: {  	v11 =	vadd.bf16 v17, v11;
	v1 =	vadd.bf16 v4, v1;
	v4 =	vld [tilespmem:s1+$0xFFFFD7F0]  }
0x362: {  	v5 =	vmul.bf16 v5, v25;
	v9 =	vadd.bf16 v54, v9;
	v13 =	vmul.bf16 v59, v25;
	v59 =	vld [tilespmem:s1+$0xFFFF77B0]  }
0x363: {  	v7 =	vmul.bf16 v7, v26;
	v11 =	vadd.bf16 v12, v11;
	v12 =	vmul.bf16 v60, v25;
	v60 =	vld [tilespmem:s1+$0xFFFF7FC0]  }
0x364: {  	v9 =	vadd.bf16 v16, v9;
	v16 =	vmul.bf16 v50, v22;
	v50 =	vmul.bf16 v46, v20;
	v46 =	vld [tilespmem:s1+$0xFFFF8FB0]  }
0x365: {  	v10 =	vmul.bf16 v10, v27;
	v2 =	vadd.bf16 v5, v2;
	v5 =	vld [tilespmem:s1+$0xFFFFD000]  }
0x366: {  	v7 =	vadd.bf16 v7, v11;
	v11 =	vmul.bf16 v57, v24;
	v57 =	vld [tilespmem:$0x1FD40]  }
0x367: {  	v3 =	vmul.bf16 v3, v23;
	v6 =	vadd.bf16 v10, v9;
	v9 =	vld [tilespmem:s1+$0xFFFFD7E0]  }
0x368: {  	v10 =	vmul.bf16 v58, v26;
	v58 =	vld [tilespmem:s1+$0xFFFF77A0]  }
0x369: {  	v1 =	vadd.bf16 v3, v1;
	v2 =	vadd.bf16 v11, v2;
	v11 =	vld [tilespmem:s1+$0xFFFFD800]  }
0x36a: {  	v7 =	vadd.bf16 v13, v7;
	v13 =	vmul.bf16 v52, v36;
	v52 =	vld [tilespmem:s1+$0xFFFFA7A0]  }
0x36b: {  	v1 =	vadd.bf16 v16, v1;
	v16 =	vmul.bf16 v55, v42;
	v55 =	vld [tilespmem:s1+$0xFFFFAFB0]  }
0x36c: {  	v17 =	vmul.bf16 v48, v21;
	v48 =	vmul.bf16 v45, v38;
	v6 =	vadd.bf16 v10, v6;
	v10 =	vld [tilespmem:s1+$0xFFFFE7E0]  }
0x36d: {  	v8 =	vmul.bf16 v8, v24;
	v45 =	vmul.bf16 v60, v34;
	v60 =	vld [tilespmem:s1+$0xFFFFC790]  }
0x36e: {  	v15 =	vmul.bf16 v46, v32;
	v46 =	vld [tilespmem:s1+$0xFFFFDF90]  }
0x36f: {  	v7 =	vadd.bf16 v8, v7;
	v8 =	vld [tilespmem:s1+$0xFFFFE000]  }
0x370: {  	v43 =	vmul.bf16 v43, v20;
	v1 =	vadd.bf16 v17, v1;
	v17 =	vmul.bf16 v57, v42;
	v57 =	vld [tilespmem:s1+$0xFFFFAFC0]  }
0x371: {  	v6 =	vadd.bf16 v12, v6;
	v5 =	vmul.bf16 v5, v24;
	v12 =	vmul.bf16 v44, v32;
	v44 =	vld [tilespmem:s1+$0xFFFFD7B0]  }
0x372: {  	v4 =	vmul.bf16 v4, v23;
	v3 =	vmul.bf16 v9, v23;
	v9 =	vld [tilespmem:s1+$0xFFFFDFF0]  }
0x373: {  	v0 =	vmul.bf16 v0, v22;
	v1 =	vadd.bf16 v43, v1;
	v5 =	vadd.bf16 v5, v6;
	v6 =	vld [tilespmem:s1+$0xFFFFF000]  }
0x374: {  	v4 =	vadd.bf16 v4, v7;
	v7 =	vmul.bf16 v11, v23;
	v11 =	vld [tilespmem:s1+$0xFFFF6790];
	v2 =	vadd.bf16 v3, v2  }
0x375: {  	v3 =	vld [tilespmem:s1+$0xFFFFE7F0]  }
0x376: {  	v53 =	vmul.bf16 v41, v42;
	v1 =	vadd.bf16 v48, v1;
	v0 =	vadd.bf16 v0, v2;
	v2 =	vld [tilespmem:s1+$0xFFFFE800]  }
0x377: {  	v10 =	vmul.bf16 v10, v21;
	v5 =	vadd.bf16 v7, v5;
	v7 =	vld [tilespmem:s1+$0xFFFF67A0];
	v8 =	vmul.bf16 v8, v22  }
0x378: {  	v41 =	vadd.bf16 v53, v1;
	v1 =	vld [tilespmem:$0x1FD50];
	v9 =	vmul.bf16 v9, v22  }
0x379: {  	v0 =	vadd.bf16 v10, v0;
	v5 =	vadd.bf16 v8, v5;
	v8 =	vld [tilespmem:s1+$0xFFFF67C0]  }
0x37a: {  	v10 =	vmul.bf16 v47, v20;
	v47 =	vld [tilespmem:s1+$0xFFFF9790];
	v4 =	vadd.bf16 v9, v4;
	v3 =	vmul.bf16 v3, v21  }
0x37b: {  	v9 =	vld [tilespmem:s1+$0xFFFF67B0];
	v2 =	vmul.bf16 v2, v21  }
0x37c: {  	v51 =	vmul.bf16 v39, v38;
	v0 =	vadd.bf16 v10, v0;
	v10 =	vld [tilespmem:s1+$0xFFFF6FA0];
	v3 =	vadd.bf16 v3, v4  }
0x37d: {  	s20 =	simm.s32 $0x6;
	v54 =	vmul.bf16 v40, v38;
	v6 =	vmul.bf16 v6, v20;
	v4 =	vld [tilespmem:s1+$0xFFFF6F90];
	v2 =	vadd.bf16 v2, v5  }
0x37e: {  	s25 =	simm.s32 $0x1;
	v48 =	vmov s20;
	v0 =	vadd.bf16 v49, v0;
	v49 =	vld [tilespmem:s1+$0xFFFF9F90];
	v3 =	vadd.bf16 v50, v3  }
0x37f: {  	v53 =	vmov s25;
	v7 =	vmul.bf16 v7, v37;
	v5 =	vld [tilespmem:s1+$0xFFFF6FB0];
	v2 =	vadd.bf16 v6, v2  }
0x380: {  	v1 =	vmul.bf16 v1, v42;
	v40 =	vadd.bf16 v16, v0;
	v0 =	vld [tilespmem:s1+$0xFFFF77C0];
	v3 =	vadd.bf16 v51, v3  }
0x381: {  	v7 =	vadd.bf16 v18, v7;
	v8 =	vmul.bf16 v8, v37;
	v6 =	vld [tilespmem:s1+$0xFFFF7790];
	v2 =	vadd.bf16 v54, v2  }
0x382: {  	v14 =	vmul.bf16 v47, v31;
	v39 =	vadd.bf16 v17, v3;
	v3 =	vmul.bf16 v11, v37;
	v11 =	vld [tilespmem:s1+$0xFFFF7F90]  }
0x383: {  	v16 =	vshrl.u32 v48, $0x3;
	v54 =	vld [tilespmem:s1+$0xFFFFAF90];
	v43 =	vadd.bf16 v1, v2;
	v1 =	vmul.bf16 v9, v37  }
0x384: {  	v10 =	vmul.bf16 v10, v36;
	v4 =	vmul.bf16 v4, v36;
	v2 =	vld [tilespmem:s1+$0xFFFF7FA0];
	v3 =	vadd.bf16 v18, v3  }
0x385: {  	v8 =	vadd.bf16 v18, v8;
	v5 =	vmul.bf16 v5, v36;
	v9 =	vld [tilespmem:s1+$0xFFFF7FB0];
	v1 =	vadd.bf16 v18, v1  }
0x386: {  	v3 =	vadd.bf16 v4, v3;
	v4 =	vadd.bf16 v10, v7;
	v7 =	vld [tilespmem:s1+$0xFFFF8790];
	v10 =	vmul.bf16 v58, v35  }
0x387: {  	v6 =	vmul.bf16 v6, v35;
	v1 =	vadd.bf16 v5, v1;
	v5 =	vadd.bf16 v13, v8;
	v8 =	vld [tilespmem:s1+$0xFFFF87A0]  }
0x388: {  	s30 =	simm.s32 $0x0;
	v36 =	vmul.bf16 v59, v35;
	v0 =	vmul.bf16 v0, v35;
	v4 =	vadd.bf16 v10, v4;
	v10 =	vld [tilespmem:s1+$0xFFFF87C0]  }
0x389: {  	v37 =	vmov s30;
	v11 =	vmul.bf16 v11, v34;
	v3 =	vadd.bf16 v6, v3;
	v6 =	vld [tilespmem:s1+$0xFFFF87B0]  }
0x38a: {  	v18 =	vld [tilespmem:$0x1FFB0];
	v2 =	vmul.bf16 v2, v34;
	v9 =	vmul.bf16 v9, v34;
	v1 =	vadd.bf16 v36, v1  }
0x38b: {  	v0 =	vadd.bf16 v0, v5;
	v3 =	vadd.bf16 v11, v3;
	v11 =	vld [tilespmem:s1+$0xFFFF8FA0];
	v7 =	vmul.bf16 v7, v33  }
0x38c: {  	v2 =	vadd.bf16 v2, v4;
	v1 =	vadd.bf16 v9, v1;
	v9 =	vld [tilespmem:s1+$0xFFFF8FC0];
	v8 =	vmul.bf16 v8, v33  }
0x38d: {  	v0 =	vadd.bf16 v45, v0;
	v10 =	vmul.bf16 v10, v33;
	v3 =	vadd.bf16 v7, v3;
	v7 =	vld [tilespmem:s1+$0xFFFF97A0]  }
0x38e: {  	s31 =	simm.s32 $0x4;
	v17 =	vmul.bf16 v54, v28;
	v6 =	vmul.bf16 v6, v33;
	v2 =	vadd.bf16 v8, v2;
	v8 =	vld [tilespmem:s1+$0xFFFF97B0]  }
0x38f: {  	s10 =	simm.s32 $0x5;
	v13 =	vshrl.u32 v37, $0x3;
	v5 =	vmov s31;
	v0 =	vadd.bf16 v10, v0;
	v10 =	vld [tilespmem:s1+$0xFFFF97C0]  }
0x390: {  	v50 =	vld [tilespmem:s1+$0xFFFF9FA0];
	v4 =	vmov s10;
	v1 =	vadd.bf16 v6, v1;
	v11 =	vmul.bf16 v11, v32  }
0x391: {  	v51 =	vld [tilespmem:s1+$0xFFFF9FC0];
	v5 =	vshrl.u32 v5, $0x3;
	v3 =	vadd.bf16 v12, v3;
	v9 =	vmul.bf16 v9, v32  }
0x392: {  	v54 =	vld [tilespmem:$0x1FFF0];
	v5 =	vshll.u32 v5, v18;
	v2 =	vadd.bf16 v11, v2;
	v1 =	vadd.bf16 v15, v1  }
0x393: {  	v7 =	vmul.bf16 v7, v31;
	v0 =	vadd.bf16 v9, v0;
	v9 =	vld [tilespmem:s1+$0xFFFFA790];
	v8 =	vmul.bf16 v8, v31  }
0x394: {  	v58 =	vld [tilespmem:s1+$0xFFFFBFA0];
	v5 =	vbroadcast v5, $0x0;
	v3 =	vadd.bf16 v14, v3;
	v10 =	vmul.bf16 v10, v31  }
0x395: {  	v2 =	vadd.bf16 v7, v2;
	v7 =	vmul.bf16 v49, v30;
	v1 =	vadd.bf16 v8, v1;
	v8 =	vld [tilespmem:s1+$0xFFFFA7C0]  }
0x396: {  	v12 =	vshrl.u32 v53, $0x3;
	v11 =	vld [tilespmem:s1+$0xFFFF9FB0];
	v0 =	vadd.bf16 v10, v0;
	v10 =	vmul.bf16 v50, v30  }
0x397: {  	v59 =	vadd.s32 v54, v5;
	v5 =	vadd.s32 v61, v5;
	v61 =	vld [tilespmem:s1+$0xFFFFCFA0];
	v3 =	vadd.bf16 v7, v3  }
0x398: {  	v53 =	vld [tilespmem:s1+$0xFFFFE7B0];
	v2 =	vadd.bf16 v10, v2;
	v10 =	vmul.bf16 v51, v30;
	v9 =	vmul.bf16 v9, v29  }
0x399: {  	v16 =	vshll.u32 v16, v18;
	v13 =	vshll.u32 v13, v18;
	v4 =	vshrl.u32 v4, $0x3;
	v31 =	vld [tilespmem:s1+$0xFFFFA7B0]  }
0x39a: {  	s23 =	simm.s32 $0x7;
	v0 =	vadd.bf16 v10, v0;
	v3 =	vadd.bf16 v9, v3;
	v9 =	vld [tilespmem:s1+$0xFFFFB790];
	v8 =	vmul.bf16 v8, v29  }
0x39b: {  	v6 =	vmov s23;
	v15 =	vmul.bf16 v55, v28;
	v55 =	vld [tilespmem:s1+$0xFFFFE7C0];
	v7 =	vmul.bf16 v11, v30  }
0x39c: {  	v4 =	vshll.u32 v4, v18;
	v6 =	vshrl.u32 v6, $0x3;
	v0 =	vadd.bf16 v8, v0;
	v8 =	vld [tilespmem:s1+$0xFFFFBF90]  }
0x39d: {  	s26 =	simm.s32 $0x2;
	s31 =	simm.s32 $0x3;
	v14 =	vmul.bf16 v57, v28;
	v57 =	vld [tilespmem:s1+$0xFFFFEFB0];
	v1 =	vadd.bf16 v7, v1;
	v7 =	vmul.bf16 v52, v29  }
0x39e: {  	v11 =	vld [tilespmem:s1+$0xFFFFAFA0];
	v30 =	vmov s26;
	v31 =	vmul.bf16 v31, v29;
	v10 =	vmov s31  }
0x39f: {  	v2 =	vadd.bf16 v7, v2;
	v7 =	vld [tilespmem:s1+$0xFFFFB7A0];
	v3 =	vadd.bf16 v17, v3;
	v9 =	vmul.bf16 v9, v27  }
0x3a0: {  	v12 =	vshll.u32 v12, v18;
	v30 =	vshrl.u32 v30, $0x3;
	v10 =	vshrl.u32 v10, $0x3;
	v29 =	vld [tilespmem:s1+$0xFFFFB7B0]  }
0x3a1: {  	v1 =	vadd.bf16 v31, v1;
	v31 =	vld [tilespmem:s1+$0xFFFFB7C0];
	v3 =	vadd.bf16 v9, v3;
	v8 =	vmul.bf16 v8, v26  }
0x3a2: {  	v6 =	vshll.u32 v6, v18;
	v30 =	vshll.u32 v30, v18;
	v10 =	vshll.u32 v10, v18;
	v18 =	vld [tilespmem:$0x1FF30]  }
0x3a3: {  	v3 =	vadd.bf16 v8, v3;
	v8 =	vld [tilespmem:$0x1FF20]  }
0x3a4: {  	v11 =	vmul.bf16 v11, v28;
	v28 =	vld [tilespmem:s1+$0xFFFFBFB0]  }
0x3a5: {  	v16 =	vbroadcast v16, $0x0;
	v51 =	vld [tilespmem:s1+$0xFFFFE790];
	v17 =	vmul.bf16 v58, v26  }
0x3a6: {  	v2 =	vadd.bf16 v11, v2;
	v7 =	vmul.bf16 v7, v27;
	v9 =	vmul.bf16 v29, v27;
	v29 =	vld [tilespmem:s1+$0xFFFFC7A0]  }
0x3a7: {  	v1 =	vadd.bf16 v15, v1;
	v11 =	vld [tilespmem:s1+$0xFFFFBFC0];
	v0 =	vadd.bf16 v14, v0;
	v27 =	vmul.bf16 v31, v27  }
0x3a8: {  	v2 =	vadd.bf16 v7, v2;
	v8 =	vadd.s32 v8, v16;
	v16 =	vadd.s32 v18, v16;
	v18 =	vld [tilespmem:$0x1FF40]  }
0x3a9: {  	v1 =	vadd.bf16 v9, v1;
	v9 =	vld [tilespmem:s1+$0xFFFFC7C0];
	v0 =	vadd.bf16 v27, v0;
	v27 =	vmul.bf16 v28, v26  }
0x3aa: {  	v4 =	vbroadcast v4, $0x0;
	v6 =	vbroadcast v6, $0x0;
	v28 =	vld [tilespmem:s1+$0xFFFFCF90];
	v2 =	vadd.bf16 v17, v2  }
0x3ab: {  	v31 =	vld [tilespmem:s1+$0xFFFFC7B0];
	v1 =	vadd.bf16 v27, v1;
	v27 =	vunpack.i.l.bf16.f32 v41;
	v29 =	vmul.bf16 v29, v25  }
0x3ac: {  	v7 =	vadd.s32 v62, v4;
	v62 =	vld [tilespmem:s1+$0xFFFFCFB0];
	v11 =	vmul.bf16 v11, v26;
	[tilespmem:v59+s2+$0x0] =	vst.idx.msk $0xffff, v27  }
0x3ad: {  	v50 =	vmul.bf16 v44, v23;
	v2 =	vadd.bf16 v29, v2;
	v29 =	vadd.s32 v18, v6;
	v18 =	vld [tilespmem:$0x1FF50]  }
0x3ae: {  	v14 =	vmul.bf16 v60, v25;
	v4 =	vadd.s32 v63, v4;
	v0 =	vadd.bf16 v11, v0;
	v11 =	vld [tilespmem:s1+$0xFFFFCFC0]  }
0x3af: {  	v63 =	vunpack.i.u.bf16.f32 v41;
	v9 =	vmul.bf16 v9, v25;
	v37 =	vmul.bf16 v28, v24;
	v28 =	vld [tilespmem:s1+$0xFFFFD7A0]  }
0x3b0: {  	v41 =	vmul.bf16 v61, v24;
	v3 =	vadd.bf16 v14, v3;
	v36 =	vmul.bf16 v31, v25;
	v31 =	vld [tilespmem:s1+$0xFFFFD790]  }
0x3b1: {  	v45 =	vunpack.i.l.bf16.f32 v40;
	v17 =	vmul.bf16 v62, v24;
	v0 =	vadd.bf16 v9, v0;
	v9 =	vld [tilespmem:s1+$0xFFFFD7C0];
	[tilespmem:v5+s2+$0x0] =	vst.idx.msk $0xffff, v63  }
0x3b2: {  	v47 =	vunpack.i.u.bf16.f32 v40;
	v1 =	vadd.bf16 v36, v1;
	v27 =	vld [tilespmem:s1+$0xFFFFDFA0];
	[tilespmem:v7+s2+$0x0] =	vst.idx.msk $0xffff, v45;
	v6 =	vadd.s32 v18, v6  }
0x3b3: {  	v59 =	vld [tilespmem:s1+$0xFFFFF790];
	v3 =	vadd.bf16 v37, v3;
	v11 =	vmul.bf16 v11, v24;
	v5 =	vunpack.i.l.bf16.f32 v39;
	[tilespmem:v4+s2+$0x0] =	vst.idx.msk $0xffff, v47  }
0x3b4: {  	v2 =	vadd.bf16 v41, v2;
	v49 =	vmul.bf16 v28, v23;
	v28 =	vld [tilespmem:s1+$0xFFFFDFB0];
	v7 =	vunpack.i.u.bf16.f32 v39;
	[tilespmem:v8+s2+$0x0] =	vst.idx.msk $0xffff, v5  }
0x3b5: {  	v48 =	vmul.bf16 v31, v23;
	v0 =	vadd.bf16 v11, v0;
	v11 =	vld [tilespmem:s1+$0xFFFFDFC0];
	v4 =	vunpack.i.l.bf16.f32 v43;
	[tilespmem:v16+s2+$0x0] =	vst.idx.msk $0xffff, v7  }
0x3b6: {  	v52 =	vunpack.i.u.bf16.f32 v43;
	v1 =	vadd.bf16 v17, v1;
	v9 =	vmul.bf16 v9, v23;
	v23 =	vld [tilespmem:s1+$0xFFFFE7A0];
	[tilespmem:v29+s2+$0x0] =	vst.idx.msk $0xffff, v4  }
0x3b7: {  	v3 =	vadd.bf16 v48, v3;
	v8 =	vmul.bf16 v46, v22;
	v4 =	vbroadcast v10, $0x0;
	v10 =	vld [tilespmem:s1+$0xFFFFEF90];
	[tilespmem:v6+s2+$0x0] =	vst.idx.msk $0xffff, v52  }
0x3b8: {  	v2 =	vadd.bf16 v49, v2;
	v0 =	vadd.bf16 v9, v0;
	v9 =	vmul.bf16 v27, v22;
	v18 =	vld [tilespmem:$0x1FF80]  }
0x3b9: {  	v1 =	vadd.bf16 v50, v1;
	v3 =	vadd.bf16 v8, v3;
	v8 =	vmul.bf16 v28, v22;
	v48 =	vld [tilespmem:$0x1FFC0]  }
0x3ba: {  	v2 =	vadd.bf16 v9, v2;
	v9 =	vmul.bf16 v11, v22;
	v11 =	vld [tilespmem:s1+$0xFFFFEFA0]  }
0x3bb: {  	v58 =	vmul.bf16 v55, v21;
	v1 =	vadd.bf16 v8, v1;
	v8 =	vmul.bf16 v51, v21;
	v49 =	vld [tilespmem:$0x1FFD0]  }
0x3bc: {  	v5 =	vbroadcast v12, $0x0;
	v7 =	vbroadcast v30, $0x0;
	v60 =	vld [tilespmem:$0x1FF90]  }
0x3bd: {  	v0 =	vadd.bf16 v9, v0;
	v3 =	vadd.bf16 v8, v3;
	v8 =	vmul.bf16 v53, v21;
	v62 =	vld [tilespmem:$0x1FFA0]  }
0x3be: {  	v63 =	vld [tilespmem:$0x1FFE0];
	v30 =	vadd.s32 v18, v5;
	v31 =	vadd.s32 v48, v5;
	v5 =	vmul.bf16 v23, v21  }
0x3bf: {  	v9 =	vld [tilespmem:s1+$0xFFFFEFC0];
	v6 =	vbroadcast v13, $0x0;
	v1 =	vadd.bf16 v8, v1  }
0x3c0: {  	v61 =	vld [tilespmem:s1+$0xFFFFF7B0];
	v8 =	vadd.bf16 v58, v0;
	v2 =	vadd.bf16 v5, v2;
	v5 =	vmul.bf16 v10, v20  }
0x3c1: {  	v29 =	vor.u32 v19, v6;
	v32 =	vadd.s32 v49, v7;
	v33 =	vadd.s32 v60, v7;
	v10 =	vld [tilespmem:s1+$0xFFFFF7A0]  }
0x3c2: {  	v0 =	vld [tilespmem:s1+$0xFFFFF7C0];
	v7 =	vmul.bf16 v11, v20;
	v11 =	vadd.bf16 v5, v3;
	v3 =	vmul.bf16 v57, v20  }
0x3c3: {  	v28 =	vor.u32 v56, v6;
	v6 =	vld [tilespmem:s1+$0xFFFFFFC0];
	v34 =	vadd.s32 v62, v4;
	v35 =	vadd.s32 v63, v4  }
0x3c4: {  	v4 =	vld [tilespmem:s1+$0xFFFFFF90];
	v5 =	vmul.bf16 v9, v20;
	v3 =	vadd.bf16 v3, v1;
	v1 =	vmul.bf16 v59, v38  }
0x3c5: {  	v9 =	vadd.bf16 v7, v2;
	v7 =	vld [tilespmem:s1+$0xFFFFFFA0];
	v20 =	vmul.bf16 v61, v38  }
0x3c6: {  	s23 =	simm.s32 $0x0;
	v5 =	vadd.bf16 v5, v8;
	v8 =	vld [tilespmem:s1+$0xFFFFFFB0];
	v21 =	vmul.bf16 v10, v38;
	v22 =	vadd.bf16 v1, v11  }
.LBB2_8:
0x3c7: {  	v1 =	vld [tilespmem:$0x17530]  }
0x3c8: {  	v56 =	vld [tilespmem:$0x17520]  }
0x3c9: {  	v59 =	vld [tilespmem:$0x17510]  }
0x3ca: {  	v52 =	vld [tilespmem:$0x17500]  }
0x3cb: {  	v51 =	vld [tilespmem:$0x174F0]  }
0x3cc: {  	v47 =	vld [tilespmem:$0x174E0]  }
0x3cd: {  	v24 =	vld [tilespmem:$0x174D0]  }
0x3ce: {  	s1 =	sadd.s32 $0x80, s1;
	v15 =	vld [tilespmem:$0x1FFB0]  }
0x3cf: {  	v19 =	vld [tilespmem:s1+$0xFFFFF7F0]  }
0x3d0: {  	v2 =	vadd.bf16 v21, v9;
	v9 =	vld [tilespmem:s1+$0xFFFFEFE0]  }
0x3d1: {  	v10 =	vld [tilespmem:s1+$0xFFFFEFF0]  }
0x3d2: {  	v11 =	vld [tilespmem:s1+$0xFFFFE7D0]  }
0x3d3: {  	v12 =	vld [tilespmem:s1+$0xFFFFE7E0]  }
0x3d4: {  	v13 =	vld [tilespmem:s1+$0xFFFFDFD0]  }
0x3d5: {  	v14 =	vld [tilespmem:s1+$0xFFFFDFE0]  }
0x3d6: {  	v62 =	vld [tilespmem:s1+$0xFFFFD7D0]  }
0x3d7: {  	v16 =	vld [tilespmem:s1+$0xFFFFD7E0]  }
0x3d8: {  	v17 =	vld [tilespmem:s1+$0xFFFFCFD0]  }
0x3d9: {  	v39 =	vld [tilespmem:s1+$0xFFFFC7D0]  }
0x3da: {  	v40 =	vld [tilespmem:s1+$0xFFFFC7E0]  }
0x3db: {  	v41 =	vld [tilespmem:s1+$0xFFFFBFD0]  }
0x3dc: {  	v58 =	vld [tilespmem:s1+$0xFFFFBFE0]  }
0x3dd: {  	v18 =	vld [tilespmem:s1+$0xFFFFB7D0]  }
0x3de: {  	v43 =	vld [tilespmem:s1+$0xFFFFB7E0]  }
0x3df: {  	v46 =	vmov v49;
	v49 =	vld [tilespmem:s1+$0xFFFFAFE0]  }
0x3e0: {  	v53 =	vld [tilespmem:s1+$0xFFFFA7D0];
	v0 =	vmul.bf16 v0, v38  }
0x3e1: {  	v23 =	vmov v54;
	v54 =	vld [tilespmem:s1+$0xFFFFA7E0];
	v4 =	vmul.bf16 v4, v42  }
0x3e2: {  	v55 =	vld [tilespmem:s1+$0xFFFF9FD0];
	v0 =	vadd.bf16 v0, v5;
	v5 =	vmul.bf16 v7, v42  }
0x3e3: {  	v38 =	vld [tilespmem:s1+$0xFFFFCFE0];
	v4 =	vadd.bf16 v4, v22  }
0x3e4: {  	s30 =	sadd.s32 $0x8, s30;
	v3 =	vadd.bf16 v20, v3;
	v7 =	vmul.bf16 v8, v42;
	v8 =	vld [tilespmem:s1+$0xFFFFEFD0];
	v2 =	vadd.bf16 v5, v2  }
0x3e5: {  	s11 =	sadd.s32 $0x4, s30;
	v22 =	vmovc v48;
	v48 =	vld [tilespmem:s1+$0xFFFFAFD0];
	v5 =	vmul.bf16 v6, v42;
	v6 =	vunpack.i.u.bf16.f32 v4;
	v4 =	vunpack.i.l.bf16.f32 v4  }
0x3e6: {  	v61 =	vmov s11;
	v3 =	vadd.bf16 v7, v3;
	v7 =	vld [tilespmem:s1+$0xFFFFF800];
	[tilespmem:v29+s2+$0x0] =	vst.idx.msk $0xffff, v4  }
0x3e7: {  	v42 =	vshrl.u32 v61, $0x3;
	v25 =	vld [tilespmem:$0x174C0]  }
0x3e8: {  	v21 =	vmovc v1;
	v42 =	vshll.u32 v42, v15;
	v0 =	vadd.bf16 v5, v0;
	v1 =	vunpack.i.u.bf16.f32 v2;
	v5 =	vld [tilespmem:s1+$0xFFFFF7E0]  }
0x3e9: {  	v2 =	vunpack.i.l.bf16.f32 v2;
	[tilespmem:v28+s2+$0x0] =	vst.idx.msk $0xffff, v6;
	v60 =	vbroadcast v42, $0x0;
	v42 =	vmul.bf16 v17, v24;
	v17 =	vld [tilespmem:s1+$0xFFFF7FE0]  }
0x3ea: {  	v26 =	vld [tilespmem:$0x174B0];
	[tilespmem:v30+s2+$0x0] =	vst.idx.msk $0xffff, v2  }
0x3eb: {  	v27 =	vld [tilespmem:$0x174A0]  }
0x3ec: {  	[tilespmem:v31+s2+$0x0] =	vst.idx.msk $0xffff, v1;
	v1 =	vld [tilespmem:s1+$0xFFFFFFE0]  }
0x3ed: {  	v4 =	vunpack.i.u.bf16.f32 v3;
	v3 =	vunpack.i.l.bf16.f32 v3;
	v28 =	vld [tilespmem:$0x17490]  }
0x3ee: {  	s20 =	sadd.s32 $0x5, s30;
	s25 =	sadd.s32 $0x6, s30;
	[tilespmem:v32+s2+$0x0] =	vst.idx.msk $0xffff, v3;
	v3 =	vld [tilespmem:s1+$0x0]  }
0x3ef: {  	v44 =	vmov s20;
	v45 =	vmov s25;
	v29 =	vld [tilespmem:$0x17480]  }
0x3f0: {  	s10 =	sadd.s32 $0x7, s30;
	v44 =	vshrl.u32 v44, $0x3;
	v45 =	vshrl.u32 v45, $0x3;
	[tilespmem:v33+s2+$0x0] =	vst.idx.msk $0xffff, v4;
	v4 =	vld [tilespmem:s1+$0xFFFFF7D0]  }
0x3f1: {  	v6 =	vmov s10;
	v2 =	vunpack.i.u.bf16.f32 v0;
	v0 =	vunpack.i.l.bf16.f32 v0;
	v30 =	vld [tilespmem:$0x17470]  }
0x3f2: {  	v63 =	vshll.u32 v44, v15;
	v61 =	vshll.u32 v45, v15;
	v50 =	vshrl.u32 v6, $0x3;
	[tilespmem:v34+s2+$0x0] =	vst.idx.msk $0xffff, v0;
	v0 =	vld [tilespmem:s1+$0xFFFFFFD0]  }
0x3f3: {  	v45 =	vbroadcast v63, $0x0;
	v63 =	vshll.u32 v50, v15;
	v50 =	vmul.bf16 v16, v47;
	v31 =	vld [tilespmem:$0x17460]  }
0x3f4: {  	[tilespmem:v35+s2+$0x0] =	vst.idx.msk $0xffff, v2;
	v2 =	vld [tilespmem:s1+$0xFFFFFFF0];
	v16 =	vmul.bf16 v41, v26;
	v1 =	vmul.bf16 v1, v21  }
0x3f5: {  	[tilespmem:$0x1FD20] =	vst v56;
	v41 =	vmul.bf16 v58, v26;
	v58 =	vld [tilespmem:s1+$0xFFFF77E0];
	v4 =	vmul.bf16 v4, v56  }
0x3f6: {  	v6 =	vmov v56;
	v32 =	vld [tilespmem:$0x17450];
	v3 =	vmul.bf16 v3, v21;
	[tilespmem:$0x1FC90] =	vst v1  }
0x3f7: {  	v33 =	vld [tilespmem:$0x17440];
	[tilespmem:$0x1FC40] =	vst v4;
	v4 =	vmul.bf16 v5, v6  }
0x3f8: {  	v34 =	vld [tilespmem:$0x17430];
	v0 =	vmul.bf16 v0, v21;
	[tilespmem:$0x1FCD0] =	vst v3  }
0x3f9: {  	v57 =	vmov s30;
	s26 =	sadd.s32 $0x1, s30;
	v35 =	vld [tilespmem:$0x17420];
	[tilespmem:$0x1FC60] =	vst v4;
	v4 =	vmul.bf16 v19, v6  }
0x3fa: {  	v44 =	vbroadcast v61, $0x0;
	v61 =	vmov s26;
	v36 =	vld [tilespmem:$0x17410];
	[tilespmem:$0x1FC70] =	vst v0;
	v0 =	vbroadcast v63, $0x0  }
0x3fb: {  	s25 =	sadd.s32 $0x3, s30;
	v37 =	vld [tilespmem:$0x17400];
	v3 =	vshrl.u32 v61, $0x3;
	v1 =	vmul.bf16 v2, v21;
	[tilespmem:$0x1FC80] =	vst v4;
	v4 =	vmul.bf16 v8, v59  }
0x3fc: {  	s31 =	sadd.s32 $0x2, s30;
	v56 =	vld [tilespmem:s1+$0xFFFF97D0];
	v2 =	vmov s25;
	v5 =	vshrl.u32 v57, $0x3;
	v57 =	vmul.bf16 v13, v51;
	[tilespmem:$0x1FCA0] =	vst v0  }
0x3fd: {  	v61 =	vld [tilespmem:s1+$0xFFFF8FD0];
	v13 =	vmul.bf16 v49, v28;
	v0 =	vmov s31;
	[tilespmem:$0x1FC20] =	vst v4;
	v4 =	vmul.bf16 v7, v6  }
0x3fe: {  	v49 =	vmul.bf16 v53, v29;
	v53 =	vmul.bf16 v54, v29;
	v54 =	vld [tilespmem:s1+$0xFFFF6FE0];
	[tilespmem:$0x1FCC0] =	vst v1;
	v0 =	vshrl.u32 v0, $0x3  }
0x3ff: {  	v63 =	vld [tilespmem:s1+$0xFFFF8FE0];
	v0 =	vshll.u32 v0, v15;
	[tilespmem:$0x1FCB0] =	vst v4;
	v4 =	vshrl.u32 v2, $0x3;
	v2 =	vmul.bf16 v9, v59  }
0x400: {  	v1 =	vld [tilespmem:s1+$0xFFFF9FE0];
	[tilespmem:$0x1FCF0] =	vst v0  }
0x401: {  	v19 =	vld [tilespmem:s1+$0xFFFF97E0];
	v0 =	vshll.u32 v4, v15;
	[tilespmem:$0x1FC30] =	vst v2;
	v2 =	vmul.bf16 v10, v59  }
0x402: {  	v6 =	vld [tilespmem:s1+$0xFFFF87D0];
	[tilespmem:$0x1FD00] =	vst v0  }
0x403: {  	v7 =	vld [tilespmem:s1+$0xFFFF6FF0];
	v0 =	vshll.u32 v5, v15;
	[tilespmem:$0x1FC50] =	vst v2;
	v2 =	vmul.bf16 v11, v52  }
0x404: {  	v5 =	vld [tilespmem:s1+$0xFFFF77D0];
	[tilespmem:$0x1FD10] =	vst v0  }
0x405: {  	v0 =	vld [tilespmem:s1+$0xFFFF67E0];
	[tilespmem:$0x1FC00] =	vst v2;
	v2 =	vmul.bf16 v12, v52  }
0x406: {  	v12 =	vmul.bf16 v1, v30;
	v1 =	vld [tilespmem:s1+$0xFFFF67F0]  }
0x407: {  	[tilespmem:$0x1FC10] =	vst v2;
	v2 =	vshll.u32 v3, v15;
	v15 =	vmul.bf16 v43, v27;
	v43 =	vmul.bf16 v48, v28;
	v48 =	vld [tilespmem:s1+$0xFFFF67D0]  }
0x408: {  	v3 =	vld [tilespmem:s1+$0xFFFF7FD0]  }
0x409: {  	[tilespmem:$0x1FCE0] =	vst v2;
	v2 =	vmul.bf16 v14, v51;
	v14 =	vmul.bf16 v18, v27;
	v18 =	vld [tilespmem:s1+$0xFFFF6FD0]  }
0x40a: {  	v10 =	vmul.bf16 v6, v33;
	v6 =	vld [tilespmem:s1+$0xFFFF77F0]  }
0x40b: {  	[tilespmem:$0x1FBF0] =	vst v2;
	v2 =	vld [tilespmem:s1+$0xFFFF87E0];
	v1 =	vmul.bf16 v1, v37  }
0x40c: {  	v20 =	vimm.bf16 $0.0e+00;
	v4 =	vld [tilespmem:s1+$0xFFFF7FF0];
	v48 =	vmul.bf16 v48, v37  }
0x40d: {  	v7 =	vmul.bf16 v7, v36;
	v8 =	vmul.bf16 v5, v35;
	v5 =	vld [tilespmem:s1+$0xFFFF7000];
	v1 =	vadd.bf16 v20, v1  }
0x40e: {  	v9 =	vmul.bf16 v3, v34;
	v3 =	vld [tilespmem:s1+$0xFFFF87F0];
	v18 =	vmul.bf16 v18, v36;
	v48 =	vadd.bf16 v20, v48  }
0x40f: {  	v0 =	vmul.bf16 v0, v37;
	v1 =	vadd.bf16 v7, v1;
	v7 =	vld [tilespmem:s1+$0xFFFF8FF0]  }
0x410: {  	v6 =	vmul.bf16 v6, v35;
	v11 =	vmul.bf16 v2, v33;
	v2 =	vld [tilespmem:s1+$0xFFFF6800];
	v18 =	vadd.bf16 v18, v48  }
0x411: {  	v0 =	vadd.bf16 v20, v0;
	v48 =	vmul.bf16 v54, v36;
	v54 =	vld [tilespmem:s1+$0xFFFF7800]  }
0x412: {  	v4 =	vmul.bf16 v4, v34;
	v1 =	vadd.bf16 v6, v1;
	v6 =	vld [tilespmem:s1+$0xFFFF97F0];
	v8 =	vadd.bf16 v8, v18  }
0x413: {  	v58 =	vmul.bf16 v58, v35;
	v0 =	vadd.bf16 v48, v0;
	v18 =	vld [tilespmem:s1+$0xFFFF8000]  }
0x414: {  	v3 =	vmul.bf16 v3, v33;
	v1 =	vadd.bf16 v4, v1;
	v8 =	vadd.bf16 v9, v8;
	v9 =	vld [tilespmem:s1+$0xFFFF8800]  }
0x415: {  	v0 =	vadd.bf16 v58, v0;
	v58 =	vld [tilespmem:$0x1FC70]  }
0x416: {  	v7 =	vmul.bf16 v7, v32;
	v48 =	vmov v22;
	v1 =	vadd.bf16 v3, v1;
	v22 =	vld [tilespmem:$0x1FCB0]  }
0x417: {  	v17 =	vmul.bf16 v17, v34;
	v8 =	vadd.bf16 v10, v8;
	v10 =	vld [tilespmem:s1+$0xFFFF9000]  }
0x418: {  	v1 =	vadd.bf16 v7, v1;
	v7 =	vld [tilespmem:s1+$0xFFFFAFF0]  }
0x419: {  	v61 =	vmul.bf16 v61, v32;
	v2 =	vmul.bf16 v2, v37;
	v0 =	vadd.bf16 v17, v0;
	v17 =	vld [tilespmem:$0x1FF20]  }
0x41a: {  	v6 =	vmul.bf16 v6, v31;
	v4 =	vmul.bf16 v18, v34;
	v18 =	vld [tilespmem:s1+$0xFFFF77A0]  }
0x41b: {  	v5 =	vmul.bf16 v5, v36;
	v2 =	vadd.bf16 v20, v2;
	v0 =	vadd.bf16 v11, v0;
	v11 =	vld [tilespmem:s1+$0xFFFF9800]  }
0x41c: {  	v56 =	vmul.bf16 v56, v31;
	v1 =	vadd.bf16 v6, v1;
	v6 =	vld [tilespmem:s1+$0xFFFFB7F0]  }
0x41d: {  	v2 =	vadd.bf16 v5, v2;
	v5 =	vmul.bf16 v54, v35;
	v8 =	vadd.bf16 v61, v8;
	v61 =	vld [tilespmem:s1+$0xFFFF77B0]  }
0x41e: {  	v63 =	vmul.bf16 v63, v32;
	v3 =	vmul.bf16 v9, v33;
	v9 =	vld [tilespmem:s1+$0xFFFFA000]  }
0x41f: {  	v2 =	vadd.bf16 v5, v2;
	v5 =	vld [tilespmem:s1+$0xFFFF9FF0]  }
0x420: {  	v19 =	vmul.bf16 v19, v31;
	v0 =	vadd.bf16 v63, v0;
	v8 =	vadd.bf16 v56, v8;
	v56 =	vld [tilespmem:$0x1FF70]  }
0x421: {  	v55 =	vmul.bf16 v55, v30;
	v63 =	vld [tilespmem:s1+$0xFFFF6790];
	v2 =	vadd.bf16 v4, v2  }
0x422: {  	v4 =	vld [tilespmem:s1+$0xFFFFA7F0];
	v0 =	vadd.bf16 v19, v0  }
0x423: {  	v8 =	vadd.bf16 v55, v8;
	v55 =	vld [tilespmem:$0x1FF90];
	v2 =	vadd.bf16 v3, v2;
	v3 =	vmul.bf16 v10, v32  }
0x424: {  	v10 =	vld [tilespmem:s1+$0xFFFFA800]  }
0x425: {  	v19 =	vld [tilespmem:$0x1FC80];
	v0 =	vadd.bf16 v12, v0;
	v2 =	vadd.bf16 v3, v2;
	v3 =	vmul.bf16 v11, v31  }
0x426: {  	v8 =	vadd.bf16 v49, v8;
	v11 =	vld [tilespmem:s1+$0xFFFFB000]  }
0x427: {  	v0 =	vadd.bf16 v53, v0;
	v53 =	vld [tilespmem:$0x1FFE0];
	v2 =	vadd.bf16 v3, v2;
	v3 =	vmul.bf16 v9, v30  }
0x428: {  	v5 =	vmul.bf16 v5, v30;
	v9 =	vld [tilespmem:s1+$0xFFFFB800]  }
0x429: {  	v8 =	vadd.bf16 v43, v8;
	v43 =	vld [tilespmem:s1+$0xFFFF6FC0];
	v2 =	vadd.bf16 v3, v2;
	v3 =	vmul.bf16 v10, v29  }
0x42a: {  	v10 =	vld [tilespmem:s1+$0xFFFFC000]  }
0x42b: {  	v1 =	vadd.bf16 v5, v1;
	v5 =	vld [tilespmem:s1+$0xFFFFBFF0];
	v2 =	vadd.bf16 v3, v2;
	v3 =	vmul.bf16 v11, v28  }
0x42c: {  	v4 =	vmul.bf16 v4, v29;
	v11 =	vld [tilespmem:s1+$0xFFFFC800]  }
0x42d: {  	v0 =	vadd.bf16 v13, v0;
	v13 =	vld [tilespmem:s1+$0xFFFF6FB0];
	v2 =	vadd.bf16 v3, v2;
	v3 =	vmul.bf16 v9, v27  }
0x42e: {  	v7 =	vmul.bf16 v7, v28;
	v1 =	vadd.bf16 v4, v1;
	v9 =	vld [tilespmem:s1+$0xFFFFD000]  }
0x42f: {  	v38 =	vmul.bf16 v38, v24;
	v4 =	vld [tilespmem:s1+$0xFFFFC7F0];
	v2 =	vadd.bf16 v3, v2;
	v3 =	vmul.bf16 v10, v26  }
0x430: {  	v39 =	vmul.bf16 v39, v25;
	v6 =	vmul.bf16 v6, v27;
	v1 =	vadd.bf16 v7, v1;
	v10 =	vld [tilespmem:s1+$0xFFFFD800]  }
0x431: {  	v0 =	vadd.bf16 v15, v0;
	v7 =	vld [tilespmem:s1+$0xFFFFCFF0];
	v2 =	vadd.bf16 v3, v2;
	v3 =	vmul.bf16 v11, v25  }
0x432: {  	v40 =	vmul.bf16 v40, v25;
	v5 =	vmul.bf16 v5, v26;
	v1 =	vadd.bf16 v6, v1;
	v11 =	vld [tilespmem:s1+$0xFFFFE000]  }
0x433: {  	v0 =	vadd.bf16 v41, v0;
	v6 =	vld [tilespmem:s1+$0xFFFFD7F0];
	v2 =	vadd.bf16 v3, v2;
	v3 =	vmul.bf16 v9, v24  }
0x434: {  	v8 =	vadd.bf16 v14, v8;
	v4 =	vmul.bf16 v4, v25;
	v1 =	vadd.bf16 v5, v1;
	v9 =	vld [tilespmem:s1+$0xFFFFE800]  }
0x435: {  	v0 =	vadd.bf16 v40, v0;
	v5 =	vld [tilespmem:s1+$0xFFFFDFF0];
	v2 =	vadd.bf16 v3, v2;
	v3 =	vmul.bf16 v10, v47  }
0x436: {  	v8 =	vadd.bf16 v16, v8;
	v7 =	vmul.bf16 v7, v24;
	v1 =	vadd.bf16 v4, v1;
	v10 =	vld [tilespmem:$0x1FBF0]  }
0x437: {  	v0 =	vadd.bf16 v38, v0;
	v4 =	vld [tilespmem:s1+$0xFFFFE7F0];
	v2 =	vadd.bf16 v3, v2;
	v3 =	vmul.bf16 v11, v51  }
0x438: {  	v8 =	vadd.bf16 v39, v8;
	v6 =	vmul.bf16 v6, v47;
	v1 =	vadd.bf16 v7, v1;
	v11 =	vld [tilespmem:$0x1FC10]  }
0x439: {  	v16 =	vld [tilespmem:s1+$0xFFFF7790];
	v0 =	vadd.bf16 v50, v0;
	v2 =	vadd.bf16 v3, v2;
	v3 =	vmul.bf16 v9, v52  }
0x43a: {  	v8 =	vadd.bf16 v42, v8;
	v5 =	vmul.bf16 v5, v51;
	v1 =	vadd.bf16 v6, v1;
	v9 =	vld [tilespmem:$0x1FC30]  }
0x43b: {  	v62 =	vmul.bf16 v62, v47;
	v0 =	vadd.bf16 v10, v0;
	v2 =	vadd.bf16 v3, v2;
	v3 =	vld [tilespmem:$0x1FC50]  }
0x43c: {  	v4 =	vmul.bf16 v4, v52;
	v1 =	vadd.bf16 v5, v1;
	v10 =	vld [tilespmem:$0x1FC00]  }
0x43d: {  	v41 =	vld [tilespmem:s1+$0xFFFF87B0];
	v8 =	vadd.bf16 v62, v8;
	v0 =	vadd.bf16 v11, v0  }
0x43e: {  	v1 =	vadd.bf16 v4, v1;
	v11 =	vld [tilespmem:$0x1FC20]  }
0x43f: {  	v8 =	vadd.bf16 v57, v8;
	v0 =	vadd.bf16 v9, v0;
	v9 =	vld [tilespmem:$0x1FC40]  }
0x440: {  	v1 =	vadd.bf16 v3, v1;
	v3 =	vld [tilespmem:$0x1FEF0]  }
0x441: {  	v42 =	vmov v21;
	v21 =	vld [tilespmem:$0x1FCA0];
	v8 =	vadd.bf16 v10, v8  }
0x442: {  	v40 =	vld [tilespmem:s1+$0xFFFF7FA0]  }
0x443: {  	v62 =	vld [tilespmem:s1+$0xFFFF77C0];
	v8 =	vadd.bf16 v11, v8  }
0x444: {  	v57 =	vld [tilespmem:$0x1FC60]  }
0x445: {  	v8 =	vadd.bf16 v9, v8;
	v9 =	vadd.s32 v23, v60;
	v3 =	vadd.s32 v3, v60;
	v60 =	vld [tilespmem:$0x1FF00]  }
0x446: {  	v7 =	vld [tilespmem:s1+$0xFFFFF000]  }
0x447: {  	v1 =	vadd.bf16 v19, v1;
	v19 =	vld [tilespmem:$0x1FC90]  }
0x448: {  	v38 =	vld [tilespmem:$0x1FD20]  }
0x449: {  	v50 =	vld [tilespmem:$0x1FFA0]  }
0x44a: {  	v6 =	vld [tilespmem:s1+$0xFFFF67A0];
	v0 =	vadd.bf16 v57, v0;
	v8 =	vadd.bf16 v58, v8;
	v15 =	vadd.s32 v60, v45  }
0x44b: {  	v5 =	vld [tilespmem:s1+$0xFFFF67C0];
	v7 =	vmul.bf16 v7, v59  }
0x44c: {  	v4 =	vld [tilespmem:s1+$0xFFFF6FA0];
	v0 =	vadd.bf16 v19, v0;
	v19 =	vunpack.i.l.bf16.f32 v8  }
0x44d: {  	v2 =	vadd.bf16 v7, v2;
	v7 =	vld [tilespmem:$0x1FF10];
	v8 =	vunpack.i.u.bf16.f32 v8;
	[tilespmem:v9+s2+$0x0] =	vst.idx.msk $0xffff, v19  }
0x44e: {  	v19 =	vld [tilespmem:$0x1FF40];
	[tilespmem:v3+s2+$0x0] =	vst.idx.msk $0xffff, v8;
	v3 =	vunpack.i.l.bf16.f32 v0  }
0x44f: {  	[tilespmem:v15+s2+$0x0] =	vst.idx.msk $0xffff, v3;
	v3 =	vld [tilespmem:$0x1FF50]  }
0x450: {  	v10 =	vld [tilespmem:s1+$0xFFFF67B0]  }
0x451: {  	v9 =	vld [tilespmem:$0x1FF30]  }
0x452: {  	v2 =	vadd.bf16 v22, v2;
	v22 =	vld [tilespmem:$0x1FCC0]  }
0x453: {  	v57 =	vld [tilespmem:s1+$0xFFFF97B0]  }
0x454: {  	v7 =	vadd.s32 v7, v45;
	v19 =	vadd.s32 v19, v21;
	v3 =	vadd.s32 v3, v21;
	v21 =	vld [tilespmem:$0x1FCD0]  }
0x455: {  	v17 =	vadd.s32 v17, v44;
	v11 =	vld [tilespmem:s1+$0xFFFF6F90]  }
0x456: {  	v58 =	vld [tilespmem:$0x1FCF0];
	v9 =	vadd.s32 v9, v44  }
0x457: {  	v1 =	vadd.bf16 v22, v1;
	v8 =	vmul.bf16 v63, v37;
	v63 =	vld [tilespmem:s1+$0xFFFF7F90]  }
0x458: {  	v0 =	vunpack.i.u.bf16.f32 v0;
	v45 =	vld [tilespmem:s1+$0xFFFF8FB0]  }
0x459: {  	v6 =	vmul.bf16 v6, v37;
	v60 =	vld [tilespmem:$0x1FD00];
	[tilespmem:v7+s2+$0x0] =	vst.idx.msk $0xffff, v0;
	v0 =	vunpack.i.l.bf16.f32 v1;
	v2 =	vadd.bf16 v21, v2  }
0x45a: {  	v5 =	vmul.bf16 v5, v37;
	v7 =	vmul.bf16 v10, v37;
	v10 =	vld [tilespmem:s1+$0xFFFF7FB0];
	v1 =	vunpack.i.u.bf16.f32 v1;
	[tilespmem:v17+s2+$0x0] =	vst.idx.msk $0xffff, v0  }
0x45b: {  	v6 =	vadd.bf16 v20, v6;
	v0 =	vadd.bf16 v20, v8;
	v8 =	vld [tilespmem:s1+$0xFFFF7FC0];
	[tilespmem:v9+s2+$0x0] =	vst.idx.msk $0xffff, v1;
	v1 =	vunpack.i.l.bf16.f32 v2  }
0x45c: {  	v5 =	vadd.bf16 v20, v5;
	v4 =	vmul.bf16 v4, v36;
	v9 =	vld [tilespmem:s1+$0xFFFF8790];
	v2 =	vunpack.i.u.bf16.f32 v2;
	[tilespmem:v19+s2+$0x0] =	vst.idx.msk $0xffff, v1  }
0x45d: {  	v1 =	vmul.bf16 v11, v36;
	v11 =	vld [tilespmem:s1+$0xFFFF87A0];
	[tilespmem:v3+s2+$0x0] =	vst.idx.msk $0xffff, v2;
	v2 =	vmul.bf16 v13, v36  }
0x45e: {  	v7 =	vadd.bf16 v20, v7;
	v3 =	vmul.bf16 v43, v36;
	v43 =	vmul.bf16 v62, v35;
	v62 =	vld [tilespmem:s1+$0xFFFFF7B0]  }
0x45f: {  	v0 =	vadd.bf16 v1, v0;
	v1 =	vadd.bf16 v4, v6;
	v4 =	vmul.bf16 v16, v35;
	v6 =	vld [tilespmem:s1+$0xFFFF87C0]  }
0x460: {  	v16 =	vld [tilespmem:s1+$0xFFFF8FA0];
	v3 =	vadd.bf16 v3, v5;
	v5 =	vmul.bf16 v18, v35  }
0x461: {  	v2 =	vadd.bf16 v2, v7;
	v18 =	vld [tilespmem:$0x1FF80];
	v0 =	vadd.bf16 v4, v0;
	v4 =	vmul.bf16 v61, v35  }
0x462: {  	v44 =	vmul.bf16 v40, v34;
	v7 =	vld [tilespmem:s1+$0xFFFF8F90];
	v1 =	vadd.bf16 v5, v1;
	v5 =	vmul.bf16 v63, v34  }
0x463: {  	v3 =	vadd.bf16 v43, v3;
	v2 =	vadd.bf16 v4, v2;
	v4 =	vmul.bf16 v10, v34;
	v10 =	vld [tilespmem:s1+$0xFFFF8FC0]  }
0x464: {  	v0 =	vadd.bf16 v5, v0;
	v1 =	vadd.bf16 v44, v1;
	v5 =	vmul.bf16 v8, v34;
	v8 =	vld [tilespmem:s1+$0xFFFF9790]  }
0x465: {  	v2 =	vadd.bf16 v4, v2;
	v4 =	vmul.bf16 v9, v33;
	v9 =	vmul.bf16 v11, v33;
	v11 =	vld [tilespmem:s1+$0xFFFF97A0]  }
0x466: {  	v61 =	vld [tilespmem:$0x1FD10];
	v6 =	vmul.bf16 v6, v33;
	v3 =	vadd.bf16 v5, v3;
	v5 =	vmul.bf16 v41, v33  }
0x467: {  	v0 =	vadd.bf16 v4, v0;
	v1 =	vadd.bf16 v9, v1;
	v4 =	vmul.bf16 v7, v32;
	v7 =	vld [tilespmem:s1+$0xFFFF97C0]  }
0x468: {  	v2 =	vadd.bf16 v5, v2;
	v3 =	vadd.bf16 v6, v3;
	v5 =	vmul.bf16 v16, v32;
	v6 =	vld [tilespmem:s1+$0xFFFF9F90]  }
0x469: {  	v9 =	vmul.bf16 v10, v32;
	v10 =	vld [tilespmem:s1+$0xFFFF9FA0];
	v0 =	vadd.bf16 v4, v0;
	v4 =	vmul.bf16 v45, v32  }
0x46a: {  	v1 =	vadd.bf16 v5, v1;
	v5 =	vmul.bf16 v8, v31;
	v8 =	vmul.bf16 v11, v31;
	v11 =	vld [tilespmem:s1+$0xFFFF9FB0]  }
0x46b: {  	v3 =	vadd.bf16 v9, v3;
	v9 =	vld [tilespmem:s1+$0xFFFF9FC0]  }
0x46c: {  	v2 =	vadd.bf16 v4, v2;
	v4 =	vmul.bf16 v57, v31;
	v1 =	vadd.bf16 v8, v1;
	v8 =	vld [tilespmem:$0x1FCE0]  }
0x46d: {  	v0 =	vadd.bf16 v5, v0;
	v5 =	vmul.bf16 v7, v31;
	v7 =	vld [tilespmem:s1+$0xFFFFA790]  }
0x46e: {  	v2 =	vadd.bf16 v4, v2;
	v4 =	vmul.bf16 v6, v30;
	v6 =	vld [tilespmem:s1+$0xFFFFA7A0]  }
0x46f: {  	v3 =	vadd.bf16 v5, v3;
	v5 =	vmul.bf16 v10, v30;
	v10 =	vld [tilespmem:s1+$0xFFFFA7B0]  }
0x470: {  	v0 =	vadd.bf16 v4, v0;
	v4 =	vmul.bf16 v11, v30;
	v11 =	vld [tilespmem:s1+$0xFFFFA7C0]  }
0x471: {  	v1 =	vadd.bf16 v5, v1;
	v5 =	vmul.bf16 v9, v30;
	v9 =	vld [tilespmem:s1+$0xFFFFAF90];
	v8 =	vbroadcast v8, $0x0  }
0x472: {  	v2 =	vadd.bf16 v4, v2;
	v4 =	vmul.bf16 v7, v29;
	v7 =	vld [tilespmem:s1+$0xFFFFAFA0]  }
0x473: {  	v3 =	vadd.bf16 v5, v3;
	v5 =	vmul.bf16 v6, v29;
	v6 =	vld [tilespmem:s1+$0xFFFFAFB0];
	v30 =	vadd.s32 v18, v8  }
0x474: {  	v31 =	vadd.s32 v48, v8;
	v0 =	vadd.bf16 v4, v0;
	v4 =	vmul.bf16 v10, v29;
	v8 =	vld [tilespmem:s1+$0xFFFFAFC0]  }
0x475: {  	v10 =	vld [tilespmem:s1+$0xFFFFB790];
	v1 =	vadd.bf16 v5, v1;
	v5 =	vmul.bf16 v11, v29  }
0x476: {  	v2 =	vadd.bf16 v4, v2;
	v4 =	vmul.bf16 v9, v28;
	v9 =	vld [tilespmem:s1+$0xFFFFB7A0]  }
0x477: {  	v3 =	vadd.bf16 v5, v3;
	v5 =	vmul.bf16 v7, v28;
	v7 =	vld [tilespmem:s1+$0xFFFFB7B0]  }
0x478: {  	v0 =	vadd.bf16 v4, v0;
	v4 =	vmul.bf16 v6, v28;
	v6 =	vld [tilespmem:s1+$0xFFFFB7C0]  }
0x479: {  	v1 =	vadd.bf16 v5, v1;
	v5 =	vmul.bf16 v8, v28;
	v8 =	vld [tilespmem:s1+$0xFFFFBF90]  }
0x47a: {  	v2 =	vadd.bf16 v4, v2;
	v4 =	vmul.bf16 v10, v27;
	v10 =	vld [tilespmem:s1+$0xFFFFBFA0]  }
0x47b: {  	v3 =	vadd.bf16 v5, v3;
	v5 =	vmul.bf16 v9, v27;
	v9 =	vld [tilespmem:s1+$0xFFFFBFB0]  }
0x47c: {  	v0 =	vadd.bf16 v4, v0;
	v4 =	vmul.bf16 v7, v27;
	v7 =	vld [tilespmem:s1+$0xFFFFBFC0]  }
0x47d: {  	v1 =	vadd.bf16 v5, v1;
	v5 =	vmul.bf16 v6, v27;
	v6 =	vld [tilespmem:s1+$0xFFFFC790]  }
0x47e: {  	v2 =	vadd.bf16 v4, v2;
	v4 =	vmul.bf16 v8, v26;
	v8 =	vld [tilespmem:s1+$0xFFFFC7A0]  }
0x47f: {  	v3 =	vadd.bf16 v5, v3;
	v5 =	vmul.bf16 v10, v26;
	v10 =	vld [tilespmem:s1+$0xFFFFC7B0]  }
0x480: {  	v0 =	vadd.bf16 v4, v0;
	v4 =	vmul.bf16 v9, v26;
	v9 =	vld [tilespmem:s1+$0xFFFFC7C0]  }
0x481: {  	v1 =	vadd.bf16 v5, v1;
	v5 =	vmul.bf16 v7, v26;
	v7 =	vld [tilespmem:s1+$0xFFFFCF90]  }
0x482: {  	v2 =	vadd.bf16 v4, v2;
	v4 =	vmul.bf16 v6, v25;
	v6 =	vld [tilespmem:s1+$0xFFFFCFA0]  }
0x483: {  	v3 =	vadd.bf16 v5, v3;
	v5 =	vmul.bf16 v8, v25;
	v8 =	vld [tilespmem:s1+$0xFFFFCFB0]  }
0x484: {  	v0 =	vadd.bf16 v4, v0;
	v4 =	vmul.bf16 v10, v25;
	v10 =	vld [tilespmem:s1+$0xFFFFCFC0]  }
0x485: {  	v1 =	vadd.bf16 v5, v1;
	v5 =	vmul.bf16 v9, v25;
	v9 =	vld [tilespmem:s1+$0xFFFFD790]  }
0x486: {  	v2 =	vadd.bf16 v4, v2;
	v4 =	vmul.bf16 v7, v24;
	v7 =	vld [tilespmem:s1+$0xFFFFD7A0]  }
0x487: {  	v3 =	vadd.bf16 v5, v3;
	v5 =	vmul.bf16 v6, v24;
	v6 =	vld [tilespmem:s1+$0xFFFFD7B0]  }
0x488: {  	v0 =	vadd.bf16 v4, v0;
	v4 =	vmul.bf16 v8, v24;
	v8 =	vld [tilespmem:s1+$0xFFFFD7C0]  }
0x489: {  	v1 =	vadd.bf16 v5, v1;
	v5 =	vmul.bf16 v10, v24;
	v10 =	vld [tilespmem:s1+$0xFFFFDF90]  }
0x48a: {  	v2 =	vadd.bf16 v4, v2;
	v4 =	vmul.bf16 v9, v47;
	v9 =	vld [tilespmem:s1+$0xFFFFDFA0]  }
0x48b: {  	v3 =	vadd.bf16 v5, v3;
	v5 =	vmul.bf16 v7, v47;
	v7 =	vld [tilespmem:s1+$0xFFFFDFB0]  }
0x48c: {  	v0 =	vadd.bf16 v4, v0;
	v4 =	vmul.bf16 v6, v47;
	v6 =	vld [tilespmem:s1+$0xFFFFDFC0]  }
0x48d: {  	v1 =	vadd.bf16 v5, v1;
	v5 =	vmul.bf16 v8, v47;
	v8 =	vld [tilespmem:s1+$0xFFFFE790]  }
0x48e: {  	v2 =	vadd.bf16 v4, v2;
	v4 =	vmul.bf16 v10, v51;
	v10 =	vld [tilespmem:s1+$0xFFFFE7A0]  }
0x48f: {  	v3 =	vadd.bf16 v5, v3;
	v5 =	vmul.bf16 v9, v51;
	v9 =	vld [tilespmem:s1+$0xFFFFE7B0]  }
0x490: {  	v0 =	vadd.bf16 v4, v0;
	v4 =	vmul.bf16 v7, v51;
	v7 =	vld [tilespmem:s1+$0xFFFFE7C0]  }
0x491: {  	v1 =	vadd.bf16 v5, v1;
	v5 =	vmul.bf16 v6, v51;
	v6 =	vld [tilespmem:s1+$0xFFFFEF90]  }
0x492: {  	v2 =	vadd.bf16 v4, v2;
	v4 =	vmul.bf16 v8, v52;
	v8 =	vld [tilespmem:s1+$0xFFFFEFA0]  }
0x493: {  	v3 =	vadd.bf16 v5, v3;
	v5 =	vmul.bf16 v10, v52;
	v10 =	vld [tilespmem:s1+$0xFFFFEFB0]  }
0x494: {  	v13 =	vbroadcast v60, $0x0;
	v11 =	vld [tilespmem:s1+$0xFFFFEFC0];
	v0 =	vadd.bf16 v4, v0;
	v4 =	vmul.bf16 v9, v52  }
0x495: {  	v12 =	vbroadcast v58, $0x0;
	v1 =	vadd.bf16 v5, v1;
	v5 =	vmul.bf16 v7, v52;
	v7 =	vld [tilespmem:s1+$0xFFFFF790]  }
0x496: {  	s23 =	sadd.s32 $0x2, s23;
	v19 =	vld [tilespmem:$0x1FF60];
	v35 =	vadd.s32 v53, v13;
	v2 =	vadd.bf16 v4, v2;
	v4 =	vmul.bf16 v6, v59  }
0x497: {  	p1 =	slt.u32 s23, $0x1E;
	v20 =	vmul.bf16 v62, v38;
	v6 =	vld [tilespmem:s1+$0xFFFFF7A0];
	v5 =	vadd.bf16 v5, v3;
	v3 =	vmul.bf16 v8, v59  }
.Ltmp5:
0x498: {  	v34 =	vadd.s32 v50, v13;
	v63 =	vadd.bf16 v4, v0;
	v8 =	vmul.bf16 v10, v59;
	v0 =	vld [tilespmem:s1+$0xFFFFF7C0];
	(pc) =	sbr.rel @p1 .LBB2_8-.Ltmp5, $4  }
0x499: {  	v14 =	vbroadcast v61, $0x0;
	v33 =	vadd.s32 v55, v12;
	v4 =	vld [tilespmem:s1+$0xFFFFFF90];
	v9 =	vadd.bf16 v3, v1  }
0x49a: {  	v1 =	vmul.bf16 v11, v59;
	v3 =	vadd.bf16 v8, v2;
	v2 =	vmul.bf16 v7, v38;
	v7 =	vld [tilespmem:s1+$0xFFFFFFA0]  }
0x49b: {  	v54 =	vmovc v23;
	v32 =	vadd.s32 v46, v12;
	v29 =	vor.u32 v19, v14;
	v28 =	vor.u32 v56, v14;
	v8 =	vld [tilespmem:s1+$0xFFFFFFB0]  }
0x49c: {  	v49 =	vmovc v46;
	v5 =	vadd.bf16 v1, v5;
	v21 =	vmul.bf16 v6, v38;
	v6 =	vld [tilespmem:s1+$0xFFFFFFC0];
	v22 =	vadd.bf16 v2, v63  }
0x49d: {  	_ = 	snop  }
0x49e: {  	v1 =	vmul.bf16 v4, v42;
	_ =	sdelay $0x1  }
0x49f: {  	v2 =	vadd.bf16 v21, v9;
	v51 =	vmul.bf16 v7, v42;
	v1 =	vadd.bf16 v1, v22  }
0x4a0: {  	v0 =	vmul.bf16 v0, v38;
	v3 =	vadd.bf16 v20, v3  }
0x4a1: {  	v52 =	vmul.bf16 v8, v42;
	v2 =	vadd.bf16 v51, v2;
	v57 =	vunpack.i.l.bf16.f32 v1  }
0x4a2: {  	v17 =	vld [tilespmem:$0x1FFB0];
	v0 =	vadd.bf16 v0, v5;
	v1 =	vunpack.i.u.bf16.f32 v1;
	[tilespmem:v29+s2+$0x0] =	vst.idx.msk $0xffff, v57  }
0x4a3: {  	v58 =	vmul.bf16 v6, v42;
	v3 =	vadd.bf16 v52, v3;
	v59 =	vunpack.i.l.bf16.f32 v2;
	[tilespmem:v28+s2+$0x0] =	vst.idx.msk $0xffff, v1  }
0x4a4: {  	v60 =	vunpack.i.u.bf16.f32 v2;
	[tilespmem:v30+s2+$0x0] =	vst.idx.msk $0xffff, v59  }
0x4a5: {  	v0 =	vadd.bf16 v58, v0;
	v61 =	vunpack.i.l.bf16.f32 v3;
	[tilespmem:v31+s2+$0x0] =	vst.idx.msk $0xffff, v60  }
0x4a6: {  	v62 =	vunpack.i.u.bf16.f32 v3;
	[tilespmem:v32+s2+$0x0] =	vst.idx.msk $0xffff, v61  }
0x4a7: {  	v63 =	vunpack.i.l.bf16.f32 v0;
	[tilespmem:v33+s2+$0x0] =	vst.idx.msk $0xffff, v62  }
0x4a8: {  	v0 =	vunpack.i.u.bf16.f32 v0;
	[tilespmem:v34+s2+$0x0] =	vst.idx.msk $0xffff, v63  }
0x4a9: {  	s1 =	sadd.s32 s8, s15;
	[tilespmem:v35+s2+$0x0] =	vst.idx.msk $0xffff, v0  }
0x4aa: {  	[hbm4b:s1+s3] =	stream.linear.scatter [tilespmem:s2], [sflag:$0x6], $0x400, $0x38;
	[tilespmem:$0x17540] =	vst v63  }
0x4ab: {  	s23 =	sadd.s32 s8, s16;
	s10 =	simm.s32 $0x16800  }
0x4ac: {  	[hbm4b:s23+s3] =	stream.linear.scatter [tilespmem:s10], [sflag:$0x6], $0x400, $0x38;
	[tilespmem:$0x17540] =	vst v63  }
.Ltmp6:
0x4ad: {  	_ = 	snop;
	(pc) =	sbr.rel @p0 .LBB2_11-.Ltmp6, $4  }
0x4ae: {  	s25 =	sadd.s32 s8, s17;
	s26 =	simm.s32 $0x16C00  }
0x4af: {  	[hbm4b:s25+s3] =	stream.linear.scatter [tilespmem:s26], [sflag:$0x6], $0x400, $0x38;
	[tilespmem:$0x17540] =	vst v63  }
0x4b0: {  	s30 =	sadd.s32 s8, s18;
	s31 =	simm.s32 $0x17000  }
0x4b1: {  	[hbm4b:s30+s3] =	stream.linear.scatter [tilespmem:s31], [sflag:$0x6], $0x400, $0x38;
	[tilespmem:$0x17540] =	vst v63  }
.Ltmp7:
0x4b2: {  	s1 =	rddreg [dreg:$0x7];
	(pc) =	sbr.rel .LBB2_2-.Ltmp7, $4  }
0x4b3: {  	s1 =	sadd.s32 s1, s19  }
0x4b4: {  	s1 =	sshrl.u32 s1, $0x3  }
0x4b5: {  	s8 =	simm.s32 $0x32000;
	s9 =	sadd.s32 $0x1, s9;
	s1 =	sadd.s32 s4, s1  }
0x4b6: {  	v16 =	vimm.bf16 $0.0e+00;
	[tilespmem:s28], [sflag:$0x2] =	stream.strided.gather [hbm4b:s1+s22], $0xA00, s8, s22, $0x38;
	[tilespmem:$0x17540] =	vst v63  }
.LBB2_12:
0x4b7: {  	_ =	sfence.sel $0x180000  }
0x4b8: {  	[bflag:$0x0] =	sbarrier.arrive $0xFFFF  }
0x4b9: {  	_ =	strace $0x90000047  }
0x4ba: {  	s0 =	stileid.u32;
	[bflag:$0x2] =	sbarrier.arrive $0xFFFF  }
0x4bb: {  	p0 =	sne.s32 s0, $0x0;
	s0 =	rddreg [dreg:$0x2]  }
0x4bc: {  	s0 =	sadd.s32 @!p0 $0x100000, s0  }
0x4bd: {  	[sflag:s0] =	ssyncadd.tile.s32 @!p0 $0x1;
	_ =	shalt  }
.Lfunc_end2:
_tile_overlayer_lowered:
.L_overlay_start_2:
0x4be: {  	(tag) =	ssettag $0x2  }
0x4bf: {  	s0 =	rddreg [dreg:$0x0];
	s2 =	stileid.u32  }
0x4c0: {  	s1 =	rddreg [dreg:$0x1];
	p0 =	sne.s32 s2, $0x0  }
0x4c1: {  	s3 =	rddreg [dreg:$0x2];
	[bflag:$0x3] =	sbarrier.arrive $0xFFFF;
	s2 =	simm.s32 @!p0 $0x1C07  }
0x4c2: {  	[timem:s3], [sflag:s2] =	dma.local @!p0 [hbm:s0], s1  }
0x4c3: {  	s0 =	simm.s32 @!p0 $0x7  }
0x4c4: {  	_ =	swait.ge @!p0 [sflag:s0], s1  }
0x4c5: {  	s1 =	ssub.s32 @!p0 $0x0, s1;
	[sflag:s0] =	ssyncset.done @!p0 $0x0  }
0x4c6: {  	[sflag:s0] =	ssyncadd.s32 @!p0 s1  }
0x4c7: {  	[bflag:$0x3] =	sbarrier.arrive $0xFFFF  }
0x4c8: {  	_ =	shalt  }

</sc_bundles>
